<compile_context>
chip_gen: v7x
topology: tpu7x:2x2x1
jax: 0.10.2.dev20260603
libtpu: 0.0.44.dev20260713+nightly
codegen_flags: <defaults>
</compile_context>

<pallas_src>
import functools

import jax
import jax.numpy as jnp
from jax import lax
from jax.experimental import pallas as pl
from jax.experimental.pallas import tpu as pltpu
from jax.experimental.pallas import tpu_sc as plsc

_N = 10000
_E = 320000
_P = 500000
_H = 128
_HID = 32

_NW = 32
_R = 313
_RROWS = _R + 1
_ACCW = _RROWS * _H
_DEGW = 336
_C = 512
_NCHUNK = _E // _C
_CAP = 768
_DRAIN_T = 240
_NEG = -3.0e38
_POS = 3.0e38

_PB = 16384
_PPAD = _PB * _NW
_PC = 1024


def _tc1_body(x_ref, w1_ref, w2_ref, b_ref, a_ref, b_out_ref):
    xv = x_ref[...]
    a_ref[...] = jnp.dot(xv, w1_ref[...], preferred_element_type=jnp.float32)
    b_out_ref[...] = (
        jnp.dot(xv, w2_ref[...], preferred_element_type=jnp.float32) + b_ref[...]
    )


def _tc1(x, w1, w2, bmsg):
    blk = 1000
    grid = _N // blk
    return pl.pallas_call(
        _tc1_body,
        grid=(grid,),
        in_specs=[
            pl.BlockSpec((blk, _H), lambda i: (i, 0)),
            pl.BlockSpec((_H, _H), lambda i: (0, 0)),
            pl.BlockSpec((_H, _H), lambda i: (0, 0)),
            pl.BlockSpec((1, _H), lambda i: (0, 0)),
        ],
        out_specs=[
            pl.BlockSpec((blk, _H), lambda i: (i, 0)),
            pl.BlockSpec((blk, _H), lambda i: (i, 0)),
        ],
        out_shape=[
            jax.ShapeDtypeStruct((_N, _H), jnp.float32),
            jax.ShapeDtypeStruct((_N, _H), jnp.float32),
        ],
    )(x, w1, w2, bmsg)


_GD = lax.GatherDimensionNumbers(offset_dims=(), collapsed_slice_dims=(0,),
                                 start_index_map=(0,))


def _lane_bcast(v, ksplat):
    return lax.gather(v, ksplat[:, None], _GD, (1,),
                      mode=lax.GatherScatterMode.PROMISE_IN_BOUNDS)


def _edge_body(a_hbm, b_hbm, epk_hbm,
               s_out, mx_out, mn_out, deg_out,
               *scr):
    (s_acc, mx_acc, mn_acc, deg_acc, ebuf, clist, stage_a, stage_b,
     sem_c, sem_a, sem_b) = scr
    w = lax.axis_index("s") * 2 + lax.axis_index("c")
    base = w * _R
    iota = lax.iota(jnp.int32, 16)
    onehot = jnp.where(iota == 0, 1.0, 0.0).astype(jnp.float32)
    zero16f = jnp.zeros((16,), jnp.float32)
    fones = jnp.ones((16,), jnp.float32)
    lane0 = iota == 0
    ksplats = [jnp.full((16,), k, jnp.int32) for k in range(16)]

    negf = jnp.full((16,), _NEG, jnp.float32)
    posf = jnp.full((16,), _POS, jnp.float32)

    def init_body(i, _):
        sl = pl.ds(i * 16, 16)
        s_acc[sl] = zero16f
        mx_acc[sl] = negf
        mn_acc[sl] = posf
        return 0
    lax.fori_loop(0, _ACCW // 16, init_body, 0)

    def initd_body(i, _):
        deg_acc[pl.ds(i * 16, 16)] = zero16f
        return 0
    lax.fori_loop(0, _DEGW // 16, initd_body, 0)

    def _unpack(j):
        ev = clist[pl.ds(j * 16, 16)]
        sv = lax.shift_right_logical(ev, 14)
        dv = jnp.bitwise_and(ev, 16383)
        return sv, dv

    def _issue_gather(j):
        p = lax.rem(j, 2)
        sv, dv = _unpack(j)
        pltpu.async_copy(a_hbm.at[sv], stage_a.at[p], sem_a)
        pltpu.async_copy(b_hbm.at[dv], stage_b.at[p], sem_b)

    def drain(cnt):
        clist[pl.ds(cnt, 16)] = jnp.full((16,), base + _R, jnp.int32)
        nvec = (cnt + 15) // 16
        _issue_gather(0)

        def gbody(j, _):
            p = lax.rem(j, 2)
            sv, dv = _unpack(j)
            pltpu.make_async_copy(a_hbm.at[sv], stage_a.at[p], sem_a).wait()
            pltpu.make_async_copy(b_hbm.at[dv], stage_b.at[p], sem_b).wait()

            @pl.when(j + 1 < nvec)
            def _():
                _issue_gather(j + 1)

            dlv = dv - base

            def edge_body(k, _):
                dk = jnp.sum(jnp.where(iota == k, dlv, 0))
                bofs = dk * _H
                for r in range(_H // 16):
                    asl = stage_a.at[p].at[k][pl.ds(r * 16, 16)]
                    bsl = stage_b.at[p].at[k][pl.ds(r * 16, 16)]
                    m = jnp.maximum(asl + bsl, 0.0)
                    accsl = pl.ds(bofs + r * 16, 16)
                    plsc.addupdate(s_acc.at[accsl], m)
                    mx_acc[accsl] = jnp.maximum(mx_acc[accsl], m)
                    mn_acc[accsl] = jnp.minimum(mn_acc[accsl], m)
                plsc.addupdate(deg_acc.at[pl.ds(dk, 16)], onehot)
                return 0
            lax.fori_loop(0, 16, edge_body, 0)
            return 0
        lax.fori_loop(0, nvec, gbody, 0)
        return jnp.int32(0)

    def _issue_chunk(ci):
        p = lax.rem(ci, 2)
        pltpu.async_copy(epk_hbm.at[pl.ds(ci * _C, _C)],
                         ebuf.at[pl.ds(p * _C, _C)], sem_c)

    _issue_chunk(0)

    def chunk_body(ci, cnt):
        p = lax.rem(ci, 2)
        pltpu.make_async_copy(epk_hbm.at[pl.ds(ci * _C, _C)],
                              ebuf.at[pl.ds(p * _C, _C)], sem_c).wait()

        @pl.when(ci + 1 < _NCHUNK)
        def _():
            _issue_chunk(ci + 1)

        pbase_w = p * _C

        def scan_body(v, cnt):
            ev = ebuf[pl.ds(pbase_w + v * 16, 16)]
            dv = jnp.bitwise_and(ev, 16383)
            msk = jnp.logical_and(dv >= base, dv < base + _R)
            plsc.store_compressed(clist.at[pl.ds(cnt, 16)], ev, mask=msk)
            return cnt + plsc.all_reduce_population_count(msk)[0]
        with jax.named_scope("edge_scan"):
            cnt = lax.fori_loop(0, _C // 16, scan_body, cnt)
        with jax.named_scope("edge_drain"):
            cnt = lax.cond(cnt >= _DRAIN_T, drain, lambda c: c, cnt)
        return cnt

    cnt = lax.fori_loop(0, _NCHUNK, chunk_body, jnp.int32(0))
    cnt = lax.cond(cnt > 0, drain, lambda c: c, cnt)

    nw = _R * _H
    osl = pl.ds(w * nw, nw)
    pltpu.sync_copy(s_acc.at[pl.ds(0, nw)], s_out.at[osl])
    pltpu.sync_copy(mx_acc.at[pl.ds(0, nw)], mx_out.at[osl])
    pltpu.sync_copy(mn_acc.at[pl.ds(0, nw)], mn_out.at[osl])
    pltpu.sync_copy(deg_acc.at[pl.ds(0, _DEGW)],
                    deg_out.at[pl.ds(w * _DEGW, _DEGW)])


def _edge_sc(a, b, epk):
    mesh = plsc.VectorSubcoreMesh(core_axis_name="c", subcore_axis_name="s")
    f32 = jnp.float32
    kern = functools.partial(
        pl.kernel,
        mesh=mesh,
        compiler_params=pltpu.CompilerParams(needs_layout_passes=False),
        out_type=[
            jax.ShapeDtypeStruct((_NW * _R * _H,), f32),
            jax.ShapeDtypeStruct((_NW * _R * _H,), f32),
            jax.ShapeDtypeStruct((_NW * _R * _H,), f32),
            jax.ShapeDtypeStruct((_NW * _DEGW,), f32),
        ],
        scratch_types=[
            pltpu.VMEM((_ACCW,), f32),
            pltpu.VMEM((_ACCW,), f32),
            pltpu.VMEM((_ACCW,), f32),
            pltpu.VMEM((_DEGW,), f32),
            pltpu.VMEM((2 * _C,), jnp.int32),
            pltpu.VMEM((_CAP,), jnp.int32),
            pltpu.VMEM((2, 16, _H), f32),
            pltpu.VMEM((2, 16, _H), f32),
            pltpu.SemaphoreType.DMA,
            pltpu.SemaphoreType.DMA,
            pltpu.SemaphoreType.DMA,
        ],
    )(_edge_body)
    return kern(a, b, epk)


def _tc2a_body(s_ref, mx_ref, mn_ref, deg_ref, x_ref, wu_ref, bu_ref,
               wp1_ref, bp1_ref, p1_ref, sum_ref, sq_ref):
    i = pl.program_id(0)
    deg = deg_ref[...]
    s = s_ref[...]
    mean = s / jnp.maximum(deg, 1.0)
    pos = deg > 0.0
    mx = jnp.where(pos, mx_ref[...], 0.0)
    mn = jnp.where(pos, mn_ref[...], 0.0)
    wu = wu_ref[...]
    agg = (
        jnp.dot(mean, wu[0:_H], preferred_element_type=jnp.float32)
        + jnp.dot(mx, wu[_H:2 * _H], preferred_element_type=jnp.float32)
        + jnp.dot(mn, wu[2 * _H:3 * _H], preferred_element_type=jnp.float32)
        + jnp.dot(s, wu[3 * _H:4 * _H], preferred_element_type=jnp.float32)
        + bu_ref[...]
    )
    h = jnp.maximum(agg, 0.0) + x_ref[...]
    p1 = jnp.dot(h, wp1_ref[...], preferred_element_type=jnp.float32) + bp1_ref[...]
    p1_ref[...] = p1

    @pl.when(i == 0)
    def _():
        sum_ref[...] = jnp.zeros_like(sum_ref)
        sq_ref[...] = jnp.zeros_like(sq_ref)

    sum_ref[...] += jnp.sum(p1, axis=0, keepdims=True)
    sq_ref[...] += jnp.sum(p1 * p1, axis=0, keepdims=True)


def _tc2a(s, mx, mn, deg, x, wu, bu, wp1, bp1):
    blk = 1000
    grid = _N // blk
    return pl.pallas_call(
        _tc2a_body,
        grid=(grid,),
        in_specs=[
            pl.BlockSpec((blk, _H), lambda i: (i, 0)),
            pl.BlockSpec((blk, _H), lambda i: (i, 0)),
            pl.BlockSpec((blk, _H), lambda i: (i, 0)),
            pl.BlockSpec((blk, 1), lambda i: (i, 0)),
            pl.BlockSpec((blk, _H), lambda i: (i, 0)),
            pl.BlockSpec((4 * _H, _H), lambda i: (0, 0)),
            pl.BlockSpec((1, _H), lambda i: (0, 0)),
            pl.BlockSpec((_H, _HID), lambda i: (0, 0)),
            pl.BlockSpec((1, _HID), lambda i: (0, 0)),
        ],
        out_specs=[
            pl.BlockSpec((blk, _HID), lambda i: (i, 0)),
            pl.BlockSpec((1, _HID), lambda i: (0, 0)),
            pl.BlockSpec((1, _HID), lambda i: (0, 0)),
        ],
        out_shape=[
            jax.ShapeDtypeStruct((_N, _HID), jnp.float32),
            jax.ShapeDtypeStruct((1, _HID), jnp.float32),
            jax.ShapeDtypeStruct((1, _HID), jnp.float32),
        ],
    )(s, mx, mn, deg, x, wu, bu, wp1, bp1)


def _tc2b_body(p1_ref, sum_ref, sq_ref, g_ref, be_ref, wp2_ref, bp2_ref, p_ref):
    mu = sum_ref[...] / _N
    var = sq_ref[...] / _N - mu * mu
    p1 = p1_ref[...]
    xh = (p1 - mu) * lax.rsqrt(var + 1e-5) * g_ref[...] + be_ref[...]
    xh = jnp.maximum(xh, 0.0)
    p_ref[...] = jnp.dot(xh, wp2_ref[...], preferred_element_type=jnp.float32) + bp2_ref[...]


def _tc2b(p1, psum, psq, gamma, beta, wp2, bp2):
    blk = 1000
    grid = _N // blk
    return pl.pallas_call(
        _tc2b_body,
        grid=(grid,),
        in_specs=[
            pl.BlockSpec((blk, _HID), lambda i: (i, 0)),
            pl.BlockSpec((1, _HID), lambda i: (0, 0)),
            pl.BlockSpec((1, _HID), lambda i: (0, 0)),
            pl.BlockSpec((1, _HID), lambda i: (0, 0)),
            pl.BlockSpec((1, _HID), lambda i: (0, 0)),
            pl.BlockSpec((_HID, 4), lambda i: (0, 0)),
            pl.BlockSpec((1, 4), lambda i: (0, 0)),
        ],
        out_specs=pl.BlockSpec((blk, 4), lambda i: (i, 0)),
        out_shape=jax.ShapeDtypeStruct((_N, 4), jnp.float32),
    )(p1, psum, psq, gamma, beta, wp2, bp2)


def _pair_body(p_hbm, pi_hbm, pj_hbm, out_hbm, ptab, ibuf, jbuf, obuf):
    w = lax.axis_index("s") * 2 + lax.axis_index("c")
    pbase = w * _PB
    pltpu.sync_copy(p_hbm, ptab)

    def chunk_body(ci, _):
        off = pbase + ci * _PC
        pltpu.sync_copy(pi_hbm.at[pl.ds(off, _PC)], ibuf)
        pltpu.sync_copy(pj_hbm.at[pl.ds(off, _PC)], jbuf)

        def vec_body(v, _):
            sl = pl.ds(v * 16, 16)
            iv = ibuf[sl] * 4
            jv = jbuf[sl] * 4
            a0 = plsc.load_gather(ptab, [iv])
            a1 = plsc.load_gather(ptab, [iv + 1])
            a2 = plsc.load_gather(ptab, [iv + 2])
            b0 = plsc.load_gather(ptab, [jv])
            b1 = plsc.load_gather(ptab, [jv + 1])
            b2 = plsc.load_gather(ptab, [jv + 2])
            d0 = a0 - b0
            d1 = a1 - b1
            d2 = a2 - b2
            ss = d0 * d0 + d1 * d1 + d2 * d2 + 1e-12
            ii = lax.bitcast_convert_type(ss, jnp.int32)
            yi = 0x5F3759DF - lax.shift_right_arithmetic(ii, 1)
            y = lax.bitcast_convert_type(yi, jnp.float32)
            y = y * (1.5 - 0.5 * ss * y * y)
            y = y * (1.5 - 0.5 * ss * y * y)
            y = y * (1.5 - 0.5 * ss * y * y)
            obuf[sl] = ss * y
            return 0
        lax.fori_loop(0, _PC // 16, vec_body, 0)
        pltpu.sync_copy(obuf, out_hbm.at[pl.ds(off, _PC)])
        return 0
    lax.fori_loop(0, _PB // _PC, chunk_body, 0)


def _pair_sc(p_flat, pi, pj):
    mesh = plsc.VectorSubcoreMesh(core_axis_name="c", subcore_axis_name="s")
    f32 = jnp.float32
    kern = functools.partial(
        pl.kernel,
        mesh=mesh,
        compiler_params=pltpu.CompilerParams(needs_layout_passes=False),
        out_type=jax.ShapeDtypeStruct((_PPAD,), f32),
        scratch_types=[
            pltpu.VMEM((_N * 4,), f32),
            pltpu.VMEM((_PC,), jnp.int32),
            pltpu.VMEM((_PC,), jnp.int32),
            pltpu.VMEM((_PC,), f32),
        ],
    )(_pair_body)
    return kern(p_flat, pi, pj)


def kernel(x, edge_index, pairwise_indices, W_msg, b_msg, W_upd, b_upd,
           W_p1, b_p1, gamma, beta, W_p2, b_p2):
    f32 = jnp.float32
    w1 = W_msg[:_H]
    w2 = W_msg[_H:]
    bmsg = b_msg.reshape(1, _H)

    a_tab, b_tab = _tc1(x, w1, w2, bmsg)
    b_pad = jnp.pad(b_tab, ((0, _NW * _R + 16 - _N), (0, 0)))

    epk = edge_index[0] * 16384 + edge_index[1]
    s_f, mx_f, mn_f, deg_f = _edge_sc(a_tab, b_pad, epk)

    s = s_f.reshape(_NW * _R, _H)[:_N]
    mx = mx_f.reshape(_NW * _R, _H)[:_N]
    mn = mn_f.reshape(_NW * _R, _H)[:_N]
    deg = deg_f.reshape(_NW, _DEGW)[:, :_R].reshape(_NW * _R)[:_N]
    deg = deg.reshape(_N, 1)

    p1, psum, psq = _tc2a(s, mx, mn, deg, x,
                          W_upd, b_upd.reshape(1, _H),
                          W_p1, b_p1.reshape(1, _HID))

    wp2 = jnp.concatenate([W_p2, jnp.zeros((_HID, 1), f32)], axis=1)
    bp2 = jnp.concatenate([b_p2, jnp.zeros((1,), f32)]).reshape(1, 4)
    p = _tc2b(p1, psum, psq, gamma.reshape(1, _HID), beta.reshape(1, _HID),
              wp2, bp2)

    pi = jnp.pad(pairwise_indices[0], (0, _PPAD - _P))
    pj = jnp.pad(pairwise_indices[1], (0, _PPAD - _P))
    dists = _pair_sc(p.reshape(_N * 4), pi, pj)
    return dists[:_P].reshape(_P, 1)

# --- scband reference (transcript-rebuilt; emitter-appended) ---
"""Pipeline reference for scband-distance-predictor-28681791603325 (READ-ONLY COPY).

The authoritative reference and input builder live on the scoring server;
editing this copy changes nothing except your own understanding.
"""

import jax, jax.numpy as jnp
import numpy as np

N = 10000
E = 320000
P = 500000
H = 128
HID = 32
PROJ = 3


def setup_inputs(seed: int = 0) -> dict:
    key = jax.random.key(seed)
    ks = jax.random.split(key, 14)
    x = jax.random.normal(ks[0], (N, H), dtype=jnp.float32)
    edge_index = jax.random.randint(ks[1], (2, E), 0, N, dtype=jnp.int32)
    pairwise_indices = jax.random.randint(ks[2], (2, P), 0, N, dtype=jnp.int32)
    # PNA-style message-passing layer params
    W_msg = jax.random.normal(ks[3], (2 * H, H), dtype=jnp.float32) / np.sqrt(2.0 * H)
    b_msg = jnp.zeros((H,), dtype=jnp.float32)
    W_upd = jax.random.normal(ks[4], (4 * H, H), dtype=jnp.float32) / np.sqrt(4.0 * H)
    b_upd = jnp.zeros((H,), dtype=jnp.float32)
    # node projection MLP (in_dim=H, hidden=32 with batch norm, out_dim=PROJ)
    W_p1 = jax.random.normal(ks[5], (H, HID), dtype=jnp.float32) / np.sqrt(H)
    b_p1 = jnp.zeros((HID,), dtype=jnp.float32)
    gamma = jnp.ones((HID,), dtype=jnp.float32)
    beta = jnp.zeros((HID,), dtype=jnp.float32)
    W_p2 = jax.random.normal(ks[6], (HID, PROJ), dtype=jnp.float32) / np.sqrt(HID)
    b_p2 = jnp.zeros((PROJ,), dtype=jnp.float32)
    return {
        'x': x, 'edge_index': edge_index, 'pairwise_indices': pairwise_indices,
        'W_msg': W_msg, 'b_msg': b_msg, 'W_upd': W_upd, 'b_upd': b_upd,
        'W_p1': W_p1, 'b_p1': b_p1, 'gamma': gamma, 'beta': beta,
        'W_p2': W_p2, 'b_p2': b_p2,
    }


def reference(x, edge_index, pairwise_indices, W_msg, b_msg, W_upd, b_upd,
              W_p1, b_p1, gamma, beta, W_p2, b_p2):
    num_nodes = x.shape[0]
    src = edge_index[0]
    dst = edge_index[1]
    # --- PNAGNN message passing (multi-aggregator) ---
    msg_in = jnp.concatenate([x[src], x[dst]], axis=1)
    m = jax.nn.relu(msg_in @ W_msg + b_msg)
    s = jax.ops.segment_sum(m, dst, num_segments=num_nodes)
    deg = jax.ops.segment_sum(jnp.ones((m.shape[0], 1), dtype=m.dtype), dst,
                              num_segments=num_nodes)
    mean = s / jnp.clip(deg, 1.0, None)
    mx = jax.ops.segment_max(m, dst, num_segments=num_nodes)
    mx = jnp.where(deg > 0, mx, 0.0)
    mn = -jax.ops.segment_max(-m, dst, num_segments=num_nodes)
    mn = jnp.where(deg > 0, mn, 0.0)
    agg = jnp.concatenate([mean, mx, mn, s], axis=1)
    h = jax.nn.relu(agg @ W_upd + b_upd) + x  # residual update, mol_graph.ndata['f']
    # --- node projection net (MLP hidden=32, mid batch norm) ---
    p = h @ W_p1 + b_p1
    mu = jnp.mean(p, axis=0)
    var = jnp.var(p, axis=0)
    p = (p - mu) / jnp.sqrt(var + 1e-5) * gamma + beta
    p = jax.nn.relu(p)
    p = p @ W_p2 + b_p2
    # --- pairwise distance head (distance_net=False path) ---
    src_h = jnp.take(p, pairwise_indices[0], axis=0)
    dst_h = jnp.take(p, pairwise_indices[1], axis=0)
    diff = src_h - dst_h
    distances = jnp.sqrt(jnp.sum(diff * diff, axis=-1) + 1e-12)[:, None]
    return distances

if __name__ == "__main__":
    import jax
    _d = setup_inputs()
    print(jax.jit(kernel)(*tuple(_d.values())))

</pallas_src>

<mosaic_0001>
#map = affine_map<(d0, d1) -> (0, 0)>
#map1 = affine_map<(d0, d1) -> (0)>
module attributes {stable_mosaic.version = 14 : i64} {
  func.func @_edge_body(%arg0: i32, %arg1: i32, %arg2: memref<10000x128xf32, #tpu.memory_space<hbm>>, %arg3: memref<10032x128xf32, #tpu.memory_space<hbm>>, %arg4: memref<320000xi32, #tpu.memory_space<hbm>>, %arg5: memref<1282048xf32, #tpu.memory_space<hbm>>, %arg6: memref<1282048xf32, #tpu.memory_space<hbm>>, %arg7: memref<1282048xf32, #tpu.memory_space<hbm>>, %arg8: memref<10752xf32, #tpu.memory_space<hbm>>, %arg9: memref<40192xf32, #tpu.memory_space<vmem>>, %arg10: memref<40192xf32, #tpu.memory_space<vmem>>, %arg11: memref<40192xf32, #tpu.memory_space<vmem>>, %arg12: memref<336xf32, #tpu.memory_space<vmem>>, %arg13: memref<1024xi32, #tpu.memory_space<vmem>>, %arg14: memref<768xi32, #tpu.memory_space<vmem>>, %arg15: memref<2x16x128xf32, #tpu.memory_space<vmem>>, %arg16: memref<2x16x128xf32, #tpu.memory_space<vmem>>, %arg17: memref<!tpu.dma_semaphore, #tpu.memory_space<semaphore_mem>>, %arg18: memref<!tpu.dma_semaphore, #tpu.memory_space<semaphore_mem>>, %arg19: memref<!tpu.dma_semaphore, #tpu.memory_space<semaphore_mem>>) attributes {dimension_semantics = [#tpu.dimension_semantics<core_parallel>, #tpu.dimension_semantics<subcore_parallel>], iteration_bounds = array<i64: 2, 16>, scalar_prefetch = 0 : i64, scratch_operands = 11 : i64, tpu.core_type = #tpu.core_type<sc_vector_subcore>, window_params = [{transform_indices = #map}, {transform_indices = #map}, {transform_indices = #map1}, {transform_indices = #map1}, {transform_indices = #map1}, {transform_indices = #map1}, {transform_indices = #map1}]} {
    %mul3A = arith.constant 2 : i32
    %mul3A_0 = arith.muli %arg1, %mul3A : i32
    %add3A = arith.addi %mul3A_0, %arg0 : i32
    %mul3A_1 = arith.constant 313 : i32
    %mul3A_2 = arith.muli %add3A, %mul3A_1 : i32
    %iota3A = tpu.iota {dimensions = array<i32: 0>} : vector<16xi32>
    %eq3A = arith.constant 0 : i32
    %eq3A_3 = vector.broadcast %eq3A : i32 to vector<16xi32>
    %eq3A_4 = arith.cmpi eq, %iota3A, %eq3A_3 : vector<16xi32>
    %jit3A = arith.constant 1.000000e+00 : f32
    %jit3A_5 = arith.constant 0.000000e+00 : f32
    %broadcast_in_dim3A = vector.broadcast %jit3A : f32 to vector<16xf32>
    %broadcast_in_dim3A_6 = vector.broadcast %jit3A_5 : f32 to vector<16xf32>
    %select_n3A = arith.select %eq3A_4, %broadcast_in_dim3A, %broadcast_in_dim3A_6 : vector<16xi1>, vector<16xf32>
    %broadcast_in_dim3A_7 = arith.constant 0.000000e+00 : f32
    %broadcast_in_dim3A_8 = vector.broadcast %broadcast_in_dim3A_7 : f32 to vector<16xf32>
    %broadcast_in_dim3A_9 = arith.constant 1.000000e+00 : f32
    %broadcast_in_dim3A_10 = vector.broadcast %broadcast_in_dim3A_9 : f32 to vector<16xf32>
    %eq3A_11 = arith.constant 0 : i32
    %eq3A_12 = vector.broadcast %eq3A_11 : i32 to vector<16xi32>
    %eq3A_13 = arith.cmpi eq, %iota3A, %eq3A_12 : vector<16xi32>
    %broadcast_in_dim3A_14 = arith.constant 0 : i32
    %broadcast_in_dim3A_15 = vector.broadcast %broadcast_in_dim3A_14 : i32 to vector<16xi32>
    %broadcast_in_dim3A_16 = arith.constant 1 : i32
    %broadcast_in_dim3A_17 = vector.broadcast %broadcast_in_dim3A_16 : i32 to vector<16xi32>
    %broadcast_in_dim3A_18 = arith.constant 2 : i32
    %broadcast_in_dim3A_19 = vector.broadcast %broadcast_in_dim3A_18 : i32 to vector<16xi32>
    %broadcast_in_dim3A_20 = arith.constant 3 : i32
    %broadcast_in_dim3A_21 = vector.broadcast %broadcast_in_dim3A_20 : i32 to vector<16xi32>
    %broadcast_in_dim3A_22 = arith.constant 4 : i32
    %broadcast_in_dim3A_23 = vector.broadcast %broadcast_in_dim3A_22 : i32 to vector<16xi32>
    %broadcast_in_dim3A_24 = arith.constant 5 : i32
    %broadcast_in_dim3A_25 = vector.broadcast %broadcast_in_dim3A_24 : i32 to vector<16xi32>
    %broadcast_in_dim3A_26 = arith.constant 6 : i32
    %broadcast_in_dim3A_27 = vector.broadcast %broadcast_in_dim3A_26 : i32 to vector<16xi32>
    %broadcast_in_dim3A_28 = arith.constant 7 : i32
    %broadcast_in_dim3A_29 = vector.broadcast %broadcast_in_dim3A_28 : i32 to vector<16xi32>
    %broadcast_in_dim3A_30 = arith.constant 8 : i32
    %broadcast_in_dim3A_31 = vector.broadcast %broadcast_in_dim3A_30 : i32 to vector<16xi32>
    %broadcast_in_dim3A_32 = arith.constant 9 : i32
    %broadcast_in_dim3A_33 = vector.broadcast %broadcast_in_dim3A_32 : i32 to vector<16xi32>
    %broadcast_in_dim3A_34 = arith.constant 10 : i32
    %broadcast_in_dim3A_35 = vector.broadcast %broadcast_in_dim3A_34 : i32 to vector<16xi32>
    %broadcast_in_dim3A_36 = arith.constant 11 : i32
    %broadcast_in_dim3A_37 = vector.broadcast %broadcast_in_dim3A_36 : i32 to vector<16xi32>
    %broadcast_in_dim3A_38 = arith.constant 12 : i32
    %broadcast_in_dim3A_39 = vector.broadcast %broadcast_in_dim3A_38 : i32 to vector<16xi32>
    %broadcast_in_dim3A_40 = arith.constant 13 : i32
    %broadcast_in_dim3A_41 = vector.broadcast %broadcast_in_dim3A_40 : i32 to vector<16xi32>
    %broadcast_in_dim3A_42 = arith.constant 14 : i32
    %broadcast_in_dim3A_43 = vector.broadcast %broadcast_in_dim3A_42 : i32 to vector<16xi32>
    %broadcast_in_dim3A_44 = arith.constant 15 : i32
    %broadcast_in_dim3A_45 = vector.broadcast %broadcast_in_dim3A_44 : i32 to vector<16xi32>
    %broadcast_in_dim3A_46 = arith.constant -3.000000e+38 : f32
    %broadcast_in_dim3A_47 = vector.broadcast %broadcast_in_dim3A_46 : f32 to vector<16xf32>
    %broadcast_in_dim3A_48 = arith.constant 3.000000e+38 : f32
    %broadcast_in_dim3A_49 = vector.broadcast %broadcast_in_dim3A_48 : f32 to vector<16xf32>
    %scan3A = arith.constant 0 : i32
    %scan3A_50 = arith.constant 0 : i32
    %scan3A_51 = arith.constant 2512 : i32
    %scan3A_52 = arith.addi %scan3A_50, %scan3A_51 : i32
    %scan3A_53 = arith.constant 1 : i32
    %scan3A_54 = scf.for %scan3A_86 = %scan3A_50 to %scan3A_52 step %scan3A_53 iter_args(%scan3A_87 = %scan3A) -> (i32)  : i32 {
      %mul3A_88 = arith.constant 16 : i32
      %mul3A_89 = arith.muli %scan3A_86, %mul3A_88 : i32
      %swap3A = arith.index_cast %mul3A_89 : i32 to index
      %swap3A_90 = tpu.vector_load %arg9[%swap3A] {strides = array<i32>} : memref<40192xf32, #tpu.memory_space<vmem>>, vector<16xf32>,
      tpu.vector_store %arg9[%swap3A], %broadcast_in_dim3A_8 {strides = array<i32>} : memref<40192xf32, #tpu.memory_space<vmem>>, vector<16xf32>,
      %swap3A_91 = arith.index_cast %mul3A_89 : i32 to index
      %swap3A_92 = tpu.vector_load %arg10[%swap3A_91] {strides = array<i32>} : memref<40192xf32, #tpu.memory_space<vmem>>, vector<16xf32>,
      tpu.vector_store %arg10[%swap3A_91], %broadcast_in_dim3A_47 {strides = array<i32>} : memref<40192xf32, #tpu.memory_space<vmem>>, vector<16xf32>,
      %swap3A_93 = arith.index_cast %mul3A_89 : i32 to index
      %swap3A_94 = tpu.vector_load %arg11[%swap3A_93] {strides = array<i32>} : memref<40192xf32, #tpu.memory_space<vmem>>, vector<16xf32>,
      tpu.vector_store %arg11[%swap3A_93], %broadcast_in_dim3A_49 {strides = array<i32>} : memref<40192xf32, #tpu.memory_space<vmem>>, vector<16xf32>,
      %scan3A_95 = arith.constant 0 : i32
      scf.yield %scan3A_95 : i32
    }
    %scan3A_55 = arith.constant 2512 : i32
    %scan3A_56 = arith.constant 0 : i32
    %scan3A_57 = arith.constant 0 : i32
    %scan3A_58 = arith.constant 21 : i32
    %scan3A_59 = arith.addi %scan3A_57, %scan3A_58 : i32
    %scan3A_60 = arith.constant 1 : i32
    %scan3A_61 = scf.for %scan3A_86 = %scan3A_57 to %scan3A_59 step %scan3A_60 iter_args(%scan3A_87 = %scan3A_56) -> (i32)  : i32 {
      %mul3A_88 = arith.constant 16 : i32
      %mul3A_89 = arith.muli %scan3A_86, %mul3A_88 : i32
      %swap3A = arith.index_cast %mul3A_89 : i32 to index
      %swap3A_90 = tpu.vector_load %arg12[%swap3A] {strides = array<i32>} : memref<336xf32, #tpu.memory_space<vmem>>, vector<16xf32>,
      tpu.vector_store %arg12[%swap3A], %broadcast_in_dim3A_8 {strides = array<i32>} : memref<336xf32, #tpu.memory_space<vmem>>, vector<16xf32>,
      %scan3A_91 = arith.constant 0 : i32
      scf.yield %scan3A_91 : i32
    }
    %scan3A_62 = arith.constant 21 : i32
    %rem3A = arith.constant 0 : i32
    %rem3A_63 = arith.constant 2 : i32
    %rem3A_64 = arith.remsi %rem3A, %rem3A_63 : i32
    %mul3A_65 = arith.constant 512 : i32
    %mul3A_66 = arith.muli %rem3A_64, %mul3A_65 : i32
    %dma_start3A = tpu.memref_slice %arg13[%mul3A_66] : memref<1024xi32, #tpu.memory_space<vmem>> -> memref<512xi32, #tpu.memory_space<vmem>>
    %dma_start3A_67 = arith.constant 0 : i32
    %dma_start3A_68 = tpu.memref_slice %arg4[%dma_start3A_67] : memref<320000xi32, #tpu.memory_space<hbm>> -> memref<512xi32, #tpu.memory_space<hbm>>
    %dma_start3A_69 = tpu.memref_slice %arg13[%mul3A_66] : memref<1024xi32, #tpu.memory_space<vmem>> -> memref<512xi32, #tpu.memory_space<vmem>>
    %dma_start3A_70 = arith.constant 0 : i32
    %dma_start3A_71 = tpu.memref_slice %arg4[%dma_start3A_70] : memref<320000xi32, #tpu.memory_space<hbm>> -> memref<512xi32, #tpu.memory_space<hbm>>
    tpu.enqueue_dma source(%dma_start3A_71 : memref<512xi32, #tpu.memory_space<hbm>>) target(%dma_start3A_69 : memref<512xi32, #tpu.memory_space<vmem>>) target_semaphore(%arg17 : memref<!tpu.dma_semaphore, #tpu.memory_space<semaphore_mem>>)
    %scan3A_72 = arith.constant 0 : i32
    %scan3A_73 = arith.constant 0 : i32
    %scan3A_74 = arith.constant 625 : i32
    %scan3A_75 = arith.addi %scan3A_73, %scan3A_74 : i32
    %scan3A_76 = arith.constant 1 : i32
    %scan3A_77 = scf.for %scan3A_86 = %scan3A_73 to %scan3A_75 step %scan3A_76 iter_args(%scan3A_87 = %scan3A_72) -> (i32)  : i32 {
      %rem3A_88 = arith.constant 2 : i32
      %rem3A_89 = arith.remsi %scan3A_86, %rem3A_88 : i32
      %mul3A_90 = arith.constant 512 : i32
      %mul3A_91 = arith.muli %scan3A_86, %mul3A_90 : i32
      %mul3A_92 = arith.constant 512 : i32
      %mul3A_93 = arith.muli %rem3A_89, %mul3A_92 : i32
      %dma_wait3A = tpu.memref_slice %arg13[%mul3A_93] : memref<1024xi32, #tpu.memory_space<vmem>> -> memref<512xi32, #tpu.memory_space<vmem>>
      %dma_wait3A_94 = tpu.memref_slice %arg4[%mul3A_91] : memref<320000xi32, #tpu.memory_space<hbm>> -> memref<512xi32, #tpu.memory_space<hbm>>
      %dma_wait3A_95 = tpu.memref_slice %arg13[%mul3A_93] : memref<1024xi32, #tpu.memory_space<vmem>> -> memref<512xi32, #tpu.memory_space<vmem>>
      %dma_wait3A_96 = tpu.memref_slice %arg4[%mul3A_91] : memref<320000xi32, #tpu.memory_space<hbm>> -> memref<512xi32, #tpu.memory_space<hbm>>
      tpu.wait_dma2 semaphore(%arg17 : memref<!tpu.dma_semaphore, #tpu.memory_space<semaphore_mem>>) src(%dma_wait3A_96 : memref<512xi32, #tpu.memory_space<hbm>>) dst(%dma_wait3A_95 : memref<512xi32, #tpu.memory_space<vmem>>)
      %add3A_97 = arith.constant 1 : i32
      %add3A_98 = arith.addi %scan3A_86, %add3A_97 : i32
      %lt3A = arith.constant 625 : i32
      %lt3A_99 = arith.cmpi slt, %add3A_98, %lt3A : i32
      %convert_element_type3A_100 = arith.extui %lt3A_99 : i1 to i32
      %cond3A_101 = arith.constant 0 : i32
      %cond3A_102 = arith.cmpi ne, %convert_element_type3A_100, %cond3A_101 : i32
      scf.if %cond3A_102 {
        %add3A_116 = arith.constant 1 : i32
        %add3A_117 = arith.addi %scan3A_86, %add3A_116 : i32
        %rem3A_118 = arith.constant 2 : i32
        %rem3A_119 = arith.remsi %add3A_117, %rem3A_118 : i32
        %mul3A_120 = arith.constant 512 : i32
        %mul3A_121 = arith.muli %add3A_117, %mul3A_120 : i32
        %mul3A_122 = arith.constant 512 : i32
        %mul3A_123 = arith.muli %rem3A_119, %mul3A_122 : i32
        %dma_start3A_124 = tpu.memref_slice %arg13[%mul3A_123] : memref<1024xi32, #tpu.memory_space<vmem>> -> memref<512xi32, #tpu.memory_space<vmem>>
        %dma_start3A_125 = tpu.memref_slice %arg4[%mul3A_121] : memref<320000xi32, #tpu.memory_space<hbm>> -> memref<512xi32, #tpu.memory_space<hbm>>
        %dma_start3A_126 = tpu.memref_slice %arg13[%mul3A_123] : memref<1024xi32, #tpu.memory_space<vmem>> -> memref<512xi32, #tpu.memory_space<vmem>>
        %dma_start3A_127 = tpu.memref_slice %arg4[%mul3A_121] : memref<320000xi32, #tpu.memory_space<hbm>> -> memref<512xi32, #tpu.memory_space<hbm>>
        tpu.enqueue_dma source(%dma_start3A_127 : memref<512xi32, #tpu.memory_space<hbm>>) target(%dma_start3A_126 : memref<512xi32, #tpu.memory_space<vmem>>) target_semaphore(%arg17 : memref<!tpu.dma_semaphore, #tpu.memory_space<semaphore_mem>>)
      } else {
      }
      %mul3A_103 = arith.constant 512 : i32
      %mul3A_104 = arith.muli %rem3A_89, %mul3A_103 : i32
      "tpu.trace_start"() <{level = 10 : i32, message = "edge_scan"}> : () -> ()
      %scan3A_105 = arith.constant 0 : i32
      %scan3A_106 = arith.constant 32 : i32
      %scan3A_107 = arith.addi %scan3A_105, %scan3A_106 : i32
      %scan3A_108 = arith.constant 1 : i32
      %scan3A_109 = scf.for %scan3A_116 = %scan3A_105 to %scan3A_107 step %scan3A_108 iter_args(%scan3A_117 = %scan3A_87) -> (i32)  : i32 {
        %mul3A_118 = arith.constant 16 : i32
        %mul3A_119 = arith.muli %scan3A_116, %mul3A_118 : i32
        %add3A_120 = arith.addi %mul3A_104, %mul3A_119 : i32
        %get3A = arith.index_cast %add3A_120 : i32 to index
        %get3A_121 = tpu.vector_load %arg13[%get3A] {strides = array<i32>} : memref<1024xi32, #tpu.memory_space<vmem>>, vector<16xi32>,
        %and3A = arith.constant 16383 : i32
        %and3A_122 = vector.broadcast %and3A : i32 to vector<16xi32>
        %and3A_123 = arith.andi %get3A_121, %and3A_122 : vector<16xi32>
        %ge3A_124 = vector.broadcast %mul3A_2 : i32 to vector<16xi32>
        %ge3A_125 = arith.cmpi sge, %and3A_123, %ge3A_124 : vector<16xi32>
        %add3A_126 = arith.constant 313 : i32
        %add3A_127 = arith.addi %mul3A_2, %add3A_126 : i32
        %lt3A_128 = vector.broadcast %add3A_127 : i32 to vector<16xi32>
        %lt3A_129 = arith.cmpi slt, %and3A_123, %lt3A_128 : vector<16xi32>
        %and3A_130 = arith.andi %ge3A_125, %lt3A_129 : vector<16xi1>
        %swap3A = arith.index_cast %scan3A_117 : i32 to index
        %swap3A_131 = tpu.vector_load %arg14[%swap3A] masked %and3A_130 {strides = array<i32>} : memref<768xi32, #tpu.memory_space<vmem>>, vector<16xi32>, vector<16xi1>
        tpu.vector_store %arg14[%swap3A], %get3A_121 masked %and3A_130 {strides = array<i32>} : memref<768xi32, #tpu.memory_space<vmem>>, vector<16xi32>, vector<16xi1>
        %all_reduce_population_count3A = tpu.all_reduce %and3A_130 {dim = 0 : i64, kind = #tpu.reduction_kind<sum>} : vector<16xi1> -> vector<16xi32>
        %slice3A = vector.extract_strided_slice %all_reduce_population_count3A {offsets = [0], sizes = [1], strides = [1]} : vector<16xi32> to vector<1xi32>
        %squeeze3A = vector.extract %slice3A[0] : i32 from vector<1xi32>
        %add3A_132 = arith.addi %scan3A_117, %squeeze3A : i32
        scf.yield %add3A_132 : i32
      }
      %scan3A_110 = arith.constant 32 : i32
      %ge3A = arith.constant 240 : i32
      "tpu.trace_stop"() : () -> ()
      "tpu.trace_start"() <{level = 10 : i32, message = "edge_drain"}> : () -> ()
      %ge3A_111 = arith.cmpi sge, %scan3A_109, %ge3A : i32
      %convert_element_type3A_112 = arith.extui %ge3A_111 : i1 to i32
      %cond3A_113 = arith.constant 0 : i32
      %cond3A_114 = arith.cmpi ne, %convert_element_type3A_112, %cond3A_113 : i32
      %cond3A_115 = scf.if %cond3A_114 -> (i32) {
        %add3A_116 = arith.constant 313 : i32
        %add3A_117 = arith.addi %mul3A_2, %add3A_116 : i32
        %broadcast_in_dim3A_118 = vector.broadcast %add3A_117 : i32 to vector<16xi32>
        %swap3A = arith.index_cast %scan3A_109 : i32 to index
        %swap3A_119 = tpu.vector_load %arg14[%swap3A] {strides = array<i32>} : memref<768xi32, #tpu.memory_space<vmem>>, vector<16xi32>,
        tpu.vector_store %arg14[%swap3A], %broadcast_in_dim3A_118 {strides = array<i32>} : memref<768xi32, #tpu.memory_space<vmem>>, vector<16xi32>,
        %add3A_120 = arith.constant 15 : i32
        %add3A_121 = arith.addi %scan3A_109, %add3A_120 : i32
        %jit3A_122 = arith.constant 16 : i32
        %div3A = arith.divsi %add3A_121, %jit3A_122 : i32
        %sign3A = arith.constant 0 : i32
        %sign3A_123 = arith.cmpi sgt, %add3A_121, %sign3A : i32
        %sign3A_124 = arith.extui %sign3A_123 : i1 to i32
        %sign3A_125 = arith.constant 0 : i32
        %sign3A_126 = arith.cmpi slt, %add3A_121, %sign3A_125 : i32
        %sign3A_127 = arith.extui %sign3A_126 : i1 to i32
        %sign3A_128 = arith.subi %sign3A_124, %sign3A_127 : i32
        %sign3A_129 = arith.constant 0 : i32
        %sign3A_130 = arith.cmpi sgt, %jit3A_122, %sign3A_129 : i32
        %sign3A_131 = arith.extui %sign3A_130 : i1 to i32
        %sign3A_132 = arith.constant 0 : i32
        %sign3A_133 = arith.cmpi slt, %jit3A_122, %sign3A_132 : i32
        %sign3A_134 = arith.extui %sign3A_133 : i1 to i32
        %sign3A_135 = arith.subi %sign3A_131, %sign3A_134 : i32
        %ne3A = arith.cmpi ne, %sign3A_128, %sign3A_135 : i32
        %rem3A_136 = arith.remsi %add3A_121, %jit3A_122 : i32
        %ne3A_137 = arith.constant 0 : i32
        %ne3A_138 = arith.cmpi ne, %rem3A_136, %ne3A_137 : i32
        %and3A = arith.andi %ne3A, %ne3A_138 : i1
        %sub3A = arith.constant 1 : i32
        %sub3A_139 = arith.subi %div3A, %sub3A : i32
        %select_n3A_140 = arith.select %and3A, %sub3A_139, %div3A : i32
        %rem3A_141 = arith.constant 0 : i32
        %rem3A_142 = arith.constant 2 : i32
        %rem3A_143 = arith.remsi %rem3A_141, %rem3A_142 : i32
        %get3A = arith.constant 0 : index
        %get3A_144 = tpu.vector_load %arg14[%get3A] {strides = array<i32>} : memref<768xi32, #tpu.memory_space<vmem>>, vector<16xi32>,
        %shift_right_logical3A = arith.constant 14 : i32
        %shift_right_logical3A_145 = vector.broadcast %shift_right_logical3A : i32 to vector<16xi32>
        %shift_right_logical3A_146 = arith.shrui %get3A_144, %shift_right_logical3A_145 : vector<16xi32>
        %and3A_147 = arith.constant 16383 : i32
        %and3A_148 = vector.broadcast %and3A_147 : i32 to vector<16xi32>
        %and3A_149 = arith.andi %get3A_144, %and3A_148 : vector<16xi32>
        %dma_start3A_150 = arith.constant 0 : i32
        %dma_start3A_151 = arith.constant 0 : i32
        %dma_start3A_152 = tpu.memref_slice %arg15[%rem3A_143, %dma_start3A_150, %dma_start3A_151] : memref<2x16x128xf32, #tpu.memory_space<vmem>> -> memref<1x16x128xf32, #tpu.memory_space<vmem>>
        %dma_start3A_153 = tpu.memref_squeeze %dma_start3A_152 : memref<1x16x128xf32, #tpu.memory_space<vmem>> -> memref<16x128xf32, #tpu.memory_space<vmem>>
        %dma_start3A_154 = arith.constant 0 : i32
        %dma_start3A_155 = arith.constant 0 : i32
        %dma_start3A_156 = tpu.memref_slice %arg2[%dma_start3A_154, %dma_start3A_155] : memref<10000x128xf32, #tpu.memory_space<hbm>> -> memref<10000x128xf32, #tpu.memory_space<hbm>>
        tpu.enqueue_indirect_dma source(%dma_start3A_156 : memref<10000x128xf32, #tpu.memory_space<hbm>>) target(%dma_start3A_153 : memref<16x128xf32, #tpu.memory_space<vmem>>) offsets(%shift_right_logical3A_146 : vector<16xi32>) semaphore(%arg18 : memref<!tpu.dma_semaphore, #tpu.memory_space<semaphore_mem>>)
        %dma_start3A_157 = arith.constant 0 : i32
        %dma_start3A_158 = arith.constant 0 : i32
        %dma_start3A_159 = tpu.memref_slice %arg16[%rem3A_143, %dma_start3A_157, %dma_start3A_158] : memref<2x16x128xf32, #tpu.memory_space<vmem>> -> memref<1x16x128xf32, #tpu.memory_space<vmem>>
        %dma_start3A_160 = tpu.memref_squeeze %dma_start3A_159 : memref<1x16x128xf32, #tpu.memory_space<vmem>> -> memref<16x128xf32, #tpu.memory_space<vmem>>
        %dma_start3A_161 = arith.constant 0 : i32
        %dma_start3A_162 = arith.constant 0 : i32
        %dma_start3A_163 = tpu.memref_slice %arg3[%dma_start3A_161, %dma_start3A_162] : memref<10032x128xf32, #tpu.memory_space<hbm>> -> memref<10032x128xf32, #tpu.memory_space<hbm>>
        tpu.enqueue_indirect_dma source(%dma_start3A_163 : memref<10032x128xf32, #tpu.memory_space<hbm>>) target(%dma_start3A_160 : memref<16x128xf32, #tpu.memory_space<vmem>>) offsets(%and3A_149 : vector<16xi32>) semaphore(%arg19 : memref<!tpu.dma_semaphore, #tpu.memory_space<semaphore_mem>>)
        %while3A = arith.constant 0 : i32
        %while3A_164 = arith.constant 0 : i32
        %while3A_165 = arith.subi %select_n3A_140, %while3A : i32
        %while3A_166 = arith.addi %while3A, %while3A_165 : i32
        %while3A_167 = arith.constant 1 : i32
        %while3A_168 = arith.divsi %while3A_165, %while3A_167 : i32
        %while3A_169 = arith.muli %while3A_168, %while3A_167 : i32
        %while3A_170 = arith.addi %while3A, %while3A_169 : i32
        %while3A_171 = arith.constant 1 : i32
        %while3A_172 = scf.for %while3A_176 = %while3A to %while3A_170 step %while3A_171 iter_args(%while3A_177 = %while3A_164) -> (i32)  : i32 {
          %rem3A_178 = arith.constant 2 : i32
          %rem3A_179 = arith.remsi %while3A_176, %rem3A_178 : i32
          %mul3A_180 = arith.constant 16 : i32
          %mul3A_181 = arith.muli %while3A_176, %mul3A_180 : i32
          %get3A_182 = arith.index_cast %mul3A_181 : i32 to index
          %get3A_183 = tpu.vector_load %arg14[%get3A_182] {strides = array<i32>} : memref<768xi32, #tpu.memory_space<vmem>>, vector<16xi32>,
          %shift_right_logical3A_184 = arith.constant 14 : i32
          %shift_right_logical3A_185 = vector.broadcast %shift_right_logical3A_184 : i32 to vector<16xi32>
          %shift_right_logical3A_186 = arith.shrui %get3A_183, %shift_right_logical3A_185 : vector<16xi32>
          %and3A_187 = arith.constant 16383 : i32
          %and3A_188 = vector.broadcast %and3A_187 : i32 to vector<16xi32>
          %and3A_189 = arith.andi %get3A_183, %and3A_188 : vector<16xi32>
          %dma_wait3A_190 = arith.constant 0 : i32
          %dma_wait3A_191 = arith.constant 0 : i32
          %dma_wait3A_192 = tpu.memref_slice %arg15[%rem3A_179, %dma_wait3A_190, %dma_wait3A_191] : memref<2x16x128xf32, #tpu.memory_space<vmem>> -> memref<1x16x128xf32, #tpu.memory_space<vmem>>
          %dma_wait3A_193 = tpu.memref_squeeze %dma_wait3A_192 : memref<1x16x128xf32, #tpu.memory_space<vmem>> -> memref<16x128xf32, #tpu.memory_space<vmem>>
          %dma_wait3A_194 = arith.constant 0 : i32
          %dma_wait3A_195 = arith.constant 0 : i32
          %dma_wait3A_196 = tpu.memref_slice %arg2[%dma_wait3A_194, %dma_wait3A_195] : memref<10000x128xf32, #tpu.memory_space<hbm>> -> memref<10000x128xf32, #tpu.memory_space<hbm>>
          tpu.wait_indirect_dma semaphore(%arg18 : memref<!tpu.dma_semaphore, #tpu.memory_space<semaphore_mem>>) src(%dma_wait3A_196 : memref<10000x128xf32, #tpu.memory_space<hbm>>) dst(%dma_wait3A_193 : memref<16x128xf32, #tpu.memory_space<vmem>>)
          %dma_wait3A_197 = arith.constant 0 : i32
          %dma_wait3A_198 = arith.constant 0 : i32
          %dma_wait3A_199 = tpu.memref_slice %arg16[%rem3A_179, %dma_wait3A_197, %dma_wait3A_198] : memref<2x16x128xf32, #tpu.memory_space<vmem>> -> memref<1x16x128xf32, #tpu.memory_space<vmem>>
          %dma_wait3A_200 = tpu.memref_squeeze %dma_wait3A_199 : memref<1x16x128xf32, #tpu.memory_space<vmem>> -> memref<16x128xf32, #tpu.memory_space<vmem>>
          %dma_wait3A_201 = arith.constant 0 : i32
          %dma_wait3A_202 = arith.constant 0 : i32
          %dma_wait3A_203 = tpu.memref_slice %arg3[%dma_wait3A_201, %dma_wait3A_202] : memref<10032x128xf32, #tpu.memory_space<hbm>> -> memref<10032x128xf32, #tpu.memory_space<hbm>>
          tpu.wait_indirect_dma semaphore(%arg19 : memref<!tpu.dma_semaphore, #tpu.memory_space<semaphore_mem>>) src(%dma_wait3A_203 : memref<10032x128xf32, #tpu.memory_space<hbm>>) dst(%dma_wait3A_200 : memref<16x128xf32, #tpu.memory_space<vmem>>)
          %add3A_204 = arith.constant 1 : i32
          %add3A_205 = arith.addi %while3A_176, %add3A_204 : i32
          %lt3A_206 = arith.cmpi slt, %add3A_205, %select_n3A_140 : i32
          %convert_element_type3A_207 = arith.extui %lt3A_206 : i1 to i32
          %cond3A_208 = arith.constant 0 : i32
          %cond3A_209 = arith.cmpi ne, %convert_element_type3A_207, %cond3A_208 : i32
          scf.if %cond3A_209 {
            %add3A_220 = arith.constant 1 : i32
            %add3A_221 = arith.addi %while3A_176, %add3A_220 : i32
            %rem3A_222 = arith.constant 2 : i32
            %rem3A_223 = arith.remsi %add3A_221, %rem3A_222 : i32
            %mul3A_224 = arith.constant 16 : i32
            %mul3A_225 = arith.muli %add3A_221, %mul3A_224 : i32
            %get3A_226 = arith.index_cast %mul3A_225 : i32 to index
            %get3A_227 = tpu.vector_load %arg14[%get3A_226] {strides = array<i32>} : memref<768xi32, #tpu.memory_space<vmem>>, vector<16xi32>,
            %shift_right_logical3A_228 = arith.constant 14 : i32
            %shift_right_logical3A_229 = vector.broadcast %shift_right_logical3A_228 : i32 to vector<16xi32>
            %shift_right_logical3A_230 = arith.shrui %get3A_227, %shift_right_logical3A_229 : vector<16xi32>
            %and3A_231 = arith.constant 16383 : i32
            %and3A_232 = vector.broadcast %and3A_231 : i32 to vector<16xi32>
            %and3A_233 = arith.andi %get3A_227, %and3A_232 : vector<16xi32>
            %dma_start3A_234 = arith.constant 0 : i32
            %dma_start3A_235 = arith.constant 0 : i32
            %dma_start3A_236 = tpu.memref_slice %arg15[%rem3A_223, %dma_start3A_234, %dma_start3A_235] : memref<2x16x128xf32, #tpu.memory_space<vmem>> -> memref<1x16x128xf32, #tpu.memory_space<vmem>>
            %dma_start3A_237 = tpu.memref_squeeze %dma_start3A_236 : memref<1x16x128xf32, #tpu.memory_space<vmem>> -> memref<16x128xf32, #tpu.memory_space<vmem>>
            %dma_start3A_238 = arith.constant 0 : i32
            %dma_start3A_239 = arith.constant 0 : i32
            %dma_start3A_240 = tpu.memref_slice %arg2[%dma_start3A_238, %dma_start3A_239] : memref<10000x128xf32, #tpu.memory_space<hbm>> -> memref<10000x128xf32, #tpu.memory_space<hbm>>
            tpu.enqueue_indirect_dma source(%dma_start3A_240 : memref<10000x128xf32, #tpu.memory_space<hbm>>) target(%dma_start3A_237 : memref<16x128xf32, #tpu.memory_space<vmem>>) offsets(%shift_right_logical3A_230 : vector<16xi32>) semaphore(%arg18 : memref<!tpu.dma_semaphore, #tpu.memory_space<semaphore_mem>>)
            %dma_start3A_241 = arith.constant 0 : i32
            %dma_start3A_242 = arith.constant 0 : i32
            %dma_start3A_243 = tpu.memref_slice %arg16[%rem3A_223, %dma_start3A_241, %dma_start3A_242] : memref<2x16x128xf32, #tpu.memory_space<vmem>> -> memref<1x16x128xf32, #tpu.memory_space<vmem>>
            %dma_start3A_244 = tpu.memref_squeeze %dma_start3A_243 : memref<1x16x128xf32, #tpu.memory_space<vmem>> -> memref<16x128xf32, #tpu.memory_space<vmem>>
            %dma_start3A_245 = arith.constant 0 : i32
            %dma_start3A_246 = arith.constant 0 : i32
            %dma_start3A_247 = tpu.memref_slice %arg3[%dma_start3A_245, %dma_start3A_246] : memref<10032x128xf32, #tpu.memory_space<hbm>> -> memref<10032x128xf32, #tpu.memory_space<hbm>>
            tpu.enqueue_indirect_dma source(%dma_start3A_247 : memref<10032x128xf32, #tpu.memory_space<hbm>>) target(%dma_start3A_244 : memref<16x128xf32, #tpu.memory_space<vmem>>) offsets(%and3A_233 : vector<16xi32>) semaphore(%arg19 : memref<!tpu.dma_semaphore, #tpu.memory_space<semaphore_mem>>)
          } else {
          }
          %sub3A_210 = vector.broadcast %mul3A_2 : i32 to vector<16xi32>
          %sub3A_211 = arith.subi %and3A_189, %sub3A_210 : vector<16xi32>
          %scan3A_212 = arith.constant 0 : i32
          %scan3A_213 = arith.constant 0 : i32
          %scan3A_214 = arith.constant 16 : i32
          %scan3A_215 = arith.addi %scan3A_213, %scan3A_214 : i32
          %scan3A_216 = arith.constant 1 : i32
          %scan3A_217 = scf.for %scan3A_220 = %scan3A_213 to %scan3A_215 step %scan3A_216 iter_args(%scan3A_221 = %scan3A_212) -> (i32)  : i32 {
            %eq3A_222 = vector.broadcast %scan3A_220 : i32 to vector<16xi32>
            %eq3A_223 = arith.cmpi eq, %iota3A, %eq3A_222 : vector<16xi32>
            %jit3A_224 = arith.constant 0 : i32
            %broadcast_in_dim3A_225 = vector.broadcast %jit3A_224 : i32 to vector<16xi32>
            %select_n3A_226 = arith.select %eq3A_223, %sub3A_211, %broadcast_in_dim3A_225 : vector<16xi1>, vector<16xi32>
            %reduce_sum3A = arith.constant true
            %reduce_sum3A_227 = vector.broadcast %reduce_sum3A : i1 to vector<16xi1>
            %reduce_sum3A_228 = tpu.scan <sum>, %select_n3A_226 masked %reduce_sum3A_227 : vector<16xi32>, vector<16xi1> -> vector<16xi32>
            %reduce_sum3A_229 = vector.extract %reduce_sum3A_228[15] : i32 from vector<16xi32>
            %mul3A_230 = arith.constant 128 : i32
            %mul3A_231 = arith.muli %reduce_sum3A_229, %mul3A_230 : i32
            %get3A_232 = arith.constant 0 : i32
            %get3A_233 = arith.constant 0 : i32
            %get3A_234 = tpu.memref_slice %arg15[%rem3A_179, %get3A_232, %get3A_233] : memref<2x16x128xf32, #tpu.memory_space<vmem>> -> memref<1x16x128xf32, #tpu.memory_space<vmem>>
            %get3A_235 = tpu.memref_squeeze %get3A_234 : memref<1x16x128xf32, #tpu.memory_space<vmem>> -> memref<16x128xf32, #tpu.memory_space<vmem>>
            %get3A_236 = arith.constant 0 : i32
            %get3A_237 = tpu.memref_slice %get3A_235[%scan3A_220, %get3A_236] : memref<16x128xf32, #tpu.memory_space<vmem>> -> memref<1x128xf32, #tpu.memory_space<vmem>>
            %get3A_238 = tpu.memref_squeeze %get3A_237 : memref<1x128xf32, #tpu.memory_space<vmem>> -> memref<128xf32, #tpu.memory_space<vmem>>
            %get3A_239 = arith.constant 0 : index
            %get3A_240 = tpu.vector_load %get3A_238[%get3A_239] {strides = array<i32>} : memref<128xf32, #tpu.memory_space<vmem>>, vector<16xf32>,
            %get3A_241 = arith.constant 0 : i32
            %get3A_242 = arith.constant 0 : i32
            %get3A_243 = tpu.memref_slice %arg16[%rem3A_179, %get3A_241, %get3A_242] : memref<2x16x128xf32, #tpu.memory_space<vmem>> -> memref<1x16x128xf32, #tpu.memory_space<vmem>>
            %get3A_244 = tpu.memref_squeeze %get3A_243 : memref<1x16x128xf32, #tpu.memory_space<vmem>> -> memref<16x128xf32, #tpu.memory_space<vmem>>
            %get3A_245 = arith.constant 0 : i32
            %get3A_246 = tpu.memref_slice %get3A_244[%scan3A_220, %get3A_245] : memref<16x128xf32, #tpu.memory_space<vmem>> -> memref<1x128xf32, #tpu.memory_space<vmem>>
            %get3A_247 = tpu.memref_squeeze %get3A_246 : memref<1x128xf32, #tpu.memory_space<vmem>> -> memref<128xf32, #tpu.memory_space<vmem>>
            %get3A_248 = arith.constant 0 : index
            %get3A_249 = tpu.vector_load %get3A_247[%get3A_248] {strides = array<i32>} : memref<128xf32, #tpu.memory_space<vmem>>, vector<16xf32>,
            %add3A_250 = arith.addf %get3A_240, %get3A_249 : vector<16xf32>
            %max3A = arith.constant 0.000000e+00 : f32
            %max3A_251 = vector.broadcast %max3A : f32 to vector<16xf32>
            %max3A_252 = arith.maximumf %add3A_250, %max3A_251 : vector<16xf32>
            %add3A_253 = arith.constant 0 : i32
            %add3A_254 = arith.addi %mul3A_231, %add3A_253 : i32
            %swap3A_255 = arith.index_cast %add3A_254 : i32 to index
            %swap3A_256 = tpu.vector_load %arg9[%swap3A_255] {strides = array<i32>} : memref<40192xf32, #tpu.memory_space<vmem>>, vector<16xf32>,
            tpu.vector_store %arg9[%swap3A_255], %max3A_252 {add = true, strides = array<i32>} : memref<40192xf32, #tpu.memory_space<vmem>>, vector<16xf32>,
            %get3A_257 = arith.index_cast %add3A_254 : i32 to index
            %get3A_258 = tpu.vector_load %arg10[%get3A_257] {strides = array<i32>} : memref<40192xf32, #tpu.memory_space<vmem>>, vector<16xf32>,
            %max3A_259 = arith.maximumf %get3A_258, %max3A_252 : vector<16xf32>
            %swap3A_260 = arith.index_cast %add3A_254 : i32 to index
            %swap3A_261 = tpu.vector_load %arg10[%swap3A_260] {strides = array<i32>} : memref<40192xf32, #tpu.memory_space<vmem>>, vector<16xf32>,
            tpu.vector_store %arg10[%swap3A_260], %max3A_259 {strides = array<i32>} : memref<40192xf32, #tpu.memory_space<vmem>>, vector<16xf32>,
            %get3A_262 = arith.index_cast %add3A_254 : i32 to index
            %get3A_263 = tpu.vector_load %arg11[%get3A_262] {strides = array<i32>} : memref<40192xf32, #tpu.memory_space<vmem>>, vector<16xf32>,
            %min3A = arith.minimumf %get3A_263, %max3A_252 : vector<16xf32>
            %swap3A_264 = arith.index_cast %add3A_254 : i32 to index
            %swap3A_265 = tpu.vector_load %arg11[%swap3A_264] {strides = array<i32>} : memref<40192xf32, #tpu.memory_space<vmem>>, vector<16xf32>,
            tpu.vector_store %arg11[%swap3A_264], %min3A {strides = array<i32>} : memref<40192xf32, #tpu.memory_space<vmem>>, vector<16xf32>,
            %get3A_266 = arith.constant 0 : i32
            %get3A_267 = arith.constant 0 : i32
            %get3A_268 = tpu.memref_slice %arg15[%rem3A_179, %get3A_266, %get3A_267] : memref<2x16x128xf32, #tpu.memory_space<vmem>> -> memref<1x16x128xf32, #tpu.memory_space<vmem>>
            %get3A_269 = tpu.memref_squeeze %get3A_268 : memref<1x16x128xf32, #tpu.memory_space<vmem>> -> memref<16x128xf32, #tpu.memory_space<vmem>>
            %get3A_270 = arith.constant 0 : i32
            %get3A_271 = tpu.memref_slice %get3A_269[%scan3A_220, %get3A_270] : memref<16x128xf32, #tpu.memory_space<vmem>> -> memref<1x128xf32, #tpu.memory_space<vmem>>
            %get3A_272 = tpu.memref_squeeze %get3A_271 : memref<1x128xf32, #tpu.memory_space<vmem>> -> memref<128xf32, #tpu.memory_space<vmem>>
            %get3A_273 = arith.constant 16 : index
            %get3A_274 = tpu.vector_load %get3A_272[%get3A_273] {strides = array<i32>} : memref<128xf32, #tpu.memory_space<vmem>>, vector<16xf32>,
            %get3A_275 = arith.constant 0 : i32
            %get3A_276 = arith.constant 0 : i32
            %get3A_277 = tpu.memref_slice %arg16[%rem3A_179, %get3A_275, %get3A_276] : memref<2x16x128xf32, #tpu.memory_space<vmem>> -> memref<1x16x128xf32, #tpu.memory_space<vmem>>
            %get3A_278 = tpu.memref_squeeze %get3A_277 : memref<1x16x128xf32, #tpu.memory_space<vmem>> -> memref<16x128xf32, #tpu.memory_space<vmem>>
            %get3A_279 = arith.constant 0 : i32
            %get3A_280 = tpu.memref_slice %get3A_278[%scan3A_220, %get3A_279] : memref<16x128xf32, #tpu.memory_space<vmem>> -> memref<1x128xf32, #tpu.memory_space<vmem>>
            %get3A_281 = tpu.memref_squeeze %get3A_280 : memref<1x128xf32, #tpu.memory_space<vmem>> -> memref<128xf32, #tpu.memory_space<vmem>>
            %get3A_282 = arith.constant 16 : index
            %get3A_283 = tpu.vector_load %get3A_281[%get3A_282] {strides = array<i32>} : memref<128xf32, #tpu.memory_space<vmem>>, vector<16xf32>,
            %add3A_284 = arith.addf %get3A_274, %get3A_283 : vector<16xf32>
            %max3A_285 = arith.constant 0.000000e+00 : f32
            %max3A_286 = vector.broadcast %max3A_285 : f32 to vector<16xf32>
            %max3A_287 = arith.maximumf %add3A_284, %max3A_286 : vector<16xf32>
            %add3A_288 = arith.constant 16 : i32
            %add3A_289 = arith.addi %mul3A_231, %add3A_288 : i32
            %swap3A_290 = arith.index_cast %add3A_289 : i32 to index
            %swap3A_291 = tpu.vector_load %arg9[%swap3A_290] {strides = array<i32>} : memref<40192xf32, #tpu.memory_space<vmem>>, vector<16xf32>,
            tpu.vector_store %arg9[%swap3A_290], %max3A_287 {add = true, strides = array<i32>} : memref<40192xf32, #tpu.memory_space<vmem>>, vector<16xf32>,
            %get3A_292 = arith.index_cast %add3A_289 : i32 to index
            %get3A_293 = tpu.vector_load %arg10[%get3A_292] {strides = array<i32>} : memref<40192xf32, #tpu.memory_space<vmem>>, vector<16xf32>,
            %max3A_294 = arith.maximumf %get3A_293, %max3A_287 : vector<16xf32>
            %swap3A_295 = arith.index_cast %add3A_289 : i32 to index
            %swap3A_296 = tpu.vector_load %arg10[%swap3A_295] {strides = array<i32>} : memref<40192xf32, #tpu.memory_space<vmem>>, vector<16xf32>,
            tpu.vector_store %arg10[%swap3A_295], %max3A_294 {strides = array<i32>} : memref<40192xf32, #tpu.memory_space<vmem>>, vector<16xf32>,
            %get3A_297 = arith.index_cast %add3A_289 : i32 to index
            %get3A_298 = tpu.vector_load %arg11[%get3A_297] {strides = array<i32>} : memref<40192xf32, #tpu.memory_space<vmem>>, vector<16xf32>,
            %min3A_299 = arith.minimumf %get3A_298, %max3A_287 : vector<16xf32>
            %swap3A_300 = arith.index_cast %add3A_289 : i32 to index
            %swap3A_301 = tpu.vector_load %arg11[%swap3A_300] {strides = array<i32>} : memref<40192xf32, #tpu.memory_space<vmem>>, vector<16xf32>,
            tpu.vector_store %arg11[%swap3A_300], %min3A_299 {strides = array<i32>} : memref<40192xf32, #tpu.memory_space<vmem>>, vector<16xf32>,
            %get3A_302 = arith.constant 0 : i32
            %get3A_303 = arith.constant 0 : i32
            %get3A_304 = tpu.memref_slice %arg15[%rem3A_179, %get3A_302, %get3A_303] : memref<2x16x128xf32, #tpu.memory_space<vmem>> -> memref<1x16x128xf32, #tpu.memory_space<vmem>>
            %get3A_305 = tpu.memref_squeeze %get3A_304 : memref<1x16x128xf32, #tpu.memory_space<vmem>> -> memref<16x128xf32, #tpu.memory_space<vmem>>
            %get3A_306 = arith.constant 0 : i32
            %get3A_307 = tpu.memref_slice %get3A_305[%scan3A_220, %get3A_306] : memref<16x128xf32, #tpu.memory_space<vmem>> -> memref<1x128xf32, #tpu.memory_space<vmem>>
            %get3A_308 = tpu.memref_squeeze %get3A_307 : memref<1x128xf32, #tpu.memory_space<vmem>> -> memref<128xf32, #tpu.memory_space<vmem>>
            %get3A_309 = arith.constant 32 : index
            %get3A_310 = tpu.vector_load %get3A_308[%get3A_309] {strides = array<i32>} : memref<128xf32, #tpu.memory_space<vmem>>, vector<16xf32>,
            %get3A_311 = arith.constant 0 : i32
            %get3A_312 = arith.constant 0 : i32
            %get3A_313 = tpu.memref_slice %arg16[%rem3A_179, %get3A_311, %get3A_312] : memref<2x16x128xf32, #tpu.memory_space<vmem>> -> memref<1x16x128xf32, #tpu.memory_space<vmem>>
            %get3A_314 = tpu.memref_squeeze %get3A_313 : memref<1x16x128xf32, #tpu.memory_space<vmem>> -> memref<16x128xf32, #tpu.memory_space<vmem>>
            %get3A_315 = arith.constant 0 : i32
            %get3A_316 = tpu.memref_slice %get3A_314[%scan3A_220, %get3A_315] : memref<16x128xf32, #tpu.memory_space<vmem>> -> memref<1x128xf32, #tpu.memory_space<vmem>>
            %get3A_317 = tpu.memref_squeeze %get3A_316 : memref<1x128xf32, #tpu.memory_space<vmem>> -> memref<128xf32, #tpu.memory_space<vmem>>
            %get3A_318 = arith.constant 32 : index
            %get3A_319 = tpu.vector_load %get3A_317[%get3A_318] {strides = array<i32>} : memref<128xf32, #tpu.memory_space<vmem>>, vector<16xf32>,
            %add3A_320 = arith.addf %get3A_310, %get3A_319 : vector<16xf32>
            %max3A_321 = arith.constant 0.000000e+00 : f32
            %max3A_322 = vector.broadcast %max3A_321 : f32 to vector<16xf32>
            %max3A_323 = arith.maximumf %add3A_320, %max3A_322 : vector<16xf32>
            %add3A_324 = arith.constant 32 : i32
            %add3A_325 = arith.addi %mul3A_231, %add3A_324 : i32
            %swap3A_326 = arith.index_cast %add3A_325 : i32 to index
            %swap3A_327 = tpu.vector_load %arg9[%swap3A_326] {strides = array<i32>} : memref<40192xf32, #tpu.memory_space<vmem>>, vector<16xf32>,
            tpu.vector_store %arg9[%swap3A_326], %max3A_323 {add = true, strides = array<i32>} : memref<40192xf32, #tpu.memory_space<vmem>>, vector<16xf32>,
            %get3A_328 = arith.index_cast %add3A_325 : i32 to index
            %get3A_329 = tpu.vector_load %arg10[%get3A_328] {strides = array<i32>} : memref<40192xf32, #tpu.memory_space<vmem>>, vector<16xf32>,
            %max3A_330 = arith.maximumf %get3A_329, %max3A_323 : vector<16xf32>
            %swap3A_331 = arith.index_cast %add3A_325 : i32 to index
            %swap3A_332 = tpu.vector_load %arg10[%swap3A_331] {strides = array<i32>} : memref<40192xf32, #tpu.memory_space<vmem>>, vector<16xf32>,
            tpu.vector_store %arg10[%swap3A_331], %max3A_330 {strides = array<i32>} : memref<40192xf32, #tpu.memory_space<vmem>>, vector<16xf32>,
            %get3A_333 = arith.index_cast %add3A_325 : i32 to index
            %get3A_334 = tpu.vector_load %arg11[%get3A_333] {strides = array<i32>} : memref<40192xf32, #tpu.memory_space<vmem>>, vector<16xf32>,
            %min3A_335 = arith.minimumf %get3A_334, %max3A_323 : vector<16xf32>
            %swap3A_336 = arith.index_cast %add3A_325 : i32 to index
            %swap3A_337 = tpu.vector_load %arg11[%swap3A_336] {strides = array<i32>} : memref<40192xf32, #tpu.memory_space<vmem>>, vector<16xf32>,
            tpu.vector_store %arg11[%swap3A_336], %min3A_335 {strides = array<i32>} : memref<40192xf32, #tpu.memory_space<vmem>>, vector<16xf32>,
            %get3A_338 = arith.constant 0 : i32
            %get3A_339 = arith.constant 0 : i32
            %get3A_340 = tpu.memref_slice %arg15[%rem3A_179, %get3A_338, %get3A_339] : memref<2x16x128xf32, #tpu.memory_space<vmem>> -> memref<1x16x128xf32, #tpu.memory_space<vmem>>
            %get3A_341 = tpu.memref_squeeze %get3A_340 : memref<1x16x128xf32, #tpu.memory_space<vmem>> -> memref<16x128xf32, #tpu.memory_space<vmem>>
            %get3A_342 = arith.constant 0 : i32
            %get3A_343 = tpu.memref_slice %get3A_341[%scan3A_220, %get3A_342] : memref<16x128xf32, #tpu.memory_space<vmem>> -> memref<1x128xf32, #tpu.memory_space<vmem>>
            %get3A_344 = tpu.memref_squeeze %get3A_343 : memref<1x128xf32, #tpu.memory_space<vmem>> -> memref<128xf32, #tpu.memory_space<vmem>>
            %get3A_345 = arith.constant 48 : index
            %get3A_346 = tpu.vector_load %get3A_344[%get3A_345] {strides = array<i32>} : memref<128xf32, #tpu.memory_space<vmem>>, vector<16xf32>,
            %get3A_347 = arith.constant 0 : i32
            %get3A_348 = arith.constant 0 : i32
            %get3A_349 = tpu.memref_slice %arg16[%rem3A_179, %get3A_347, %get3A_348] : memref<2x16x128xf32, #tpu.memory_space<vmem>> -> memref<1x16x128xf32, #tpu.memory_space<vmem>>
            %get3A_350 = tpu.memref_squeeze %get3A_349 : memref<1x16x128xf32, #tpu.memory_space<vmem>> -> memref<16x128xf32, #tpu.memory_space<vmem>>
            %get3A_351 = arith.constant 0 : i32
            %get3A_352 = tpu.memref_slice %get3A_350[%scan3A_220, %get3A_351] : memref<16x128xf32, #tpu.memory_space<vmem>> -> memref<1x128xf32, #tpu.memory_space<vmem>>
            %get3A_353 = tpu.memref_squeeze %get3A_352 : memref<1x128xf32, #tpu.memory_space<vmem>> -> memref<128xf32, #tpu.memory_space<vmem>>
            %get3A_354 = arith.constant 48 : index
            %get3A_355 = tpu.vector_load %get3A_353[%get3A_354] {strides = array<i32>} : memref<128xf32, #tpu.memory_space<vmem>>, vector<16xf32>,
            %add3A_356 = arith.addf %get3A_346, %get3A_355 : vector<16xf32>
            %max3A_357 = arith.constant 0.000000e+00 : f32
            %max3A_358 = vector.broadcast %max3A_357 : f32 to vector<16xf32>
            %max3A_359 = arith.maximumf %add3A_356, %max3A_358 : vector<16xf32>
            %add3A_360 = arith.constant 48 : i32
            %add3A_361 = arith.addi %mul3A_231, %add3A_360 : i32
            %swap3A_362 = arith.index_cast %add3A_361 : i32 to index
            %swap3A_363 = tpu.vector_load %arg9[%swap3A_362] {strides = array<i32>} : memref<40192xf32, #tpu.memory_space<vmem>>, vector<16xf32>,
            tpu.vector_store %arg9[%swap3A_362], %max3A_359 {add = true, strides = array<i32>} : memref<40192xf32, #tpu.memory_space<vmem>>, vector<16xf32>,
            %get3A_364 = arith.index_cast %add3A_361 : i32 to index
            %get3A_365 = tpu.vector_load %arg10[%get3A_364] {strides = array<i32>} : memref<40192xf32, #tpu.memory_space<vmem>>, vector<16xf32>,
            %max3A_366 = arith.maximumf %get3A_365, %max3A_359 : vector<16xf32>
            %swap3A_367 = arith.index_cast %add3A_361 : i32 to index
            %swap3A_368 = tpu.vector_load %arg10[%swap3A_367] {strides = array<i32>} : memref<40192xf32, #tpu.memory_space<vmem>>, vector<16xf32>,
            tpu.vector_store %arg10[%swap3A_367], %max3A_366 {strides = array<i32>} : memref<40192xf32, #tpu.memory_space<vmem>>, vector<16xf32>,
            %get3A_369 = arith.index_cast %add3A_361 : i32 to index
            %get3A_370 = tpu.vector_load %arg11[%get3A_369] {strides = array<i32>} : memref<40192xf32, #tpu.memory_space<vmem>>, vector<16xf32>,
            %min3A_371 = arith.minimumf %get3A_370, %max3A_359 : vector<16xf32>
            %swap3A_372 = arith.index_cast %add3A_361 : i32 to index
            %swap3A_373 = tpu.vector_load %arg11[%swap3A_372] {strides = array<i32>} : memref<40192xf32, #tpu.memory_space<vmem>>, vector<16xf32>,
            tpu.vector_store %arg11[%swap3A_372], %min3A_371 {strides = array<i32>} : memref<40192xf32, #tpu.memory_space<vmem>>, vector<16xf32>,
            %get3A_374 = arith.constant 0 : i32
            %get3A_375 = arith.constant 0 : i32
            %get3A_376 = tpu.memref_slice %arg15[%rem3A_179, %get3A_374, %get3A_375] : memref<2x16x128xf32, #tpu.memory_space<vmem>> -> memref<1x16x128xf32, #tpu.memory_space<vmem>>
            %get3A_377 = tpu.memref_squeeze %get3A_376 : memref<1x16x128xf32, #tpu.memory_space<vmem>> -> memref<16x128xf32, #tpu.memory_space<vmem>>
            %get3A_378 = arith.constant 0 : i32
            %get3A_379 = tpu.memref_slice %get3A_377[%scan3A_220, %get3A_378] : memref<16x128xf32, #tpu.memory_space<vmem>> -> memref<1x128xf32, #tpu.memory_space<vmem>>
            %get3A_380 = tpu.memref_squeeze %get3A_379 : memref<1x128xf32, #tpu.memory_space<vmem>> -> memref<128xf32, #tpu.memory_space<vmem>>
            %get3A_381 = arith.constant 64 : index
            %get3A_382 = tpu.vector_load %get3A_380[%get3A_381] {strides = array<i32>} : memref<128xf32, #tpu.memory_space<vmem>>, vector<16xf32>,
            %get3A_383 = arith.constant 0 : i32
            %get3A_384 = arith.constant 0 : i32
            %get3A_385 = tpu.memref_slice %arg16[%rem3A_179, %get3A_383, %get3A_384] : memref<2x16x128xf32, #tpu.memory_space<vmem>> -> memref<1x16x128xf32, #tpu.memory_space<vmem>>
            %get3A_386 = tpu.memref_squeeze %get3A_385 : memref<1x16x128xf32, #tpu.memory_space<vmem>> -> memref<16x128xf32, #tpu.memory_space<vmem>>
            %get3A_387 = arith.constant 0 : i32
            %get3A_388 = tpu.memref_slice %get3A_386[%scan3A_220, %get3A_387] : memref<16x128xf32, #tpu.memory_space<vmem>> -> memref<1x128xf32, #tpu.memory_space<vmem>>
            %get3A_389 = tpu.memref_squeeze %get3A_388 : memref<1x128xf32, #tpu.memory_space<vmem>> -> memref<128xf32, #tpu.memory_space<vmem>>
            %get3A_390 = arith.constant 64 : index
            %get3A_391 = tpu.vector_load %get3A_389[%get3A_390] {strides = array<i32>} : memref<128xf32, #tpu.memory_space<vmem>>, vector<16xf32>,
            %add3A_392 = arith.addf %get3A_382, %get3A_391 : vector<16xf32>
            %max3A_393 = arith.constant 0.000000e+00 : f32
            %max3A_394 = vector.broadcast %max3A_393 : f32 to vector<16xf32>
            %max3A_395 = arith.maximumf %add3A_392, %max3A_394 : vector<16xf32>
            %add3A_396 = arith.constant 64 : i32
            %add3A_397 = arith.addi %mul3A_231, %add3A_396 : i32
            %swap3A_398 = arith.index_cast %add3A_397 : i32 to index
            %swap3A_399 = tpu.vector_load %arg9[%swap3A_398] {strides = array<i32>} : memref<40192xf32, #tpu.memory_space<vmem>>, vector<16xf32>,
            tpu.vector_store %arg9[%swap3A_398], %max3A_395 {add = true, strides = array<i32>} : memref<40192xf32, #tpu.memory_space<vmem>>, vector<16xf32>,
            %get3A_400 = arith.index_cast %add3A_397 : i32 to index
            %get3A_401 = tpu.vector_load %arg10[%get3A_400] {strides = array<i32>} : memref<40192xf32, #tpu.memory_space<vmem>>, vector<16xf32>,
            %max3A_402 = arith.maximumf %get3A_401, %max3A_395 : vector<16xf32>
            %swap3A_403 = arith.index_cast %add3A_397 : i32 to index
            %swap3A_404 = tpu.vector_load %arg10[%swap3A_403] {strides = array<i32>} : memref<40192xf32, #tpu.memory_space<vmem>>, vector<16xf32>,
            tpu.vector_store %arg10[%swap3A_403], %max3A_402 {strides = array<i32>} : memref<40192xf32, #tpu.memory_space<vmem>>, vector<16xf32>,
            %get3A_405 = arith.index_cast %add3A_397 : i32 to index
            %get3A_406 = tpu.vector_load %arg11[%get3A_405] {strides = array<i32>} : memref<40192xf32, #tpu.memory_space<vmem>>, vector<16xf32>,
            %min3A_407 = arith.minimumf %get3A_406, %max3A_395 : vector<16xf32>
            %swap3A_408 = arith.index_cast %add3A_397 : i32 to index
            %swap3A_409 = tpu.vector_load %arg11[%swap3A_408] {strides = array<i32>} : memref<40192xf32, #tpu.memory_space<vmem>>, vector<16xf32>,
            tpu.vector_store %arg11[%swap3A_408], %min3A_407 {strides = array<i32>} : memref<40192xf32, #tpu.memory_space<vmem>>, vector<16xf32>,
            %get3A_410 = arith.constant 0 : i32
            %get3A_411 = arith.constant 0 : i32
            %get3A_412 = tpu.memref_slice %arg15[%rem3A_179, %get3A_410, %get3A_411] : memref<2x16x128xf32, #tpu.memory_space<vmem>> -> memref<1x16x128xf32, #tpu.memory_space<vmem>>
            %get3A_413 = tpu.memref_squeeze %get3A_412 : memref<1x16x128xf32, #tpu.memory_space<vmem>> -> memref<16x128xf32, #tpu.memory_space<vmem>>
            %get3A_414 = arith.constant 0 : i32
            %get3A_415 = tpu.memref_slice %get3A_413[%scan3A_220, %get3A_414] : memref<16x128xf32, #tpu.memory_space<vmem>> -> memref<1x128xf32, #tpu.memory_space<vmem>>
            %get3A_416 = tpu.memref_squeeze %get3A_415 : memref<1x128xf32, #tpu.memory_space<vmem>> -> memref<128xf32, #tpu.memory_space<vmem>>
            %get3A_417 = arith.constant 80 : index
            %get3A_418 = tpu.vector_load %get3A_416[%get3A_417] {strides = array<i32>} : memref<128xf32, #tpu.memory_space<vmem>>, vector<16xf32>,
            %get3A_419 = arith.constant 0 : i32
            %get3A_420 = arith.constant 0 : i32
            %get3A_421 = tpu.memref_slice %arg16[%rem3A_179, %get3A_419, %get3A_420] : memref<2x16x128xf32, #tpu.memory_space<vmem>> -> memref<1x16x128xf32, #tpu.memory_space<vmem>>
            %get3A_422 = tpu.memref_squeeze %get3A_421 : memref<1x16x128xf32, #tpu.memory_space<vmem>> -> memref<16x128xf32, #tpu.memory_space<vmem>>
            %get3A_423 = arith.constant 0 : i32
            %get3A_424 = tpu.memref_slice %get3A_422[%scan3A_220, %get3A_423] : memref<16x128xf32, #tpu.memory_space<vmem>> -> memref<1x128xf32, #tpu.memory_space<vmem>>
            %get3A_425 = tpu.memref_squeeze %get3A_424 : memref<1x128xf32, #tpu.memory_space<vmem>> -> memref<128xf32, #tpu.memory_space<vmem>>
            %get3A_426 = arith.constant 80 : index
            %get3A_427 = tpu.vector_load %get3A_425[%get3A_426] {strides = array<i32>} : memref<128xf32, #tpu.memory_space<vmem>>, vector<16xf32>,
            %add3A_428 = arith.addf %get3A_418, %get3A_427 : vector<16xf32>
            %max3A_429 = arith.constant 0.000000e+00 : f32
            %max3A_430 = vector.broadcast %max3A_429 : f32 to vector<16xf32>
            %max3A_431 = arith.maximumf %add3A_428, %max3A_430 : vector<16xf32>
            %add3A_432 = arith.constant 80 : i32
            %add3A_433 = arith.addi %mul3A_231, %add3A_432 : i32
            %swap3A_434 = arith.index_cast %add3A_433 : i32 to index
            %swap3A_435 = tpu.vector_load %arg9[%swap3A_434] {strides = array<i32>} : memref<40192xf32, #tpu.memory_space<vmem>>, vector<16xf32>,
            tpu.vector_store %arg9[%swap3A_434], %max3A_431 {add = true, strides = array<i32>} : memref<40192xf32, #tpu.memory_space<vmem>>, vector<16xf32>,
            %get3A_436 = arith.index_cast %add3A_433 : i32 to index
            %get3A_437 = tpu.vector_load %arg10[%get3A_436] {strides = array<i32>} : memref<40192xf32, #tpu.memory_space<vmem>>, vector<16xf32>,
            %max3A_438 = arith.maximumf %get3A_437, %max3A_431 : vector<16xf32>
            %swap3A_439 = arith.index_cast %add3A_433 : i32 to index
            %swap3A_440 = tpu.vector_load %arg10[%swap3A_439] {strides = array<i32>} : memref<40192xf32, #tpu.memory_space<vmem>>, vector<16xf32>,
            tpu.vector_store %arg10[%swap3A_439], %max3A_438 {strides = array<i32>} : memref<40192xf32, #tpu.memory_space<vmem>>, vector<16xf32>,
            %get3A_441 = arith.index_cast %add3A_433 : i32 to index
            %get3A_442 = tpu.vector_load %arg11[%get3A_441] {strides = array<i32>} : memref<40192xf32, #tpu.memory_space<vmem>>, vector<16xf32>,
            %min3A_443 = arith.minimumf %get3A_442, %max3A_431 : vector<16xf32>
            %swap3A_444 = arith.index_cast %add3A_433 : i32 to index
            %swap3A_445 = tpu.vector_load %arg11[%swap3A_444] {strides = array<i32>} : memref<40192xf32, #tpu.memory_space<vmem>>, vector<16xf32>,
            tpu.vector_store %arg11[%swap3A_444], %min3A_443 {strides = array<i32>} : memref<40192xf32, #tpu.memory_space<vmem>>, vector<16xf32>,
            %get3A_446 = arith.constant 0 : i32
            %get3A_447 = arith.constant 0 : i32
            %get3A_448 = tpu.memref_slice %arg15[%rem3A_179, %get3A_446, %get3A_447] : memref<2x16x128xf32, #tpu.memory_space<vmem>> -> memref<1x16x128xf32, #tpu.memory_space<vmem>>
            %get3A_449 = tpu.memref_squeeze %get3A_448 : memref<1x16x128xf32, #tpu.memory_space<vmem>> -> memref<16x128xf32, #tpu.memory_space<vmem>>
            %get3A_450 = arith.constant 0 : i32
            %get3A_451 = tpu.memref_slice %get3A_449[%scan3A_220, %get3A_450] : memref<16x128xf32, #tpu.memory_space<vmem>> -> memref<1x128xf32, #tpu.memory_space<vmem>>
            %get3A_452 = tpu.memref_squeeze %get3A_451 : memref<1x128xf32, #tpu.memory_space<vmem>> -> memref<128xf32, #tpu.memory_space<vmem>>
            %get3A_453 = arith.constant 96 : index
            %get3A_454 = tpu.vector_load %get3A_452[%get3A_453] {strides = array<i32>} : memref<128xf32, #tpu.memory_space<vmem>>, vector<16xf32>,
            %get3A_455 = arith.constant 0 : i32
            %get3A_456 = arith.constant 0 : i32
            %get3A_457 = tpu.memref_slice %arg16[%rem3A_179, %get3A_455, %get3A_456] : memref<2x16x128xf32, #tpu.memory_space<vmem>> -> memref<1x16x128xf32, #tpu.memory_space<vmem>>
            %get3A_458 = tpu.memref_squeeze %get3A_457 : memref<1x16x128xf32, #tpu.memory_space<vmem>> -> memref<16x128xf32, #tpu.memory_space<vmem>>
            %get3A_459 = arith.constant 0 : i32
            %get3A_460 = tpu.memref_slice %get3A_458[%scan3A_220, %get3A_459] : memref<16x128xf32, #tpu.memory_space<vmem>> -> memref<1x128xf32, #tpu.memory_space<vmem>>
            %get3A_461 = tpu.memref_squeeze %get3A_460 : memref<1x128xf32, #tpu.memory_space<vmem>> -> memref<128xf32, #tpu.memory_space<vmem>>
            %get3A_462 = arith.constant 96 : index
            %get3A_463 = tpu.vector_load %get3A_461[%get3A_462] {strides = array<i32>} : memref<128xf32, #tpu.memory_space<vmem>>, vector<16xf32>,
            %add3A_464 = arith.addf %get3A_454, %get3A_463 : vector<16xf32>
            %max3A_465 = arith.constant 0.000000e+00 : f32
            %max3A_466 = vector.broadcast %max3A_465 : f32 to vector<16xf32>
            %max3A_467 = arith.maximumf %add3A_464, %max3A_466 : vector<16xf32>
            %add3A_468 = arith.constant 96 : i32
            %add3A_469 = arith.addi %mul3A_231, %add3A_468 : i32
            %swap3A_470 = arith.index_cast %add3A_469 : i32 to index
            %swap3A_471 = tpu.vector_load %arg9[%swap3A_470] {strides = array<i32>} : memref<40192xf32, #tpu.memory_space<vmem>>, vector<16xf32>,
            tpu.vector_store %arg9[%swap3A_470], %max3A_467 {add = true, strides = array<i32>} : memref<40192xf32, #tpu.memory_space<vmem>>, vector<16xf32>,
            %get3A_472 = arith.index_cast %add3A_469 : i32 to index
            %get3A_473 = tpu.vector_load %arg10[%get3A_472] {strides = array<i32>} : memref<40192xf32, #tpu.memory_space<vmem>>, vector<16xf32>,
            %max3A_474 = arith.maximumf %get3A_473, %max3A_467 : vector<16xf32>
            %swap3A_475 = arith.index_cast %add3A_469 : i32 to index
            %swap3A_476 = tpu.vector_load %arg10[%swap3A_475] {strides = array<i32>} : memref<40192xf32, #tpu.memory_space<vmem>>, vector<16xf32>,
            tpu.vector_store %arg10[%swap3A_475], %max3A_474 {strides = array<i32>} : memref<40192xf32, #tpu.memory_space<vmem>>, vector<16xf32>,
            %get3A_477 = arith.index_cast %add3A_469 : i32 to index
            %get3A_478 = tpu.vector_load %arg11[%get3A_477] {strides = array<i32>} : memref<40192xf32, #tpu.memory_space<vmem>>, vector<16xf32>,
            %min3A_479 = arith.minimumf %get3A_478, %max3A_467 : vector<16xf32>
            %swap3A_480 = arith.index_cast %add3A_469 : i32 to index
            %swap3A_481 = tpu.vector_load %arg11[%swap3A_480] {strides = array<i32>} : memref<40192xf32, #tpu.memory_space<vmem>>, vector<16xf32>,
            tpu.vector_store %arg11[%swap3A_480], %min3A_479 {strides = array<i32>} : memref<40192xf32, #tpu.memory_space<vmem>>, vector<16xf32>,
            %get3A_482 = arith.constant 0 : i32
            %get3A_483 = arith.constant 0 : i32
            %get3A_484 = tpu.memref_slice %arg15[%rem3A_179, %get3A_482, %get3A_483] : memref<2x16x128xf32, #tpu.memory_space<vmem>> -> memref<1x16x128xf32, #tpu.memory_space<vmem>>
            %get3A_485 = tpu.memref_squeeze %get3A_484 : memref<1x16x128xf32, #tpu.memory_space<vmem>> -> memref<16x128xf32, #tpu.memory_space<vmem>>
            %get3A_486 = arith.constant 0 : i32
            %get3A_487 = tpu.memref_slice %get3A_485[%scan3A_220, %get3A_486] : memref<16x128xf32, #tpu.memory_space<vmem>> -> memref<1x128xf32, #tpu.memory_space<vmem>>
            %get3A_488 = tpu.memref_squeeze %get3A_487 : memref<1x128xf32, #tpu.memory_space<vmem>> -> memref<128xf32, #tpu.memory_space<vmem>>
            %get3A_489 = arith.constant 112 : index
            %get3A_490 = tpu.vector_load %get3A_488[%get3A_489] {strides = array<i32>} : memref<128xf32, #tpu.memory_space<vmem>>, vector<16xf32>,
            %get3A_491 = arith.constant 0 : i32
            %get3A_492 = arith.constant 0 : i32
            %get3A_493 = tpu.memref_slice %arg16[%rem3A_179, %get3A_491, %get3A_492] : memref<2x16x128xf32, #tpu.memory_space<vmem>> -> memref<1x16x128xf32, #tpu.memory_space<vmem>>
            %get3A_494 = tpu.memref_squeeze %get3A_493 : memref<1x16x128xf32, #tpu.memory_space<vmem>> -> memref<16x128xf32, #tpu.memory_space<vmem>>
            %get3A_495 = arith.constant 0 : i32
            %get3A_496 = tpu.memref_slice %get3A_494[%scan3A_220, %get3A_495] : memref<16x128xf32, #tpu.memory_space<vmem>> -> memref<1x128xf32, #tpu.memory_space<vmem>>
            %get3A_497 = tpu.memref_squeeze %get3A_496 : memref<1x128xf32, #tpu.memory_space<vmem>> -> memref<128xf32, #tpu.memory_space<vmem>>
            %get3A_498 = arith.constant 112 : index
            %get3A_499 = tpu.vector_load %get3A_497[%get3A_498] {strides = array<i32>} : memref<128xf32, #tpu.memory_space<vmem>>, vector<16xf32>,
            %add3A_500 = arith.addf %get3A_490, %get3A_499 : vector<16xf32>
            %max3A_501 = arith.constant 0.000000e+00 : f32
            %max3A_502 = vector.broadcast %max3A_501 : f32 to vector<16xf32>
            %max3A_503 = arith.maximumf %add3A_500, %max3A_502 : vector<16xf32>
            %add3A_504 = arith.constant 112 : i32
            %add3A_505 = arith.addi %mul3A_231, %add3A_504 : i32
            %swap3A_506 = arith.index_cast %add3A_505 : i32 to index
            %swap3A_507 = tpu.vector_load %arg9[%swap3A_506] {strides = array<i32>} : memref<40192xf32, #tpu.memory_space<vmem>>, vector<16xf32>,
            tpu.vector_store %arg9[%swap3A_506], %max3A_503 {add = true, strides = array<i32>} : memref<40192xf32, #tpu.memory_space<vmem>>, vector<16xf32>,
            %get3A_508 = arith.index_cast %add3A_505 : i32 to index
            %get3A_509 = tpu.vector_load %arg10[%get3A_508] {strides = array<i32>} : memref<40192xf32, #tpu.memory_space<vmem>>, vector<16xf32>,
            %max3A_510 = arith.maximumf %get3A_509, %max3A_503 : vector<16xf32>
            %swap3A_511 = arith.index_cast %add3A_505 : i32 to index
            %swap3A_512 = tpu.vector_load %arg10[%swap3A_511] {strides = array<i32>} : memref<40192xf32, #tpu.memory_space<vmem>>, vector<16xf32>,
            tpu.vector_store %arg10[%swap3A_511], %max3A_510 {strides = array<i32>} : memref<40192xf32, #tpu.memory_space<vmem>>, vector<16xf32>,
            %get3A_513 = arith.index_cast %add3A_505 : i32 to index
            %get3A_514 = tpu.vector_load %arg11[%get3A_513] {strides = array<i32>} : memref<40192xf32, #tpu.memory_space<vmem>>, vector<16xf32>,
            %min3A_515 = arith.minimumf %get3A_514, %max3A_503 : vector<16xf32>
            %swap3A_516 = arith.index_cast %add3A_505 : i32 to index
            %swap3A_517 = tpu.vector_load %arg11[%swap3A_516] {strides = array<i32>} : memref<40192xf32, #tpu.memory_space<vmem>>, vector<16xf32>,
            tpu.vector_store %arg11[%swap3A_516], %min3A_515 {strides = array<i32>} : memref<40192xf32, #tpu.memory_space<vmem>>, vector<16xf32>,
            %swap3A_518 = arith.index_cast %reduce_sum3A_229 : i32 to index
            %swap3A_519 = tpu.vector_load %arg12[%swap3A_518] {strides = array<i32>} : memref<336xf32, #tpu.memory_space<vmem>>, vector<16xf32>,
            tpu.vector_store %arg12[%swap3A_518], %select_n3A {add = true, strides = array<i32>} : memref<336xf32, #tpu.memory_space<vmem>>, vector<16xf32>,
            %scan3A_520 = arith.constant 0 : i32
            scf.yield %scan3A_520 : i32
          }
          %scan3A_218 = arith.constant 16 : i32
          %while3A_219 = arith.constant 0 : i32
          scf.yield %while3A_219 : i32
        }
        %while3A_173 = arith.constant 1 : i32
        %while3A_174 = scf.for %while3A_176 = %while3A_170 to %while3A_166 step %while3A_173 iter_args(%while3A_177 = %while3A_172) -> (i32)  : i32 {
          %rem3A_178 = arith.constant 2 : i32
          %rem3A_179 = arith.remsi %while3A_176, %rem3A_178 : i32
          %mul3A_180 = arith.constant 16 : i32
          %mul3A_181 = arith.muli %while3A_176, %mul3A_180 : i32
          %get3A_182 = arith.index_cast %mul3A_181 : i32 to index
          %get3A_183 = tpu.vector_load %arg14[%get3A_182] {strides = array<i32>} : memref<768xi32, #tpu.memory_space<vmem>>, vector<16xi32>,
          %shift_right_logical3A_184 = arith.constant 14 : i32
          %shift_right_logical3A_185 = vector.broadcast %shift_right_logical3A_184 : i32 to vector<16xi32>
          %shift_right_logical3A_186 = arith.shrui %get3A_183, %shift_right_logical3A_185 : vector<16xi32>
          %and3A_187 = arith.constant 16383 : i32
          %and3A_188 = vector.broadcast %and3A_187 : i32 to vector<16xi32>
          %and3A_189 = arith.andi %get3A_183, %and3A_188 : vector<16xi32>
          %dma_wait3A_190 = arith.constant 0 : i32
          %dma_wait3A_191 = arith.constant 0 : i32
          %dma_wait3A_192 = tpu.memref_slice %arg15[%rem3A_179, %dma_wait3A_190, %dma_wait3A_191] : memref<2x16x128xf32, #tpu.memory_space<vmem>> -> memref<1x16x128xf32, #tpu.memory_space<vmem>>
          %dma_wait3A_193 = tpu.memref_squeeze %dma_wait3A_192 : memref<1x16x128xf32, #tpu.memory_space<vmem>> -> memref<16x128xf32, #tpu.memory_space<vmem>>
          %dma_wait3A_194 = arith.constant 0 : i32
          %dma_wait3A_195 = arith.constant 0 : i32
          %dma_wait3A_196 = tpu.memref_slice %arg2[%dma_wait3A_194, %dma_wait3A_195] : memref<10000x128xf32, #tpu.memory_space<hbm>> -> memref<10000x128xf32, #tpu.memory_space<hbm>>
          tpu.wait_indirect_dma semaphore(%arg18 : memref<!tpu.dma_semaphore, #tpu.memory_space<semaphore_mem>>) src(%dma_wait3A_196 : memref<10000x128xf32, #tpu.memory_space<hbm>>) dst(%dma_wait3A_193 : memref<16x128xf32, #tpu.memory_space<vmem>>)
          %dma_wait3A_197 = arith.constant 0 : i32
          %dma_wait3A_198 = arith.constant 0 : i32
          %dma_wait3A_199 = tpu.memref_slice %arg16[%rem3A_179, %dma_wait3A_197, %dma_wait3A_198] : memref<2x16x128xf32, #tpu.memory_space<vmem>> -> memref<1x16x128xf32, #tpu.memory_space<vmem>>
          %dma_wait3A_200 = tpu.memref_squeeze %dma_wait3A_199 : memref<1x16x128xf32, #tpu.memory_space<vmem>> -> memref<16x128xf32, #tpu.memory_space<vmem>>
          %dma_wait3A_201 = arith.constant 0 : i32
          %dma_wait3A_202 = arith.constant 0 : i32
          %dma_wait3A_203 = tpu.memref_slice %arg3[%dma_wait3A_201, %dma_wait3A_202] : memref<10032x128xf32, #tpu.memory_space<hbm>> -> memref<10032x128xf32, #tpu.memory_space<hbm>>
          tpu.wait_indirect_dma semaphore(%arg19 : memref<!tpu.dma_semaphore, #tpu.memory_space<semaphore_mem>>) src(%dma_wait3A_203 : memref<10032x128xf32, #tpu.memory_space<hbm>>) dst(%dma_wait3A_200 : memref<16x128xf32, #tpu.memory_space<vmem>>)
          %add3A_204 = arith.constant 1 : i32
          %add3A_205 = arith.addi %while3A_176, %add3A_204 : i32
          %lt3A_206 = arith.cmpi slt, %add3A_205, %select_n3A_140 : i32
          %convert_element_type3A_207 = arith.extui %lt3A_206 : i1 to i32
          %cond3A_208 = arith.constant 0 : i32
          %cond3A_209 = arith.cmpi ne, %convert_element_type3A_207, %cond3A_208 : i32
          scf.if %cond3A_209 {
            %add3A_220 = arith.constant 1 : i32
            %add3A_221 = arith.addi %while3A_176, %add3A_220 : i32
            %rem3A_222 = arith.constant 2 : i32
            %rem3A_223 = arith.remsi %add3A_221, %rem3A_222 : i32
            %mul3A_224 = arith.constant 16 : i32
            %mul3A_225 = arith.muli %add3A_221, %mul3A_224 : i32
            %get3A_226 = arith.index_cast %mul3A_225 : i32 to index
            %get3A_227 = tpu.vector_load %arg14[%get3A_226] {strides = array<i32>} : memref<768xi32, #tpu.memory_space<vmem>>, vector<16xi32>,
            %shift_right_logical3A_228 = arith.constant 14 : i32
            %shift_right_logical3A_229 = vector.broadcast %shift_right_logical3A_228 : i32 to vector<16xi32>
            %shift_right_logical3A_230 = arith.shrui %get3A_227, %shift_right_logical3A_229 : vector<16xi32>
            %and3A_231 = arith.constant 16383 : i32
            %and3A_232 = vector.broadcast %and3A_231 : i32 to vector<16xi32>
            %and3A_233 = arith.andi %get3A_227, %and3A_232 : vector<16xi32>
            %dma_start3A_234 = arith.constant 0 : i32
            %dma_start3A_235 = arith.constant 0 : i32
            %dma_start3A_236 = tpu.memref_slice %arg15[%rem3A_223, %dma_start3A_234, %dma_start3A_235] : memref<2x16x128xf32, #tpu.memory_space<vmem>> -> memref<1x16x128xf32, #tpu.memory_space<vmem>>
            %dma_start3A_237 = tpu.memref_squeeze %dma_start3A_236 : memref<1x16x128xf32, #tpu.memory_space<vmem>> -> memref<16x128xf32, #tpu.memory_space<vmem>>
            %dma_start3A_238 = arith.constant 0 : i32
            %dma_start3A_239 = arith.constant 0 : i32
            %dma_start3A_240 = tpu.memref_slice %arg2[%dma_start3A_238, %dma_start3A_239] : memref<10000x128xf32, #tpu.memory_space<hbm>> -> memref<10000x128xf32, #tpu.memory_space<hbm>>
            tpu.enqueue_indirect_dma source(%dma_start3A_240 : memref<10000x128xf32, #tpu.memory_space<hbm>>) target(%dma_start3A_237 : memref<16x128xf32, #tpu.memory_space<vmem>>) offsets(%shift_right_logical3A_230 : vector<16xi32>) semaphore(%arg18 : memref<!tpu.dma_semaphore, #tpu.memory_space<semaphore_mem>>)
            %dma_start3A_241 = arith.constant 0 : i32
            %dma_start3A_242 = arith.constant 0 : i32
            %dma_start3A_243 = tpu.memref_slice %arg16[%rem3A_223, %dma_start3A_241, %dma_start3A_242] : memref<2x16x128xf32, #tpu.memory_space<vmem>> -> memref<1x16x128xf32, #tpu.memory_space<vmem>>
            %dma_start3A_244 = tpu.memref_squeeze %dma_start3A_243 : memref<1x16x128xf32, #tpu.memory_space<vmem>> -> memref<16x128xf32, #tpu.memory_space<vmem>>
            %dma_start3A_245 = arith.constant 0 : i32
            %dma_start3A_246 = arith.constant 0 : i32
            %dma_start3A_247 = tpu.memref_slice %arg3[%dma_start3A_245, %dma_start3A_246] : memref<10032x128xf32, #tpu.memory_space<hbm>> -> memref<10032x128xf32, #tpu.memory_space<hbm>>
            tpu.enqueue_indirect_dma source(%dma_start3A_247 : memref<10032x128xf32, #tpu.memory_space<hbm>>) target(%dma_start3A_244 : memref<16x128xf32, #tpu.memory_space<vmem>>) offsets(%and3A_233 : vector<16xi32>) semaphore(%arg19 : memref<!tpu.dma_semaphore, #tpu.memory_space<semaphore_mem>>)
          } else {
          }
          %sub3A_210 = vector.broadcast %mul3A_2 : i32 to vector<16xi32>
          %sub3A_211 = arith.subi %and3A_189, %sub3A_210 : vector<16xi32>
          %scan3A_212 = arith.constant 0 : i32
          %scan3A_213 = arith.constant 0 : i32
          %scan3A_214 = arith.constant 16 : i32
          %scan3A_215 = arith.addi %scan3A_213, %scan3A_214 : i32
          %scan3A_216 = arith.constant 1 : i32
          %scan3A_217 = scf.for %scan3A_220 = %scan3A_213 to %scan3A_215 step %scan3A_216 iter_args(%scan3A_221 = %scan3A_212) -> (i32)  : i32 {
            %eq3A_222 = vector.broadcast %scan3A_220 : i32 to vector<16xi32>
            %eq3A_223 = arith.cmpi eq, %iota3A, %eq3A_222 : vector<16xi32>
            %jit3A_224 = arith.constant 0 : i32
            %broadcast_in_dim3A_225 = vector.broadcast %jit3A_224 : i32 to vector<16xi32>
            %select_n3A_226 = arith.select %eq3A_223, %sub3A_211, %broadcast_in_dim3A_225 : vector<16xi1>, vector<16xi32>
            %reduce_sum3A = arith.constant true
            %reduce_sum3A_227 = vector.broadcast %reduce_sum3A : i1 to vector<16xi1>
            %reduce_sum3A_228 = tpu.scan <sum>, %select_n3A_226 masked %reduce_sum3A_227 : vector<16xi32>, vector<16xi1> -> vector<16xi32>
            %reduce_sum3A_229 = vector.extract %reduce_sum3A_228[15] : i32 from vector<16xi32>
            %mul3A_230 = arith.constant 128 : i32
            %mul3A_231 = arith.muli %reduce_sum3A_229, %mul3A_230 : i32
            %get3A_232 = arith.constant 0 : i32
            %get3A_233 = arith.constant 0 : i32
            %get3A_234 = tpu.memref_slice %arg15[%rem3A_179, %get3A_232, %get3A_233] : memref<2x16x128xf32, #tpu.memory_space<vmem>> -> memref<1x16x128xf32, #tpu.memory_space<vmem>>
            %get3A_235 = tpu.memref_squeeze %get3A_234 : memref<1x16x128xf32, #tpu.memory_space<vmem>> -> memref<16x128xf32, #tpu.memory_space<vmem>>
            %get3A_236 = arith.constant 0 : i32
            %get3A_237 = tpu.memref_slice %get3A_235[%scan3A_220, %get3A_236] : memref<16x128xf32, #tpu.memory_space<vmem>> -> memref<1x128xf32, #tpu.memory_space<vmem>>
            %get3A_238 = tpu.memref_squeeze %get3A_237 : memref<1x128xf32, #tpu.memory_space<vmem>> -> memref<128xf32, #tpu.memory_space<vmem>>
            %get3A_239 = arith.constant 0 : index
            %get3A_240 = tpu.vector_load %get3A_238[%get3A_239] {strides = array<i32>} : memref<128xf32, #tpu.memory_space<vmem>>, vector<16xf32>,
            %get3A_241 = arith.constant 0 : i32
            %get3A_242 = arith.constant 0 : i32
            %get3A_243 = tpu.memref_slice %arg16[%rem3A_179, %get3A_241, %get3A_242] : memref<2x16x128xf32, #tpu.memory_space<vmem>> -> memref<1x16x128xf32, #tpu.memory_space<vmem>>
            %get3A_244 = tpu.memref_squeeze %get3A_243 : memref<1x16x128xf32, #tpu.memory_space<vmem>> -> memref<16x128xf32, #tpu.memory_space<vmem>>
            %get3A_245 = arith.constant 0 : i32
            %get3A_246 = tpu.memref_slice %get3A_244[%scan3A_220, %get3A_245] : memref<16x128xf32, #tpu.memory_space<vmem>> -> memref<1x128xf32, #tpu.memory_space<vmem>>
            %get3A_247 = tpu.memref_squeeze %get3A_246 : memref<1x128xf32, #tpu.memory_space<vmem>> -> memref<128xf32, #tpu.memory_space<vmem>>
            %get3A_248 = arith.constant 0 : index
            %get3A_249 = tpu.vector_load %get3A_247[%get3A_248] {strides = array<i32>} : memref<128xf32, #tpu.memory_space<vmem>>, vector<16xf32>,
            %add3A_250 = arith.addf %get3A_240, %get3A_249 : vector<16xf32>
            %max3A = arith.constant 0.000000e+00 : f32
            %max3A_251 = vector.broadcast %max3A : f32 to vector<16xf32>
            %max3A_252 = arith.maximumf %add3A_250, %max3A_251 : vector<16xf32>
            %add3A_253 = arith.constant 0 : i32
            %add3A_254 = arith.addi %mul3A_231, %add3A_253 : i32
            %swap3A_255 = arith.index_cast %add3A_254 : i32 to index
            %swap3A_256 = tpu.vector_load %arg9[%swap3A_255] {strides = array<i32>} : memref<40192xf32, #tpu.memory_space<vmem>>, vector<16xf32>,
            tpu.vector_store %arg9[%swap3A_255], %max3A_252 {add = true, strides = array<i32>} : memref<40192xf32, #tpu.memory_space<vmem>>, vector<16xf32>,
            %get3A_257 = arith.index_cast %add3A_254 : i32 to index
            %get3A_258 = tpu.vector_load %arg10[%get3A_257] {strides = array<i32>} : memref<40192xf32, #tpu.memory_space<vmem>>, vector<16xf32>,
            %max3A_259 = arith.maximumf %get3A_258, %max3A_252 : vector<16xf32>
            %swap3A_260 = arith.index_cast %add3A_254 : i32 to index
            %swap3A_261 = tpu.vector_load %arg10[%swap3A_260] {strides = array<i32>} : memref<40192xf32, #tpu.memory_space<vmem>>, vector<16xf32>,
            tpu.vector_store %arg10[%swap3A_260], %max3A_259 {strides = array<i32>} : memref<40192xf32, #tpu.memory_space<vmem>>, vector<16xf32>,
            %get3A_262 = arith.index_cast %add3A_254 : i32 to index
            %get3A_263 = tpu.vector_load %arg11[%get3A_262] {strides = array<i32>} : memref<40192xf32, #tpu.memory_space<vmem>>, vector<16xf32>,
            %min3A = arith.minimumf %get3A_263, %max3A_252 : vector<16xf32>
            %swap3A_264 = arith.index_cast %add3A_254 : i32 to index
            %swap3A_265 = tpu.vector_load %arg11[%swap3A_264] {strides = array<i32>} : memref<40192xf32, #tpu.memory_space<vmem>>, vector<16xf32>,
            tpu.vector_store %arg11[%swap3A_264], %min3A {strides = array<i32>} : memref<40192xf32, #tpu.memory_space<vmem>>, vector<16xf32>,
            %get3A_266 = arith.constant 0 : i32
            %get3A_267 = arith.constant 0 : i32
            %get3A_268 = tpu.memref_slice %arg15[%rem3A_179, %get3A_266, %get3A_267] : memref<2x16x128xf32, #tpu.memory_space<vmem>> -> memref<1x16x128xf32, #tpu.memory_space<vmem>>
            %get3A_269 = tpu.memref_squeeze %get3A_268 : memref<1x16x128xf32, #tpu.memory_space<vmem>> -> memref<16x128xf32, #tpu.memory_space<vmem>>
            %get3A_270 = arith.constant 0 : i32
            %get3A_271 = tpu.memref_slice %get3A_269[%scan3A_220, %get3A_270] : memref<16x128xf32, #tpu.memory_space<vmem>> -> memref<1x128xf32, #tpu.memory_space<vmem>>
            %get3A_272 = tpu.memref_squeeze %get3A_271 : memref<1x128xf32, #tpu.memory_space<vmem>> -> memref<128xf32, #tpu.memory_space<vmem>>
            %get3A_273 = arith.constant 16 : index
            %get3A_274 = tpu.vector_load %get3A_272[%get3A_273] {strides = array<i32>} : memref<128xf32, #tpu.memory_space<vmem>>, vector<16xf32>,
            %get3A_275 = arith.constant 0 : i32
            %get3A_276 = arith.constant 0 : i32
            %get3A_277 = tpu.memref_slice %arg16[%rem3A_179, %get3A_275, %get3A_276] : memref<2x16x128xf32, #tpu.memory_space<vmem>> -> memref<1x16x128xf32, #tpu.memory_space<vmem>>
            %get3A_278 = tpu.memref_squeeze %get3A_277 : memref<1x16x128xf32, #tpu.memory_space<vmem>> -> memref<16x128xf32, #tpu.memory_space<vmem>>
            %get3A_279 = arith.constant 0 : i32
            %get3A_280 = tpu.memref_slice %get3A_278[%scan3A_220, %get3A_279] : memref<16x128xf32, #tpu.memory_space<vmem>> -> memref<1x128xf32, #tpu.memory_space<vmem>>
            %get3A_281 = tpu.memref_squeeze %get3A_280 : memref<1x128xf32, #tpu.memory_space<vmem>> -> memref<128xf32, #tpu.memory_space<vmem>>
            %get3A_282 = arith.constant 16 : index
            %get3A_283 = tpu.vector_load %get3A_281[%get3A_282] {strides = array<i32>} : memref<128xf32, #tpu.memory_space<vmem>>, vector<16xf32>,
            %add3A_284 = arith.addf %get3A_274, %get3A_283 : vector<16xf32>
            %max3A_285 = arith.constant 0.000000e+00 : f32
            %max3A_286 = vector.broadcast %max3A_285 : f32 to vector<16xf32>
            %max3A_287 = arith.maximumf %add3A_284, %max3A_286 : vector<16xf32>
            %add3A_288 = arith.constant 16 : i32
            %add3A_289 = arith.addi %mul3A_231, %add3A_288 : i32
            %swap3A_290 = arith.index_cast %add3A_289 : i32 to index
            %swap3A_291 = tpu.vector_load %arg9[%swap3A_290] {strides = array<i32>} : memref<40192xf32, #tpu.memory_space<vmem>>, vector<16xf32>,
            tpu.vector_store %arg9[%swap3A_290], %max3A_287 {add = true, strides = array<i32>} : memref<40192xf32, #tpu.memory_space<vmem>>, vector<16xf32>,
            %get3A_292 = arith.index_cast %add3A_289 : i32 to index
            %get3A_293 = tpu.vector_load %arg10[%get3A_292] {strides = array<i32>} : memref<40192xf32, #tpu.memory_space<vmem>>, vector<16xf32>,
            %max3A_294 = arith.maximumf %get3A_293, %max3A_287 : vector<16xf32>
            %swap3A_295 = arith.index_cast %add3A_289 : i32 to index
            %swap3A_296 = tpu.vector_load %arg10[%swap3A_295] {strides = array<i32>} : memref<40192xf32, #tpu.memory_space<vmem>>, vector<16xf32>,
            tpu.vector_store %arg10[%swap3A_295], %max3A_294 {strides = array<i32>} : memref<40192xf32, #tpu.memory_space<vmem>>, vector<16xf32>,
            %get3A_297 = arith.index_cast %add3A_289 : i32 to index
            %get3A_298 = tpu.vector_load %arg11[%get3A_297] {strides = array<i32>} : memref<40192xf32, #tpu.memory_space<vmem>>, vector<16xf32>,
            %min3A_299 = arith.minimumf %get3A_298, %max3A_287 : vector<16xf32>
            %swap3A_300 = arith.index_cast %add3A_289 : i32 to index
            %swap3A_301 = tpu.vector_load %arg11[%swap3A_300] {strides = array<i32>} : memref<40192xf32, #tpu.memory_space<vmem>>, vector<16xf32>,
            tpu.vector_store %arg11[%swap3A_300], %min3A_299 {strides = array<i32>} : memref<40192xf32, #tpu.memory_space<vmem>>, vector<16xf32>,
            %get3A_302 = arith.constant 0 : i32
            %get3A_303 = arith.constant 0 : i32
            %get3A_304 = tpu.memref_slice %arg15[%rem3A_179, %get3A_302, %get3A_303] : memref<2x16x128xf32, #tpu.memory_space<vmem>> -> memref<1x16x128xf32, #tpu.memory_space<vmem>>
            %get3A_305 = tpu.memref_squeeze %get3A_304 : memref<1x16x128xf32, #tpu.memory_space<vmem>> -> memref<16x128xf32, #tpu.memory_space<vmem>>
            %get3A_306 = arith.constant 0 : i32
            %get3A_307 = tpu.memref_slice %get3A_305[%scan3A_220, %get3A_306] : memref<16x128xf32, #tpu.memory_space<vmem>> -> memref<1x128xf32, #tpu.memory_space<vmem>>
            %get3A_308 = tpu.memref_squeeze %get3A_307 : memref<1x128xf32, #tpu.memory_space<vmem>> -> memref<128xf32, #tpu.memory_space<vmem>>
            %get3A_309 = arith.constant 32 : index
            %get3A_310 = tpu.vector_load %get3A_308[%get3A_309] {strides = array<i32>} : memref<128xf32, #tpu.memory_space<vmem>>, vector<16xf32>,
            %get3A_311 = arith.constant 0 : i32
            %get3A_312 = arith.constant 0 : i32
            %get3A_313 = tpu.memref_slice %arg16[%rem3A_179, %get3A_311, %get3A_312] : memref<2x16x128xf32, #tpu.memory_space<vmem>> -> memref<1x16x128xf32, #tpu.memory_space<vmem>>
            %get3A_314 = tpu.memref_squeeze %get3A_313 : memref<1x16x128xf32, #tpu.memory_space<vmem>> -> memref<16x128xf32, #tpu.memory_space<vmem>>
            %get3A_315 = arith.constant 0 : i32
            %get3A_316 = tpu.memref_slice %get3A_314[%scan3A_220, %get3A_315] : memref<16x128xf32, #tpu.memory_space<vmem>> -> memref<1x128xf32, #tpu.memory_space<vmem>>
            %get3A_317 = tpu.memref_squeeze %get3A_316 : memref<1x128xf32, #tpu.memory_space<vmem>> -> memref<128xf32, #tpu.memory_space<vmem>>
            %get3A_318 = arith.constant 32 : index
            %get3A_319 = tpu.vector_load %get3A_317[%get3A_318] {strides = array<i32>} : memref<128xf32, #tpu.memory_space<vmem>>, vector<16xf32>,
            %add3A_320 = arith.addf %get3A_310, %get3A_319 : vector<16xf32>
            %max3A_321 = arith.constant 0.000000e+00 : f32
            %max3A_322 = vector.broadcast %max3A_321 : f32 to vector<16xf32>
            %max3A_323 = arith.maximumf %add3A_320, %max3A_322 : vector<16xf32>
            %add3A_324 = arith.constant 32 : i32
            %add3A_325 = arith.addi %mul3A_231, %add3A_324 : i32
            %swap3A_326 = arith.index_cast %add3A_325 : i32 to index
            %swap3A_327 = tpu.vector_load %arg9[%swap3A_326] {strides = array<i32>} : memref<40192xf32, #tpu.memory_space<vmem>>, vector<16xf32>,
            tpu.vector_store %arg9[%swap3A_326], %max3A_323 {add = true, strides = array<i32>} : memref<40192xf32, #tpu.memory_space<vmem>>, vector<16xf32>,
            %get3A_328 = arith.index_cast %add3A_325 : i32 to index
            %get3A_329 = tpu.vector_load %arg10[%get3A_328] {strides = array<i32>} : memref<40192xf32, #tpu.memory_space<vmem>>, vector<16xf32>,
            %max3A_330 = arith.maximumf %get3A_329, %max3A_323 : vector<16xf32>
            %swap3A_331 = arith.index_cast %add3A_325 : i32 to index
            %swap3A_332 = tpu.vector_load %arg10[%swap3A_331] {strides = array<i32>} : memref<40192xf32, #tpu.memory_space<vmem>>, vector<16xf32>,
            tpu.vector_store %arg10[%swap3A_331], %max3A_330 {strides = array<i32>} : memref<40192xf32, #tpu.memory_space<vmem>>, vector<16xf32>,
            %get3A_333 = arith.index_cast %add3A_325 : i32 to index
            %get3A_334 = tpu.vector_load %arg11[%get3A_333] {strides = array<i32>} : memref<40192xf32, #tpu.memory_space<vmem>>, vector<16xf32>,
            %min3A_335 = arith.minimumf %get3A_334, %max3A_323 : vector<16xf32>
            %swap3A_336 = arith.index_cast %add3A_325 : i32 to index
            %swap3A_337 = tpu.vector_load %arg11[%swap3A_336] {strides = array<i32>} : memref<40192xf32, #tpu.memory_space<vmem>>, vector<16xf32>,
            tpu.vector_store %arg11[%swap3A_336], %min3A_335 {strides = array<i32>} : memref<40192xf32, #tpu.memory_space<vmem>>, vector<16xf32>,
            %get3A_338 = arith.constant 0 : i32
            %get3A_339 = arith.constant 0 : i32
            %get3A_340 = tpu.memref_slice %arg15[%rem3A_179, %get3A_338, %get3A_339] : memref<2x16x128xf32, #tpu.memory_space<vmem>> -> memref<1x16x128xf32, #tpu.memory_space<vmem>>
            %get3A_341 = tpu.memref_squeeze %get3A_340 : memref<1x16x128xf32, #tpu.memory_space<vmem>> -> memref<16x128xf32, #tpu.memory_space<vmem>>
            %get3A_342 = arith.constant 0 : i32
            %get3A_343 = tpu.memref_slice %get3A_341[%scan3A_220, %get3A_342] : memref<16x128xf32, #tpu.memory_space<vmem>> -> memref<1x128xf32, #tpu.memory_space<vmem>>
            %get3A_344 = tpu.memref_squeeze %get3A_343 : memref<1x128xf32, #tpu.memory_space<vmem>> -> memref<128xf32, #tpu.memory_space<vmem>>
            %get3A_345 = arith.constant 48 : index
            %get3A_346 = tpu.vector_load %get3A_344[%get3A_345] {strides = array<i32>} : memref<128xf32, #tpu.memory_space<vmem>>, vector<16xf32>,
            %get3A_347 = arith.constant 0 : i32
            %get3A_348 = arith.constant 0 : i32
            %get3A_349 = tpu.memref_slice %arg16[%rem3A_179, %get3A_347, %get3A_348] : memref<2x16x128xf32, #tpu.memory_space<vmem>> -> memref<1x16x128xf32, #tpu.memory_space<vmem>>
            %get3A_350 = tpu.memref_squeeze %get3A_349 : memref<1x16x128xf32, #tpu.memory_space<vmem>> -> memref<16x128xf32, #tpu.memory_space<vmem>>
            %get3A_351 = arith.constant 0 : i32
            %get3A_352 = tpu.memref_slice %get3A_350[%scan3A_220, %get3A_351] : memref<16x128xf32, #tpu.memory_space<vmem>> -> memref<1x128xf32, #tpu.memory_space<vmem>>
            %get3A_353 = tpu.memref_squeeze %get3A_352 : memref<1x128xf32, #tpu.memory_space<vmem>> -> memref<128xf32, #tpu.memory_space<vmem>>
            %get3A_354 = arith.constant 48 : index
            %get3A_355 = tpu.vector_load %get3A_353[%get3A_354] {strides = array<i32>} : memref<128xf32, #tpu.memory_space<vmem>>, vector<16xf32>,
            %add3A_356 = arith.addf %get3A_346, %get3A_355 : vector<16xf32>
            %max3A_357 = arith.constant 0.000000e+00 : f32
            %max3A_358 = vector.broadcast %max3A_357 : f32 to vector<16xf32>
            %max3A_359 = arith.maximumf %add3A_356, %max3A_358 : vector<16xf32>
            %add3A_360 = arith.constant 48 : i32
            %add3A_361 = arith.addi %mul3A_231, %add3A_360 : i32
            %swap3A_362 = arith.index_cast %add3A_361 : i32 to index
            %swap3A_363 = tpu.vector_load %arg9[%swap3A_362] {strides = array<i32>} : memref<40192xf32, #tpu.memory_space<vmem>>, vector<16xf32>,
            tpu.vector_store %arg9[%swap3A_362], %max3A_359 {add = true, strides = array<i32>} : memref<40192xf32, #tpu.memory_space<vmem>>, vector<16xf32>,
            %get3A_364 = arith.index_cast %add3A_361 : i32 to index
            %get3A_365 = tpu.vector_load %arg10[%get3A_364] {strides = array<i32>} : memref<40192xf32, #tpu.memory_space<vmem>>, vector<16xf32>,
            %max3A_366 = arith.maximumf %get3A_365, %max3A_359 : vector<16xf32>
            %swap3A_367 = arith.index_cast %add3A_361 : i32 to index
            %swap3A_368 = tpu.vector_load %arg10[%swap3A_367] {strides = array<i32>} : memref<40192xf32, #tpu.memory_space<vmem>>, vector<16xf32>,
            tpu.vector_store %arg10[%swap3A_367], %max3A_366 {strides = array<i32>} : memref<40192xf32, #tpu.memory_space<vmem>>, vector<16xf32>,
            %get3A_369 = arith.index_cast %add3A_361 : i32 to index
            %get3A_370 = tpu.vector_load %arg11[%get3A_369] {strides = array<i32>} : memref<40192xf32, #tpu.memory_space<vmem>>, vector<16xf32>,
            %min3A_371 = arith.minimumf %get3A_370, %max3A_359 : vector<16xf32>
            %swap3A_372 = arith.index_cast %add3A_361 : i32 to index
            %swap3A_373 = tpu.vector_load %arg11[%swap3A_372] {strides = array<i32>} : memref<40192xf32, #tpu.memory_space<vmem>>, vector<16xf32>,
            tpu.vector_store %arg11[%swap3A_372], %min3A_371 {strides = array<i32>} : memref<40192xf32, #tpu.memory_space<vmem>>, vector<16xf32>,
            %get3A_374 = arith.constant 0 : i32
            %get3A_375 = arith.constant 0 : i32
            %get3A_376 = tpu.memref_slice %arg15[%rem3A_179, %get3A_374, %get3A_375] : memref<2x16x128xf32, #tpu.memory_space<vmem>> -> memref<1x16x128xf32, #tpu.memory_space<vmem>>
            %get3A_377 = tpu.memref_squeeze %get3A_376 : memref<1x16x128xf32, #tpu.memory_space<vmem>> -> memref<16x128xf32, #tpu.memory_space<vmem>>
            %get3A_378 = arith.constant 0 : i32
            %get3A_379 = tpu.memref_slice %get3A_377[%scan3A_220, %get3A_378] : memref<16x128xf32, #tpu.memory_space<vmem>> -> memref<1x128xf32, #tpu.memory_space<vmem>>
            %get3A_380 = tpu.memref_squeeze %get3A_379 : memref<1x128xf32, #tpu.memory_space<vmem>> -> memref<128xf32, #tpu.memory_space<vmem>>
            %get3A_381 = arith.constant 64 : index
            %get3A_382 = tpu.vector_load %get3A_380[%get3A_381] {strides = array<i32>} : memref<128xf32, #tpu.memory_space<vmem>>, vector<16xf32>,
            %get3A_383 = arith.constant 0 : i32
            %get3A_384 = arith.constant 0 : i32
            %get3A_385 = tpu.memref_slice %arg16[%rem3A_179, %get3A_383, %get3A_384] : memref<2x16x128xf32, #tpu.memory_space<vmem>> -> memref<1x16x128xf32, #tpu.memory_space<vmem>>
            %get3A_386 = tpu.memref_squeeze %get3A_385 : memref<1x16x128xf32, #tpu.memory_space<vmem>> -> memref<16x128xf32, #tpu.memory_space<vmem>>
            %get3A_387 = arith.constant 0 : i32
            %get3A_388 = tpu.memref_slice %get3A_386[%scan3A_220, %get3A_387] : memref<16x128xf32, #tpu.memory_space<vmem>> -> memref<1x128xf32, #tpu.memory_space<vmem>>
            %get3A_389 = tpu.memref_squeeze %get3A_388 : memref<1x128xf32, #tpu.memory_space<vmem>> -> memref<128xf32, #tpu.memory_space<vmem>>
            %get3A_390 = arith.constant 64 : index
            %get3A_391 = tpu.vector_load %get3A_389[%get3A_390] {strides = array<i32>} : memref<128xf32, #tpu.memory_space<vmem>>, vector<16xf32>,
            %add3A_392 = arith.addf %get3A_382, %get3A_391 : vector<16xf32>
            %max3A_393 = arith.constant 0.000000e+00 : f32
            %max3A_394 = vector.broadcast %max3A_393 : f32 to vector<16xf32>
            %max3A_395 = arith.maximumf %add3A_392, %max3A_394 : vector<16xf32>
            %add3A_396 = arith.constant 64 : i32
            %add3A_397 = arith.addi %mul3A_231, %add3A_396 : i32
            %swap3A_398 = arith.index_cast %add3A_397 : i32 to index
            %swap3A_399 = tpu.vector_load %arg9[%swap3A_398] {strides = array<i32>} : memref<40192xf32, #tpu.memory_space<vmem>>, vector<16xf32>,
            tpu.vector_store %arg9[%swap3A_398], %max3A_395 {add = true, strides = array<i32>} : memref<40192xf32, #tpu.memory_space<vmem>>, vector<16xf32>,
            %get3A_400 = arith.index_cast %add3A_397 : i32 to index
            %get3A_401 = tpu.vector_load %arg10[%get3A_400] {strides = array<i32>} : memref<40192xf32, #tpu.memory_space<vmem>>, vector<16xf32>,
            %max3A_402 = arith.maximumf %get3A_401, %max3A_395 : vector<16xf32>
            %swap3A_403 = arith.index_cast %add3A_397 : i32 to index
            %swap3A_404 = tpu.vector_load %arg10[%swap3A_403] {strides = array<i32>} : memref<40192xf32, #tpu.memory_space<vmem>>, vector<16xf32>,
            tpu.vector_store %arg10[%swap3A_403], %max3A_402 {strides = array<i32>} : memref<40192xf32, #tpu.memory_space<vmem>>, vector<16xf32>,
            %get3A_405 = arith.index_cast %add3A_397 : i32 to index
            %get3A_406 = tpu.vector_load %arg11[%get3A_405] {strides = array<i32>} : memref<40192xf32, #tpu.memory_space<vmem>>, vector<16xf32>,
            %min3A_407 = arith.minimumf %get3A_406, %max3A_395 : vector<16xf32>
            %swap3A_408 = arith.index_cast %add3A_397 : i32 to index
            %swap3A_409 = tpu.vector_load %arg11[%swap3A_408] {strides = array<i32>} : memref<40192xf32, #tpu.memory_space<vmem>>, vector<16xf32>,
            tpu.vector_store %arg11[%swap3A_408], %min3A_407 {strides = array<i32>} : memref<40192xf32, #tpu.memory_space<vmem>>, vector<16xf32>,
            %get3A_410 = arith.constant 0 : i32
            %get3A_411 = arith.constant 0 : i32
            %get3A_412 = tpu.memref_slice %arg15[%rem3A_179, %get3A_410, %get3A_411] : memref<2x16x128xf32, #tpu.memory_space<vmem>> -> memref<1x16x128xf32, #tpu.memory_space<vmem>>
            %get3A_413 = tpu.memref_squeeze %get3A_412 : memref<1x16x128xf32, #tpu.memory_space<vmem>> -> memref<16x128xf32, #tpu.memory_space<vmem>>
            %get3A_414 = arith.constant 0 : i32
            %get3A_415 = tpu.memref_slice %get3A_413[%scan3A_220, %get3A_414] : memref<16x128xf32, #tpu.memory_space<vmem>> -> memref<1x128xf32, #tpu.memory_space<vmem>>
            %get3A_416 = tpu.memref_squeeze %get3A_415 : memref<1x128xf32, #tpu.memory_space<vmem>> -> memref<128xf32, #tpu.memory_space<vmem>>
            %get3A_417 = arith.constant 80 : index
            %get3A_418 = tpu.vector_load %get3A_416[%get3A_417] {strides = array<i32>} : memref<128xf32, #tpu.memory_space<vmem>>, vector<16xf32>,
            %get3A_419 = arith.constant 0 : i32
            %get3A_420 = arith.constant 0 : i32
            %get3A_421 = tpu.memref_slice %arg16[%rem3A_179, %get3A_419, %get3A_420] : memref<2x16x128xf32, #tpu.memory_space<vmem>> -> memref<1x16x128xf32, #tpu.memory_space<vmem>>
            %get3A_422 = tpu.memref_squeeze %get3A_421 : memref<1x16x128xf32, #tpu.memory_space<vmem>> -> memref<16x128xf32, #tpu.memory_space<vmem>>
            %get3A_423 = arith.constant 0 : i32
            %get3A_424 = tpu.memref_slice %get3A_422[%scan3A_220, %get3A_423] : memref<16x128xf32, #tpu.memory_space<vmem>> -> memref<1x128xf32, #tpu.memory_space<vmem>>
            %get3A_425 = tpu.memref_squeeze %get3A_424 : memref<1x128xf32, #tpu.memory_space<vmem>> -> memref<128xf32, #tpu.memory_space<vmem>>
            %get3A_426 = arith.constant 80 : index
            %get3A_427 = tpu.vector_load %get3A_425[%get3A_426] {strides = array<i32>} : memref<128xf32, #tpu.memory_space<vmem>>, vector<16xf32>,
            %add3A_428 = arith.addf %get3A_418, %get3A_427 : vector<16xf32>
            %max3A_429 = arith.constant 0.000000e+00 : f32
            %max3A_430 = vector.broadcast %max3A_429 : f32 to vector<16xf32>
            %max3A_431 = arith.maximumf %add3A_428, %max3A_430 : vector<16xf32>
            %add3A_432 = arith.constant 80 : i32
            %add3A_433 = arith.addi %mul3A_231, %add3A_432 : i32
            %swap3A_434 = arith.index_cast %add3A_433 : i32 to index
            %swap3A_435 = tpu.vector_load %arg9[%swap3A_434] {strides = array<i32>} : memref<40192xf32, #tpu.memory_space<vmem>>, vector<16xf32>,
            tpu.vector_store %arg9[%swap3A_434], %max3A_431 {add = true, strides = array<i32>} : memref<40192xf32, #tpu.memory_space<vmem>>, vector<16xf32>,
            %get3A_436 = arith.index_cast %add3A_433 : i32 to index
            %get3A_437 = tpu.vector_load %arg10[%get3A_436] {strides = array<i32>} : memref<40192xf32, #tpu.memory_space<vmem>>, vector<16xf32>,
            %max3A_438 = arith.maximumf %get3A_437, %max3A_431 : vector<16xf32>
            %swap3A_439 = arith.index_cast %add3A_433 : i32 to index
            %swap3A_440 = tpu.vector_load %arg10[%swap3A_439] {strides = array<i32>} : memref<40192xf32, #tpu.memory_space<vmem>>, vector<16xf32>,
            tpu.vector_store %arg10[%swap3A_439], %max3A_438 {strides = array<i32>} : memref<40192xf32, #tpu.memory_space<vmem>>, vector<16xf32>,
            %get3A_441 = arith.index_cast %add3A_433 : i32 to index
            %get3A_442 = tpu.vector_load %arg11[%get3A_441] {strides = array<i32>} : memref<40192xf32, #tpu.memory_space<vmem>>, vector<16xf32>,
            %min3A_443 = arith.minimumf %get3A_442, %max3A_431 : vector<16xf32>
            %swap3A_444 = arith.index_cast %add3A_433 : i32 to index
            %swap3A_445 = tpu.vector_load %arg11[%swap3A_444] {strides = array<i32>} : memref<40192xf32, #tpu.memory_space<vmem>>, vector<16xf32>,
            tpu.vector_store %arg11[%swap3A_444], %min3A_443 {strides = array<i32>} : memref<40192xf32, #tpu.memory_space<vmem>>, vector<16xf32>,
            %get3A_446 = arith.constant 0 : i32
            %get3A_447 = arith.constant 0 : i32
            %get3A_448 = tpu.memref_slice %arg15[%rem3A_179, %get3A_446, %get3A_447] : memref<2x16x128xf32, #tpu.memory_space<vmem>> -> memref<1x16x128xf32, #tpu.memory_space<vmem>>
            %get3A_449 = tpu.memref_squeeze %get3A_448 : memref<1x16x128xf32, #tpu.memory_space<vmem>> -> memref<16x128xf32, #tpu.memory_space<vmem>>
            %get3A_450 = arith.constant 0 : i32
            %get3A_451 = tpu.memref_slice %get3A_449[%scan3A_220, %get3A_450] : memref<16x128xf32, #tpu.memory_space<vmem>> -> memref<1x128xf32, #tpu.memory_space<vmem>>
            %get3A_452 = tpu.memref_squeeze %get3A_451 : memref<1x128xf32, #tpu.memory_space<vmem>> -> memref<128xf32, #tpu.memory_space<vmem>>
            %get3A_453 = arith.constant 96 : index
            %get3A_454 = tpu.vector_load %get3A_452[%get3A_453] {strides = array<i32>} : memref<128xf32, #tpu.memory_space<vmem>>, vector<16xf32>,
            %get3A_455 = arith.constant 0 : i32
            %get3A_456 = arith.constant 0 : i32
            %get3A_457 = tpu.memref_slice %arg16[%rem3A_179, %get3A_455, %get3A_456] : memref<2x16x128xf32, #tpu.memory_space<vmem>> -> memref<1x16x128xf32, #tpu.memory_space<vmem>>
            %get3A_458 = tpu.memref_squeeze %get3A_457 : memref<1x16x128xf32, #tpu.memory_space<vmem>> -> memref<16x128xf32, #tpu.memory_space<vmem>>
            %get3A_459 = arith.constant 0 : i32
            %get3A_460 = tpu.memref_slice %get3A_458[%scan3A_220, %get3A_459] : memref<16x128xf32, #tpu.memory_space<vmem>> -> memref<1x128xf32, #tpu.memory_space<vmem>>
            %get3A_461 = tpu.memref_squeeze %get3A_460 : memref<1x128xf32, #tpu.memory_space<vmem>> -> memref<128xf32, #tpu.memory_space<vmem>>
            %get3A_462 = arith.constant 96 : index
            %get3A_463 = tpu.vector_load %get3A_461[%get3A_462] {strides = array<i32>} : memref<128xf32, #tpu.memory_space<vmem>>, vector<16xf32>,
            %add3A_464 = arith.addf %get3A_454, %get3A_463 : vector<16xf32>
            %max3A_465 = arith.constant 0.000000e+00 : f32
            %max3A_466 = vector.broadcast %max3A_465 : f32 to vector<16xf32>
            %max3A_467 = arith.maximumf %add3A_464, %max3A_466 : vector<16xf32>
            %add3A_468 = arith.constant 96 : i32
            %add3A_469 = arith.addi %mul3A_231, %add3A_468 : i32
            %swap3A_470 = arith.index_cast %add3A_469 : i32 to index
            %swap3A_471 = tpu.vector_load %arg9[%swap3A_470] {strides = array<i32>} : memref<40192xf32, #tpu.memory_space<vmem>>, vector<16xf32>,
            tpu.vector_store %arg9[%swap3A_470], %max3A_467 {add = true, strides = array<i32>} : memref<40192xf32, #tpu.memory_space<vmem>>, vector<16xf32>,
            %get3A_472 = arith.index_cast %add3A_469 : i32 to index
            %get3A_473 = tpu.vector_load %arg10[%get3A_472] {strides = array<i32>} : memref<40192xf32, #tpu.memory_space<vmem>>, vector<16xf32>,
            %max3A_474 = arith.maximumf %get3A_473, %max3A_467 : vector<16xf32>
            %swap3A_475 = arith.index_cast %add3A_469 : i32 to index
            %swap3A_476 = tpu.vector_load %arg10[%swap3A_475] {strides = array<i32>} : memref<40192xf32, #tpu.memory_space<vmem>>, vector<16xf32>,
            tpu.vector_store %arg10[%swap3A_475], %max3A_474 {strides = array<i32>} : memref<40192xf32, #tpu.memory_space<vmem>>, vector<16xf32>,
            %get3A_477 = arith.index_cast %add3A_469 : i32 to index
            %get3A_478 = tpu.vector_load %arg11[%get3A_477] {strides = array<i32>} : memref<40192xf32, #tpu.memory_space<vmem>>, vector<16xf32>,
            %min3A_479 = arith.minimumf %get3A_478, %max3A_467 : vector<16xf32>
            %swap3A_480 = arith.index_cast %add3A_469 : i32 to index
            %swap3A_481 = tpu.vector_load %arg11[%swap3A_480] {strides = array<i32>} : memref<40192xf32, #tpu.memory_space<vmem>>, vector<16xf32>,
            tpu.vector_store %arg11[%swap3A_480], %min3A_479 {strides = array<i32>} : memref<40192xf32, #tpu.memory_space<vmem>>, vector<16xf32>,
            %get3A_482 = arith.constant 0 : i32
            %get3A_483 = arith.constant 0 : i32
            %get3A_484 = tpu.memref_slice %arg15[%rem3A_179, %get3A_482, %get3A_483] : memref<2x16x128xf32, #tpu.memory_space<vmem>> -> memref<1x16x128xf32, #tpu.memory_space<vmem>>
            %get3A_485 = tpu.memref_squeeze %get3A_484 : memref<1x16x128xf32, #tpu.memory_space<vmem>> -> memref<16x128xf32, #tpu.memory_space<vmem>>
            %get3A_486 = arith.constant 0 : i32
            %get3A_487 = tpu.memref_slice %get3A_485[%scan3A_220, %get3A_486] : memref<16x128xf32, #tpu.memory_space<vmem>> -> memref<1x128xf32, #tpu.memory_space<vmem>>
            %get3A_488 = tpu.memref_squeeze %get3A_487 : memref<1x128xf32, #tpu.memory_space<vmem>> -> memref<128xf32, #tpu.memory_space<vmem>>
            %get3A_489 = arith.constant 112 : index
            %get3A_490 = tpu.vector_load %get3A_488[%get3A_489] {strides = array<i32>} : memref<128xf32, #tpu.memory_space<vmem>>, vector<16xf32>,
            %get3A_491 = arith.constant 0 : i32
            %get3A_492 = arith.constant 0 : i32
            %get3A_493 = tpu.memref_slice %arg16[%rem3A_179, %get3A_491, %get3A_492] : memref<2x16x128xf32, #tpu.memory_space<vmem>> -> memref<1x16x128xf32, #tpu.memory_space<vmem>>
            %get3A_494 = tpu.memref_squeeze %get3A_493 : memref<1x16x128xf32, #tpu.memory_space<vmem>> -> memref<16x128xf32, #tpu.memory_space<vmem>>
            %get3A_495 = arith.constant 0 : i32
            %get3A_496 = tpu.memref_slice %get3A_494[%scan3A_220, %get3A_495] : memref<16x128xf32, #tpu.memory_space<vmem>> -> memref<1x128xf32, #tpu.memory_space<vmem>>
            %get3A_497 = tpu.memref_squeeze %get3A_496 : memref<1x128xf32, #tpu.memory_space<vmem>> -> memref<128xf32, #tpu.memory_space<vmem>>
            %get3A_498 = arith.constant 112 : index
            %get3A_499 = tpu.vector_load %get3A_497[%get3A_498] {strides = array<i32>} : memref<128xf32, #tpu.memory_space<vmem>>, vector<16xf32>,
            %add3A_500 = arith.addf %get3A_490, %get3A_499 : vector<16xf32>
            %max3A_501 = arith.constant 0.000000e+00 : f32
            %max3A_502 = vector.broadcast %max3A_501 : f32 to vector<16xf32>
            %max3A_503 = arith.maximumf %add3A_500, %max3A_502 : vector<16xf32>
            %add3A_504 = arith.constant 112 : i32
            %add3A_505 = arith.addi %mul3A_231, %add3A_504 : i32
            %swap3A_506 = arith.index_cast %add3A_505 : i32 to index
            %swap3A_507 = tpu.vector_load %arg9[%swap3A_506] {strides = array<i32>} : memref<40192xf32, #tpu.memory_space<vmem>>, vector<16xf32>,
            tpu.vector_store %arg9[%swap3A_506], %max3A_503 {add = true, strides = array<i32>} : memref<40192xf32, #tpu.memory_space<vmem>>, vector<16xf32>,
            %get3A_508 = arith.index_cast %add3A_505 : i32 to index
            %get3A_509 = tpu.vector_load %arg10[%get3A_508] {strides = array<i32>} : memref<40192xf32, #tpu.memory_space<vmem>>, vector<16xf32>,
            %max3A_510 = arith.maximumf %get3A_509, %max3A_503 : vector<16xf32>
            %swap3A_511 = arith.index_cast %add3A_505 : i32 to index
            %swap3A_512 = tpu.vector_load %arg10[%swap3A_511] {strides = array<i32>} : memref<40192xf32, #tpu.memory_space<vmem>>, vector<16xf32>,
            tpu.vector_store %arg10[%swap3A_511], %max3A_510 {strides = array<i32>} : memref<40192xf32, #tpu.memory_space<vmem>>, vector<16xf32>,
            %get3A_513 = arith.index_cast %add3A_505 : i32 to index
            %get3A_514 = tpu.vector_load %arg11[%get3A_513] {strides = array<i32>} : memref<40192xf32, #tpu.memory_space<vmem>>, vector<16xf32>,
            %min3A_515 = arith.minimumf %get3A_514, %max3A_503 : vector<16xf32>
            %swap3A_516 = arith.index_cast %add3A_505 : i32 to index
            %swap3A_517 = tpu.vector_load %arg11[%swap3A_516] {strides = array<i32>} : memref<40192xf32, #tpu.memory_space<vmem>>, vector<16xf32>,
            tpu.vector_store %arg11[%swap3A_516], %min3A_515 {strides = array<i32>} : memref<40192xf32, #tpu.memory_space<vmem>>, vector<16xf32>,
            %swap3A_518 = arith.index_cast %reduce_sum3A_229 : i32 to index
            %swap3A_519 = tpu.vector_load %arg12[%swap3A_518] {strides = array<i32>} : memref<336xf32, #tpu.memory_space<vmem>>, vector<16xf32>,
            tpu.vector_store %arg12[%swap3A_518], %select_n3A {add = true, strides = array<i32>} : memref<336xf32, #tpu.memory_space<vmem>>, vector<16xf32>,
            %scan3A_520 = arith.constant 0 : i32
            scf.yield %scan3A_520 : i32
          }
          %scan3A_218 = arith.constant 16 : i32
          %while3A_219 = arith.constant 0 : i32
          scf.yield %while3A_219 : i32
        }
        %cond3A_175 = arith.constant 0 : i32
        scf.yield %cond3A_175 : i32
      } else {
        scf.yield %scan3A_109 : i32
      }
      "tpu.trace_stop"() : () -> ()
      scf.yield %cond3A_115 : i32
    }
    %scan3A_78 = arith.constant 625 : i32
    %gt3A = arith.constant 0 : i32
    %gt3A_79 = arith.cmpi sgt, %scan3A_77, %gt3A : i32
    %convert_element_type3A = arith.extui %gt3A_79 : i1 to i32
    %cond3A = arith.constant 0 : i32
    %cond3A_80 = arith.cmpi ne, %convert_element_type3A, %cond3A : i32
    %cond3A_81 = scf.if %cond3A_80 -> (i32) {
      %add3A_86 = arith.constant 313 : i32
      %add3A_87 = arith.addi %mul3A_2, %add3A_86 : i32
      %broadcast_in_dim3A_88 = vector.broadcast %add3A_87 : i32 to vector<16xi32>
      %swap3A = arith.index_cast %scan3A_77 : i32 to index
      %swap3A_89 = tpu.vector_load %arg14[%swap3A] {strides = array<i32>} : memref<768xi32, #tpu.memory_space<vmem>>, vector<16xi32>,
      tpu.vector_store %arg14[%swap3A], %broadcast_in_dim3A_88 {strides = array<i32>} : memref<768xi32, #tpu.memory_space<vmem>>, vector<16xi32>,
      %add3A_90 = arith.constant 15 : i32
      %add3A_91 = arith.addi %scan3A_77, %add3A_90 : i32
      %jit3A_92 = arith.constant 16 : i32
      %div3A = arith.divsi %add3A_91, %jit3A_92 : i32
      %sign3A = arith.constant 0 : i32
      %sign3A_93 = arith.cmpi sgt, %add3A_91, %sign3A : i32
      %sign3A_94 = arith.extui %sign3A_93 : i1 to i32
      %sign3A_95 = arith.constant 0 : i32
      %sign3A_96 = arith.cmpi slt, %add3A_91, %sign3A_95 : i32
      %sign3A_97 = arith.extui %sign3A_96 : i1 to i32
      %sign3A_98 = arith.subi %sign3A_94, %sign3A_97 : i32
      %sign3A_99 = arith.constant 0 : i32
      %sign3A_100 = arith.cmpi sgt, %jit3A_92, %sign3A_99 : i32
      %sign3A_101 = arith.extui %sign3A_100 : i1 to i32
      %sign3A_102 = arith.constant 0 : i32
      %sign3A_103 = arith.cmpi slt, %jit3A_92, %sign3A_102 : i32
      %sign3A_104 = arith.extui %sign3A_103 : i1 to i32
      %sign3A_105 = arith.subi %sign3A_101, %sign3A_104 : i32
      %ne3A = arith.cmpi ne, %sign3A_98, %sign3A_105 : i32
      %rem3A_106 = arith.remsi %add3A_91, %jit3A_92 : i32
      %ne3A_107 = arith.constant 0 : i32
      %ne3A_108 = arith.cmpi ne, %rem3A_106, %ne3A_107 : i32
      %and3A = arith.andi %ne3A, %ne3A_108 : i1
      %sub3A = arith.constant 1 : i32
      %sub3A_109 = arith.subi %div3A, %sub3A : i32
      %select_n3A_110 = arith.select %and3A, %sub3A_109, %div3A : i32
      %rem3A_111 = arith.constant 0 : i32
      %rem3A_112 = arith.constant 2 : i32
      %rem3A_113 = arith.remsi %rem3A_111, %rem3A_112 : i32
      %get3A = arith.constant 0 : index
      %get3A_114 = tpu.vector_load %arg14[%get3A] {strides = array<i32>} : memref<768xi32, #tpu.memory_space<vmem>>, vector<16xi32>,
      %shift_right_logical3A = arith.constant 14 : i32
      %shift_right_logical3A_115 = vector.broadcast %shift_right_logical3A : i32 to vector<16xi32>
      %shift_right_logical3A_116 = arith.shrui %get3A_114, %shift_right_logical3A_115 : vector<16xi32>
      %and3A_117 = arith.constant 16383 : i32
      %and3A_118 = vector.broadcast %and3A_117 : i32 to vector<16xi32>
      %and3A_119 = arith.andi %get3A_114, %and3A_118 : vector<16xi32>
      %dma_start3A_120 = arith.constant 0 : i32
      %dma_start3A_121 = arith.constant 0 : i32
      %dma_start3A_122 = tpu.memref_slice %arg15[%rem3A_113, %dma_start3A_120, %dma_start3A_121] : memref<2x16x128xf32, #tpu.memory_space<vmem>> -> memref<1x16x128xf32, #tpu.memory_space<vmem>>
      %dma_start3A_123 = tpu.memref_squeeze %dma_start3A_122 : memref<1x16x128xf32, #tpu.memory_space<vmem>> -> memref<16x128xf32, #tpu.memory_space<vmem>>
      %dma_start3A_124 = arith.constant 0 : i32
      %dma_start3A_125 = arith.constant 0 : i32
      %dma_start3A_126 = tpu.memref_slice %arg2[%dma_start3A_124, %dma_start3A_125] : memref<10000x128xf32, #tpu.memory_space<hbm>> -> memref<10000x128xf32, #tpu.memory_space<hbm>>
      tpu.enqueue_indirect_dma source(%dma_start3A_126 : memref<10000x128xf32, #tpu.memory_space<hbm>>) target(%dma_start3A_123 : memref<16x128xf32, #tpu.memory_space<vmem>>) offsets(%shift_right_logical3A_116 : vector<16xi32>) semaphore(%arg18 : memref<!tpu.dma_semaphore, #tpu.memory_space<semaphore_mem>>)
      %dma_start3A_127 = arith.constant 0 : i32
      %dma_start3A_128 = arith.constant 0 : i32
      %dma_start3A_129 = tpu.memref_slice %arg16[%rem3A_113, %dma_start3A_127, %dma_start3A_128] : memref<2x16x128xf32, #tpu.memory_space<vmem>> -> memref<1x16x128xf32, #tpu.memory_space<vmem>>
      %dma_start3A_130 = tpu.memref_squeeze %dma_start3A_129 : memref<1x16x128xf32, #tpu.memory_space<vmem>> -> memref<16x128xf32, #tpu.memory_space<vmem>>
      %dma_start3A_131 = arith.constant 0 : i32
      %dma_start3A_132 = arith.constant 0 : i32
      %dma_start3A_133 = tpu.memref_slice %arg3[%dma_start3A_131, %dma_start3A_132] : memref<10032x128xf32, #tpu.memory_space<hbm>> -> memref<10032x128xf32, #tpu.memory_space<hbm>>
      tpu.enqueue_indirect_dma source(%dma_start3A_133 : memref<10032x128xf32, #tpu.memory_space<hbm>>) target(%dma_start3A_130 : memref<16x128xf32, #tpu.memory_space<vmem>>) offsets(%and3A_119 : vector<16xi32>) semaphore(%arg19 : memref<!tpu.dma_semaphore, #tpu.memory_space<semaphore_mem>>)
      %while3A = arith.constant 0 : i32
      %while3A_134 = arith.constant 0 : i32
      %while3A_135 = arith.subi %select_n3A_110, %while3A : i32
      %while3A_136 = arith.addi %while3A, %while3A_135 : i32
      %while3A_137 = arith.constant 1 : i32
      %while3A_138 = arith.divsi %while3A_135, %while3A_137 : i32
      %while3A_139 = arith.muli %while3A_138, %while3A_137 : i32
      %while3A_140 = arith.addi %while3A, %while3A_139 : i32
      %while3A_141 = arith.constant 1 : i32
      %while3A_142 = scf.for %while3A_146 = %while3A to %while3A_140 step %while3A_141 iter_args(%while3A_147 = %while3A_134) -> (i32)  : i32 {
        %rem3A_148 = arith.constant 2 : i32
        %rem3A_149 = arith.remsi %while3A_146, %rem3A_148 : i32
        %mul3A_150 = arith.constant 16 : i32
        %mul3A_151 = arith.muli %while3A_146, %mul3A_150 : i32
        %get3A_152 = arith.index_cast %mul3A_151 : i32 to index
        %get3A_153 = tpu.vector_load %arg14[%get3A_152] {strides = array<i32>} : memref<768xi32, #tpu.memory_space<vmem>>, vector<16xi32>,
        %shift_right_logical3A_154 = arith.constant 14 : i32
        %shift_right_logical3A_155 = vector.broadcast %shift_right_logical3A_154 : i32 to vector<16xi32>
        %shift_right_logical3A_156 = arith.shrui %get3A_153, %shift_right_logical3A_155 : vector<16xi32>
        %and3A_157 = arith.constant 16383 : i32
        %and3A_158 = vector.broadcast %and3A_157 : i32 to vector<16xi32>
        %and3A_159 = arith.andi %get3A_153, %and3A_158 : vector<16xi32>
        %dma_wait3A = arith.constant 0 : i32
        %dma_wait3A_160 = arith.constant 0 : i32
        %dma_wait3A_161 = tpu.memref_slice %arg15[%rem3A_149, %dma_wait3A, %dma_wait3A_160] : memref<2x16x128xf32, #tpu.memory_space<vmem>> -> memref<1x16x128xf32, #tpu.memory_space<vmem>>
        %dma_wait3A_162 = tpu.memref_squeeze %dma_wait3A_161 : memref<1x16x128xf32, #tpu.memory_space<vmem>> -> memref<16x128xf32, #tpu.memory_space<vmem>>
        %dma_wait3A_163 = arith.constant 0 : i32
        %dma_wait3A_164 = arith.constant 0 : i32
        %dma_wait3A_165 = tpu.memref_slice %arg2[%dma_wait3A_163, %dma_wait3A_164] : memref<10000x128xf32, #tpu.memory_space<hbm>> -> memref<10000x128xf32, #tpu.memory_space<hbm>>
        tpu.wait_indirect_dma semaphore(%arg18 : memref<!tpu.dma_semaphore, #tpu.memory_space<semaphore_mem>>) src(%dma_wait3A_165 : memref<10000x128xf32, #tpu.memory_space<hbm>>) dst(%dma_wait3A_162 : memref<16x128xf32, #tpu.memory_space<vmem>>)
        %dma_wait3A_166 = arith.constant 0 : i32
        %dma_wait3A_167 = arith.constant 0 : i32
        %dma_wait3A_168 = tpu.memref_slice %arg16[%rem3A_149, %dma_wait3A_166, %dma_wait3A_167] : memref<2x16x128xf32, #tpu.memory_space<vmem>> -> memref<1x16x128xf32, #tpu.memory_space<vmem>>
        %dma_wait3A_169 = tpu.memref_squeeze %dma_wait3A_168 : memref<1x16x128xf32, #tpu.memory_space<vmem>> -> memref<16x128xf32, #tpu.memory_space<vmem>>
        %dma_wait3A_170 = arith.constant 0 : i32
        %dma_wait3A_171 = arith.constant 0 : i32
        %dma_wait3A_172 = tpu.memref_slice %arg3[%dma_wait3A_170, %dma_wait3A_171] : memref<10032x128xf32, #tpu.memory_space<hbm>> -> memref<10032x128xf32, #tpu.memory_space<hbm>>
        tpu.wait_indirect_dma semaphore(%arg19 : memref<!tpu.dma_semaphore, #tpu.memory_space<semaphore_mem>>) src(%dma_wait3A_172 : memref<10032x128xf32, #tpu.memory_space<hbm>>) dst(%dma_wait3A_169 : memref<16x128xf32, #tpu.memory_space<vmem>>)
        %add3A_173 = arith.constant 1 : i32
        %add3A_174 = arith.addi %while3A_146, %add3A_173 : i32
        %lt3A = arith.cmpi slt, %add3A_174, %select_n3A_110 : i32
        %convert_element_type3A_175 = arith.extui %lt3A : i1 to i32
        %cond3A_176 = arith.constant 0 : i32
        %cond3A_177 = arith.cmpi ne, %convert_element_type3A_175, %cond3A_176 : i32
        scf.if %cond3A_177 {
          %add3A_188 = arith.constant 1 : i32
          %add3A_189 = arith.addi %while3A_146, %add3A_188 : i32
          %rem3A_190 = arith.constant 2 : i32
          %rem3A_191 = arith.remsi %add3A_189, %rem3A_190 : i32
          %mul3A_192 = arith.constant 16 : i32
          %mul3A_193 = arith.muli %add3A_189, %mul3A_192 : i32
          %get3A_194 = arith.index_cast %mul3A_193 : i32 to index
          %get3A_195 = tpu.vector_load %arg14[%get3A_194] {strides = array<i32>} : memref<768xi32, #tpu.memory_space<vmem>>, vector<16xi32>,
          %shift_right_logical3A_196 = arith.constant 14 : i32
          %shift_right_logical3A_197 = vector.broadcast %shift_right_logical3A_196 : i32 to vector<16xi32>
          %shift_right_logical3A_198 = arith.shrui %get3A_195, %shift_right_logical3A_197 : vector<16xi32>
          %and3A_199 = arith.constant 16383 : i32
          %and3A_200 = vector.broadcast %and3A_199 : i32 to vector<16xi32>
          %and3A_201 = arith.andi %get3A_195, %and3A_200 : vector<16xi32>
          %dma_start3A_202 = arith.constant 0 : i32
          %dma_start3A_203 = arith.constant 0 : i32
          %dma_start3A_204 = tpu.memref_slice %arg15[%rem3A_191, %dma_start3A_202, %dma_start3A_203] : memref<2x16x128xf32, #tpu.memory_space<vmem>> -> memref<1x16x128xf32, #tpu.memory_space<vmem>>
          %dma_start3A_205 = tpu.memref_squeeze %dma_start3A_204 : memref<1x16x128xf32, #tpu.memory_space<vmem>> -> memref<16x128xf32, #tpu.memory_space<vmem>>
          %dma_start3A_206 = arith.constant 0 : i32
          %dma_start3A_207 = arith.constant 0 : i32
          %dma_start3A_208 = tpu.memref_slice %arg2[%dma_start3A_206, %dma_start3A_207] : memref<10000x128xf32, #tpu.memory_space<hbm>> -> memref<10000x128xf32, #tpu.memory_space<hbm>>
          tpu.enqueue_indirect_dma source(%dma_start3A_208 : memref<10000x128xf32, #tpu.memory_space<hbm>>) target(%dma_start3A_205 : memref<16x128xf32, #tpu.memory_space<vmem>>) offsets(%shift_right_logical3A_198 : vector<16xi32>) semaphore(%arg18 : memref<!tpu.dma_semaphore, #tpu.memory_space<semaphore_mem>>)
          %dma_start3A_209 = arith.constant 0 : i32
          %dma_start3A_210 = arith.constant 0 : i32
          %dma_start3A_211 = tpu.memref_slice %arg16[%rem3A_191, %dma_start3A_209, %dma_start3A_210] : memref<2x16x128xf32, #tpu.memory_space<vmem>> -> memref<1x16x128xf32, #tpu.memory_space<vmem>>
          %dma_start3A_212 = tpu.memref_squeeze %dma_start3A_211 : memref<1x16x128xf32, #tpu.memory_space<vmem>> -> memref<16x128xf32, #tpu.memory_space<vmem>>
          %dma_start3A_213 = arith.constant 0 : i32
          %dma_start3A_214 = arith.constant 0 : i32
          %dma_start3A_215 = tpu.memref_slice %arg3[%dma_start3A_213, %dma_start3A_214] : memref<10032x128xf32, #tpu.memory_space<hbm>> -> memref<10032x128xf32, #tpu.memory_space<hbm>>
          tpu.enqueue_indirect_dma source(%dma_start3A_215 : memref<10032x128xf32, #tpu.memory_space<hbm>>) target(%dma_start3A_212 : memref<16x128xf32, #tpu.memory_space<vmem>>) offsets(%and3A_201 : vector<16xi32>) semaphore(%arg19 : memref<!tpu.dma_semaphore, #tpu.memory_space<semaphore_mem>>)
        } else {
        }
        %sub3A_178 = vector.broadcast %mul3A_2 : i32 to vector<16xi32>
        %sub3A_179 = arith.subi %and3A_159, %sub3A_178 : vector<16xi32>
        %scan3A_180 = arith.constant 0 : i32
        %scan3A_181 = arith.constant 0 : i32
        %scan3A_182 = arith.constant 16 : i32
        %scan3A_183 = arith.addi %scan3A_181, %scan3A_182 : i32
        %scan3A_184 = arith.constant 1 : i32
        %scan3A_185 = scf.for %scan3A_188 = %scan3A_181 to %scan3A_183 step %scan3A_184 iter_args(%scan3A_189 = %scan3A_180) -> (i32)  : i32 {
          %eq3A_190 = vector.broadcast %scan3A_188 : i32 to vector<16xi32>
          %eq3A_191 = arith.cmpi eq, %iota3A, %eq3A_190 : vector<16xi32>
          %jit3A_192 = arith.constant 0 : i32
          %broadcast_in_dim3A_193 = vector.broadcast %jit3A_192 : i32 to vector<16xi32>
          %select_n3A_194 = arith.select %eq3A_191, %sub3A_179, %broadcast_in_dim3A_193 : vector<16xi1>, vector<16xi32>
          %reduce_sum3A = arith.constant true
          %reduce_sum3A_195 = vector.broadcast %reduce_sum3A : i1 to vector<16xi1>
          %reduce_sum3A_196 = tpu.scan <sum>, %select_n3A_194 masked %reduce_sum3A_195 : vector<16xi32>, vector<16xi1> -> vector<16xi32>
          %reduce_sum3A_197 = vector.extract %reduce_sum3A_196[15] : i32 from vector<16xi32>
          %mul3A_198 = arith.constant 128 : i32
          %mul3A_199 = arith.muli %reduce_sum3A_197, %mul3A_198 : i32
          %get3A_200 = arith.constant 0 : i32
          %get3A_201 = arith.constant 0 : i32
          %get3A_202 = tpu.memref_slice %arg15[%rem3A_149, %get3A_200, %get3A_201] : memref<2x16x128xf32, #tpu.memory_space<vmem>> -> memref<1x16x128xf32, #tpu.memory_space<vmem>>
          %get3A_203 = tpu.memref_squeeze %get3A_202 : memref<1x16x128xf32, #tpu.memory_space<vmem>> -> memref<16x128xf32, #tpu.memory_space<vmem>>
          %get3A_204 = arith.constant 0 : i32
          %get3A_205 = tpu.memref_slice %get3A_203[%scan3A_188, %get3A_204] : memref<16x128xf32, #tpu.memory_space<vmem>> -> memref<1x128xf32, #tpu.memory_space<vmem>>
          %get3A_206 = tpu.memref_squeeze %get3A_205 : memref<1x128xf32, #tpu.memory_space<vmem>> -> memref<128xf32, #tpu.memory_space<vmem>>
          %get3A_207 = arith.constant 0 : index
          %get3A_208 = tpu.vector_load %get3A_206[%get3A_207] {strides = array<i32>} : memref<128xf32, #tpu.memory_space<vmem>>, vector<16xf32>,
          %get3A_209 = arith.constant 0 : i32
          %get3A_210 = arith.constant 0 : i32
          %get3A_211 = tpu.memref_slice %arg16[%rem3A_149, %get3A_209, %get3A_210] : memref<2x16x128xf32, #tpu.memory_space<vmem>> -> memref<1x16x128xf32, #tpu.memory_space<vmem>>
          %get3A_212 = tpu.memref_squeeze %get3A_211 : memref<1x16x128xf32, #tpu.memory_space<vmem>> -> memref<16x128xf32, #tpu.memory_space<vmem>>
          %get3A_213 = arith.constant 0 : i32
          %get3A_214 = tpu.memref_slice %get3A_212[%scan3A_188, %get3A_213] : memref<16x128xf32, #tpu.memory_space<vmem>> -> memref<1x128xf32, #tpu.memory_space<vmem>>
          %get3A_215 = tpu.memref_squeeze %get3A_214 : memref<1x128xf32, #tpu.memory_space<vmem>> -> memref<128xf32, #tpu.memory_space<vmem>>
          %get3A_216 = arith.constant 0 : index
          %get3A_217 = tpu.vector_load %get3A_215[%get3A_216] {strides = array<i32>} : memref<128xf32, #tpu.memory_space<vmem>>, vector<16xf32>,
          %add3A_218 = arith.addf %get3A_208, %get3A_217 : vector<16xf32>
          %max3A = arith.constant 0.000000e+00 : f32
          %max3A_219 = vector.broadcast %max3A : f32 to vector<16xf32>
          %max3A_220 = arith.maximumf %add3A_218, %max3A_219 : vector<16xf32>
          %add3A_221 = arith.constant 0 : i32
          %add3A_222 = arith.addi %mul3A_199, %add3A_221 : i32
          %swap3A_223 = arith.index_cast %add3A_222 : i32 to index
          %swap3A_224 = tpu.vector_load %arg9[%swap3A_223] {strides = array<i32>} : memref<40192xf32, #tpu.memory_space<vmem>>, vector<16xf32>,
          tpu.vector_store %arg9[%swap3A_223], %max3A_220 {add = true, strides = array<i32>} : memref<40192xf32, #tpu.memory_space<vmem>>, vector<16xf32>,
          %get3A_225 = arith.index_cast %add3A_222 : i32 to index
          %get3A_226 = tpu.vector_load %arg10[%get3A_225] {strides = array<i32>} : memref<40192xf32, #tpu.memory_space<vmem>>, vector<16xf32>,
          %max3A_227 = arith.maximumf %get3A_226, %max3A_220 : vector<16xf32>
          %swap3A_228 = arith.index_cast %add3A_222 : i32 to index
          %swap3A_229 = tpu.vector_load %arg10[%swap3A_228] {strides = array<i32>} : memref<40192xf32, #tpu.memory_space<vmem>>, vector<16xf32>,
          tpu.vector_store %arg10[%swap3A_228], %max3A_227 {strides = array<i32>} : memref<40192xf32, #tpu.memory_space<vmem>>, vector<16xf32>,
          %get3A_230 = arith.index_cast %add3A_222 : i32 to index
          %get3A_231 = tpu.vector_load %arg11[%get3A_230] {strides = array<i32>} : memref<40192xf32, #tpu.memory_space<vmem>>, vector<16xf32>,
          %min3A = arith.minimumf %get3A_231, %max3A_220 : vector<16xf32>
          %swap3A_232 = arith.index_cast %add3A_222 : i32 to index
          %swap3A_233 = tpu.vector_load %arg11[%swap3A_232] {strides = array<i32>} : memref<40192xf32, #tpu.memory_space<vmem>>, vector<16xf32>,
          tpu.vector_store %arg11[%swap3A_232], %min3A {strides = array<i32>} : memref<40192xf32, #tpu.memory_space<vmem>>, vector<16xf32>,
          %get3A_234 = arith.constant 0 : i32
          %get3A_235 = arith.constant 0 : i32
          %get3A_236 = tpu.memref_slice %arg15[%rem3A_149, %get3A_234, %get3A_235] : memref<2x16x128xf32, #tpu.memory_space<vmem>> -> memref<1x16x128xf32, #tpu.memory_space<vmem>>
          %get3A_237 = tpu.memref_squeeze %get3A_236 : memref<1x16x128xf32, #tpu.memory_space<vmem>> -> memref<16x128xf32, #tpu.memory_space<vmem>>
          %get3A_238 = arith.constant 0 : i32
          %get3A_239 = tpu.memref_slice %get3A_237[%scan3A_188, %get3A_238] : memref<16x128xf32, #tpu.memory_space<vmem>> -> memref<1x128xf32, #tpu.memory_space<vmem>>
          %get3A_240 = tpu.memref_squeeze %get3A_239 : memref<1x128xf32, #tpu.memory_space<vmem>> -> memref<128xf32, #tpu.memory_space<vmem>>
          %get3A_241 = arith.constant 16 : index
          %get3A_242 = tpu.vector_load %get3A_240[%get3A_241] {strides = array<i32>} : memref<128xf32, #tpu.memory_space<vmem>>, vector<16xf32>,
          %get3A_243 = arith.constant 0 : i32
          %get3A_244 = arith.constant 0 : i32
          %get3A_245 = tpu.memref_slice %arg16[%rem3A_149, %get3A_243, %get3A_244] : memref<2x16x128xf32, #tpu.memory_space<vmem>> -> memref<1x16x128xf32, #tpu.memory_space<vmem>>
          %get3A_246 = tpu.memref_squeeze %get3A_245 : memref<1x16x128xf32, #tpu.memory_space<vmem>> -> memref<16x128xf32, #tpu.memory_space<vmem>>
          %get3A_247 = arith.constant 0 : i32
          %get3A_248 = tpu.memref_slice %get3A_246[%scan3A_188, %get3A_247] : memref<16x128xf32, #tpu.memory_space<vmem>> -> memref<1x128xf32, #tpu.memory_space<vmem>>
          %get3A_249 = tpu.memref_squeeze %get3A_248 : memref<1x128xf32, #tpu.memory_space<vmem>> -> memref<128xf32, #tpu.memory_space<vmem>>
          %get3A_250 = arith.constant 16 : index
          %get3A_251 = tpu.vector_load %get3A_249[%get3A_250] {strides = array<i32>} : memref<128xf32, #tpu.memory_space<vmem>>, vector<16xf32>,
          %add3A_252 = arith.addf %get3A_242, %get3A_251 : vector<16xf32>
          %max3A_253 = arith.constant 0.000000e+00 : f32
          %max3A_254 = vector.broadcast %max3A_253 : f32 to vector<16xf32>
          %max3A_255 = arith.maximumf %add3A_252, %max3A_254 : vector<16xf32>
          %add3A_256 = arith.constant 16 : i32
          %add3A_257 = arith.addi %mul3A_199, %add3A_256 : i32
          %swap3A_258 = arith.index_cast %add3A_257 : i32 to index
          %swap3A_259 = tpu.vector_load %arg9[%swap3A_258] {strides = array<i32>} : memref<40192xf32, #tpu.memory_space<vmem>>, vector<16xf32>,
          tpu.vector_store %arg9[%swap3A_258], %max3A_255 {add = true, strides = array<i32>} : memref<40192xf32, #tpu.memory_space<vmem>>, vector<16xf32>,
          %get3A_260 = arith.index_cast %add3A_257 : i32 to index
          %get3A_261 = tpu.vector_load %arg10[%get3A_260] {strides = array<i32>} : memref<40192xf32, #tpu.memory_space<vmem>>, vector<16xf32>,
          %max3A_262 = arith.maximumf %get3A_261, %max3A_255 : vector<16xf32>
          %swap3A_263 = arith.index_cast %add3A_257 : i32 to index
          %swap3A_264 = tpu.vector_load %arg10[%swap3A_263] {strides = array<i32>} : memref<40192xf32, #tpu.memory_space<vmem>>, vector<16xf32>,
          tpu.vector_store %arg10[%swap3A_263], %max3A_262 {strides = array<i32>} : memref<40192xf32, #tpu.memory_space<vmem>>, vector<16xf32>,
          %get3A_265 = arith.index_cast %add3A_257 : i32 to index
          %get3A_266 = tpu.vector_load %arg11[%get3A_265] {strides = array<i32>} : memref<40192xf32, #tpu.memory_space<vmem>>, vector<16xf32>,
          %min3A_267 = arith.minimumf %get3A_266, %max3A_255 : vector<16xf32>
          %swap3A_268 = arith.index_cast %add3A_257 : i32 to index
          %swap3A_269 = tpu.vector_load %arg11[%swap3A_268] {strides = array<i32>} : memref<40192xf32, #tpu.memory_space<vmem>>, vector<16xf32>,
          tpu.vector_store %arg11[%swap3A_268], %min3A_267 {strides = array<i32>} : memref<40192xf32, #tpu.memory_space<vmem>>, vector<16xf32>,
          %get3A_270 = arith.constant 0 : i32
          %get3A_271 = arith.constant 0 : i32
          %get3A_272 = tpu.memref_slice %arg15[%rem3A_149, %get3A_270, %get3A_271] : memref<2x16x128xf32, #tpu.memory_space<vmem>> -> memref<1x16x128xf32, #tpu.memory_space<vmem>>
          %get3A_273 = tpu.memref_squeeze %get3A_272 : memref<1x16x128xf32, #tpu.memory_space<vmem>> -> memref<16x128xf32, #tpu.memory_space<vmem>>
          %get3A_274 = arith.constant 0 : i32
          %get3A_275 = tpu.memref_slice %get3A_273[%scan3A_188, %get3A_274] : memref<16x128xf32, #tpu.memory_space<vmem>> -> memref<1x128xf32, #tpu.memory_space<vmem>>
          %get3A_276 = tpu.memref_squeeze %get3A_275 : memref<1x128xf32, #tpu.memory_space<vmem>> -> memref<128xf32, #tpu.memory_space<vmem>>
          %get3A_277 = arith.constant 32 : index
          %get3A_278 = tpu.vector_load %get3A_276[%get3A_277] {strides = array<i32>} : memref<128xf32, #tpu.memory_space<vmem>>, vector<16xf32>,
          %get3A_279 = arith.constant 0 : i32
          %get3A_280 = arith.constant 0 : i32
          %get3A_281 = tpu.memref_slice %arg16[%rem3A_149, %get3A_279, %get3A_280] : memref<2x16x128xf32, #tpu.memory_space<vmem>> -> memref<1x16x128xf32, #tpu.memory_space<vmem>>
          %get3A_282 = tpu.memref_squeeze %get3A_281 : memref<1x16x128xf32, #tpu.memory_space<vmem>> -> memref<16x128xf32, #tpu.memory_space<vmem>>
          %get3A_283 = arith.constant 0 : i32
          %get3A_284 = tpu.memref_slice %get3A_282[%scan3A_188, %get3A_283] : memref<16x128xf32, #tpu.memory_space<vmem>> -> memref<1x128xf32, #tpu.memory_space<vmem>>
          %get3A_285 = tpu.memref_squeeze %get3A_284 : memref<1x128xf32, #tpu.memory_space<vmem>> -> memref<128xf32, #tpu.memory_space<vmem>>
          %get3A_286 = arith.constant 32 : index
          %get3A_287 = tpu.vector_load %get3A_285[%get3A_286] {strides = array<i32>} : memref<128xf32, #tpu.memory_space<vmem>>, vector<16xf32>,
          %add3A_288 = arith.addf %get3A_278, %get3A_287 : vector<16xf32>
          %max3A_289 = arith.constant 0.000000e+00 : f32
          %max3A_290 = vector.broadcast %max3A_289 : f32 to vector<16xf32>
          %max3A_291 = arith.maximumf %add3A_288, %max3A_290 : vector<16xf32>
          %add3A_292 = arith.constant 32 : i32
          %add3A_293 = arith.addi %mul3A_199, %add3A_292 : i32
          %swap3A_294 = arith.index_cast %add3A_293 : i32 to index
          %swap3A_295 = tpu.vector_load %arg9[%swap3A_294] {strides = array<i32>} : memref<40192xf32, #tpu.memory_space<vmem>>, vector<16xf32>,
          tpu.vector_store %arg9[%swap3A_294], %max3A_291 {add = true, strides = array<i32>} : memref<40192xf32, #tpu.memory_space<vmem>>, vector<16xf32>,
          %get3A_296 = arith.index_cast %add3A_293 : i32 to index
          %get3A_297 = tpu.vector_load %arg10[%get3A_296] {strides = array<i32>} : memref<40192xf32, #tpu.memory_space<vmem>>, vector<16xf32>,
          %max3A_298 = arith.maximumf %get3A_297, %max3A_291 : vector<16xf32>
          %swap3A_299 = arith.index_cast %add3A_293 : i32 to index
          %swap3A_300 = tpu.vector_load %arg10[%swap3A_299] {strides = array<i32>} : memref<40192xf32, #tpu.memory_space<vmem>>, vector<16xf32>,
          tpu.vector_store %arg10[%swap3A_299], %max3A_298 {strides = array<i32>} : memref<40192xf32, #tpu.memory_space<vmem>>, vector<16xf32>,
          %get3A_301 = arith.index_cast %add3A_293 : i32 to index
          %get3A_302 = tpu.vector_load %arg11[%get3A_301] {strides = array<i32>} : memref<40192xf32, #tpu.memory_space<vmem>>, vector<16xf32>,
          %min3A_303 = arith.minimumf %get3A_302, %max3A_291 : vector<16xf32>
          %swap3A_304 = arith.index_cast %add3A_293 : i32 to index
          %swap3A_305 = tpu.vector_load %arg11[%swap3A_304] {strides = array<i32>} : memref<40192xf32, #tpu.memory_space<vmem>>, vector<16xf32>,
          tpu.vector_store %arg11[%swap3A_304], %min3A_303 {strides = array<i32>} : memref<40192xf32, #tpu.memory_space<vmem>>, vector<16xf32>,
          %get3A_306 = arith.constant 0 : i32
          %get3A_307 = arith.constant 0 : i32
          %get3A_308 = tpu.memref_slice %arg15[%rem3A_149, %get3A_306, %get3A_307] : memref<2x16x128xf32, #tpu.memory_space<vmem>> -> memref<1x16x128xf32, #tpu.memory_space<vmem>>
          %get3A_309 = tpu.memref_squeeze %get3A_308 : memref<1x16x128xf32, #tpu.memory_space<vmem>> -> memref<16x128xf32, #tpu.memory_space<vmem>>
          %get3A_310 = arith.constant 0 : i32
          %get3A_311 = tpu.memref_slice %get3A_309[%scan3A_188, %get3A_310] : memref<16x128xf32, #tpu.memory_space<vmem>> -> memref<1x128xf32, #tpu.memory_space<vmem>>
          %get3A_312 = tpu.memref_squeeze %get3A_311 : memref<1x128xf32, #tpu.memory_space<vmem>> -> memref<128xf32, #tpu.memory_space<vmem>>
          %get3A_313 = arith.constant 48 : index
          %get3A_314 = tpu.vector_load %get3A_312[%get3A_313] {strides = array<i32>} : memref<128xf32, #tpu.memory_space<vmem>>, vector<16xf32>,
          %get3A_315 = arith.constant 0 : i32
          %get3A_316 = arith.constant 0 : i32
          %get3A_317 = tpu.memref_slice %arg16[%rem3A_149, %get3A_315, %get3A_316] : memref<2x16x128xf32, #tpu.memory_space<vmem>> -> memref<1x16x128xf32, #tpu.memory_space<vmem>>
          %get3A_318 = tpu.memref_squeeze %get3A_317 : memref<1x16x128xf32, #tpu.memory_space<vmem>> -> memref<16x128xf32, #tpu.memory_space<vmem>>
          %get3A_319 = arith.constant 0 : i32
          %get3A_320 = tpu.memref_slice %get3A_318[%scan3A_188, %get3A_319] : memref<16x128xf32, #tpu.memory_space<vmem>> -> memref<1x128xf32, #tpu.memory_space<vmem>>
          %get3A_321 = tpu.memref_squeeze %get3A_320 : memref<1x128xf32, #tpu.memory_space<vmem>> -> memref<128xf32, #tpu.memory_space<vmem>>
          %get3A_322 = arith.constant 48 : index
          %get3A_323 = tpu.vector_load %get3A_321[%get3A_322] {strides = array<i32>} : memref<128xf32, #tpu.memory_space<vmem>>, vector<16xf32>,
          %add3A_324 = arith.addf %get3A_314, %get3A_323 : vector<16xf32>
          %max3A_325 = arith.constant 0.000000e+00 : f32
          %max3A_326 = vector.broadcast %max3A_325 : f32 to vector<16xf32>
          %max3A_327 = arith.maximumf %add3A_324, %max3A_326 : vector<16xf32>
          %add3A_328 = arith.constant 48 : i32
          %add3A_329 = arith.addi %mul3A_199, %add3A_328 : i32
          %swap3A_330 = arith.index_cast %add3A_329 : i32 to index
          %swap3A_331 = tpu.vector_load %arg9[%swap3A_330] {strides = array<i32>} : memref<40192xf32, #tpu.memory_space<vmem>>, vector<16xf32>,
          tpu.vector_store %arg9[%swap3A_330], %max3A_327 {add = true, strides = array<i32>} : memref<40192xf32, #tpu.memory_space<vmem>>, vector<16xf32>,
          %get3A_332 = arith.index_cast %add3A_329 : i32 to index
          %get3A_333 = tpu.vector_load %arg10[%get3A_332] {strides = array<i32>} : memref<40192xf32, #tpu.memory_space<vmem>>, vector<16xf32>,
          %max3A_334 = arith.maximumf %get3A_333, %max3A_327 : vector<16xf32>
          %swap3A_335 = arith.index_cast %add3A_329 : i32 to index
          %swap3A_336 = tpu.vector_load %arg10[%swap3A_335] {strides = array<i32>} : memref<40192xf32, #tpu.memory_space<vmem>>, vector<16xf32>,
          tpu.vector_store %arg10[%swap3A_335], %max3A_334 {strides = array<i32>} : memref<40192xf32, #tpu.memory_space<vmem>>, vector<16xf32>,
          %get3A_337 = arith.index_cast %add3A_329 : i32 to index
          %get3A_338 = tpu.vector_load %arg11[%get3A_337] {strides = array<i32>} : memref<40192xf32, #tpu.memory_space<vmem>>, vector<16xf32>,
          %min3A_339 = arith.minimumf %get3A_338, %max3A_327 : vector<16xf32>
          %swap3A_340 = arith.index_cast %add3A_329 : i32 to index
          %swap3A_341 = tpu.vector_load %arg11[%swap3A_340] {strides = array<i32>} : memref<40192xf32, #tpu.memory_space<vmem>>, vector<16xf32>,
          tpu.vector_store %arg11[%swap3A_340], %min3A_339 {strides = array<i32>} : memref<40192xf32, #tpu.memory_space<vmem>>, vector<16xf32>,
          %get3A_342 = arith.constant 0 : i32
          %get3A_343 = arith.constant 0 : i32
          %get3A_344 = tpu.memref_slice %arg15[%rem3A_149, %get3A_342, %get3A_343] : memref<2x16x128xf32, #tpu.memory_space<vmem>> -> memref<1x16x128xf32, #tpu.memory_space<vmem>>
          %get3A_345 = tpu.memref_squeeze %get3A_344 : memref<1x16x128xf32, #tpu.memory_space<vmem>> -> memref<16x128xf32, #tpu.memory_space<vmem>>
          %get3A_346 = arith.constant 0 : i32
          %get3A_347 = tpu.memref_slice %get3A_345[%scan3A_188, %get3A_346] : memref<16x128xf32, #tpu.memory_space<vmem>> -> memref<1x128xf32, #tpu.memory_space<vmem>>
          %get3A_348 = tpu.memref_squeeze %get3A_347 : memref<1x128xf32, #tpu.memory_space<vmem>> -> memref<128xf32, #tpu.memory_space<vmem>>
          %get3A_349 = arith.constant 64 : index
          %get3A_350 = tpu.vector_load %get3A_348[%get3A_349] {strides = array<i32>} : memref<128xf32, #tpu.memory_space<vmem>>, vector<16xf32>,
          %get3A_351 = arith.constant 0 : i32
          %get3A_352 = arith.constant 0 : i32
          %get3A_353 = tpu.memref_slice %arg16[%rem3A_149, %get3A_351, %get3A_352] : memref<2x16x128xf32, #tpu.memory_space<vmem>> -> memref<1x16x128xf32, #tpu.memory_space<vmem>>
          %get3A_354 = tpu.memref_squeeze %get3A_353 : memref<1x16x128xf32, #tpu.memory_space<vmem>> -> memref<16x128xf32, #tpu.memory_space<vmem>>
          %get3A_355 = arith.constant 0 : i32
          %get3A_356 = tpu.memref_slice %get3A_354[%scan3A_188, %get3A_355] : memref<16x128xf32, #tpu.memory_space<vmem>> -> memref<1x128xf32, #tpu.memory_space<vmem>>
          %get3A_357 = tpu.memref_squeeze %get3A_356 : memref<1x128xf32, #tpu.memory_space<vmem>> -> memref<128xf32, #tpu.memory_space<vmem>>
          %get3A_358 = arith.constant 64 : index
          %get3A_359 = tpu.vector_load %get3A_357[%get3A_358] {strides = array<i32>} : memref<128xf32, #tpu.memory_space<vmem>>, vector<16xf32>,
          %add3A_360 = arith.addf %get3A_350, %get3A_359 : vector<16xf32>
          %max3A_361 = arith.constant 0.000000e+00 : f32
          %max3A_362 = vector.broadcast %max3A_361 : f32 to vector<16xf32>
          %max3A_363 = arith.maximumf %add3A_360, %max3A_362 : vector<16xf32>
          %add3A_364 = arith.constant 64 : i32
          %add3A_365 = arith.addi %mul3A_199, %add3A_364 : i32
          %swap3A_366 = arith.index_cast %add3A_365 : i32 to index
          %swap3A_367 = tpu.vector_load %arg9[%swap3A_366] {strides = array<i32>} : memref<40192xf32, #tpu.memory_space<vmem>>, vector<16xf32>,
          tpu.vector_store %arg9[%swap3A_366], %max3A_363 {add = true, strides = array<i32>} : memref<40192xf32, #tpu.memory_space<vmem>>, vector<16xf32>,
          %get3A_368 = arith.index_cast %add3A_365 : i32 to index
          %get3A_369 = tpu.vector_load %arg10[%get3A_368] {strides = array<i32>} : memref<40192xf32, #tpu.memory_space<vmem>>, vector<16xf32>,
          %max3A_370 = arith.maximumf %get3A_369, %max3A_363 : vector<16xf32>
          %swap3A_371 = arith.index_cast %add3A_365 : i32 to index
          %swap3A_372 = tpu.vector_load %arg10[%swap3A_371] {strides = array<i32>} : memref<40192xf32, #tpu.memory_space<vmem>>, vector<16xf32>,
          tpu.vector_store %arg10[%swap3A_371], %max3A_370 {strides = array<i32>} : memref<40192xf32, #tpu.memory_space<vmem>>, vector<16xf32>,
          %get3A_373 = arith.index_cast %add3A_365 : i32 to index
          %get3A_374 = tpu.vector_load %arg11[%get3A_373] {strides = array<i32>} : memref<40192xf32, #tpu.memory_space<vmem>>, vector<16xf32>,
          %min3A_375 = arith.minimumf %get3A_374, %max3A_363 : vector<16xf32>
          %swap3A_376 = arith.index_cast %add3A_365 : i32 to index
          %swap3A_377 = tpu.vector_load %arg11[%swap3A_376] {strides = array<i32>} : memref<40192xf32, #tpu.memory_space<vmem>>, vector<16xf32>,
          tpu.vector_store %arg11[%swap3A_376], %min3A_375 {strides = array<i32>} : memref<40192xf32, #tpu.memory_space<vmem>>, vector<16xf32>,
          %get3A_378 = arith.constant 0 : i32
          %get3A_379 = arith.constant 0 : i32
          %get3A_380 = tpu.memref_slice %arg15[%rem3A_149, %get3A_378, %get3A_379] : memref<2x16x128xf32, #tpu.memory_space<vmem>> -> memref<1x16x128xf32, #tpu.memory_space<vmem>>
          %get3A_381 = tpu.memref_squeeze %get3A_380 : memref<1x16x128xf32, #tpu.memory_space<vmem>> -> memref<16x128xf32, #tpu.memory_space<vmem>>
          %get3A_382 = arith.constant 0 : i32
          %get3A_383 = tpu.memref_slice %get3A_381[%scan3A_188, %get3A_382] : memref<16x128xf32, #tpu.memory_space<vmem>> -> memref<1x128xf32, #tpu.memory_space<vmem>>
          %get3A_384 = tpu.memref_squeeze %get3A_383 : memref<1x128xf32, #tpu.memory_space<vmem>> -> memref<128xf32, #tpu.memory_space<vmem>>
          %get3A_385 = arith.constant 80 : index
          %get3A_386 = tpu.vector_load %get3A_384[%get3A_385] {strides = array<i32>} : memref<128xf32, #tpu.memory_space<vmem>>, vector<16xf32>,
          %get3A_387 = arith.constant 0 : i32
          %get3A_388 = arith.constant 0 : i32
          %get3A_389 = tpu.memref_slice %arg16[%rem3A_149, %get3A_387, %get3A_388] : memref<2x16x128xf32, #tpu.memory_space<vmem>> -> memref<1x16x128xf32, #tpu.memory_space<vmem>>
          %get3A_390 = tpu.memref_squeeze %get3A_389 : memref<1x16x128xf32, #tpu.memory_space<vmem>> -> memref<16x128xf32, #tpu.memory_space<vmem>>
          %get3A_391 = arith.constant 0 : i32
          %get3A_392 = tpu.memref_slice %get3A_390[%scan3A_188, %get3A_391] : memref<16x128xf32, #tpu.memory_space<vmem>> -> memref<1x128xf32, #tpu.memory_space<vmem>>
          %get3A_393 = tpu.memref_squeeze %get3A_392 : memref<1x128xf32, #tpu.memory_space<vmem>> -> memref<128xf32, #tpu.memory_space<vmem>>
          %get3A_394 = arith.constant 80 : index
          %get3A_395 = tpu.vector_load %get3A_393[%get3A_394] {strides = array<i32>} : memref<128xf32, #tpu.memory_space<vmem>>, vector<16xf32>,
          %add3A_396 = arith.addf %get3A_386, %get3A_395 : vector<16xf32>
          %max3A_397 = arith.constant 0.000000e+00 : f32
          %max3A_398 = vector.broadcast %max3A_397 : f32 to vector<16xf32>
          %max3A_399 = arith.maximumf %add3A_396, %max3A_398 : vector<16xf32>
          %add3A_400 = arith.constant 80 : i32
          %add3A_401 = arith.addi %mul3A_199, %add3A_400 : i32
          %swap3A_402 = arith.index_cast %add3A_401 : i32 to index
          %swap3A_403 = tpu.vector_load %arg9[%swap3A_402] {strides = array<i32>} : memref<40192xf32, #tpu.memory_space<vmem>>, vector<16xf32>,
          tpu.vector_store %arg9[%swap3A_402], %max3A_399 {add = true, strides = array<i32>} : memref<40192xf32, #tpu.memory_space<vmem>>, vector<16xf32>,
          %get3A_404 = arith.index_cast %add3A_401 : i32 to index
          %get3A_405 = tpu.vector_load %arg10[%get3A_404] {strides = array<i32>} : memref<40192xf32, #tpu.memory_space<vmem>>, vector<16xf32>,
          %max3A_406 = arith.maximumf %get3A_405, %max3A_399 : vector<16xf32>
          %swap3A_407 = arith.index_cast %add3A_401 : i32 to index
          %swap3A_408 = tpu.vector_load %arg10[%swap3A_407] {strides = array<i32>} : memref<40192xf32, #tpu.memory_space<vmem>>, vector<16xf32>,
          tpu.vector_store %arg10[%swap3A_407], %max3A_406 {strides = array<i32>} : memref<40192xf32, #tpu.memory_space<vmem>>, vector<16xf32>,
          %get3A_409 = arith.index_cast %add3A_401 : i32 to index
          %get3A_410 = tpu.vector_load %arg11[%get3A_409] {strides = array<i32>} : memref<40192xf32, #tpu.memory_space<vmem>>, vector<16xf32>,
          %min3A_411 = arith.minimumf %get3A_410, %max3A_399 : vector<16xf32>
          %swap3A_412 = arith.index_cast %add3A_401 : i32 to index
          %swap3A_413 = tpu.vector_load %arg11[%swap3A_412] {strides = array<i32>} : memref<40192xf32, #tpu.memory_space<vmem>>, vector<16xf32>,
          tpu.vector_store %arg11[%swap3A_412], %min3A_411 {strides = array<i32>} : memref<40192xf32, #tpu.memory_space<vmem>>, vector<16xf32>,
          %get3A_414 = arith.constant 0 : i32
          %get3A_415 = arith.constant 0 : i32
          %get3A_416 = tpu.memref_slice %arg15[%rem3A_149, %get3A_414, %get3A_415] : memref<2x16x128xf32, #tpu.memory_space<vmem>> -> memref<1x16x128xf32, #tpu.memory_space<vmem>>
          %get3A_417 = tpu.memref_squeeze %get3A_416 : memref<1x16x128xf32, #tpu.memory_space<vmem>> -> memref<16x128xf32, #tpu.memory_space<vmem>>
          %get3A_418 = arith.constant 0 : i32
          %get3A_419 = tpu.memref_slice %get3A_417[%scan3A_188, %get3A_418] : memref<16x128xf32, #tpu.memory_space<vmem>> -> memref<1x128xf32, #tpu.memory_space<vmem>>
          %get3A_420 = tpu.memref_squeeze %get3A_419 : memref<1x128xf32, #tpu.memory_space<vmem>> -> memref<128xf32, #tpu.memory_space<vmem>>
          %get3A_421 = arith.constant 96 : index
          %get3A_422 = tpu.vector_load %get3A_420[%get3A_421] {strides = array<i32>} : memref<128xf32, #tpu.memory_space<vmem>>, vector<16xf32>,
          %get3A_423 = arith.constant 0 : i32
          %get3A_424 = arith.constant 0 : i32
          %get3A_425 = tpu.memref_slice %arg16[%rem3A_149, %get3A_423, %get3A_424] : memref<2x16x128xf32, #tpu.memory_space<vmem>> -> memref<1x16x128xf32, #tpu.memory_space<vmem>>
          %get3A_426 = tpu.memref_squeeze %get3A_425 : memref<1x16x128xf32, #tpu.memory_space<vmem>> -> memref<16x128xf32, #tpu.memory_space<vmem>>
          %get3A_427 = arith.constant 0 : i32
          %get3A_428 = tpu.memref_slice %get3A_426[%scan3A_188, %get3A_427] : memref<16x128xf32, #tpu.memory_space<vmem>> -> memref<1x128xf32, #tpu.memory_space<vmem>>
          %get3A_429 = tpu.memref_squeeze %get3A_428 : memref<1x128xf32, #tpu.memory_space<vmem>> -> memref<128xf32, #tpu.memory_space<vmem>>
          %get3A_430 = arith.constant 96 : index
          %get3A_431 = tpu.vector_load %get3A_429[%get3A_430] {strides = array<i32>} : memref<128xf32, #tpu.memory_space<vmem>>, vector<16xf32>,
          %add3A_432 = arith.addf %get3A_422, %get3A_431 : vector<16xf32>
          %max3A_433 = arith.constant 0.000000e+00 : f32
          %max3A_434 = vector.broadcast %max3A_433 : f32 to vector<16xf32>
          %max3A_435 = arith.maximumf %add3A_432, %max3A_434 : vector<16xf32>
          %add3A_436 = arith.constant 96 : i32
          %add3A_437 = arith.addi %mul3A_199, %add3A_436 : i32
          %swap3A_438 = arith.index_cast %add3A_437 : i32 to index
          %swap3A_439 = tpu.vector_load %arg9[%swap3A_438] {strides = array<i32>} : memref<40192xf32, #tpu.memory_space<vmem>>, vector<16xf32>,
          tpu.vector_store %arg9[%swap3A_438], %max3A_435 {add = true, strides = array<i32>} : memref<40192xf32, #tpu.memory_space<vmem>>, vector<16xf32>,
          %get3A_440 = arith.index_cast %add3A_437 : i32 to index
          %get3A_441 = tpu.vector_load %arg10[%get3A_440] {strides = array<i32>} : memref<40192xf32, #tpu.memory_space<vmem>>, vector<16xf32>,
          %max3A_442 = arith.maximumf %get3A_441, %max3A_435 : vector<16xf32>
          %swap3A_443 = arith.index_cast %add3A_437 : i32 to index
          %swap3A_444 = tpu.vector_load %arg10[%swap3A_443] {strides = array<i32>} : memref<40192xf32, #tpu.memory_space<vmem>>, vector<16xf32>,
          tpu.vector_store %arg10[%swap3A_443], %max3A_442 {strides = array<i32>} : memref<40192xf32, #tpu.memory_space<vmem>>, vector<16xf32>,
          %get3A_445 = arith.index_cast %add3A_437 : i32 to index
          %get3A_446 = tpu.vector_load %arg11[%get3A_445] {strides = array<i32>} : memref<40192xf32, #tpu.memory_space<vmem>>, vector<16xf32>,
          %min3A_447 = arith.minimumf %get3A_446, %max3A_435 : vector<16xf32>
          %swap3A_448 = arith.index_cast %add3A_437 : i32 to index
          %swap3A_449 = tpu.vector_load %arg11[%swap3A_448] {strides = array<i32>} : memref<40192xf32, #tpu.memory_space<vmem>>, vector<16xf32>,
          tpu.vector_store %arg11[%swap3A_448], %min3A_447 {strides = array<i32>} : memref<40192xf32, #tpu.memory_space<vmem>>, vector<16xf32>,
          %get3A_450 = arith.constant 0 : i32
          %get3A_451 = arith.constant 0 : i32
          %get3A_452 = tpu.memref_slice %arg15[%rem3A_149, %get3A_450, %get3A_451] : memref<2x16x128xf32, #tpu.memory_space<vmem>> -> memref<1x16x128xf32, #tpu.memory_space<vmem>>
          %get3A_453 = tpu.memref_squeeze %get3A_452 : memref<1x16x128xf32, #tpu.memory_space<vmem>> -> memref<16x128xf32, #tpu.memory_space<vmem>>
          %get3A_454 = arith.constant 0 : i32
          %get3A_455 = tpu.memref_slice %get3A_453[%scan3A_188, %get3A_454] : memref<16x128xf32, #tpu.memory_space<vmem>> -> memref<1x128xf32, #tpu.memory_space<vmem>>
          %get3A_456 = tpu.memref_squeeze %get3A_455 : memref<1x128xf32, #tpu.memory_space<vmem>> -> memref<128xf32, #tpu.memory_space<vmem>>
          %get3A_457 = arith.constant 112 : index
          %get3A_458 = tpu.vector_load %get3A_456[%get3A_457] {strides = array<i32>} : memref<128xf32, #tpu.memory_space<vmem>>, vector<16xf32>,
          %get3A_459 = arith.constant 0 : i32
          %get3A_460 = arith.constant 0 : i32
          %get3A_461 = tpu.memref_slice %arg16[%rem3A_149, %get3A_459, %get3A_460] : memref<2x16x128xf32, #tpu.memory_space<vmem>> -> memref<1x16x128xf32, #tpu.memory_space<vmem>>
          %get3A_462 = tpu.memref_squeeze %get3A_461 : memref<1x16x128xf32, #tpu.memory_space<vmem>> -> memref<16x128xf32, #tpu.memory_space<vmem>>
          %get3A_463 = arith.constant 0 : i32
          %get3A_464 = tpu.memref_slice %get3A_462[%scan3A_188, %get3A_463] : memref<16x128xf32, #tpu.memory_space<vmem>> -> memref<1x128xf32, #tpu.memory_space<vmem>>
          %get3A_465 = tpu.memref_squeeze %get3A_464 : memref<1x128xf32, #tpu.memory_space<vmem>> -> memref<128xf32, #tpu.memory_space<vmem>>
          %get3A_466 = arith.constant 112 : index
          %get3A_467 = tpu.vector_load %get3A_465[%get3A_466] {strides = array<i32>} : memref<128xf32, #tpu.memory_space<vmem>>, vector<16xf32>,
          %add3A_468 = arith.addf %get3A_458, %get3A_467 : vector<16xf32>
          %max3A_469 = arith.constant 0.000000e+00 : f32
          %max3A_470 = vector.broadcast %max3A_469 : f32 to vector<16xf32>
          %max3A_471 = arith.maximumf %add3A_468, %max3A_470 : vector<16xf32>
          %add3A_472 = arith.constant 112 : i32
          %add3A_473 = arith.addi %mul3A_199, %add3A_472 : i32
          %swap3A_474 = arith.index_cast %add3A_473 : i32 to index
          %swap3A_475 = tpu.vector_load %arg9[%swap3A_474] {strides = array<i32>} : memref<40192xf32, #tpu.memory_space<vmem>>, vector<16xf32>,
          tpu.vector_store %arg9[%swap3A_474], %max3A_471 {add = true, strides = array<i32>} : memref<40192xf32, #tpu.memory_space<vmem>>, vector<16xf32>,
          %get3A_476 = arith.index_cast %add3A_473 : i32 to index
          %get3A_477 = tpu.vector_load %arg10[%get3A_476] {strides = array<i32>} : memref<40192xf32, #tpu.memory_space<vmem>>, vector<16xf32>,
          %max3A_478 = arith.maximumf %get3A_477, %max3A_471 : vector<16xf32>
          %swap3A_479 = arith.index_cast %add3A_473 : i32 to index
          %swap3A_480 = tpu.vector_load %arg10[%swap3A_479] {strides = array<i32>} : memref<40192xf32, #tpu.memory_space<vmem>>, vector<16xf32>,
          tpu.vector_store %arg10[%swap3A_479], %max3A_478 {strides = array<i32>} : memref<40192xf32, #tpu.memory_space<vmem>>, vector<16xf32>,
          %get3A_481 = arith.index_cast %add3A_473 : i32 to index
          %get3A_482 = tpu.vector_load %arg11[%get3A_481] {strides = array<i32>} : memref<40192xf32, #tpu.memory_space<vmem>>, vector<16xf32>,
          %min3A_483 = arith.minimumf %get3A_482, %max3A_471 : vector<16xf32>
          %swap3A_484 = arith.index_cast %add3A_473 : i32 to index
          %swap3A_485 = tpu.vector_load %arg11[%swap3A_484] {strides = array<i32>} : memref<40192xf32, #tpu.memory_space<vmem>>, vector<16xf32>,
          tpu.vector_store %arg11[%swap3A_484], %min3A_483 {strides = array<i32>} : memref<40192xf32, #tpu.memory_space<vmem>>, vector<16xf32>,
          %swap3A_486 = arith.index_cast %reduce_sum3A_197 : i32 to index
          %swap3A_487 = tpu.vector_load %arg12[%swap3A_486] {strides = array<i32>} : memref<336xf32, #tpu.memory_space<vmem>>, vector<16xf32>,
          tpu.vector_store %arg12[%swap3A_486], %select_n3A {add = true, strides = array<i32>} : memref<336xf32, #tpu.memory_space<vmem>>, vector<16xf32>,
          %scan3A_488 = arith.constant 0 : i32
          scf.yield %scan3A_488 : i32
        }
        %scan3A_186 = arith.constant 16 : i32
        %while3A_187 = arith.constant 0 : i32
        scf.yield %while3A_187 : i32
      }
      %while3A_143 = arith.constant 1 : i32
      %while3A_144 = scf.for %while3A_146 = %while3A_140 to %while3A_136 step %while3A_143 iter_args(%while3A_147 = %while3A_142) -> (i32)  : i32 {
        %rem3A_148 = arith.constant 2 : i32
        %rem3A_149 = arith.remsi %while3A_146, %rem3A_148 : i32
        %mul3A_150 = arith.constant 16 : i32
        %mul3A_151 = arith.muli %while3A_146, %mul3A_150 : i32
        %get3A_152 = arith.index_cast %mul3A_151 : i32 to index
        %get3A_153 = tpu.vector_load %arg14[%get3A_152] {strides = array<i32>} : memref<768xi32, #tpu.memory_space<vmem>>, vector<16xi32>,
        %shift_right_logical3A_154 = arith.constant 14 : i32
        %shift_right_logical3A_155 = vector.broadcast %shift_right_logical3A_154 : i32 to vector<16xi32>
        %shift_right_logical3A_156 = arith.shrui %get3A_153, %shift_right_logical3A_155 : vector<16xi32>
        %and3A_157 = arith.constant 16383 : i32
        %and3A_158 = vector.broadcast %and3A_157 : i32 to vector<16xi32>
        %and3A_159 = arith.andi %get3A_153, %and3A_158 : vector<16xi32>
        %dma_wait3A = arith.constant 0 : i32
        %dma_wait3A_160 = arith.constant 0 : i32
        %dma_wait3A_161 = tpu.memref_slice %arg15[%rem3A_149, %dma_wait3A, %dma_wait3A_160] : memref<2x16x128xf32, #tpu.memory_space<vmem>> -> memref<1x16x128xf32, #tpu.memory_space<vmem>>
        %dma_wait3A_162 = tpu.memref_squeeze %dma_wait3A_161 : memref<1x16x128xf32, #tpu.memory_space<vmem>> -> memref<16x128xf32, #tpu.memory_space<vmem>>
        %dma_wait3A_163 = arith.constant 0 : i32
        %dma_wait3A_164 = arith.constant 0 : i32
        %dma_wait3A_165 = tpu.memref_slice %arg2[%dma_wait3A_163, %dma_wait3A_164] : memref<10000x128xf32, #tpu.memory_space<hbm>> -> memref<10000x128xf32, #tpu.memory_space<hbm>>
        tpu.wait_indirect_dma semaphore(%arg18 : memref<!tpu.dma_semaphore, #tpu.memory_space<semaphore_mem>>) src(%dma_wait3A_165 : memref<10000x128xf32, #tpu.memory_space<hbm>>) dst(%dma_wait3A_162 : memref<16x128xf32, #tpu.memory_space<vmem>>)
        %dma_wait3A_166 = arith.constant 0 : i32
        %dma_wait3A_167 = arith.constant 0 : i32
        %dma_wait3A_168 = tpu.memref_slice %arg16[%rem3A_149, %dma_wait3A_166, %dma_wait3A_167] : memref<2x16x128xf32, #tpu.memory_space<vmem>> -> memref<1x16x128xf32, #tpu.memory_space<vmem>>
        %dma_wait3A_169 = tpu.memref_squeeze %dma_wait3A_168 : memref<1x16x128xf32, #tpu.memory_space<vmem>> -> memref<16x128xf32, #tpu.memory_space<vmem>>
        %dma_wait3A_170 = arith.constant 0 : i32
        %dma_wait3A_171 = arith.constant 0 : i32
        %dma_wait3A_172 = tpu.memref_slice %arg3[%dma_wait3A_170, %dma_wait3A_171] : memref<10032x128xf32, #tpu.memory_space<hbm>> -> memref<10032x128xf32, #tpu.memory_space<hbm>>
        tpu.wait_indirect_dma semaphore(%arg19 : memref<!tpu.dma_semaphore, #tpu.memory_space<semaphore_mem>>) src(%dma_wait3A_172 : memref<10032x128xf32, #tpu.memory_space<hbm>>) dst(%dma_wait3A_169 : memref<16x128xf32, #tpu.memory_space<vmem>>)
        %add3A_173 = arith.constant 1 : i32
        %add3A_174 = arith.addi %while3A_146, %add3A_173 : i32
        %lt3A = arith.cmpi slt, %add3A_174, %select_n3A_110 : i32
        %convert_element_type3A_175 = arith.extui %lt3A : i1 to i32
        %cond3A_176 = arith.constant 0 : i32
        %cond3A_177 = arith.cmpi ne, %convert_element_type3A_175, %cond3A_176 : i32
        scf.if %cond3A_177 {
          %add3A_188 = arith.constant 1 : i32
          %add3A_189 = arith.addi %while3A_146, %add3A_188 : i32
          %rem3A_190 = arith.constant 2 : i32
          %rem3A_191 = arith.remsi %add3A_189, %rem3A_190 : i32
          %mul3A_192 = arith.constant 16 : i32
          %mul3A_193 = arith.muli %add3A_189, %mul3A_192 : i32
          %get3A_194 = arith.index_cast %mul3A_193 : i32 to index
          %get3A_195 = tpu.vector_load %arg14[%get3A_194] {strides = array<i32>} : memref<768xi32, #tpu.memory_space<vmem>>, vector<16xi32>,
          %shift_right_logical3A_196 = arith.constant 14 : i32
          %shift_right_logical3A_197 = vector.broadcast %shift_right_logical3A_196 : i32 to vector<16xi32>
          %shift_right_logical3A_198 = arith.shrui %get3A_195, %shift_right_logical3A_197 : vector<16xi32>
          %and3A_199 = arith.constant 16383 : i32
          %and3A_200 = vector.broadcast %and3A_199 : i32 to vector<16xi32>
          %and3A_201 = arith.andi %get3A_195, %and3A_200 : vector<16xi32>
          %dma_start3A_202 = arith.constant 0 : i32
          %dma_start3A_203 = arith.constant 0 : i32
          %dma_start3A_204 = tpu.memref_slice %arg15[%rem3A_191, %dma_start3A_202, %dma_start3A_203] : memref<2x16x128xf32, #tpu.memory_space<vmem>> -> memref<1x16x128xf32, #tpu.memory_space<vmem>>
          %dma_start3A_205 = tpu.memref_squeeze %dma_start3A_204 : memref<1x16x128xf32, #tpu.memory_space<vmem>> -> memref<16x128xf32, #tpu.memory_space<vmem>>
          %dma_start3A_206 = arith.constant 0 : i32
          %dma_start3A_207 = arith.constant 0 : i32
          %dma_start3A_208 = tpu.memref_slice %arg2[%dma_start3A_206, %dma_start3A_207] : memref<10000x128xf32, #tpu.memory_space<hbm>> -> memref<10000x128xf32, #tpu.memory_space<hbm>>
          tpu.enqueue_indirect_dma source(%dma_start3A_208 : memref<10000x128xf32, #tpu.memory_space<hbm>>) target(%dma_start3A_205 : memref<16x128xf32, #tpu.memory_space<vmem>>) offsets(%shift_right_logical3A_198 : vector<16xi32>) semaphore(%arg18 : memref<!tpu.dma_semaphore, #tpu.memory_space<semaphore_mem>>)
          %dma_start3A_209 = arith.constant 0 : i32
          %dma_start3A_210 = arith.constant 0 : i32
          %dma_start3A_211 = tpu.memref_slice %arg16[%rem3A_191, %dma_start3A_209, %dma_start3A_210] : memref<2x16x128xf32, #tpu.memory_space<vmem>> -> memref<1x16x128xf32, #tpu.memory_space<vmem>>
          %dma_start3A_212 = tpu.memref_squeeze %dma_start3A_211 : memref<1x16x128xf32, #tpu.memory_space<vmem>> -> memref<16x128xf32, #tpu.memory_space<vmem>>
          %dma_start3A_213 = arith.constant 0 : i32
          %dma_start3A_214 = arith.constant 0 : i32
          %dma_start3A_215 = tpu.memref_slice %arg3[%dma_start3A_213, %dma_start3A_214] : memref<10032x128xf32, #tpu.memory_space<hbm>> -> memref<10032x128xf32, #tpu.memory_space<hbm>>
          tpu.enqueue_indirect_dma source(%dma_start3A_215 : memref<10032x128xf32, #tpu.memory_space<hbm>>) target(%dma_start3A_212 : memref<16x128xf32, #tpu.memory_space<vmem>>) offsets(%and3A_201 : vector<16xi32>) semaphore(%arg19 : memref<!tpu.dma_semaphore, #tpu.memory_space<semaphore_mem>>)
        } else {
        }
        %sub3A_178 = vector.broadcast %mul3A_2 : i32 to vector<16xi32>
        %sub3A_179 = arith.subi %and3A_159, %sub3A_178 : vector<16xi32>
        %scan3A_180 = arith.constant 0 : i32
        %scan3A_181 = arith.constant 0 : i32
        %scan3A_182 = arith.constant 16 : i32
        %scan3A_183 = arith.addi %scan3A_181, %scan3A_182 : i32
        %scan3A_184 = arith.constant 1 : i32
        %scan3A_185 = scf.for %scan3A_188 = %scan3A_181 to %scan3A_183 step %scan3A_184 iter_args(%scan3A_189 = %scan3A_180) -> (i32)  : i32 {
          %eq3A_190 = vector.broadcast %scan3A_188 : i32 to vector<16xi32>
          %eq3A_191 = arith.cmpi eq, %iota3A, %eq3A_190 : vector<16xi32>
          %jit3A_192 = arith.constant 0 : i32
          %broadcast_in_dim3A_193 = vector.broadcast %jit3A_192 : i32 to vector<16xi32>
          %select_n3A_194 = arith.select %eq3A_191, %sub3A_179, %broadcast_in_dim3A_193 : vector<16xi1>, vector<16xi32>
          %reduce_sum3A = arith.constant true
          %reduce_sum3A_195 = vector.broadcast %reduce_sum3A : i1 to vector<16xi1>
          %reduce_sum3A_196 = tpu.scan <sum>, %select_n3A_194 masked %reduce_sum3A_195 : vector<16xi32>, vector<16xi1> -> vector<16xi32>
          %reduce_sum3A_197 = vector.extract %reduce_sum3A_196[15] : i32 from vector<16xi32>
          %mul3A_198 = arith.constant 128 : i32
          %mul3A_199 = arith.muli %reduce_sum3A_197, %mul3A_198 : i32
          %get3A_200 = arith.constant 0 : i32
          %get3A_201 = arith.constant 0 : i32
          %get3A_202 = tpu.memref_slice %arg15[%rem3A_149, %get3A_200, %get3A_201] : memref<2x16x128xf32, #tpu.memory_space<vmem>> -> memref<1x16x128xf32, #tpu.memory_space<vmem>>
          %get3A_203 = tpu.memref_squeeze %get3A_202 : memref<1x16x128xf32, #tpu.memory_space<vmem>> -> memref<16x128xf32, #tpu.memory_space<vmem>>
          %get3A_204 = arith.constant 0 : i32
          %get3A_205 = tpu.memref_slice %get3A_203[%scan3A_188, %get3A_204] : memref<16x128xf32, #tpu.memory_space<vmem>> -> memref<1x128xf32, #tpu.memory_space<vmem>>
          %get3A_206 = tpu.memref_squeeze %get3A_205 : memref<1x128xf32, #tpu.memory_space<vmem>> -> memref<128xf32, #tpu.memory_space<vmem>>
          %get3A_207 = arith.constant 0 : index
          %get3A_208 = tpu.vector_load %get3A_206[%get3A_207] {strides = array<i32>} : memref<128xf32, #tpu.memory_space<vmem>>, vector<16xf32>,
          %get3A_209 = arith.constant 0 : i32
          %get3A_210 = arith.constant 0 : i32
          %get3A_211 = tpu.memref_slice %arg16[%rem3A_149, %get3A_209, %get3A_210] : memref<2x16x128xf32, #tpu.memory_space<vmem>> -> memref<1x16x128xf32, #tpu.memory_space<vmem>>
          %get3A_212 = tpu.memref_squeeze %get3A_211 : memref<1x16x128xf32, #tpu.memory_space<vmem>> -> memref<16x128xf32, #tpu.memory_space<vmem>>
          %get3A_213 = arith.constant 0 : i32
          %get3A_214 = tpu.memref_slice %get3A_212[%scan3A_188, %get3A_213] : memref<16x128xf32, #tpu.memory_space<vmem>> -> memref<1x128xf32, #tpu.memory_space<vmem>>
          %get3A_215 = tpu.memref_squeeze %get3A_214 : memref<1x128xf32, #tpu.memory_space<vmem>> -> memref<128xf32, #tpu.memory_space<vmem>>
          %get3A_216 = arith.constant 0 : index
          %get3A_217 = tpu.vector_load %get3A_215[%get3A_216] {strides = array<i32>} : memref<128xf32, #tpu.memory_space<vmem>>, vector<16xf32>,
          %add3A_218 = arith.addf %get3A_208, %get3A_217 : vector<16xf32>
          %max3A = arith.constant 0.000000e+00 : f32
          %max3A_219 = vector.broadcast %max3A : f32 to vector<16xf32>
          %max3A_220 = arith.maximumf %add3A_218, %max3A_219 : vector<16xf32>
          %add3A_221 = arith.constant 0 : i32
          %add3A_222 = arith.addi %mul3A_199, %add3A_221 : i32
          %swap3A_223 = arith.index_cast %add3A_222 : i32 to index
          %swap3A_224 = tpu.vector_load %arg9[%swap3A_223] {strides = array<i32>} : memref<40192xf32, #tpu.memory_space<vmem>>, vector<16xf32>,
          tpu.vector_store %arg9[%swap3A_223], %max3A_220 {add = true, strides = array<i32>} : memref<40192xf32, #tpu.memory_space<vmem>>, vector<16xf32>,
          %get3A_225 = arith.index_cast %add3A_222 : i32 to index
          %get3A_226 = tpu.vector_load %arg10[%get3A_225] {strides = array<i32>} : memref<40192xf32, #tpu.memory_space<vmem>>, vector<16xf32>,
          %max3A_227 = arith.maximumf %get3A_226, %max3A_220 : vector<16xf32>
          %swap3A_228 = arith.index_cast %add3A_222 : i32 to index
          %swap3A_229 = tpu.vector_load %arg10[%swap3A_228] {strides = array<i32>} : memref<40192xf32, #tpu.memory_space<vmem>>, vector<16xf32>,
          tpu.vector_store %arg10[%swap3A_228], %max3A_227 {strides = array<i32>} : memref<40192xf32, #tpu.memory_space<vmem>>, vector<16xf32>,
          %get3A_230 = arith.index_cast %add3A_222 : i32 to index
          %get3A_231 = tpu.vector_load %arg11[%get3A_230] {strides = array<i32>} : memref<40192xf32, #tpu.memory_space<vmem>>, vector<16xf32>,
          %min3A = arith.minimumf %get3A_231, %max3A_220 : vector<16xf32>
          %swap3A_232 = arith.index_cast %add3A_222 : i32 to index
          %swap3A_233 = tpu.vector_load %arg11[%swap3A_232] {strides = array<i32>} : memref<40192xf32, #tpu.memory_space<vmem>>, vector<16xf32>,
          tpu.vector_store %arg11[%swap3A_232], %min3A {strides = array<i32>} : memref<40192xf32, #tpu.memory_space<vmem>>, vector<16xf32>,
          %get3A_234 = arith.constant 0 : i32
          %get3A_235 = arith.constant 0 : i32
          %get3A_236 = tpu.memref_slice %arg15[%rem3A_149, %get3A_234, %get3A_235] : memref<2x16x128xf32, #tpu.memory_space<vmem>> -> memref<1x16x128xf32, #tpu.memory_space<vmem>>
          %get3A_237 = tpu.memref_squeeze %get3A_236 : memref<1x16x128xf32, #tpu.memory_space<vmem>> -> memref<16x128xf32, #tpu.memory_space<vmem>>
          %get3A_238 = arith.constant 0 : i32
          %get3A_239 = tpu.memref_slice %get3A_237[%scan3A_188, %get3A_238] : memref<16x128xf32, #tpu.memory_space<vmem>> -> memref<1x128xf32, #tpu.memory_space<vmem>>
          %get3A_240 = tpu.memref_squeeze %get3A_239 : memref<1x128xf32, #tpu.memory_space<vmem>> -> memref<128xf32, #tpu.memory_space<vmem>>
          %get3A_241 = arith.constant 16 : index
          %get3A_242 = tpu.vector_load %get3A_240[%get3A_241] {strides = array<i32>} : memref<128xf32, #tpu.memory_space<vmem>>, vector<16xf32>,
          %get3A_243 = arith.constant 0 : i32
          %get3A_244 = arith.constant 0 : i32
          %get3A_245 = tpu.memref_slice %arg16[%rem3A_149, %get3A_243, %get3A_244] : memref<2x16x128xf32, #tpu.memory_space<vmem>> -> memref<1x16x128xf32, #tpu.memory_space<vmem>>
          %get3A_246 = tpu.memref_squeeze %get3A_245 : memref<1x16x128xf32, #tpu.memory_space<vmem>> -> memref<16x128xf32, #tpu.memory_space<vmem>>
          %get3A_247 = arith.constant 0 : i32
          %get3A_248 = tpu.memref_slice %get3A_246[%scan3A_188, %get3A_247] : memref<16x128xf32, #tpu.memory_space<vmem>> -> memref<1x128xf32, #tpu.memory_space<vmem>>
          %get3A_249 = tpu.memref_squeeze %get3A_248 : memref<1x128xf32, #tpu.memory_space<vmem>> -> memref<128xf32, #tpu.memory_space<vmem>>
          %get3A_250 = arith.constant 16 : index
          %get3A_251 = tpu.vector_load %get3A_249[%get3A_250] {strides = array<i32>} : memref<128xf32, #tpu.memory_space<vmem>>, vector<16xf32>,
          %add3A_252 = arith.addf %get3A_242, %get3A_251 : vector<16xf32>
          %max3A_253 = arith.constant 0.000000e+00 : f32
          %max3A_254 = vector.broadcast %max3A_253 : f32 to vector<16xf32>
          %max3A_255 = arith.maximumf %add3A_252, %max3A_254 : vector<16xf32>
          %add3A_256 = arith.constant 16 : i32
          %add3A_257 = arith.addi %mul3A_199, %add3A_256 : i32
          %swap3A_258 = arith.index_cast %add3A_257 : i32 to index
          %swap3A_259 = tpu.vector_load %arg9[%swap3A_258] {strides = array<i32>} : memref<40192xf32, #tpu.memory_space<vmem>>, vector<16xf32>,
          tpu.vector_store %arg9[%swap3A_258], %max3A_255 {add = true, strides = array<i32>} : memref<40192xf32, #tpu.memory_space<vmem>>, vector<16xf32>,
          %get3A_260 = arith.index_cast %add3A_257 : i32 to index
          %get3A_261 = tpu.vector_load %arg10[%get3A_260] {strides = array<i32>} : memref<40192xf32, #tpu.memory_space<vmem>>, vector<16xf32>,
          %max3A_262 = arith.maximumf %get3A_261, %max3A_255 : vector<16xf32>
          %swap3A_263 = arith.index_cast %add3A_257 : i32 to index
          %swap3A_264 = tpu.vector_load %arg10[%swap3A_263] {strides = array<i32>} : memref<40192xf32, #tpu.memory_space<vmem>>, vector<16xf32>,
          tpu.vector_store %arg10[%swap3A_263], %max3A_262 {strides = array<i32>} : memref<40192xf32, #tpu.memory_space<vmem>>, vector<16xf32>,
          %get3A_265 = arith.index_cast %add3A_257 : i32 to index
          %get3A_266 = tpu.vector_load %arg11[%get3A_265] {strides = array<i32>} : memref<40192xf32, #tpu.memory_space<vmem>>, vector<16xf32>,
          %min3A_267 = arith.minimumf %get3A_266, %max3A_255 : vector<16xf32>
          %swap3A_268 = arith.index_cast %add3A_257 : i32 to index
          %swap3A_269 = tpu.vector_load %arg11[%swap3A_268] {strides = array<i32>} : memref<40192xf32, #tpu.memory_space<vmem>>, vector<16xf32>,
          tpu.vector_store %arg11[%swap3A_268], %min3A_267 {strides = array<i32>} : memref<40192xf32, #tpu.memory_space<vmem>>, vector<16xf32>,
          %get3A_270 = arith.constant 0 : i32
          %get3A_271 = arith.constant 0 : i32
          %get3A_272 = tpu.memref_slice %arg15[%rem3A_149, %get3A_270, %get3A_271] : memref<2x16x128xf32, #tpu.memory_space<vmem>> -> memref<1x16x128xf32, #tpu.memory_space<vmem>>
          %get3A_273 = tpu.memref_squeeze %get3A_272 : memref<1x16x128xf32, #tpu.memory_space<vmem>> -> memref<16x128xf32, #tpu.memory_space<vmem>>
          %get3A_274 = arith.constant 0 : i32
          %get3A_275 = tpu.memref_slice %get3A_273[%scan3A_188, %get3A_274] : memref<16x128xf32, #tpu.memory_space<vmem>> -> memref<1x128xf32, #tpu.memory_space<vmem>>
          %get3A_276 = tpu.memref_squeeze %get3A_275 : memref<1x128xf32, #tpu.memory_space<vmem>> -> memref<128xf32, #tpu.memory_space<vmem>>
          %get3A_277 = arith.constant 32 : index
          %get3A_278 = tpu.vector_load %get3A_276[%get3A_277] {strides = array<i32>} : memref<128xf32, #tpu.memory_space<vmem>>, vector<16xf32>,
          %get3A_279 = arith.constant 0 : i32
          %get3A_280 = arith.constant 0 : i32
          %get3A_281 = tpu.memref_slice %arg16[%rem3A_149, %get3A_279, %get3A_280] : memref<2x16x128xf32, #tpu.memory_space<vmem>> -> memref<1x16x128xf32, #tpu.memory_space<vmem>>
          %get3A_282 = tpu.memref_squeeze %get3A_281 : memref<1x16x128xf32, #tpu.memory_space<vmem>> -> memref<16x128xf32, #tpu.memory_space<vmem>>
          %get3A_283 = arith.constant 0 : i32
          %get3A_284 = tpu.memref_slice %get3A_282[%scan3A_188, %get3A_283] : memref<16x128xf32, #tpu.memory_space<vmem>> -> memref<1x128xf32, #tpu.memory_space<vmem>>
          %get3A_285 = tpu.memref_squeeze %get3A_284 : memref<1x128xf32, #tpu.memory_space<vmem>> -> memref<128xf32, #tpu.memory_space<vmem>>
          %get3A_286 = arith.constant 32 : index
          %get3A_287 = tpu.vector_load %get3A_285[%get3A_286] {strides = array<i32>} : memref<128xf32, #tpu.memory_space<vmem>>, vector<16xf32>,
          %add3A_288 = arith.addf %get3A_278, %get3A_287 : vector<16xf32>
          %max3A_289 = arith.constant 0.000000e+00 : f32
          %max3A_290 = vector.broadcast %max3A_289 : f32 to vector<16xf32>
          %max3A_291 = arith.maximumf %add3A_288, %max3A_290 : vector<16xf32>
          %add3A_292 = arith.constant 32 : i32
          %add3A_293 = arith.addi %mul3A_199, %add3A_292 : i32
          %swap3A_294 = arith.index_cast %add3A_293 : i32 to index
          %swap3A_295 = tpu.vector_load %arg9[%swap3A_294] {strides = array<i32>} : memref<40192xf32, #tpu.memory_space<vmem>>, vector<16xf32>,
          tpu.vector_store %arg9[%swap3A_294], %max3A_291 {add = true, strides = array<i32>} : memref<40192xf32, #tpu.memory_space<vmem>>, vector<16xf32>,
          %get3A_296 = arith.index_cast %add3A_293 : i32 to index
          %get3A_297 = tpu.vector_load %arg10[%get3A_296] {strides = array<i32>} : memref<40192xf32, #tpu.memory_space<vmem>>, vector<16xf32>,
          %max3A_298 = arith.maximumf %get3A_297, %max3A_291 : vector<16xf32>
          %swap3A_299 = arith.index_cast %add3A_293 : i32 to index
          %swap3A_300 = tpu.vector_load %arg10[%swap3A_299] {strides = array<i32>} : memref<40192xf32, #tpu.memory_space<vmem>>, vector<16xf32>,
          tpu.vector_store %arg10[%swap3A_299], %max3A_298 {strides = array<i32>} : memref<40192xf32, #tpu.memory_space<vmem>>, vector<16xf32>,
          %get3A_301 = arith.index_cast %add3A_293 : i32 to index
          %get3A_302 = tpu.vector_load %arg11[%get3A_301] {strides = array<i32>} : memref<40192xf32, #tpu.memory_space<vmem>>, vector<16xf32>,
          %min3A_303 = arith.minimumf %get3A_302, %max3A_291 : vector<16xf32>
          %swap3A_304 = arith.index_cast %add3A_293 : i32 to index
          %swap3A_305 = tpu.vector_load %arg11[%swap3A_304] {strides = array<i32>} : memref<40192xf32, #tpu.memory_space<vmem>>, vector<16xf32>,
          tpu.vector_store %arg11[%swap3A_304], %min3A_303 {strides = array<i32>} : memref<40192xf32, #tpu.memory_space<vmem>>, vector<16xf32>,
          %get3A_306 = arith.constant 0 : i32
          %get3A_307 = arith.constant 0 : i32
          %get3A_308 = tpu.memref_slice %arg15[%rem3A_149, %get3A_306, %get3A_307] : memref<2x16x128xf32, #tpu.memory_space<vmem>> -> memref<1x16x128xf32, #tpu.memory_space<vmem>>
          %get3A_309 = tpu.memref_squeeze %get3A_308 : memref<1x16x128xf32, #tpu.memory_space<vmem>> -> memref<16x128xf32, #tpu.memory_space<vmem>>
          %get3A_310 = arith.constant 0 : i32
          %get3A_311 = tpu.memref_slice %get3A_309[%scan3A_188, %get3A_310] : memref<16x128xf32, #tpu.memory_space<vmem>> -> memref<1x128xf32, #tpu.memory_space<vmem>>
          %get3A_312 = tpu.memref_squeeze %get3A_311 : memref<1x128xf32, #tpu.memory_space<vmem>> -> memref<128xf32, #tpu.memory_space<vmem>>
          %get3A_313 = arith.constant 48 : index
          %get3A_314 = tpu.vector_load %get3A_312[%get3A_313] {strides = array<i32>} : memref<128xf32, #tpu.memory_space<vmem>>, vector<16xf32>,
          %get3A_315 = arith.constant 0 : i32
          %get3A_316 = arith.constant 0 : i32
          %get3A_317 = tpu.memref_slice %arg16[%rem3A_149, %get3A_315, %get3A_316] : memref<2x16x128xf32, #tpu.memory_space<vmem>> -> memref<1x16x128xf32, #tpu.memory_space<vmem>>
          %get3A_318 = tpu.memref_squeeze %get3A_317 : memref<1x16x128xf32, #tpu.memory_space<vmem>> -> memref<16x128xf32, #tpu.memory_space<vmem>>
          %get3A_319 = arith.constant 0 : i32
          %get3A_320 = tpu.memref_slice %get3A_318[%scan3A_188, %get3A_319] : memref<16x128xf32, #tpu.memory_space<vmem>> -> memref<1x128xf32, #tpu.memory_space<vmem>>
          %get3A_321 = tpu.memref_squeeze %get3A_320 : memref<1x128xf32, #tpu.memory_space<vmem>> -> memref<128xf32, #tpu.memory_space<vmem>>
          %get3A_322 = arith.constant 48 : index
          %get3A_323 = tpu.vector_load %get3A_321[%get3A_322] {strides = array<i32>} : memref<128xf32, #tpu.memory_space<vmem>>, vector<16xf32>,
          %add3A_324 = arith.addf %get3A_314, %get3A_323 : vector<16xf32>
          %max3A_325 = arith.constant 0.000000e+00 : f32
          %max3A_326 = vector.broadcast %max3A_325 : f32 to vector<16xf32>
          %max3A_327 = arith.maximumf %add3A_324, %max3A_326 : vector<16xf32>
          %add3A_328 = arith.constant 48 : i32
          %add3A_329 = arith.addi %mul3A_199, %add3A_328 : i32
          %swap3A_330 = arith.index_cast %add3A_329 : i32 to index
          %swap3A_331 = tpu.vector_load %arg9[%swap3A_330] {strides = array<i32>} : memref<40192xf32, #tpu.memory_space<vmem>>, vector<16xf32>,
          tpu.vector_store %arg9[%swap3A_330], %max3A_327 {add = true, strides = array<i32>} : memref<40192xf32, #tpu.memory_space<vmem>>, vector<16xf32>,
          %get3A_332 = arith.index_cast %add3A_329 : i32 to index
          %get3A_333 = tpu.vector_load %arg10[%get3A_332] {strides = array<i32>} : memref<40192xf32, #tpu.memory_space<vmem>>, vector<16xf32>,
          %max3A_334 = arith.maximumf %get3A_333, %max3A_327 : vector<16xf32>
          %swap3A_335 = arith.index_cast %add3A_329 : i32 to index
          %swap3A_336 = tpu.vector_load %arg10[%swap3A_335] {strides = array<i32>} : memref<40192xf32, #tpu.memory_space<vmem>>, vector<16xf32>,
          tpu.vector_store %arg10[%swap3A_335], %max3A_334 {strides = array<i32>} : memref<40192xf32, #tpu.memory_space<vmem>>, vector<16xf32>,
          %get3A_337 = arith.index_cast %add3A_329 : i32 to index
          %get3A_338 = tpu.vector_load %arg11[%get3A_337] {strides = array<i32>} : memref<40192xf32, #tpu.memory_space<vmem>>, vector<16xf32>,
          %min3A_339 = arith.minimumf %get3A_338, %max3A_327 : vector<16xf32>
          %swap3A_340 = arith.index_cast %add3A_329 : i32 to index
          %swap3A_341 = tpu.vector_load %arg11[%swap3A_340] {strides = array<i32>} : memref<40192xf32, #tpu.memory_space<vmem>>, vector<16xf32>,
          tpu.vector_store %arg11[%swap3A_340], %min3A_339 {strides = array<i32>} : memref<40192xf32, #tpu.memory_space<vmem>>, vector<16xf32>,
          %get3A_342 = arith.constant 0 : i32
          %get3A_343 = arith.constant 0 : i32
          %get3A_344 = tpu.memref_slice %arg15[%rem3A_149, %get3A_342, %get3A_343] : memref<2x16x128xf32, #tpu.memory_space<vmem>> -> memref<1x16x128xf32, #tpu.memory_space<vmem>>
          %get3A_345 = tpu.memref_squeeze %get3A_344 : memref<1x16x128xf32, #tpu.memory_space<vmem>> -> memref<16x128xf32, #tpu.memory_space<vmem>>
          %get3A_346 = arith.constant 0 : i32
          %get3A_347 = tpu.memref_slice %get3A_345[%scan3A_188, %get3A_346] : memref<16x128xf32, #tpu.memory_space<vmem>> -> memref<1x128xf32, #tpu.memory_space<vmem>>
          %get3A_348 = tpu.memref_squeeze %get3A_347 : memref<1x128xf32, #tpu.memory_space<vmem>> -> memref<128xf32, #tpu.memory_space<vmem>>
          %get3A_349 = arith.constant 64 : index
          %get3A_350 = tpu.vector_load %get3A_348[%get3A_349] {strides = array<i32>} : memref<128xf32, #tpu.memory_space<vmem>>, vector<16xf32>,
          %get3A_351 = arith.constant 0 : i32
          %get3A_352 = arith.constant 0 : i32
          %get3A_353 = tpu.memref_slice %arg16[%rem3A_149, %get3A_351, %get3A_352] : memref<2x16x128xf32, #tpu.memory_space<vmem>> -> memref<1x16x128xf32, #tpu.memory_space<vmem>>
          %get3A_354 = tpu.memref_squeeze %get3A_353 : memref<1x16x128xf32, #tpu.memory_space<vmem>> -> memref<16x128xf32, #tpu.memory_space<vmem>>
          %get3A_355 = arith.constant 0 : i32
          %get3A_356 = tpu.memref_slice %get3A_354[%scan3A_188, %get3A_355] : memref<16x128xf32, #tpu.memory_space<vmem>> -> memref<1x128xf32, #tpu.memory_space<vmem>>
          %get3A_357 = tpu.memref_squeeze %get3A_356 : memref<1x128xf32, #tpu.memory_space<vmem>> -> memref<128xf32, #tpu.memory_space<vmem>>
          %get3A_358 = arith.constant 64 : index
          %get3A_359 = tpu.vector_load %get3A_357[%get3A_358] {strides = array<i32>} : memref<128xf32, #tpu.memory_space<vmem>>, vector<16xf32>,
          %add3A_360 = arith.addf %get3A_350, %get3A_359 : vector<16xf32>
          %max3A_361 = arith.constant 0.000000e+00 : f32
          %max3A_362 = vector.broadcast %max3A_361 : f32 to vector<16xf32>
          %max3A_363 = arith.maximumf %add3A_360, %max3A_362 : vector<16xf32>
          %add3A_364 = arith.constant 64 : i32
          %add3A_365 = arith.addi %mul3A_199, %add3A_364 : i32
          %swap3A_366 = arith.index_cast %add3A_365 : i32 to index
          %swap3A_367 = tpu.vector_load %arg9[%swap3A_366] {strides = array<i32>} : memref<40192xf32, #tpu.memory_space<vmem>>, vector<16xf32>,
          tpu.vector_store %arg9[%swap3A_366], %max3A_363 {add = true, strides = array<i32>} : memref<40192xf32, #tpu.memory_space<vmem>>, vector<16xf32>,
          %get3A_368 = arith.index_cast %add3A_365 : i32 to index
          %get3A_369 = tpu.vector_load %arg10[%get3A_368] {strides = array<i32>} : memref<40192xf32, #tpu.memory_space<vmem>>, vector<16xf32>,
          %max3A_370 = arith.maximumf %get3A_369, %max3A_363 : vector<16xf32>
          %swap3A_371 = arith.index_cast %add3A_365 : i32 to index
          %swap3A_372 = tpu.vector_load %arg10[%swap3A_371] {strides = array<i32>} : memref<40192xf32, #tpu.memory_space<vmem>>, vector<16xf32>,
          tpu.vector_store %arg10[%swap3A_371], %max3A_370 {strides = array<i32>} : memref<40192xf32, #tpu.memory_space<vmem>>, vector<16xf32>,
          %get3A_373 = arith.index_cast %add3A_365 : i32 to index
          %get3A_374 = tpu.vector_load %arg11[%get3A_373] {strides = array<i32>} : memref<40192xf32, #tpu.memory_space<vmem>>, vector<16xf32>,
          %min3A_375 = arith.minimumf %get3A_374, %max3A_363 : vector<16xf32>
          %swap3A_376 = arith.index_cast %add3A_365 : i32 to index
          %swap3A_377 = tpu.vector_load %arg11[%swap3A_376] {strides = array<i32>} : memref<40192xf32, #tpu.memory_space<vmem>>, vector<16xf32>,
          tpu.vector_store %arg11[%swap3A_376], %min3A_375 {strides = array<i32>} : memref<40192xf32, #tpu.memory_space<vmem>>, vector<16xf32>,
          %get3A_378 = arith.constant 0 : i32
          %get3A_379 = arith.constant 0 : i32
          %get3A_380 = tpu.memref_slice %arg15[%rem3A_149, %get3A_378, %get3A_379] : memref<2x16x128xf32, #tpu.memory_space<vmem>> -> memref<1x16x128xf32, #tpu.memory_space<vmem>>
          %get3A_381 = tpu.memref_squeeze %get3A_380 : memref<1x16x128xf32, #tpu.memory_space<vmem>> -> memref<16x128xf32, #tpu.memory_space<vmem>>
          %get3A_382 = arith.constant 0 : i32
          %get3A_383 = tpu.memref_slice %get3A_381[%scan3A_188, %get3A_382] : memref<16x128xf32, #tpu.memory_space<vmem>> -> memref<1x128xf32, #tpu.memory_space<vmem>>
          %get3A_384 = tpu.memref_squeeze %get3A_383 : memref<1x128xf32, #tpu.memory_space<vmem>> -> memref<128xf32, #tpu.memory_space<vmem>>
          %get3A_385 = arith.constant 80 : index
          %get3A_386 = tpu.vector_load %get3A_384[%get3A_385] {strides = array<i32>} : memref<128xf32, #tpu.memory_space<vmem>>, vector<16xf32>,
          %get3A_387 = arith.constant 0 : i32
          %get3A_388 = arith.constant 0 : i32
          %get3A_389 = tpu.memref_slice %arg16[%rem3A_149, %get3A_387, %get3A_388] : memref<2x16x128xf32, #tpu.memory_space<vmem>> -> memref<1x16x128xf32, #tpu.memory_space<vmem>>
          %get3A_390 = tpu.memref_squeeze %get3A_389 : memref<1x16x128xf32, #tpu.memory_space<vmem>> -> memref<16x128xf32, #tpu.memory_space<vmem>>
          %get3A_391 = arith.constant 0 : i32
          %get3A_392 = tpu.memref_slice %get3A_390[%scan3A_188, %get3A_391] : memref<16x128xf32, #tpu.memory_space<vmem>> -> memref<1x128xf32, #tpu.memory_space<vmem>>
          %get3A_393 = tpu.memref_squeeze %get3A_392 : memref<1x128xf32, #tpu.memory_space<vmem>> -> memref<128xf32, #tpu.memory_space<vmem>>
          %get3A_394 = arith.constant 80 : index
          %get3A_395 = tpu.vector_load %get3A_393[%get3A_394] {strides = array<i32>} : memref<128xf32, #tpu.memory_space<vmem>>, vector<16xf32>,
          %add3A_396 = arith.addf %get3A_386, %get3A_395 : vector<16xf32>
          %max3A_397 = arith.constant 0.000000e+00 : f32
          %max3A_398 = vector.broadcast %max3A_397 : f32 to vector<16xf32>
          %max3A_399 = arith.maximumf %add3A_396, %max3A_398 : vector<16xf32>
          %add3A_400 = arith.constant 80 : i32
          %add3A_401 = arith.addi %mul3A_199, %add3A_400 : i32
          %swap3A_402 = arith.index_cast %add3A_401 : i32 to index
          %swap3A_403 = tpu.vector_load %arg9[%swap3A_402] {strides = array<i32>} : memref<40192xf32, #tpu.memory_space<vmem>>, vector<16xf32>,
          tpu.vector_store %arg9[%swap3A_402], %max3A_399 {add = true, strides = array<i32>} : memref<40192xf32, #tpu.memory_space<vmem>>, vector<16xf32>,
          %get3A_404 = arith.index_cast %add3A_401 : i32 to index
          %get3A_405 = tpu.vector_load %arg10[%get3A_404] {strides = array<i32>} : memref<40192xf32, #tpu.memory_space<vmem>>, vector<16xf32>,
          %max3A_406 = arith.maximumf %get3A_405, %max3A_399 : vector<16xf32>
          %swap3A_407 = arith.index_cast %add3A_401 : i32 to index
          %swap3A_408 = tpu.vector_load %arg10[%swap3A_407] {strides = array<i32>} : memref<40192xf32, #tpu.memory_space<vmem>>, vector<16xf32>,
          tpu.vector_store %arg10[%swap3A_407], %max3A_406 {strides = array<i32>} : memref<40192xf32, #tpu.memory_space<vmem>>, vector<16xf32>,
          %get3A_409 = arith.index_cast %add3A_401 : i32 to index
          %get3A_410 = tpu.vector_load %arg11[%get3A_409] {strides = array<i32>} : memref<40192xf32, #tpu.memory_space<vmem>>, vector<16xf32>,
          %min3A_411 = arith.minimumf %get3A_410, %max3A_399 : vector<16xf32>
          %swap3A_412 = arith.index_cast %add3A_401 : i32 to index
          %swap3A_413 = tpu.vector_load %arg11[%swap3A_412] {strides = array<i32>} : memref<40192xf32, #tpu.memory_space<vmem>>, vector<16xf32>,
          tpu.vector_store %arg11[%swap3A_412], %min3A_411 {strides = array<i32>} : memref<40192xf32, #tpu.memory_space<vmem>>, vector<16xf32>,
          %get3A_414 = arith.constant 0 : i32
          %get3A_415 = arith.constant 0 : i32
          %get3A_416 = tpu.memref_slice %arg15[%rem3A_149, %get3A_414, %get3A_415] : memref<2x16x128xf32, #tpu.memory_space<vmem>> -> memref<1x16x128xf32, #tpu.memory_space<vmem>>
          %get3A_417 = tpu.memref_squeeze %get3A_416 : memref<1x16x128xf32, #tpu.memory_space<vmem>> -> memref<16x128xf32, #tpu.memory_space<vmem>>
          %get3A_418 = arith.constant 0 : i32
          %get3A_419 = tpu.memref_slice %get3A_417[%scan3A_188, %get3A_418] : memref<16x128xf32, #tpu.memory_space<vmem>> -> memref<1x128xf32, #tpu.memory_space<vmem>>
          %get3A_420 = tpu.memref_squeeze %get3A_419 : memref<1x128xf32, #tpu.memory_space<vmem>> -> memref<128xf32, #tpu.memory_space<vmem>>
          %get3A_421 = arith.constant 96 : index
          %get3A_422 = tpu.vector_load %get3A_420[%get3A_421] {strides = array<i32>} : memref<128xf32, #tpu.memory_space<vmem>>, vector<16xf32>,
          %get3A_423 = arith.constant 0 : i32
          %get3A_424 = arith.constant 0 : i32
          %get3A_425 = tpu.memref_slice %arg16[%rem3A_149, %get3A_423, %get3A_424] : memref<2x16x128xf32, #tpu.memory_space<vmem>> -> memref<1x16x128xf32, #tpu.memory_space<vmem>>
          %get3A_426 = tpu.memref_squeeze %get3A_425 : memref<1x16x128xf32, #tpu.memory_space<vmem>> -> memref<16x128xf32, #tpu.memory_space<vmem>>
          %get3A_427 = arith.constant 0 : i32
          %get3A_428 = tpu.memref_slice %get3A_426[%scan3A_188, %get3A_427] : memref<16x128xf32, #tpu.memory_space<vmem>> -> memref<1x128xf32, #tpu.memory_space<vmem>>
          %get3A_429 = tpu.memref_squeeze %get3A_428 : memref<1x128xf32, #tpu.memory_space<vmem>> -> memref<128xf32, #tpu.memory_space<vmem>>
          %get3A_430 = arith.constant 96 : index
          %get3A_431 = tpu.vector_load %get3A_429[%get3A_430] {strides = array<i32>} : memref<128xf32, #tpu.memory_space<vmem>>, vector<16xf32>,
          %add3A_432 = arith.addf %get3A_422, %get3A_431 : vector<16xf32>
          %max3A_433 = arith.constant 0.000000e+00 : f32
          %max3A_434 = vector.broadcast %max3A_433 : f32 to vector<16xf32>
          %max3A_435 = arith.maximumf %add3A_432, %max3A_434 : vector<16xf32>
          %add3A_436 = arith.constant 96 : i32
          %add3A_437 = arith.addi %mul3A_199, %add3A_436 : i32
          %swap3A_438 = arith.index_cast %add3A_437 : i32 to index
          %swap3A_439 = tpu.vector_load %arg9[%swap3A_438] {strides = array<i32>} : memref<40192xf32, #tpu.memory_space<vmem>>, vector<16xf32>,
          tpu.vector_store %arg9[%swap3A_438], %max3A_435 {add = true, strides = array<i32>} : memref<40192xf32, #tpu.memory_space<vmem>>, vector<16xf32>,
          %get3A_440 = arith.index_cast %add3A_437 : i32 to index
          %get3A_441 = tpu.vector_load %arg10[%get3A_440] {strides = array<i32>} : memref<40192xf32, #tpu.memory_space<vmem>>, vector<16xf32>,
          %max3A_442 = arith.maximumf %get3A_441, %max3A_435 : vector<16xf32>
          %swap3A_443 = arith.index_cast %add3A_437 : i32 to index
          %swap3A_444 = tpu.vector_load %arg10[%swap3A_443] {strides = array<i32>} : memref<40192xf32, #tpu.memory_space<vmem>>, vector<16xf32>,
          tpu.vector_store %arg10[%swap3A_443], %max3A_442 {strides = array<i32>} : memref<40192xf32, #tpu.memory_space<vmem>>, vector<16xf32>,
          %get3A_445 = arith.index_cast %add3A_437 : i32 to index
          %get3A_446 = tpu.vector_load %arg11[%get3A_445] {strides = array<i32>} : memref<40192xf32, #tpu.memory_space<vmem>>, vector<16xf32>,
          %min3A_447 = arith.minimumf %get3A_446, %max3A_435 : vector<16xf32>
          %swap3A_448 = arith.index_cast %add3A_437 : i32 to index
          %swap3A_449 = tpu.vector_load %arg11[%swap3A_448] {strides = array<i32>} : memref<40192xf32, #tpu.memory_space<vmem>>, vector<16xf32>,
          tpu.vector_store %arg11[%swap3A_448], %min3A_447 {strides = array<i32>} : memref<40192xf32, #tpu.memory_space<vmem>>, vector<16xf32>,
          %get3A_450 = arith.constant 0 : i32
          %get3A_451 = arith.constant 0 : i32
          %get3A_452 = tpu.memref_slice %arg15[%rem3A_149, %get3A_450, %get3A_451] : memref<2x16x128xf32, #tpu.memory_space<vmem>> -> memref<1x16x128xf32, #tpu.memory_space<vmem>>
          %get3A_453 = tpu.memref_squeeze %get3A_452 : memref<1x16x128xf32, #tpu.memory_space<vmem>> -> memref<16x128xf32, #tpu.memory_space<vmem>>
          %get3A_454 = arith.constant 0 : i32
          %get3A_455 = tpu.memref_slice %get3A_453[%scan3A_188, %get3A_454] : memref<16x128xf32, #tpu.memory_space<vmem>> -> memref<1x128xf32, #tpu.memory_space<vmem>>
          %get3A_456 = tpu.memref_squeeze %get3A_455 : memref<1x128xf32, #tpu.memory_space<vmem>> -> memref<128xf32, #tpu.memory_space<vmem>>
          %get3A_457 = arith.constant 112 : index
          %get3A_458 = tpu.vector_load %get3A_456[%get3A_457] {strides = array<i32>} : memref<128xf32, #tpu.memory_space<vmem>>, vector<16xf32>,
          %get3A_459 = arith.constant 0 : i32
          %get3A_460 = arith.constant 0 : i32
          %get3A_461 = tpu.memref_slice %arg16[%rem3A_149, %get3A_459, %get3A_460] : memref<2x16x128xf32, #tpu.memory_space<vmem>> -> memref<1x16x128xf32, #tpu.memory_space<vmem>>
          %get3A_462 = tpu.memref_squeeze %get3A_461 : memref<1x16x128xf32, #tpu.memory_space<vmem>> -> memref<16x128xf32, #tpu.memory_space<vmem>>
          %get3A_463 = arith.constant 0 : i32
          %get3A_464 = tpu.memref_slice %get3A_462[%scan3A_188, %get3A_463] : memref<16x128xf32, #tpu.memory_space<vmem>> -> memref<1x128xf32, #tpu.memory_space<vmem>>
          %get3A_465 = tpu.memref_squeeze %get3A_464 : memref<1x128xf32, #tpu.memory_space<vmem>> -> memref<128xf32, #tpu.memory_space<vmem>>
          %get3A_466 = arith.constant 112 : index
          %get3A_467 = tpu.vector_load %get3A_465[%get3A_466] {strides = array<i32>} : memref<128xf32, #tpu.memory_space<vmem>>, vector<16xf32>,
          %add3A_468 = arith.addf %get3A_458, %get3A_467 : vector<16xf32>
          %max3A_469 = arith.constant 0.000000e+00 : f32
          %max3A_470 = vector.broadcast %max3A_469 : f32 to vector<16xf32>
          %max3A_471 = arith.maximumf %add3A_468, %max3A_470 : vector<16xf32>
          %add3A_472 = arith.constant 112 : i32
          %add3A_473 = arith.addi %mul3A_199, %add3A_472 : i32
          %swap3A_474 = arith.index_cast %add3A_473 : i32 to index
          %swap3A_475 = tpu.vector_load %arg9[%swap3A_474] {strides = array<i32>} : memref<40192xf32, #tpu.memory_space<vmem>>, vector<16xf32>,
          tpu.vector_store %arg9[%swap3A_474], %max3A_471 {add = true, strides = array<i32>} : memref<40192xf32, #tpu.memory_space<vmem>>, vector<16xf32>,
          %get3A_476 = arith.index_cast %add3A_473 : i32 to index
          %get3A_477 = tpu.vector_load %arg10[%get3A_476] {strides = array<i32>} : memref<40192xf32, #tpu.memory_space<vmem>>, vector<16xf32>,
          %max3A_478 = arith.maximumf %get3A_477, %max3A_471 : vector<16xf32>
          %swap3A_479 = arith.index_cast %add3A_473 : i32 to index
          %swap3A_480 = tpu.vector_load %arg10[%swap3A_479] {strides = array<i32>} : memref<40192xf32, #tpu.memory_space<vmem>>, vector<16xf32>,
          tpu.vector_store %arg10[%swap3A_479], %max3A_478 {strides = array<i32>} : memref<40192xf32, #tpu.memory_space<vmem>>, vector<16xf32>,
          %get3A_481 = arith.index_cast %add3A_473 : i32 to index
          %get3A_482 = tpu.vector_load %arg11[%get3A_481] {strides = array<i32>} : memref<40192xf32, #tpu.memory_space<vmem>>, vector<16xf32>,
          %min3A_483 = arith.minimumf %get3A_482, %max3A_471 : vector<16xf32>
          %swap3A_484 = arith.index_cast %add3A_473 : i32 to index
          %swap3A_485 = tpu.vector_load %arg11[%swap3A_484] {strides = array<i32>} : memref<40192xf32, #tpu.memory_space<vmem>>, vector<16xf32>,
          tpu.vector_store %arg11[%swap3A_484], %min3A_483 {strides = array<i32>} : memref<40192xf32, #tpu.memory_space<vmem>>, vector<16xf32>,
          %swap3A_486 = arith.index_cast %reduce_sum3A_197 : i32 to index
          %swap3A_487 = tpu.vector_load %arg12[%swap3A_486] {strides = array<i32>} : memref<336xf32, #tpu.memory_space<vmem>>, vector<16xf32>,
          tpu.vector_store %arg12[%swap3A_486], %select_n3A {add = true, strides = array<i32>} : memref<336xf32, #tpu.memory_space<vmem>>, vector<16xf32>,
          %scan3A_488 = arith.constant 0 : i32
          scf.yield %scan3A_488 : i32
        }
        %scan3A_186 = arith.constant 16 : i32
        %while3A_187 = arith.constant 0 : i32
        scf.yield %while3A_187 : i32
      }
      %cond3A_145 = arith.constant 0 : i32
      scf.yield %cond3A_145 : i32
    } else {
      scf.yield %scan3A_77 : i32
    }
    %mul3A_82 = arith.constant 40064 : i32
    %mul3A_83 = arith.muli %add3A, %mul3A_82 : i32
    "tpu.region"() ({
      %run_scoped3A = tpu.sem_alloc : memref<!tpu.dma_semaphore, #tpu.memory_space<semaphore_mem>>
      %dma_start3A_86 = arith.constant 0 : i32
      %dma_start3A_87 = tpu.memref_slice %arg9[%dma_start3A_86] : memref<40192xf32, #tpu.memory_space<vmem>> -> memref<40064xf32, #tpu.memory_space<vmem>>
      %dma_start3A_88 = tpu.memref_slice %arg5[%mul3A_83] : memref<1282048xf32, #tpu.memory_space<hbm>> -> memref<40064xf32, #tpu.memory_space<hbm>>
      %dma_start3A_89 = tpu.memref_slice %arg5[%mul3A_83] : memref<1282048xf32, #tpu.memory_space<hbm>> -> memref<40064xf32, #tpu.memory_space<hbm>>
      %dma_start3A_90 = arith.constant 0 : i32
      %dma_start3A_91 = tpu.memref_slice %arg9[%dma_start3A_90] : memref<40192xf32, #tpu.memory_space<vmem>> -> memref<40064xf32, #tpu.memory_space<vmem>>
      tpu.enqueue_dma source(%dma_start3A_91 : memref<40064xf32, #tpu.memory_space<vmem>>) target(%dma_start3A_89 : memref<40064xf32, #tpu.memory_space<hbm>>) target_semaphore(%run_scoped3A : memref<!tpu.dma_semaphore, #tpu.memory_space<semaphore_mem>>)
      %dma_wait3A = arith.constant 0 : i32
      %dma_wait3A_92 = tpu.memref_slice %arg9[%dma_wait3A] : memref<40192xf32, #tpu.memory_space<vmem>> -> memref<40064xf32, #tpu.memory_space<vmem>>
      %dma_wait3A_93 = tpu.memref_slice %arg5[%mul3A_83] : memref<1282048xf32, #tpu.memory_space<hbm>> -> memref<40064xf32, #tpu.memory_space<hbm>>
      %dma_wait3A_94 = tpu.memref_slice %arg5[%mul3A_83] : memref<1282048xf32, #tpu.memory_space<hbm>> -> memref<40064xf32, #tpu.memory_space<hbm>>
      %dma_wait3A_95 = arith.constant 0 : i32
      %dma_wait3A_96 = tpu.memref_slice %arg9[%dma_wait3A_95] : memref<40192xf32, #tpu.memory_space<vmem>> -> memref<40064xf32, #tpu.memory_space<vmem>>
      tpu.wait_dma2 semaphore(%run_scoped3A : memref<!tpu.dma_semaphore, #tpu.memory_space<semaphore_mem>>) src(%dma_wait3A_96 : memref<40064xf32, #tpu.memory_space<vmem>>) dst(%dma_wait3A_94 : memref<40064xf32, #tpu.memory_space<hbm>>)
      tpu.yield
    }) : () -> ()
    "tpu.region"() ({
      %run_scoped3A = tpu.sem_alloc : memref<!tpu.dma_semaphore, #tpu.memory_space<semaphore_mem>>
      %dma_start3A_86 = arith.constant 0 : i32
      %dma_start3A_87 = tpu.memref_slice %arg10[%dma_start3A_86] : memref<40192xf32, #tpu.memory_space<vmem>> -> memref<40064xf32, #tpu.memory_space<vmem>>
      %dma_start3A_88 = tpu.memref_slice %arg6[%mul3A_83] : memref<1282048xf32, #tpu.memory_space<hbm>> -> memref<40064xf32, #tpu.memory_space<hbm>>
      %dma_start3A_89 = tpu.memref_slice %arg6[%mul3A_83] : memref<1282048xf32, #tpu.memory_space<hbm>> -> memref<40064xf32, #tpu.memory_space<hbm>>
      %dma_start3A_90 = arith.constant 0 : i32
      %dma_start3A_91 = tpu.memref_slice %arg10[%dma_start3A_90] : memref<40192xf32, #tpu.memory_space<vmem>> -> memref<40064xf32, #tpu.memory_space<vmem>>
      tpu.enqueue_dma source(%dma_start3A_91 : memref<40064xf32, #tpu.memory_space<vmem>>) target(%dma_start3A_89 : memref<40064xf32, #tpu.memory_space<hbm>>) target_semaphore(%run_scoped3A : memref<!tpu.dma_semaphore, #tpu.memory_space<semaphore_mem>>)
      %dma_wait3A = arith.constant 0 : i32
      %dma_wait3A_92 = tpu.memref_slice %arg10[%dma_wait3A] : memref<40192xf32, #tpu.memory_space<vmem>> -> memref<40064xf32, #tpu.memory_space<vmem>>
      %dma_wait3A_93 = tpu.memref_slice %arg6[%mul3A_83] : memref<1282048xf32, #tpu.memory_space<hbm>> -> memref<40064xf32, #tpu.memory_space<hbm>>
      %dma_wait3A_94 = tpu.memref_slice %arg6[%mul3A_83] : memref<1282048xf32, #tpu.memory_space<hbm>> -> memref<40064xf32, #tpu.memory_space<hbm>>
      %dma_wait3A_95 = arith.constant 0 : i32
      %dma_wait3A_96 = tpu.memref_slice %arg10[%dma_wait3A_95] : memref<40192xf32, #tpu.memory_space<vmem>> -> memref<40064xf32, #tpu.memory_space<vmem>>
      tpu.wait_dma2 semaphore(%run_scoped3A : memref<!tpu.dma_semaphore, #tpu.memory_space<semaphore_mem>>) src(%dma_wait3A_96 : memref<40064xf32, #tpu.memory_space<vmem>>) dst(%dma_wait3A_94 : memref<40064xf32, #tpu.memory_space<hbm>>)
      tpu.yield
    }) : () -> ()
    "tpu.region"() ({
      %run_scoped3A = tpu.sem_alloc : memref<!tpu.dma_semaphore, #tpu.memory_space<semaphore_mem>>
      %dma_start3A_86 = arith.constant 0 : i32
      %dma_start3A_87 = tpu.memref_slice %arg11[%dma_start3A_86] : memref<40192xf32, #tpu.memory_space<vmem>> -> memref<40064xf32, #tpu.memory_space<vmem>>
      %dma_start3A_88 = tpu.memref_slice %arg7[%mul3A_83] : memref<1282048xf32, #tpu.memory_space<hbm>> -> memref<40064xf32, #tpu.memory_space<hbm>>
      %dma_start3A_89 = tpu.memref_slice %arg7[%mul3A_83] : memref<1282048xf32, #tpu.memory_space<hbm>> -> memref<40064xf32, #tpu.memory_space<hbm>>
      %dma_start3A_90 = arith.constant 0 : i32
      %dma_start3A_91 = tpu.memref_slice %arg11[%dma_start3A_90] : memref<40192xf32, #tpu.memory_space<vmem>> -> memref<40064xf32, #tpu.memory_space<vmem>>
      tpu.enqueue_dma source(%dma_start3A_91 : memref<40064xf32, #tpu.memory_space<vmem>>) target(%dma_start3A_89 : memref<40064xf32, #tpu.memory_space<hbm>>) target_semaphore(%run_scoped3A : memref<!tpu.dma_semaphore, #tpu.memory_space<semaphore_mem>>)
      %dma_wait3A = arith.constant 0 : i32
      %dma_wait3A_92 = tpu.memref_slice %arg11[%dma_wait3A] : memref<40192xf32, #tpu.memory_space<vmem>> -> memref<40064xf32, #tpu.memory_space<vmem>>
      %dma_wait3A_93 = tpu.memref_slice %arg7[%mul3A_83] : memref<1282048xf32, #tpu.memory_space<hbm>> -> memref<40064xf32, #tpu.memory_space<hbm>>
      %dma_wait3A_94 = tpu.memref_slice %arg7[%mul3A_83] : memref<1282048xf32, #tpu.memory_space<hbm>> -> memref<40064xf32, #tpu.memory_space<hbm>>
      %dma_wait3A_95 = arith.constant 0 : i32
      %dma_wait3A_96 = tpu.memref_slice %arg11[%dma_wait3A_95] : memref<40192xf32, #tpu.memory_space<vmem>> -> memref<40064xf32, #tpu.memory_space<vmem>>
      tpu.wait_dma2 semaphore(%run_scoped3A : memref<!tpu.dma_semaphore, #tpu.memory_space<semaphore_mem>>) src(%dma_wait3A_96 : memref<40064xf32, #tpu.memory_space<vmem>>) dst(%dma_wait3A_94 : memref<40064xf32, #tpu.memory_space<hbm>>)
      tpu.yield
    }) : () -> ()
    %mul3A_84 = arith.constant 336 : i32
    %mul3A_85 = arith.muli %add3A, %mul3A_84 : i32
    "tpu.region"() ({
      %run_scoped3A = tpu.sem_alloc : memref<!tpu.dma_semaphore, #tpu.memory_space<semaphore_mem>>
      %dma_start3A_86 = arith.constant 0 : i32
      %dma_start3A_87 = tpu.memref_slice %arg12[%dma_start3A_86] : memref<336xf32, #tpu.memory_space<vmem>> -> memref<336xf32, #tpu.memory_space<vmem>>
      %dma_start3A_88 = tpu.memref_slice %arg8[%mul3A_85] : memref<10752xf32, #tpu.memory_space<hbm>> -> memref<336xf32, #tpu.memory_space<hbm>>
      %dma_start3A_89 = tpu.memref_slice %arg8[%mul3A_85] : memref<10752xf32, #tpu.memory_space<hbm>> -> memref<336xf32, #tpu.memory_space<hbm>>
      %dma_start3A_90 = arith.constant 0 : i32
      %dma_start3A_91 = tpu.memref_slice %arg12[%dma_start3A_90] : memref<336xf32, #tpu.memory_space<vmem>> -> memref<336xf32, #tpu.memory_space<vmem>>
      tpu.enqueue_dma source(%dma_start3A_91 : memref<336xf32, #tpu.memory_space<vmem>>) target(%dma_start3A_89 : memref<336xf32, #tpu.memory_space<hbm>>) target_semaphore(%run_scoped3A : memref<!tpu.dma_semaphore, #tpu.memory_space<semaphore_mem>>)
      %dma_wait3A = arith.constant 0 : i32
      %dma_wait3A_92 = tpu.memref_slice %arg12[%dma_wait3A] : memref<336xf32, #tpu.memory_space<vmem>> -> memref<336xf32, #tpu.memory_space<vmem>>
      %dma_wait3A_93 = tpu.memref_slice %arg8[%mul3A_85] : memref<10752xf32, #tpu.memory_space<hbm>> -> memref<336xf32, #tpu.memory_space<hbm>>
      %dma_wait3A_94 = tpu.memref_slice %arg8[%mul3A_85] : memref<10752xf32, #tpu.memory_space<hbm>> -> memref<336xf32, #tpu.memory_space<hbm>>
      %dma_wait3A_95 = arith.constant 0 : i32
      %dma_wait3A_96 = tpu.memref_slice %arg12[%dma_wait3A_95] : memref<336xf32, #tpu.memory_space<vmem>> -> memref<336xf32, #tpu.memory_space<vmem>>
      tpu.wait_dma2 semaphore(%run_scoped3A : memref<!tpu.dma_semaphore, #tpu.memory_space<semaphore_mem>>) src(%dma_wait3A_96 : memref<336xf32, #tpu.memory_space<vmem>>) dst(%dma_wait3A_94 : memref<336xf32, #tpu.memory_space<hbm>>)
      tpu.yield
    }) : () -> ()
    return
  }
}

#map = affine_map<(d0, d1) -> (0)>
module attributes {stable_mosaic.version = 14 : i64} {
  func.func @_pair_body(%arg0: i32, %arg1: i32, %arg2: memref<40000xf32, #tpu.memory_space<hbm>>, %arg3: memref<524288xi32, #tpu.memory_space<hbm>>, %arg4: memref<524288xi32, #tpu.memory_space<hbm>>, %arg5: memref<524288xf32, #tpu.memory_space<hbm>>, %arg6: memref<40000xf32, #tpu.memory_space<vmem>>, %arg7: memref<1024xi32, #tpu.memory_space<vmem>>, %arg8: memref<1024xi32, #tpu.memory_space<vmem>>, %arg9: memref<1024xf32, #tpu.memory_space<vmem>>) attributes {dimension_semantics = [#tpu.dimension_semantics<core_parallel>, #tpu.dimension_semantics<subcore_parallel>], iteration_bounds = array<i64: 2, 16>, scalar_prefetch = 0 : i64, scratch_operands = 4 : i64, tpu.core_type = #tpu.core_type<sc_vector_subcore>, window_params = [{transform_indices = #map}, {transform_indices = #map}, {transform_indices = #map}, {transform_indices = #map}]} {
    %mul3A = arith.constant 2 : i32
    %mul3A_0 = arith.muli %arg1, %mul3A : i32
    %add3A = arith.addi %mul3A_0, %arg0 : i32
    %mul3A_1 = arith.constant 16384 : i32
    %mul3A_2 = arith.muli %add3A, %mul3A_1 : i32
    "tpu.region"() ({
      %run_scoped3A = tpu.sem_alloc : memref<!tpu.dma_semaphore, #tpu.memory_space<semaphore_mem>>
      tpu.enqueue_dma source(%arg2 : memref<40000xf32, #tpu.memory_space<hbm>>) target(%arg6 : memref<40000xf32, #tpu.memory_space<vmem>>) target_semaphore(%run_scoped3A : memref<!tpu.dma_semaphore, #tpu.memory_space<semaphore_mem>>)
      tpu.wait_dma2 semaphore(%run_scoped3A : memref<!tpu.dma_semaphore, #tpu.memory_space<semaphore_mem>>) src(%arg2 : memref<40000xf32, #tpu.memory_space<hbm>>) dst(%arg6 : memref<40000xf32, #tpu.memory_space<vmem>>)
      tpu.yield
    }) : () -> ()
    %scan3A = arith.constant 0 : i32
    %scan3A_3 = arith.constant 0 : i32
    %scan3A_4 = arith.constant 16 : i32
    %scan3A_5 = arith.addi %scan3A_3, %scan3A_4 : i32
    %scan3A_6 = arith.constant 1 : i32
    %scan3A_7 = scf.for %scan3A_9 = %scan3A_3 to %scan3A_5 step %scan3A_6 iter_args(%scan3A_10 = %scan3A) -> (i32)  : i32 {
      %mul3A_11 = arith.constant 1024 : i32
      %mul3A_12 = arith.muli %scan3A_9, %mul3A_11 : i32
      %add3A_13 = arith.addi %mul3A_2, %mul3A_12 : i32
      "tpu.region"() ({
        %run_scoped3A = tpu.sem_alloc : memref<!tpu.dma_semaphore, #tpu.memory_space<semaphore_mem>>
        %dma_start3A = tpu.memref_slice %arg3[%add3A_13] : memref<524288xi32, #tpu.memory_space<hbm>> -> memref<1024xi32, #tpu.memory_space<hbm>>
        %dma_start3A_22 = tpu.memref_slice %arg3[%add3A_13] : memref<524288xi32, #tpu.memory_space<hbm>> -> memref<1024xi32, #tpu.memory_space<hbm>>
        tpu.enqueue_dma source(%dma_start3A_22 : memref<1024xi32, #tpu.memory_space<hbm>>) target(%arg7 : memref<1024xi32, #tpu.memory_space<vmem>>) target_semaphore(%run_scoped3A : memref<!tpu.dma_semaphore, #tpu.memory_space<semaphore_mem>>)
        %dma_wait3A = tpu.memref_slice %arg3[%add3A_13] : memref<524288xi32, #tpu.memory_space<hbm>> -> memref<1024xi32, #tpu.memory_space<hbm>>
        %dma_wait3A_23 = tpu.memref_slice %arg3[%add3A_13] : memref<524288xi32, #tpu.memory_space<hbm>> -> memref<1024xi32, #tpu.memory_space<hbm>>
        tpu.wait_dma2 semaphore(%run_scoped3A : memref<!tpu.dma_semaphore, #tpu.memory_space<semaphore_mem>>) src(%dma_wait3A_23 : memref<1024xi32, #tpu.memory_space<hbm>>) dst(%arg7 : memref<1024xi32, #tpu.memory_space<vmem>>)
        tpu.yield
      }) : () -> ()
      "tpu.region"() ({
        %run_scoped3A = tpu.sem_alloc : memref<!tpu.dma_semaphore, #tpu.memory_space<semaphore_mem>>
        %dma_start3A = tpu.memref_slice %arg4[%add3A_13] : memref<524288xi32, #tpu.memory_space<hbm>> -> memref<1024xi32, #tpu.memory_space<hbm>>
        %dma_start3A_22 = tpu.memref_slice %arg4[%add3A_13] : memref<524288xi32, #tpu.memory_space<hbm>> -> memref<1024xi32, #tpu.memory_space<hbm>>
        tpu.enqueue_dma source(%dma_start3A_22 : memref<1024xi32, #tpu.memory_space<hbm>>) target(%arg8 : memref<1024xi32, #tpu.memory_space<vmem>>) target_semaphore(%run_scoped3A : memref<!tpu.dma_semaphore, #tpu.memory_space<semaphore_mem>>)
        %dma_wait3A = tpu.memref_slice %arg4[%add3A_13] : memref<524288xi32, #tpu.memory_space<hbm>> -> memref<1024xi32, #tpu.memory_space<hbm>>
        %dma_wait3A_23 = tpu.memref_slice %arg4[%add3A_13] : memref<524288xi32, #tpu.memory_space<hbm>> -> memref<1024xi32, #tpu.memory_space<hbm>>
        tpu.wait_dma2 semaphore(%run_scoped3A : memref<!tpu.dma_semaphore, #tpu.memory_space<semaphore_mem>>) src(%dma_wait3A_23 : memref<1024xi32, #tpu.memory_space<hbm>>) dst(%arg8 : memref<1024xi32, #tpu.memory_space<vmem>>)
        tpu.yield
      }) : () -> ()
      %scan3A_14 = arith.constant 0 : i32
      %scan3A_15 = arith.constant 0 : i32
      %scan3A_16 = arith.constant 64 : i32
      %scan3A_17 = arith.addi %scan3A_15, %scan3A_16 : i32
      %scan3A_18 = arith.constant 1 : i32
      %scan3A_19 = scf.for %scan3A_22 = %scan3A_15 to %scan3A_17 step %scan3A_18 iter_args(%scan3A_23 = %scan3A_14) -> (i32)  : i32 {
        %mul3A_24 = arith.constant 16 : i32
        %mul3A_25 = arith.muli %scan3A_22, %mul3A_24 : i32
        %get3A = arith.index_cast %mul3A_25 : i32 to index
        %get3A_26 = tpu.vector_load %arg7[%get3A] {strides = array<i32>} : memref<1024xi32, #tpu.memory_space<vmem>>, vector<16xi32>,
        %mul3A_27 = arith.constant 4 : i32
        %mul3A_28 = vector.broadcast %mul3A_27 : i32 to vector<16xi32>
        %mul3A_29 = arith.muli %get3A_26, %mul3A_28 : vector<16xi32>
        %get3A_30 = arith.index_cast %mul3A_25 : i32 to index
        %get3A_31 = tpu.vector_load %arg8[%get3A_30] {strides = array<i32>} : memref<1024xi32, #tpu.memory_space<vmem>>, vector<16xi32>,
        %mul3A_32 = arith.constant 4 : i32
        %mul3A_33 = vector.broadcast %mul3A_32 : i32 to vector<16xi32>
        %mul3A_34 = arith.muli %get3A_31, %mul3A_33 : vector<16xi32>
        %gather3A = tpu.vector_load_idx %arg6[%mul3A_29] : memref<40000xf32, #tpu.memory_space<vmem>>[vector<16xi32>], vector<16xf32>,
        %add3A_35 = arith.constant 1 : i32
        %add3A_36 = vector.broadcast %add3A_35 : i32 to vector<16xi32>
        %add3A_37 = arith.addi %mul3A_29, %add3A_36 : vector<16xi32>
        %gather3A_38 = tpu.vector_load_idx %arg6[%add3A_37] : memref<40000xf32, #tpu.memory_space<vmem>>[vector<16xi32>], vector<16xf32>,
        %add3A_39 = arith.constant 2 : i32
        %add3A_40 = vector.broadcast %add3A_39 : i32 to vector<16xi32>
        %add3A_41 = arith.addi %mul3A_29, %add3A_40 : vector<16xi32>
        %gather3A_42 = tpu.vector_load_idx %arg6[%add3A_41] : memref<40000xf32, #tpu.memory_space<vmem>>[vector<16xi32>], vector<16xf32>,
        %gather3A_43 = tpu.vector_load_idx %arg6[%mul3A_34] : memref<40000xf32, #tpu.memory_space<vmem>>[vector<16xi32>], vector<16xf32>,
        %add3A_44 = arith.constant 1 : i32
        %add3A_45 = vector.broadcast %add3A_44 : i32 to vector<16xi32>
        %add3A_46 = arith.addi %mul3A_34, %add3A_45 : vector<16xi32>
        %gather3A_47 = tpu.vector_load_idx %arg6[%add3A_46] : memref<40000xf32, #tpu.memory_space<vmem>>[vector<16xi32>], vector<16xf32>,
        %add3A_48 = arith.constant 2 : i32
        %add3A_49 = vector.broadcast %add3A_48 : i32 to vector<16xi32>
        %add3A_50 = arith.addi %mul3A_34, %add3A_49 : vector<16xi32>
        %gather3A_51 = tpu.vector_load_idx %arg6[%add3A_50] : memref<40000xf32, #tpu.memory_space<vmem>>[vector<16xi32>], vector<16xf32>,
        %sub3A = arith.subf %gather3A, %gather3A_43 : vector<16xf32>
        %sub3A_52 = arith.subf %gather3A_38, %gather3A_47 : vector<16xf32>
        %sub3A_53 = arith.subf %gather3A_42, %gather3A_51 : vector<16xf32>
        %mul3A_54 = arith.mulf %sub3A, %sub3A : vector<16xf32>
        %mul3A_55 = arith.mulf %sub3A_52, %sub3A_52 : vector<16xf32>
        %add3A_56 = arith.addf %mul3A_54, %mul3A_55 : vector<16xf32>
        %mul3A_57 = arith.mulf %sub3A_53, %sub3A_53 : vector<16xf32>
        %add3A_58 = arith.addf %add3A_56, %mul3A_57 : vector<16xf32>
        %add3A_59 = arith.constant 9.99999996E-13 : f32
        %add3A_60 = vector.broadcast %add3A_59 : f32 to vector<16xf32>
        %add3A_61 = arith.addf %add3A_58, %add3A_60 : vector<16xf32>
        %bitcast_convert_type3A = tpu.bitcast %add3A_61 : vector<16xf32> -> vector<16xi32>
        %shift_right_arithmetic3A = arith.constant 1 : i32
        %shift_right_arithmetic3A_62 = vector.broadcast %shift_right_arithmetic3A : i32 to vector<16xi32>
        %shift_right_arithmetic3A_63 = arith.shrsi %bitcast_convert_type3A, %shift_right_arithmetic3A_62 : vector<16xi32>
        %sub3A_64 = arith.constant 1597463007 : i32
        %sub3A_65 = vector.broadcast %sub3A_64 : i32 to vector<16xi32>
        %sub3A_66 = arith.subi %sub3A_65, %shift_right_arithmetic3A_63 : vector<16xi32>
        %bitcast_convert_type3A_67 = tpu.bitcast %sub3A_66 : vector<16xi32> -> vector<16xf32>
        %mul3A_68 = arith.constant 5.000000e-01 : f32
        %mul3A_69 = vector.broadcast %mul3A_68 : f32 to vector<16xf32>
        %mul3A_70 = arith.mulf %mul3A_69, %add3A_61 : vector<16xf32>
        %mul3A_71 = arith.mulf %mul3A_70, %bitcast_convert_type3A_67 : vector<16xf32>
        %mul3A_72 = arith.mulf %mul3A_71, %bitcast_convert_type3A_67 : vector<16xf32>
        %sub3A_73 = arith.constant 1.500000e+00 : f32
        %sub3A_74 = vector.broadcast %sub3A_73 : f32 to vector<16xf32>
        %sub3A_75 = arith.subf %sub3A_74, %mul3A_72 : vector<16xf32>
        %mul3A_76 = arith.mulf %bitcast_convert_type3A_67, %sub3A_75 : vector<16xf32>
        %mul3A_77 = arith.constant 5.000000e-01 : f32
        %mul3A_78 = vector.broadcast %mul3A_77 : f32 to vector<16xf32>
        %mul3A_79 = arith.mulf %mul3A_78, %add3A_61 : vector<16xf32>
        %mul3A_80 = arith.mulf %mul3A_79, %mul3A_76 : vector<16xf32>
        %mul3A_81 = arith.mulf %mul3A_80, %mul3A_76 : vector<16xf32>
        %sub3A_82 = arith.constant 1.500000e+00 : f32
        %sub3A_83 = vector.broadcast %sub3A_82 : f32 to vector<16xf32>
        %sub3A_84 = arith.subf %sub3A_83, %mul3A_81 : vector<16xf32>
        %mul3A_85 = arith.mulf %mul3A_76, %sub3A_84 : vector<16xf32>
        %mul3A_86 = arith.constant 5.000000e-01 : f32
        %mul3A_87 = vector.broadcast %mul3A_86 : f32 to vector<16xf32>
        %mul3A_88 = arith.mulf %mul3A_87, %add3A_61 : vector<16xf32>
        %mul3A_89 = arith.mulf %mul3A_88, %mul3A_85 : vector<16xf32>
        %mul3A_90 = arith.mulf %mul3A_89, %mul3A_85 : vector<16xf32>
        %sub3A_91 = arith.constant 1.500000e+00 : f32
        %sub3A_92 = vector.broadcast %sub3A_91 : f32 to vector<16xf32>
        %sub3A_93 = arith.subf %sub3A_92, %mul3A_90 : vector<16xf32>
        %mul3A_94 = arith.mulf %mul3A_85, %sub3A_93 : vector<16xf32>
        %mul3A_95 = arith.mulf %add3A_61, %mul3A_94 : vector<16xf32>
        %swap3A = arith.index_cast %mul3A_25 : i32 to index
        %swap3A_96 = tpu.vector_load %arg9[%swap3A] {strides = array<i32>} : memref<1024xf32, #tpu.memory_space<vmem>>, vector<16xf32>,
        tpu.vector_store %arg9[%swap3A], %mul3A_95 {strides = array<i32>} : memref<1024xf32, #tpu.memory_space<vmem>>, vector<16xf32>,
        %scan3A_97 = arith.constant 0 : i32
        scf.yield %scan3A_97 : i32
      }
      %scan3A_20 = arith.constant 64 : i32
      "tpu.region"() ({
        %run_scoped3A = tpu.sem_alloc : memref<!tpu.dma_semaphore, #tpu.memory_space<semaphore_mem>>
        %dma_start3A = tpu.memref_slice %arg5[%add3A_13] : memref<524288xf32, #tpu.memory_space<hbm>> -> memref<1024xf32, #tpu.memory_space<hbm>>
        %dma_start3A_22 = tpu.memref_slice %arg5[%add3A_13] : memref<524288xf32, #tpu.memory_space<hbm>> -> memref<1024xf32, #tpu.memory_space<hbm>>
        tpu.enqueue_dma source(%arg9 : memref<1024xf32, #tpu.memory_space<vmem>>) target(%dma_start3A_22 : memref<1024xf32, #tpu.memory_space<hbm>>) target_semaphore(%run_scoped3A : memref<!tpu.dma_semaphore, #tpu.memory_space<semaphore_mem>>)
        %dma_wait3A = tpu.memref_slice %arg5[%add3A_13] : memref<524288xf32, #tpu.memory_space<hbm>> -> memref<1024xf32, #tpu.memory_space<hbm>>
        %dma_wait3A_23 = tpu.memref_slice %arg5[%add3A_13] : memref<524288xf32, #tpu.memory_space<hbm>> -> memref<1024xf32, #tpu.memory_space<hbm>>
        tpu.wait_dma2 semaphore(%run_scoped3A : memref<!tpu.dma_semaphore, #tpu.memory_space<semaphore_mem>>) src(%arg9 : memref<1024xf32, #tpu.memory_space<vmem>>) dst(%dma_wait3A_23 : memref<1024xf32, #tpu.memory_space<hbm>>)
        tpu.yield
      }) : () -> ()
      %scan3A_21 = arith.constant 0 : i32
      scf.yield %scan3A_21 : i32
    }
    %scan3A_8 = arith.constant 16 : i32
    return
  }
}

module attributes {stable_mosaic.version = 14 : i64} {
  func.func @_tc1_body(%arg0: i32, %arg1: memref<1000x128xf32, #tpu.memory_space<vmem>>, %arg2: memref<128x128xf32, #tpu.memory_space<vmem>>, %arg3: memref<128x128xf32, #tpu.memory_space<vmem>>, %arg4: memref<1x128xf32, #tpu.memory_space<vmem>>, %arg5: memref<1000x128xf32, #tpu.memory_space<vmem>>, %arg6: memref<1000x128xf32, #tpu.memory_space<vmem>>) attributes {dimension_semantics = [#tpu.dimension_semantics<arbitrary>], iteration_bounds = array<i64: 10>, scalar_prefetch = 0 : i64, scratch_operands = 0 : i64, tpu.core_type = #tpu.core_type<tc>, window_params = [{transform_indices = @transform_0, window_bounds = array<i64: 1000, 128>}, {pipeline_mode = #tpu.pipeline_mode<synchronous>, transform_indices = @transform_1, window_bounds = array<i64: 128, 128>}, {pipeline_mode = #tpu.pipeline_mode<synchronous>, transform_indices = @transform_2, window_bounds = array<i64: 128, 128>}, {pipeline_mode = #tpu.pipeline_mode<synchronous>, transform_indices = @transform_3, window_bounds = array<i64: 1, 128>}, {transform_indices = @transform_4, window_bounds = array<i64: 1000, 128>}, {transform_indices = @transform_5, window_bounds = array<i64: 1000, 128>}]} {
    %get3A = arith.constant 0 : index
    %get3A_0 = arith.constant 0 : index
    %get3A_1 = vector.load %arg1[%get3A, %get3A_0] : memref<1000x128xf32, #tpu.memory_space<vmem>>, vector<1000x128xf32>
    %get3A_2 = arith.constant 0 : index
    %get3A_3 = arith.constant 0 : index
    %get3A_4 = vector.load %arg2[%get3A_2, %get3A_3] : memref<128x128xf32, #tpu.memory_space<vmem>>, vector<128x128xf32>
    %dot_general3A = arith.constant dense<0.000000e+00> : vector<1000x128xf32>
    %dot_general3A_5 = tpu.matmul %get3A_1, %get3A_4, %dot_general3A {dimension_numbers = #tpu.dot_dimension_numbers<[1], [0], [0], [1], [0, 0, 1, 1], [], []>, transpose_lhs_hint = false} : vector<1000x128xf32>, vector<128x128xf32>, vector<1000x128xf32> -> vector<1000x128xf32>
    %swap3A = arith.constant 0 : index
    %swap3A_6 = arith.constant 0 : index
    %swap3A_7 = vector.load %arg5[%swap3A, %swap3A_6] : memref<1000x128xf32, #tpu.memory_space<vmem>>, vector<1000x128xf32>
    tpu.vector_store %arg5[%swap3A, %swap3A_6], %dot_general3A_5 {strides = array<i32>} : memref<1000x128xf32, #tpu.memory_space<vmem>>, vector<1000x128xf32>,
    %get3A_8 = arith.constant 0 : index
    %get3A_9 = arith.constant 0 : index
    %get3A_10 = vector.load %arg3[%get3A_8, %get3A_9] : memref<128x128xf32, #tpu.memory_space<vmem>>, vector<128x128xf32>
    %dot_general3A_11 = arith.constant dense<0.000000e+00> : vector<1000x128xf32>
    %dot_general3A_12 = tpu.matmul %get3A_1, %get3A_10, %dot_general3A_11 {dimension_numbers = #tpu.dot_dimension_numbers<[1], [0], [0], [1], [0, 0, 1, 1], [], []>, transpose_lhs_hint = false} : vector<1000x128xf32>, vector<128x128xf32>, vector<1000x128xf32> -> vector<1000x128xf32>
    %get3A_13 = arith.constant 0 : index
    %get3A_14 = arith.constant 0 : index
    %get3A_15 = vector.load %arg4[%get3A_13, %get3A_14] : memref<1x128xf32, #tpu.memory_space<vmem>>, vector<1x128xf32>
    %add3A = vector.broadcast %get3A_15 : vector<1x128xf32> to vector<1000x128xf32>
    %add3A_16 = arith.addf %dot_general3A_12, %add3A : vector<1000x128xf32>
    %swap3A_17 = arith.constant 0 : index
    %swap3A_18 = arith.constant 0 : index
    %swap3A_19 = vector.load %arg6[%swap3A_17, %swap3A_18] : memref<1000x128xf32, #tpu.memory_space<vmem>>, vector<1000x128xf32>
    tpu.vector_store %arg6[%swap3A_17, %swap3A_18], %add3A_16 {strides = array<i32>} : memref<1000x128xf32, #tpu.memory_space<vmem>>, vector<1000x128xf32>,
    return
  }
  func.func @transform_0(%arg0: i32) -> (i32, i32) {
    %c0_i32 = arith.constant 0 : i32
    %c0_i32_0 = arith.constant 0 : i32
    return %arg0, %c0_i32 : i32, i32
  }
  func.func @transform_1(%arg0: i32) -> (i32, i32) {
    %c0_i32 = arith.constant 0 : i32
    %c0_i32_0 = arith.constant 0 : i32
    %c0_i32_1 = arith.constant 0 : i32
    return %c0_i32, %c0_i32_0 : i32, i32
  }
  func.func @transform_2(%arg0: i32) -> (i32, i32) {
    %c0_i32 = arith.constant 0 : i32
    %c0_i32_0 = arith.constant 0 : i32
    %c0_i32_1 = arith.constant 0 : i32
    return %c0_i32, %c0_i32_0 : i32, i32
  }
  func.func @transform_3(%arg0: i32) -> (i32, i32) {
    %c0_i32 = arith.constant 0 : i32
    %c0_i32_0 = arith.constant 0 : i32
    %c0_i32_1 = arith.constant 0 : i32
    return %c0_i32, %c0_i32_0 : i32, i32
  }
  func.func @transform_4(%arg0: i32) -> (i32, i32) {
    %c0_i32 = arith.constant 0 : i32
    %c0_i32_0 = arith.constant 0 : i32
    return %arg0, %c0_i32 : i32, i32
  }
  func.func @transform_5(%arg0: i32) -> (i32, i32) {
    %c0_i32 = arith.constant 0 : i32
    %c0_i32_0 = arith.constant 0 : i32
    return %arg0, %c0_i32 : i32, i32
  }
}

module attributes {stable_mosaic.version = 14 : i64} {
  func.func @_tc2a_body(%arg0: i32, %arg1: memref<1000x128xf32, #tpu.memory_space<vmem>>, %arg2: memref<1000x128xf32, #tpu.memory_space<vmem>>, %arg3: memref<1000x128xf32, #tpu.memory_space<vmem>>, %arg4: memref<1000x1xf32, #tpu.memory_space<vmem>>, %arg5: memref<1000x128xf32, #tpu.memory_space<vmem>>, %arg6: memref<512x128xf32, #tpu.memory_space<vmem>>, %arg7: memref<1x128xf32, #tpu.memory_space<vmem>>, %arg8: memref<128x32xf32, #tpu.memory_space<vmem>>, %arg9: memref<1x32xf32, #tpu.memory_space<vmem>>, %arg10: memref<1000x32xf32, #tpu.memory_space<vmem>>, %arg11: memref<1x32xf32, #tpu.memory_space<vmem>>, %arg12: memref<1x32xf32, #tpu.memory_space<vmem>>) attributes {dimension_semantics = [#tpu.dimension_semantics<arbitrary>], iteration_bounds = array<i64: 10>, scalar_prefetch = 0 : i64, scratch_operands = 0 : i64, tpu.core_type = #tpu.core_type<tc>, window_params = [{transform_indices = @transform_0, window_bounds = array<i64: 1000, 128>}, {transform_indices = @transform_1, window_bounds = array<i64: 1000, 128>}, {transform_indices = @transform_2, window_bounds = array<i64: 1000, 128>}, {transform_indices = @transform_3, window_bounds = array<i64: 1000, 1>}, {transform_indices = @transform_4, window_bounds = array<i64: 1000, 128>}, {pipeline_mode = #tpu.pipeline_mode<synchronous>, transform_indices = @transform_5, window_bounds = array<i64: 512, 128>}, {pipeline_mode = #tpu.pipeline_mode<synchronous>, transform_indices = @transform_6, window_bounds = array<i64: 1, 128>}, {pipeline_mode = #tpu.pipeline_mode<synchronous>, transform_indices = @transform_7, window_bounds = array<i64: 128, 32>}, {pipeline_mode = #tpu.pipeline_mode<synchronous>, transform_indices = @transform_8, window_bounds = array<i64: 1, 32>}, {transform_indices = @transform_9, window_bounds = array<i64: 1000, 32>}, {pipeline_mode = #tpu.pipeline_mode<synchronous>, transform_indices = @transform_10, window_bounds = array<i64: 1, 32>}, {pipeline_mode = #tpu.pipeline_mode<synchronous>, transform_indices = @transform_11, window_bounds = array<i64: 1, 32>}]} {
    %get3A = arith.constant 0 : index
    %get3A_0 = arith.constant 0 : index
    %get3A_1 = vector.load %arg4[%get3A, %get3A_0] : memref<1000x1xf32, #tpu.memory_space<vmem>>, vector<1000x1xf32>
    %get3A_2 = arith.constant 0 : index
    %get3A_3 = arith.constant 0 : index
    %get3A_4 = vector.load %arg1[%get3A_2, %get3A_3] : memref<1000x128xf32, #tpu.memory_space<vmem>>, vector<1000x128xf32>
    %max3A = arith.constant 1.000000e+00 : f32
    %max3A_5 = vector.broadcast %max3A : f32 to vector<1000x1xf32>
    %max3A_6 = arith.maximumf %get3A_1, %max3A_5 : vector<1000x1xf32>
    %div3A = vector.broadcast %max3A_6 : vector<1000x1xf32> to vector<1000x128xf32>
    %div3A_7 = arith.divf %get3A_4, %div3A : vector<1000x128xf32>
    %gt3A = arith.constant 0.000000e+00 : f32
    %gt3A_8 = vector.broadcast %gt3A : f32 to vector<1000x1xf32>
    %gt3A_9 = arith.cmpf ogt, %get3A_1, %gt3A_8 : vector<1000x1xf32>
    %get3A_10 = arith.constant 0 : index
    %get3A_11 = arith.constant 0 : index
    %get3A_12 = vector.load %arg2[%get3A_10, %get3A_11] : memref<1000x128xf32, #tpu.memory_space<vmem>>, vector<1000x128xf32>
    %jit3A = arith.constant 0.000000e+00 : f32
    %broadcast_in_dim3A = vector.shape_cast %gt3A_9 : vector<1000x1xi1> to vector<1000x1xi1>
    %broadcast_in_dim3A_13 = vector.broadcast %broadcast_in_dim3A : vector<1000x1xi1> to vector<1000x128xi1>
    %broadcast_in_dim3A_14 = vector.broadcast %jit3A : f32 to vector<1000x128xf32>
    %select_n3A = arith.select %broadcast_in_dim3A_13, %get3A_12, %broadcast_in_dim3A_14 : vector<1000x128xi1>, vector<1000x128xf32>
    %get3A_15 = arith.constant 0 : index
    %get3A_16 = arith.constant 0 : index
    %get3A_17 = vector.load %arg3[%get3A_15, %get3A_16] : memref<1000x128xf32, #tpu.memory_space<vmem>>, vector<1000x128xf32>
    %jit3A_18 = arith.constant 0.000000e+00 : f32
    %broadcast_in_dim3A_19 = vector.shape_cast %gt3A_9 : vector<1000x1xi1> to vector<1000x1xi1>
    %broadcast_in_dim3A_20 = vector.broadcast %broadcast_in_dim3A_19 : vector<1000x1xi1> to vector<1000x128xi1>
    %broadcast_in_dim3A_21 = vector.broadcast %jit3A_18 : f32 to vector<1000x128xf32>
    %select_n3A_22 = arith.select %broadcast_in_dim3A_20, %get3A_17, %broadcast_in_dim3A_21 : vector<1000x128xi1>, vector<1000x128xf32>
    %get3A_23 = arith.constant 0 : index
    %get3A_24 = arith.constant 0 : index
    %get3A_25 = vector.load %arg6[%get3A_23, %get3A_24] : memref<512x128xf32, #tpu.memory_space<vmem>>, vector<512x128xf32>
    %slice3A = vector.extract_strided_slice %get3A_25 {offsets = [0, 0], sizes = [128, 128], strides = [1, 1]} : vector<512x128xf32> to vector<128x128xf32>
    %dot_general3A = arith.constant dense<0.000000e+00> : vector<1000x128xf32>
    %dot_general3A_26 = tpu.matmul %div3A_7, %slice3A, %dot_general3A {dimension_numbers = #tpu.dot_dimension_numbers<[1], [0], [0], [1], [0, 0, 1, 1], [], []>, transpose_lhs_hint = false} : vector<1000x128xf32>, vector<128x128xf32>, vector<1000x128xf32> -> vector<1000x128xf32>
    %slice3A_27 = vector.extract_strided_slice %get3A_25 {offsets = [128, 0], sizes = [128, 128], strides = [1, 1]} : vector<512x128xf32> to vector<128x128xf32>
    %dot_general3A_28 = arith.constant dense<0.000000e+00> : vector<1000x128xf32>
    %dot_general3A_29 = tpu.matmul %select_n3A, %slice3A_27, %dot_general3A_28 {dimension_numbers = #tpu.dot_dimension_numbers<[1], [0], [0], [1], [0, 0, 1, 1], [], []>, transpose_lhs_hint = false} : vector<1000x128xf32>, vector<128x128xf32>, vector<1000x128xf32> -> vector<1000x128xf32>
    %add3A = arith.addf %dot_general3A_26, %dot_general3A_29 : vector<1000x128xf32>
    %slice3A_30 = vector.extract_strided_slice %get3A_25 {offsets = [256, 0], sizes = [128, 128], strides = [1, 1]} : vector<512x128xf32> to vector<128x128xf32>
    %dot_general3A_31 = arith.constant dense<0.000000e+00> : vector<1000x128xf32>
    %dot_general3A_32 = tpu.matmul %select_n3A_22, %slice3A_30, %dot_general3A_31 {dimension_numbers = #tpu.dot_dimension_numbers<[1], [0], [0], [1], [0, 0, 1, 1], [], []>, transpose_lhs_hint = false} : vector<1000x128xf32>, vector<128x128xf32>, vector<1000x128xf32> -> vector<1000x128xf32>
    %add3A_33 = arith.addf %add3A, %dot_general3A_32 : vector<1000x128xf32>
    %slice3A_34 = vector.extract_strided_slice %get3A_25 {offsets = [384, 0], sizes = [128, 128], strides = [1, 1]} : vector<512x128xf32> to vector<128x128xf32>
    %dot_general3A_35 = arith.constant dense<0.000000e+00> : vector<1000x128xf32>
    %dot_general3A_36 = tpu.matmul %get3A_4, %slice3A_34, %dot_general3A_35 {dimension_numbers = #tpu.dot_dimension_numbers<[1], [0], [0], [1], [0, 0, 1, 1], [], []>, transpose_lhs_hint = false} : vector<1000x128xf32>, vector<128x128xf32>, vector<1000x128xf32> -> vector<1000x128xf32>
    %add3A_37 = arith.addf %add3A_33, %dot_general3A_36 : vector<1000x128xf32>
    %get3A_38 = arith.constant 0 : index
    %get3A_39 = arith.constant 0 : index
    %get3A_40 = vector.load %arg7[%get3A_38, %get3A_39] : memref<1x128xf32, #tpu.memory_space<vmem>>, vector<1x128xf32>
    %add3A_41 = vector.broadcast %get3A_40 : vector<1x128xf32> to vector<1000x128xf32>
    %add3A_42 = arith.addf %add3A_37, %add3A_41 : vector<1000x128xf32>
    %max3A_43 = arith.constant 0.000000e+00 : f32
    %max3A_44 = vector.broadcast %max3A_43 : f32 to vector<1000x128xf32>
    %max3A_45 = arith.maximumf %add3A_42, %max3A_44 : vector<1000x128xf32>
    %get3A_46 = arith.constant 0 : index
    %get3A_47 = arith.constant 0 : index
    %get3A_48 = vector.load %arg5[%get3A_46, %get3A_47] : memref<1000x128xf32, #tpu.memory_space<vmem>>, vector<1000x128xf32>
    %add3A_49 = arith.addf %max3A_45, %get3A_48 : vector<1000x128xf32>
    %get3A_50 = arith.constant 0 : index
    %get3A_51 = arith.constant 0 : index
    %get3A_52 = vector.load %arg8[%get3A_50, %get3A_51] : memref<128x32xf32, #tpu.memory_space<vmem>>, vector<128x32xf32>
    %dot_general3A_53 = arith.constant dense<0.000000e+00> : vector<1000x32xf32>
    %dot_general3A_54 = tpu.matmul %add3A_49, %get3A_52, %dot_general3A_53 {dimension_numbers = #tpu.dot_dimension_numbers<[1], [0], [0], [1], [0, 0, 1, 1], [], []>, transpose_lhs_hint = false} : vector<1000x128xf32>, vector<128x32xf32>, vector<1000x32xf32> -> vector<1000x32xf32>
    %get3A_55 = arith.constant 0 : index
    %get3A_56 = arith.constant 0 : index
    %get3A_57 = vector.load %arg9[%get3A_55, %get3A_56] : memref<1x32xf32, #tpu.memory_space<vmem>>, vector<1x32xf32>
    %add3A_58 = vector.broadcast %get3A_57 : vector<1x32xf32> to vector<1000x32xf32>
    %add3A_59 = arith.addf %dot_general3A_54, %add3A_58 : vector<1000x32xf32>
    %swap3A = arith.constant 0 : index
    %swap3A_60 = arith.constant 0 : index
    %swap3A_61 = vector.load %arg10[%swap3A, %swap3A_60] : memref<1000x32xf32, #tpu.memory_space<vmem>>, vector<1000x32xf32>
    tpu.vector_store %arg10[%swap3A, %swap3A_60], %add3A_59 {strides = array<i32>} : memref<1000x32xf32, #tpu.memory_space<vmem>>, vector<1000x32xf32>,
    %eq3A = arith.constant 0 : i32
    %eq3A_62 = arith.cmpi eq, %arg0, %eq3A : i32
    %convert_element_type3A = arith.extui %eq3A_62 : i1 to i32
    %cond3A = arith.constant 0 : i32
    %cond3A_63 = arith.cmpi ne, %convert_element_type3A, %cond3A : i32
    scf.if %cond3A_63 {
      %broadcast_in_dim3A_83 = arith.constant 0.000000e+00 : f32
      %broadcast_in_dim3A_84 = vector.broadcast %broadcast_in_dim3A_83 : f32 to vector<1x32xf32>
      %swap3A_85 = arith.constant 0 : index
      %swap3A_86 = arith.constant 0 : index
      %swap3A_87 = vector.load %arg11[%swap3A_85, %swap3A_86] : memref<1x32xf32, #tpu.memory_space<vmem>>, vector<1x32xf32>
      tpu.vector_store %arg11[%swap3A_85, %swap3A_86], %broadcast_in_dim3A_84 {strides = array<i32>} : memref<1x32xf32, #tpu.memory_space<vmem>>, vector<1x32xf32>,
      %broadcast_in_dim3A_88 = arith.constant 0.000000e+00 : f32
      %broadcast_in_dim3A_89 = vector.broadcast %broadcast_in_dim3A_88 : f32 to vector<1x32xf32>
      %swap3A_90 = arith.constant 0 : index
      %swap3A_91 = arith.constant 0 : index
      %swap3A_92 = vector.load %arg12[%swap3A_90, %swap3A_91] : memref<1x32xf32, #tpu.memory_space<vmem>>, vector<1x32xf32>
      tpu.vector_store %arg12[%swap3A_90, %swap3A_91], %broadcast_in_dim3A_89 {strides = array<i32>} : memref<1x32xf32, #tpu.memory_space<vmem>>, vector<1x32xf32>,
    } else {
    }
    %get3A_64 = arith.constant 0 : index
    %get3A_65 = arith.constant 0 : index
    %get3A_66 = vector.load %arg11[%get3A_64, %get3A_65] : memref<1x32xf32, #tpu.memory_space<vmem>>, vector<1x32xf32>
    %reduce_sum3A = arith.constant dense<0.000000e+00> : vector<32xf32>
    %reduce_sum3A_67 = vector.multi_reduction <add>, %add3A_59, %reduce_sum3A [0] : vector<1000x32xf32> to vector<32xf32>
    %broadcast_in_dim3A_68 = vector.shape_cast %reduce_sum3A_67 : vector<32xf32> to vector<1x32xf32>
    %add3A_69 = arith.addf %get3A_66, %broadcast_in_dim3A_68 : vector<1x32xf32>
    %swap3A_70 = arith.constant 0 : index
    %swap3A_71 = arith.constant 0 : index
    %swap3A_72 = vector.load %arg11[%swap3A_70, %swap3A_71] : memref<1x32xf32, #tpu.memory_space<vmem>>, vector<1x32xf32>
    tpu.vector_store %arg11[%swap3A_70, %swap3A_71], %add3A_69 {strides = array<i32>} : memref<1x32xf32, #tpu.memory_space<vmem>>, vector<1x32xf32>,
    %get3A_73 = arith.constant 0 : index
    %get3A_74 = arith.constant 0 : index
    %get3A_75 = vector.load %arg12[%get3A_73, %get3A_74] : memref<1x32xf32, #tpu.memory_space<vmem>>, vector<1x32xf32>
    %mul3A = arith.mulf %add3A_59, %add3A_59 : vector<1000x32xf32>
    %reduce_sum3A_76 = arith.constant dense<0.000000e+00> : vector<32xf32>
    %reduce_sum3A_77 = vector.multi_reduction <add>, %mul3A, %reduce_sum3A_76 [0] : vector<1000x32xf32> to vector<32xf32>
    %broadcast_in_dim3A_78 = vector.shape_cast %reduce_sum3A_77 : vector<32xf32> to vector<1x32xf32>
    %add3A_79 = arith.addf %get3A_75, %broadcast_in_dim3A_78 : vector<1x32xf32>
    %swap3A_80 = arith.constant 0 : index
    %swap3A_81 = arith.constant 0 : index
    %swap3A_82 = vector.load %arg12[%swap3A_80, %swap3A_81] : memref<1x32xf32, #tpu.memory_space<vmem>>, vector<1x32xf32>
    tpu.vector_store %arg12[%swap3A_80, %swap3A_81], %add3A_79 {strides = array<i32>} : memref<1x32xf32, #tpu.memory_space<vmem>>, vector<1x32xf32>,
    return
  }
  func.func @transform_0(%arg0: i32) -> (i32, i32) {
    %c0_i32 = arith.constant 0 : i32
    %c0_i32_0 = arith.constant 0 : i32
    return %arg0, %c0_i32 : i32, i32
  }
  func.func @transform_1(%arg0: i32) -> (i32, i32) {
    %c0_i32 = arith.constant 0 : i32
    %c0_i32_0 = arith.constant 0 : i32
    return %arg0, %c0_i32 : i32, i32
  }
  func.func @transform_2(%arg0: i32) -> (i32, i32) {
    %c0_i32 = arith.constant 0 : i32
    %c0_i32_0 = arith.constant 0 : i32
    return %arg0, %c0_i32 : i32, i32
  }
  func.func @transform_3(%arg0: i32) -> (i32, i32) {
    %c0_i32 = arith.constant 0 : i32
    %c0_i32_0 = arith.constant 0 : i32
    return %arg0, %c0_i32 : i32, i32
  }
  func.func @transform_4(%arg0: i32) -> (i32, i32) {
    %c0_i32 = arith.constant 0 : i32
    %c0_i32_0 = arith.constant 0 : i32
    return %arg0, %c0_i32 : i32, i32
  }
  func.func @transform_5(%arg0: i32) -> (i32, i32) {
    %c0_i32 = arith.constant 0 : i32
    %c0_i32_0 = arith.constant 0 : i32
    %c0_i32_1 = arith.constant 0 : i32
    return %c0_i32, %c0_i32_0 : i32, i32
  }
  func.func @transform_6(%arg0: i32) -> (i32, i32) {
    %c0_i32 = arith.constant 0 : i32
    %c0_i32_0 = arith.constant 0 : i32
    %c0_i32_1 = arith.constant 0 : i32
    return %c0_i32, %c0_i32_0 : i32, i32
  }
  func.func @transform_7(%arg0: i32) -> (i32, i32) {
    %c0_i32 = arith.constant 0 : i32
    %c0_i32_0 = arith.constant 0 : i32
    %c0_i32_1 = arith.constant 0 : i32
    return %c0_i32, %c0_i32_0 : i32, i32
  }
  func.func @transform_8(%arg0: i32) -> (i32, i32) {
    %c0_i32 = arith.constant 0 : i32
    %c0_i32_0 = arith.constant 0 : i32
    %c0_i32_1 = arith.constant 0 : i32
    return %c0_i32, %c0_i32_0 : i32, i32
  }
  func.func @transform_9(%arg0: i32) -> (i32, i32) {
    %c0_i32 = arith.constant 0 : i32
    %c0_i32_0 = arith.constant 0 : i32
    return %arg0, %c0_i32 : i32, i32
  }
  func.func @transform_10(%arg0: i32) -> (i32, i32) {
    %c0_i32 = arith.constant 0 : i32
    %c0_i32_0 = arith.constant 0 : i32
    %c0_i32_1 = arith.constant 0 : i32
    return %c0_i32, %c0_i32_0 : i32, i32
  }
  func.func @transform_11(%arg0: i32) -> (i32, i32) {
    %c0_i32 = arith.constant 0 : i32
    %c0_i32_0 = arith.constant 0 : i32
    %c0_i32_1 = arith.constant 0 : i32
    return %c0_i32, %c0_i32_0 : i32, i32
  }
}

module attributes {stable_mosaic.version = 14 : i64} {
  func.func @_tc2b_body(%arg0: i32, %arg1: memref<1000x32xf32, #tpu.memory_space<vmem>>, %arg2: memref<1x32xf32, #tpu.memory_space<vmem>>, %arg3: memref<1x32xf32, #tpu.memory_space<vmem>>, %arg4: memref<1x32xf32, #tpu.memory_space<vmem>>, %arg5: memref<1x32xf32, #tpu.memory_space<vmem>>, %arg6: memref<32x4xf32, #tpu.memory_space<vmem>>, %arg7: memref<1x4xf32, #tpu.memory_space<vmem>>, %arg8: memref<1000x4xf32, #tpu.memory_space<vmem>>) attributes {dimension_semantics = [#tpu.dimension_semantics<arbitrary>], iteration_bounds = array<i64: 10>, scalar_prefetch = 0 : i64, scratch_operands = 0 : i64, tpu.core_type = #tpu.core_type<tc>, window_params = [{transform_indices = @transform_0, window_bounds = array<i64: 1000, 32>}, {pipeline_mode = #tpu.pipeline_mode<synchronous>, transform_indices = @transform_1, window_bounds = array<i64: 1, 32>}, {pipeline_mode = #tpu.pipeline_mode<synchronous>, transform_indices = @transform_2, window_bounds = array<i64: 1, 32>}, {pipeline_mode = #tpu.pipeline_mode<synchronous>, transform_indices = @transform_3, window_bounds = array<i64: 1, 32>}, {pipeline_mode = #tpu.pipeline_mode<synchronous>, transform_indices = @transform_4, window_bounds = array<i64: 1, 32>}, {pipeline_mode = #tpu.pipeline_mode<synchronous>, transform_indices = @transform_5, window_bounds = array<i64: 32, 4>}, {pipeline_mode = #tpu.pipeline_mode<synchronous>, transform_indices = @transform_6, window_bounds = array<i64: 1, 4>}, {transform_indices = @transform_7, window_bounds = array<i64: 1000, 4>}]} {
    %get3A = arith.constant 0 : index
    %get3A_0 = arith.constant 0 : index
    %get3A_1 = vector.load %arg2[%get3A, %get3A_0] : memref<1x32xf32, #tpu.memory_space<vmem>>, vector<1x32xf32>
    %div3A = arith.constant 1.000000e+04 : f32
    %div3A_2 = vector.broadcast %div3A : f32 to vector<1x32xf32>
    %div3A_3 = arith.divf %get3A_1, %div3A_2 : vector<1x32xf32>
    %get3A_4 = arith.constant 0 : index
    %get3A_5 = arith.constant 0 : index
    %get3A_6 = vector.load %arg3[%get3A_4, %get3A_5] : memref<1x32xf32, #tpu.memory_space<vmem>>, vector<1x32xf32>
    %div3A_7 = arith.constant 1.000000e+04 : f32
    %div3A_8 = vector.broadcast %div3A_7 : f32 to vector<1x32xf32>
    %div3A_9 = arith.divf %get3A_6, %div3A_8 : vector<1x32xf32>
    %mul3A = arith.mulf %div3A_3, %div3A_3 : vector<1x32xf32>
    %sub3A = arith.subf %div3A_9, %mul3A : vector<1x32xf32>
    %get3A_10 = arith.constant 0 : index
    %get3A_11 = arith.constant 0 : index
    %get3A_12 = vector.load %arg1[%get3A_10, %get3A_11] : memref<1000x32xf32, #tpu.memory_space<vmem>>, vector<1000x32xf32>
    %sub3A_13 = vector.broadcast %div3A_3 : vector<1x32xf32> to vector<1000x32xf32>
    %sub3A_14 = arith.subf %get3A_12, %sub3A_13 : vector<1000x32xf32>
    %add3A = arith.constant 9.99999974E-6 : f32
    %add3A_15 = vector.broadcast %add3A : f32 to vector<1x32xf32>
    %add3A_16 = arith.addf %sub3A, %add3A_15 : vector<1x32xf32>
    %rsqrt3A = math.rsqrt %add3A_16 : vector<1x32xf32>
    %mul3A_17 = vector.broadcast %rsqrt3A : vector<1x32xf32> to vector<1000x32xf32>
    %mul3A_18 = arith.mulf %sub3A_14, %mul3A_17 : vector<1000x32xf32>
    %get3A_19 = arith.constant 0 : index
    %get3A_20 = arith.constant 0 : index
    %get3A_21 = vector.load %arg4[%get3A_19, %get3A_20] : memref<1x32xf32, #tpu.memory_space<vmem>>, vector<1x32xf32>
    %mul3A_22 = vector.broadcast %get3A_21 : vector<1x32xf32> to vector<1000x32xf32>
    %mul3A_23 = arith.mulf %mul3A_18, %mul3A_22 : vector<1000x32xf32>
    %get3A_24 = arith.constant 0 : index
    %get3A_25 = arith.constant 0 : index
    %get3A_26 = vector.load %arg5[%get3A_24, %get3A_25] : memref<1x32xf32, #tpu.memory_space<vmem>>, vector<1x32xf32>
    %add3A_27 = vector.broadcast %get3A_26 : vector<1x32xf32> to vector<1000x32xf32>
    %add3A_28 = arith.addf %mul3A_23, %add3A_27 : vector<1000x32xf32>
    %max3A = arith.constant 0.000000e+00 : f32
    %max3A_29 = vector.broadcast %max3A : f32 to vector<1000x32xf32>
    %max3A_30 = arith.maximumf %add3A_28, %max3A_29 : vector<1000x32xf32>
    %get3A_31 = arith.constant 0 : index
    %get3A_32 = arith.constant 0 : index
    %get3A_33 = vector.load %arg6[%get3A_31, %get3A_32] : memref<32x4xf32, #tpu.memory_space<vmem>>, vector<32x4xf32>
    %dot_general3A = arith.constant dense<0.000000e+00> : vector<1000x4xf32>
    %dot_general3A_34 = tpu.matmul %max3A_30, %get3A_33, %dot_general3A {dimension_numbers = #tpu.dot_dimension_numbers<[1], [0], [0], [1], [0, 0, 1, 1], [], []>, transpose_lhs_hint = false} : vector<1000x32xf32>, vector<32x4xf32>, vector<1000x4xf32> -> vector<1000x4xf32>
    %get3A_35 = arith.constant 0 : index
    %get3A_36 = arith.constant 0 : index
    %get3A_37 = vector.load %arg7[%get3A_35, %get3A_36] : memref<1x4xf32, #tpu.memory_space<vmem>>, vector<1x4xf32>
    %add3A_38 = vector.broadcast %get3A_37 : vector<1x4xf32> to vector<1000x4xf32>
    %add3A_39 = arith.addf %dot_general3A_34, %add3A_38 : vector<1000x4xf32>
    %swap3A = arith.constant 0 : index
    %swap3A_40 = arith.constant 0 : index
    %swap3A_41 = vector.load %arg8[%swap3A, %swap3A_40] : memref<1000x4xf32, #tpu.memory_space<vmem>>, vector<1000x4xf32>
    tpu.vector_store %arg8[%swap3A, %swap3A_40], %add3A_39 {strides = array<i32>} : memref<1000x4xf32, #tpu.memory_space<vmem>>, vector<1000x4xf32>,
    return
  }
  func.func @transform_0(%arg0: i32) -> (i32, i32) {
    %c0_i32 = arith.constant 0 : i32
    %c0_i32_0 = arith.constant 0 : i32
    return %arg0, %c0_i32 : i32, i32
  }
  func.func @transform_1(%arg0: i32) -> (i32, i32) {
    %c0_i32 = arith.constant 0 : i32
    %c0_i32_0 = arith.constant 0 : i32
    %c0_i32_1 = arith.constant 0 : i32
    return %c0_i32, %c0_i32_0 : i32, i32
  }
  func.func @transform_2(%arg0: i32) -> (i32, i32) {
    %c0_i32 = arith.constant 0 : i32
    %c0_i32_0 = arith.constant 0 : i32
    %c0_i32_1 = arith.constant 0 : i32
    return %c0_i32, %c0_i32_0 : i32, i32
  }
  func.func @transform_3(%arg0: i32) -> (i32, i32) {
    %c0_i32 = arith.constant 0 : i32
    %c0_i32_0 = arith.constant 0 : i32
    %c0_i32_1 = arith.constant 0 : i32
    return %c0_i32, %c0_i32_0 : i32, i32
  }
  func.func @transform_4(%arg0: i32) -> (i32, i32) {
    %c0_i32 = arith.constant 0 : i32
    %c0_i32_0 = arith.constant 0 : i32
    %c0_i32_1 = arith.constant 0 : i32
    return %c0_i32, %c0_i32_0 : i32, i32
  }
  func.func @transform_5(%arg0: i32) -> (i32, i32) {
    %c0_i32 = arith.constant 0 : i32
    %c0_i32_0 = arith.constant 0 : i32
    %c0_i32_1 = arith.constant 0 : i32
    return %c0_i32, %c0_i32_0 : i32, i32
  }
  func.func @transform_6(%arg0: i32) -> (i32, i32) {
    %c0_i32 = arith.constant 0 : i32
    %c0_i32_0 = arith.constant 0 : i32
    %c0_i32_1 = arith.constant 0 : i32
    return %c0_i32, %c0_i32_0 : i32, i32
  }
  func.func @transform_7(%arg0: i32) -> (i32, i32) {
    %c0_i32 = arith.constant 0 : i32
    %c0_i32_0 = arith.constant 0 : i32
    return %arg0, %c0_i32 : i32, i32
  }
}

</mosaic_0001>

<sc_bundles>
// kernel: kernel.10.cloned.1.call-start
scs
__scs_entry_jumppad:
0x0: {  	(pc) =	sbr.rel $0x88, $3  }
0x1: {  	(tag) =	ssettag $0x0;
	lr =	simm.s32 $0x1  }
0x2: {  	[smem:$0x3F94] =	sst lr;
	_ =	strace $0xD0000000  }
0x3: {  	_ = 	snop  }
0x4: {  	_ = 	snop  }
0x5: {  	_ = 	snop  }
0x6: {  	_ = 	snop  }
0x7: {  	_ = 	snop  }
__scs_overlays_trampoline_lowered:
0x8: {  	[smem:$0x3FA3] =	sst s0  }
0x9: {  	[smem:$0x3FA4] =	sst s1  }
0xa: {  	[smem:$0x3FA5] =	sst s2  }
0xb: {  	[smem:$0x3FA6] =	sst s3  }
0xc: {  	[smem:$0x3FA7] =	sst s4  }
0xd: {  	[smem:$0x3FA8] =	sst s5  }
0xe: {  	[smem:$0x3FA9] =	sst s6  }
0xf: {  	[smem:$0x3FAA] =	sst s7  }
0x10: {  	[smem:$0x3FAB] =	sst s8  }
0x11: {  	[smem:$0x3FAC] =	sst s9;
	s0 =	simm.s32 @!p0 $0x0  }
0x12: {  	s1 =	sld [smem:$0x3F92];
	s0 =	simm.s32 @p0 $0x1  }
0x13: {  	[smem:$0x3FAD] =	sst s0;
	s0 =	simm.s32 @!p1 $0x0  }
0x14: {  	s2 =	sld [smem:$0x3F91];
	s0 =	simm.s32 @p1 $0x1  }
0x15: {  	[smem:$0x3FAE] =	sst s0;
	s0 =	simm.s32 @!p2 $0x0  }
0x16: {  	s3 =	sld [smem:$0x3FDB];
	s0 =	simm.s32 @p2 $0x1  }
0x17: {  	s4 =	simm.s32 $0x1BF5;
	[smem:$0x3FB0] =	sst s0  }
0x18: {  	s0 =	sld [smem:$0x3F93];
	_ =	swait.ge [sflag:s4], $0x0  }
0x19: {  	s7 =	sld [smem:$0x3F94]  }
0x1a: {  	s8 =	sadd.s32 $0xFFFFE003, lr  }
0x1b: {  	s9 =	sadd.s32 $0xFFFFFEF7, lr;
	s5 =	simm.s32 $0xFFFFFFFF;
	p2 =	slt.u32 s8, $0xFFFFF086  }
0x1c: {  	p1 =	slt.u32 s9, $0xF7A;
	s5 =	simm.s32 @!p2 $0x0  }
0x1d: {  	s5 =	simm.s32 @p1 $0x1;
	p0 =	seq.s32 s7, s2  }
0x1e: {  	s7 =	smul.u32 @!p0 $0xF7A, s2;
	p2 =	seq.s32 @!p0 s5, $0x0  }
0x1f: {  	s9 =	smul.u32 $0xF7A, s1;
	s8 =	simm.s32 @!p0 $0x1BF5;
	p2 =	por !p2, p0  }
0x20: {  	[sflag:s8] =	ssyncset.s32 @!p0 $0xFFFFF086;
	s6 =	sadd.s32 @!p0 s3, s7;
	s7 =	simm.s32 @!p0 $0x108  }
0x21: {  	s3 =	sadd.s32 s3, s9;
	s6 =	sadd.s32 @!p0 $0x88, s6;
	s7 =	simm.s32 @p2 $0x1082  }
0x22: {  	[simem:s7], [sflag:s8] =	dma.local @!p0 [hbm:s6], $0xF7A  }
0x23: {  	s9 =	sor.u32 $0xD0000000, s2;
	s6 =	simm.s32 $0x108;
	_ =	swait.ge @!p0 [sflag:s8], $0x0  }
0x24: {  	s3 =	sadd.s32 $0x88, s3;
	s6 =	simm.s32 @!p1 $0x1082;
	[sflag:s4] =	ssyncset.s32 $0xFFFFF086  }
0x25: {  	[simem:s6], [sflag:s4] =	dma.local [hbm:s3], $0xF7A  }
0x26: {  	[smem:$0x3F94] =	sst s1;
	(tag) =	ssettag s2;
	_ =	strace s9  }
0x27: {  	s1 =	sld [smem:$0x3FA4]  }
0x28: {  	s2 =	sld [smem:$0x3FA5]  }
0x29: {  	s4 =	sld [smem:$0x3FA7]  }
0x2a: {  	p0 =	seq.s32 s5, $0x0;
	s5 =	sld [smem:$0x3FA8]  }
0x2b: {  	s6 =	sld [smem:$0x3FA9]  }
0x2c: {  	s7 =	sld [smem:$0x3FAA]  }
0x2d: {  	s3 =	simm.s32 $0x108;
	s8 =	sld [smem:$0x3FAB]  }
0x2e: {  	s3 =	simm.s32 @!p0 $0x1082;
	s9 =	sld [smem:$0x3FAC]  }
0x2f: {  	lr =	sadd.s32 s0, s3;
	s0 =	sld [smem:$0x3FA3]  }
0x30: {  	s3 =	sld [smem:$0x3FA6]  }
0x31: {  	[smem:$0x3FAF] =	sst s10  }
0x32: {  	s10 =	sld [smem:$0x3FAD];
	_ =	sdelay $0x3  }
0x33: {  	p0 =	seq.s32 s10, $0x1;
	s10 =	sld [smem:$0x3FAF];
	_ =	sdelay $0x3  }
0x34: {  	[smem:$0x3FAF] =	sst s10  }
0x35: {  	s10 =	sld [smem:$0x3FAE];
	_ =	sdelay $0x3  }
0x36: {  	p1 =	seq.s32 s10, $0x1;
	s10 =	sld [smem:$0x3FAF];
	_ =	sdelay $0x3  }
0x37: {  	[smem:$0x3FAF] =	sst s10  }
0x38: {  	s10 =	sld [smem:$0x3FB0]  }
0x39: {  	_ = 	snop;
	(pc) =	sbr.ind lr, $3  }
0x3a: {  	_ = 	snop  }
0x3b: {  	_ = 	snop  }
0x3c: {  	p2 =	seq.s32 s10, $0x1;
	s10 =	sld [smem:$0x3FAF]  }
0x3d: {  	_ =	shalt  }
0x3e: {  	_ =	shalt  }
0x3f: {  	_ =	shalt  }
0x40: {  	_ =	shalt  }
0x41: {  	_ =	shalt  }
0x42: {  	_ =	shalt  }
0x43: {  	_ =	shalt  }
0x44: {  	_ =	shalt  }
0x45: {  	_ =	shalt  }
0x46: {  	_ =	shalt  }
0x47: {  	_ =	shalt  }
0x48: {  	_ =	shalt  }
0x49: {  	_ =	shalt  }
0x4a: {  	_ =	shalt  }
0x4b: {  	_ =	shalt  }
0x4c: {  	_ =	shalt  }
0x4d: {  	_ =	shalt  }
0x4e: {  	_ =	shalt  }
0x4f: {  	_ =	shalt  }
0x50: {  	_ =	shalt  }
0x51: {  	_ =	shalt  }
0x52: {  	_ =	shalt  }
0x53: {  	_ =	shalt  }
0x54: {  	_ =	shalt  }
0x55: {  	_ =	shalt  }
0x56: {  	_ =	shalt  }
0x57: {  	_ =	shalt  }
0x58: {  	_ =	shalt  }
0x59: {  	_ =	shalt  }
0x5a: {  	_ =	shalt  }
0x5b: {  	_ =	shalt  }
0x5c: {  	_ =	shalt  }
0x5d: {  	_ =	shalt  }
0x5e: {  	_ =	shalt  }
0x5f: {  	_ =	shalt  }
0x60: {  	_ =	shalt  }
0x61: {  	_ =	shalt  }
0x62: {  	_ =	shalt  }
0x63: {  	_ =	shalt  }
0x64: {  	_ =	shalt  }
0x65: {  	_ =	shalt  }
0x66: {  	_ =	shalt  }
0x67: {  	_ =	shalt  }
0x68: {  	_ =	shalt  }
0x69: {  	_ =	shalt  }
0x6a: {  	_ =	shalt  }
0x6b: {  	_ =	shalt  }
0x6c: {  	_ =	shalt  }
0x6d: {  	_ =	shalt  }
0x6e: {  	_ =	shalt  }
0x6f: {  	_ =	shalt  }
0x70: {  	_ =	shalt  }
0x71: {  	_ =	shalt  }
0x72: {  	_ =	shalt  }
0x73: {  	_ =	shalt  }
0x74: {  	_ =	shalt  }
0x75: {  	_ =	shalt  }
0x76: {  	_ =	shalt  }
0x77: {  	_ =	shalt  }
0x78: {  	_ =	shalt  }
0x79: {  	_ =	shalt  }
0x7a: {  	_ =	shalt  }
0x7b: {  	_ =	shalt  }
0x7c: {  	_ =	shalt  }
0x7d: {  	_ =	shalt  }
0x7e: {  	_ =	shalt  }
0x7f: {  	_ =	shalt  }
0x80: {  	_ =	shalt  }
0x81: {  	_ =	shalt  }
0x82: {  	_ =	shalt  }
0x83: {  	_ =	shalt  }
0x84: {  	_ =	shalt  }
0x85: {  	_ =	shalt  }
0x86: {  	_ =	shalt  }
0x87: {  	_ =	shalt  }
.Lfunc_end0:
.L_simem_size_0:
called_computation.1_lowered:
.L_overlay_start_0:
0x88: {  	s2 =	sld [smem:$0x3FD9]  }
0x89: {  	s3 =	sld [smem:$0x3FFE];
	_ =	sdelay $0x1  }
0x8a: {  	s1 =	srdreg.scid  }
0x8b: {  	s0 =	sand.u32 $0x1, s1  }
0x8c: {  	s17 =	sshll.u32 s0, $0xA;
	s2 =	sadd.s32 s3, s2  }
0x8d: {  	s2 =	sadd.s32 s2, s17  }
0x8e: {  	[smem:$0x3FBB] =	sst s2  }
0x8f: {  	_ = 	snop  }
0x90: {  	s2 =	sld [smem:$0x3FD0];
	(tm) =	ssettm $0x1  }
0x91: {  	s18 =	sld [smem:$0x3FFB];
	_ =	sdelay $0x3  }
0x92: {  	_ =	strace s18  }
0x93: {  	s3 =	sld [smem:$0x3FFC];
	_ =	sdelay $0x3  }
0x94: {  	_ =	strace s3  }
0x95: {  	s3 =	sld [smem:$0x3FFD];
	_ =	sdelay $0x3  }
0x96: {  	_ =	strace s3  }
0x97: {  	_ =	strace $0x8FFFFFFF  }
0x98: {  	s19 =	sld [smem:$0x3FDB];
	_ =	sdelay $0x1  }
0x99: {  	s4 =	simm.s32 $_scs_section_size  }
0x9a: {  	s5 =	simm.s32 $_size__tile_overlayer_lowered;
	s6 =	simm.s32 $_tile_overlayer_lowered  }
0x9b: {  	s22 =	simm.s32 $0x1BFF;
	s21 =	sshll.u32 s6, $0x1;
	s3 =	sadd.s32 s4, s19  }
0x9c: {  	s7 =	simm.s32 $0x0;
	s20 =	sshll.u32 s5, $0x1;
	s5 =	sadd.s32 s21, s3  }
0x9d: {  	[timem:s7], [sflag:s22] =	dma.local [hbm:s5], s20  }
0x9e: {  	_ =	swait.ge [sflag:s22], s20  }
0x9f: {  	s4 =	ssub.s32 $0x0, s20;
	[sflag:s22] =	ssyncset.done $0x0  }
0xa0: {  	[sflag:s22] =	ssyncadd.s32 s4;
	_ =	sdelay $0x1  }
0xa1: {  	s23 =	simm.s32 $0x1B8B  }
0xa2: {  	_ =	swait.ge [sflag:s23], $0x1  }
0xa3: {  	[sflag:s23] =	ssyncset.done $0x0  }
0xa4: {  	s25 =	simm.s32 $0x1B8E;
	s24 =	sld [smem:$0x3FFE];
	[sflag:s23] =	ssyncadd.s32 $0xFFFFFFFF  }
0xa5: {  	s26 =	simm.s32 $execute0_lowered;
	[smem:$0x3FD2] =	sst s25  }
0xa6: {  	s5 =	sshll.u32 s26, $0x1;
	_ =	strace $0x8000004B;
	[dreg:$0x1] =	wrdreg $0xFFFFFFFF  }
0xa7: {  	s28 =	simm.s32 $_size_execute0_lowered;
	s3 =	sadd.s32 s3, s5;
	[dreg:$0x0] =	wrdreg $0x0  }
0xa8: {  	s5 =	sshll.u32 s28, $0x1;
	[dreg:$0x2] =	wrdreg s3  }
0xa9: {  	[dreg:$0x3] =	wrdreg s5  }
0xaa: {  	[dreg:$0x4] =	wrdreg $0xC0  }
0xab: {  	_ =	task [dreg:s7], $0x5FFFF  }
0xac: {  	[dreg:$0x1] =	wrdreg $0xFFFFFFFF  }
0xad: {  	[dreg:$0x0] =	wrdreg $0x60  }
0xae: {  	[dreg:$0x2] =	wrdreg s2  }
0xaf: {  	[dreg:$0x3] =	wrdreg s24  }
0xb0: {  	[dreg:$0x4] =	wrdreg $0x9  }
0xb1: {  	_ =	task.clear_ibuf [dreg:s7], $0x5FFFF;
	_ =	strace $0x9000004B  }
0xb2: {  	s29 =	simm.s32 $0x9;
	_ =	strace $0x8000004D  }
0xb3: {  	_ =	swait.ge [sflag:s29], $0x1  }
0xb4: {  	[sflag:s29] =	ssyncadd.s32 $0xFFFFFFFF  }
0xb5: {  	_ =	strace $0x9000004D  }
0xb6: {  	_ =	sfence  }
0xb7: {  	s30 =	sld [smem:$0x0];
	_ =	sdelay $0x2  }
0xb8: {  	s31 =	sshll.u32 s1, $0xD;
	s1 =	sshrl.u32 s1, $0x2  }
0xb9: {  	s3 =	sand.u32 $0x4000, s31;
	s1 =	sadd.s32 s1, s30  }
0xba: {  	s0 =	sor.u32 s3, s0;
	s1 =	sshll.u32 s1, $0x11  }
0xbb: {  	s0 =	sor.u32 s1, s0  }
0xbc: {  	s0 =	sadd.s32 $0x8F2B, s0  }
0xbd: {  	[sflag:s0] =	ssyncadd.remote.s32 $0x1  }
0xbe: {  	_ =	sfence.sel $0xFFFF  }
0xbf: {  	[dreg:$0x0] =	wrdreg $0xFFFFFFFF;
	(pc) =	sbr.abs _section_cstart, $3  }
0xc0: {  	[dreg:$0x1] =	wrdreg $0xFFFFFFFF  }
0xc1: {  	_ =	task.clear_ibuf [dreg:s7], $0x2FFFF;
	_ =	strace $0x9FFFFFFF  }
0xc2: {  	(tm) =	ssettm $0x7FFFFFFF  }
0xc3: {  	_ =	shalt  }
tec
execute0_lowered:
.L_overlay_start_1:
0x0: {  	(tag) =	ssettag $0x1  }
0x1: {  	s1 =	rddreg [dreg:$0x0]  }
0x2: {  	s6 =	rddreg [dreg:$0x1]  }
0x3: {  	s0 =	rddreg [dreg:$0x2]  }
0x4: {  	s2 =	simm.s32 $0x0;
	s3 =	srdreg.scid;
	s11 =	simm.s32 $0xA080  }
0x5: {  	s12 =	simm.s32 $0xA480;
	s13 =	simm.s32 $0x0;
	[smem:$0x7FF] =	sst s2  }
0x6: {  	s4 =	sadd.s32 $0xC7600, s6;
	s7 =	sand.u32 $0x1, s3;
	s5 =	sadd.s32 $0xD7600, s6  }
0x7: {  	s3 =	stileid.u32;
	s6 =	sadd.s32 $0x3400, s6;
	s8 =	ssub.s32 $0x2, s7  }
0x8: {  	s10 =	sshll.u32 s3, $0xC;
	s7 =	sshll.u32 s7, $0xB;
	s9 =	sshrl.u32 s8, $0x1  }
0x9: {  	_ =	strace $0x8000004C;
	s7 =	sor.u32 s7, s10;
	s8 =	ssub.s32 s8, s9  }
0xa: {  	s10 =	simm.s32 $0x9C80;
	s9 =	simm.s32 $0x1;
	s8 =	smax.u32 s8, $0x1  }
.LBB2_1:
0xb: {  	[tilespmem:s2], [sflag:$0x1] =	stream.linear.gather [hbm4b:s1+s2], $0x9C80, $0x38;
	[tilespmem:$0xA880] =	vst v63  }
0xc: {  	_ =	swait.ge [sflag:s9], $0x9C80  }
0xd: {  	[sflag:s9] =	ssyncset.done $0x0  }
0xe: {  	s14 =	simm.s32 $0x0;
	[sflag:s9] =	ssyncadd.s32 $0xFFFF6380  }
.LBB2_2:
0xf: {  	s15 =	sshll.u32 s14, $0x7  }
0x10: {  	s15 =	sadd.s32 s7, s15  }
0x11: {  	s17 =	simm.s32 $0x0;
	s16 =	sadd.s32 s4, s15  }
0x12: {  	[tilespmem:s10], [sflag:$0x1] =	stream.linear.gather [hbm4b:s16+s17], $0x400, $0x38;
	[tilespmem:$0xA880] =	vst v63  }
0x13: {  	_ =	swait.ge [sflag:s9], $0x400  }
0x14: {  	[sflag:s9] =	ssyncset.done $0x0  }
0x15: {  	s31 =	sadd.s32 s5, s15;
	[sflag:s9] =	ssyncadd.s32 $0xFFFFFC00  }
0x16: {  	[tilespmem:s11], [sflag:$0x1] =	stream.linear.gather [hbm4b:s31+s17], $0x400, $0x38;
	[tilespmem:$0xA880] =	vst v63  }
0x17: {  	_ =	swait.ge [sflag:s9], $0x400  }
0x18: {  	[sflag:s9] =	ssyncset.done $0x0  }
0x19: {  	s16 =	simm.s32 $0x0;
	[sflag:s9] =	ssyncadd.s32 $0xFFFFFC00  }
0x1a: {  	v0 =	vld [tilespmem:s16+$0xA080]  }
0x1b: {  	v1 =	vld [tilespmem:s16+$0x9C80];
	_ =	sdelay $0x3  }
0x1c: {  	v0 =	vshll.u32 v0, $0x2  }
0x1d: {  	v1 =	vshll.u32 v1, $0x2  }
0x1e: {  	v2 =	vor.u32 $0x1, v0  }
0x1f: {  	v3 =	vor.u32 $0x1, v1  }
0x20: {  	v4 =	vor.u32 $0x2, v0  }
0x21: {  	v5 =	vor.u32 $0x2, v1;
	v0 =	vld.idx.msk [tilespmem:v0+s2+$0x0], $0xffff  }
0x22: {  	v1 =	vld.idx.msk [tilespmem:v1+s2+$0x0], $0xffff  }
0x23: {  	v2 =	vld.idx.msk [tilespmem:v2+s2+$0x0], $0xffff  }
0x24: {  	v3 =	vld.idx.msk [tilespmem:v3+s2+$0x0], $0xffff  }
0x25: {  	v4 =	vld.idx.msk [tilespmem:v4+s2+$0x0], $0xffff  }
0x26: {  	v5 =	vld.idx.msk [tilespmem:v5+s2+$0x0], $0xffff;
	_ =	sdelay $0x2  }
0x27: {  	v0 =	vsub.f32 v1, v0;
	v1 =	vsub.f32 v3, v2;
	_ =	sdelay $0x1  }
0x28: {  	v2 =	vsub.f32 v5, v4;
	v0 =	vmul.f32 v0, v0;
	v1 =	vmul.f32 v1, v1;
	_ =	sdelay $0x1  }
0x29: {  	v0 =	vadd.f32 v1, v0;
	v1 =	vmul.f32 v2, v2;
	_ =	sdelay $0x1  }
0x2a: {  	v0 =	vadd.f32 v1, v0;
	_ =	sdelay $0x1  }
0x2b: {  	v0 =	vadd.f32 $9.999999960e-13, v0;
	_ =	sdelay $0x1  }
0x2c: {  	v1 =	vshra.s32 v0, $0x1;
	v2 =	vmul.f32 $5.000000000e-01, v0  }
0x2d: {  	v1 =	vsub.s32 $0x5F3759DF, v1  }
0x2e: {  	v3 =	vmul.f32 v1, v2;
	_ =	sdelay $0x1  }
0x2f: {  	v3 =	vmul.f32 v1, v3;
	_ =	sdelay $0x1  }
0x30: {  	v3 =	vsub.f32 $1.500000000e+00, v3;
	_ =	sdelay $0x1  }
0x31: {  	v1 =	vmul.f32 v1, v3;
	_ =	sdelay $0x1  }
0x32: {  	v3 =	vmul.f32 v1, v2;
	_ =	sdelay $0x1  }
0x33: {  	v3 =	vmul.f32 v3, v1;
	_ =	sdelay $0x1  }
0x34: {  	v3 =	vsub.f32 $1.500000000e+00, v3;
	_ =	sdelay $0x1  }
0x35: {  	v1 =	vmul.f32 v3, v1  }
0x36: {  	s18 =	simm.s32 $0x10  }
0x37: {  	v4 =	vmul.f32 v1, v2;
	v2 =	vld [tilespmem:s18+$0xA080]  }
0x38: {  	v3 =	vld [tilespmem:s18+$0x9C80]  }
0x39: {  	s17 =	simm.s32 $0x80;
	v4 =	vmul.f32 v4, v1  }
.LBB2_3:
0x3a: {  	p0 =	sne.s32 s17, $0xFC0  }
0x3b: {  	v4 =	vsub.f32 $1.500000000e+00, v4  }
0x3c: {  	v2 =	vshll.u32 v2, $0x2  }
0x3d: {  	v3 =	vshll.u32 v3, $0x2;
	v5 =	vor.u32 $0x1, v2;
	v1 =	vmul.f32 v4, v1  }
0x3e: {  	v4 =	vor.u32 $0x1, v3  }
0x3f: {  	v0 =	vmul.f32 v1, v0;
	_ =	sdelay $0x1  }
0x40: {  	v1 =	vor.u32 $0x2, v2;
	[tilespmem:s16+$0xA480] =	vst v0;
	s16 =	smov.u32 s18  }
0x41: {  	v0 =	vor.u32 $0x2, v3;
	v5 =	vld.idx.msk [tilespmem:v5+s2+$0x0], $0xffff  }
0x42: {  	v4 =	vld.idx.msk [tilespmem:v4+s2+$0x0], $0xffff  }
0x43: {  	v2 =	vld.idx.msk [tilespmem:v2+s2+$0x0], $0xffff  }
0x44: {  	v3 =	vld.idx.msk [tilespmem:v3+s2+$0x0], $0xffff  }
0x45: {  	v1 =	vld.idx.msk [tilespmem:v1+s2+$0x0], $0xffff  }
0x46: {  	v0 =	vld.idx.msk [tilespmem:v0+s2+$0x0], $0xffff;
	_ =	sdelay $0x3  }
0x47: {  	v2 =	vsub.f32 v3, v2;
	v3 =	vsub.f32 v4, v5;
	_ =	sdelay $0x1  }
0x48: {  	v0 =	vsub.f32 v0, v1;
	v1 =	vmul.f32 v2, v2;
	v2 =	vmul.f32 v3, v3;
	_ =	sdelay $0x1  }
0x49: {  	v1 =	vadd.f32 v2, v1;
	v0 =	vmul.f32 v0, v0;
	_ =	sdelay $0x1  }
0x4a: {  	v0 =	vadd.f32 v0, v1;
	_ =	sdelay $0x1  }
0x4b: {  	v0 =	vadd.f32 $9.999999960e-13, v0;
	_ =	sdelay $0x1  }
0x4c: {  	v1 =	vshra.s32 v0, $0x1;
	v3 =	vmul.f32 $5.000000000e-01, v0  }
0x4d: {  	v1 =	vsub.s32 $0x5F3759DF, v1  }
0x4e: {  	v2 =	vmul.f32 v1, v3;
	_ =	sdelay $0x1  }
0x4f: {  	v2 =	vmul.f32 v1, v2;
	_ =	sdelay $0x1  }
0x50: {  	v2 =	vsub.f32 $1.500000000e+00, v2;
	_ =	sdelay $0x1  }
0x51: {  	v1 =	vmul.f32 v1, v2;
	_ =	sdelay $0x1  }
0x52: {  	v2 =	vmul.f32 v1, v3;
	_ =	sdelay $0x1  }
0x53: {  	v2 =	vmul.f32 v2, v1;
	_ =	sdelay $0x1  }
0x54: {  	v2 =	vsub.f32 $1.500000000e+00, v2;
	_ =	sdelay $0x1  }
.Ltmp0:
0x55: {  	v1 =	vmul.f32 v2, v1;
	(pc) =	sbr.rel @p0 .LBB2_3-.Ltmp0, $4  }
0x56: {  	s18 =	sshra.s32 s17, $0x2  }
0x57: {  	v4 =	vmul.f32 v1, v3;
	v2 =	vld [tilespmem:s18+$0xA080]  }
0x58: {  	v3 =	vld [tilespmem:s18+$0x9C80]  }
0x59: {  	s17 =	sadd.s32 $0x40, s17;
	v4 =	vmul.f32 v4, v1  }
0x5a: {  	_ = 	snop  }
0x5b: {  	v4 =	vsub.f32 $1.500000000e+00, v4  }
0x5c: {  	v2 =	vshll.u32 v2, $0x2  }
0x5d: {  	v5 =	vor.u32 $0x1, v2;
	v1 =	vmul.f32 v4, v1;
	_ =	sdelay $0x1  }
0x5e: {  	v3 =	vshll.u32 v3, $0x2;
	v0 =	vmul.f32 v1, v0  }
0x5f: {  	v55 =	vor.u32 $0x1, v3  }
0x60: {  	v56 =	vor.u32 $0x2, v2;
	[tilespmem:s16+$0xA480] =	vst v0  }
0x61: {  	v57 =	vor.u32 $0x2, v3;
	v5 =	vld.idx.msk [tilespmem:v5+s2+$0x0], $0xffff  }
0x62: {  	v2 =	vld.idx.msk [tilespmem:v2+s2+$0x0], $0xffff  }
0x63: {  	v3 =	vld.idx.msk [tilespmem:v3+s2+$0x0], $0xffff  }
0x64: {  	v4 =	vld.idx.msk [tilespmem:v55+s2+$0x0], $0xffff  }
0x65: {  	v1 =	vld.idx.msk [tilespmem:v56+s2+$0x0], $0xffff  }
0x66: {  	v0 =	vld.idx.msk [tilespmem:v57+s2+$0x0], $0xffff;
	_ =	sdelay $0x2  }
0x67: {  	v2 =	vsub.f32 v3, v2;
	v58 =	vsub.f32 v4, v5;
	_ =	sdelay $0x1  }
0x68: {  	v0 =	vsub.f32 v0, v1;
	v59 =	vmul.f32 v2, v2;
	v60 =	vmul.f32 v58, v58;
	_ =	sdelay $0x1  }
0x69: {  	v0 =	vmul.f32 v0, v0;
	v1 =	vadd.f32 v60, v59;
	_ =	sdelay $0x1  }
0x6a: {  	v0 =	vadd.f32 v0, v1;
	_ =	sdelay $0x1  }
0x6b: {  	v0 =	vadd.f32 $9.999999960e-13, v0;
	_ =	sdelay $0x1  }
0x6c: {  	v61 =	vshra.s32 v0, $0x1;
	v62 =	vmul.f32 $5.000000000e-01, v0  }
0x6d: {  	v1 =	vsub.s32 $0x5F3759DF, v61  }
0x6e: {  	v63 =	vmul.f32 v1, v62;
	_ =	sdelay $0x1  }
0x6f: {  	v3 =	vmul.f32 v1, v63;
	_ =	sdelay $0x1  }
0x70: {  	v3 =	vsub.f32 $1.500000000e+00, v3;
	_ =	sdelay $0x1  }
0x71: {  	v1 =	vmul.f32 v1, v3;
	_ =	sdelay $0x1  }
0x72: {  	v3 =	vmul.f32 v1, v62;
	_ =	sdelay $0x1  }
0x73: {  	v3 =	vmul.f32 v3, v1;
	_ =	sdelay $0x1  }
0x74: {  	v3 =	vsub.f32 $1.500000000e+00, v3;
	_ =	sdelay $0x1  }
0x75: {  	v1 =	vmul.f32 v3, v1;
	_ =	sdelay $0x1  }
0x76: {  	v2 =	vmul.f32 v1, v62;
	_ =	sdelay $0x1  }
0x77: {  	v2 =	vmul.f32 v2, v1;
	_ =	sdelay $0x1  }
0x78: {  	v2 =	vsub.f32 $1.500000000e+00, v2;
	_ =	sdelay $0x1  }
0x79: {  	v1 =	vmul.f32 v2, v1;
	_ =	sdelay $0x1  }
0x7a: {  	s14 =	sadd.s32 $0x1, s14;
	v0 =	vmul.f32 v1, v0  }
0x7b: {  	p0 =	sne.s32 s14, $0x10  }
.Ltmp1:
0x7c: {  	s15 =	sadd.s32 s6, s15;
	[tilespmem:s18+$0xA480] =	vst v0;
	(pc) =	sbr.rel @p0 .LBB2_2-.Ltmp1, $4  }
0x7d: {  	[hbm4b:s15+s2] =	stream.linear.scatter [tilespmem:s12], [sflag:$0x1], $0x400, $0x38;
	[tilespmem:$0xA880] =	vst v63  }
0x7e: {  	_ =	swait.ge [sflag:s9], $0x400  }
0x7f: {  	[sflag:s9] =	ssyncset.done $0x0  }
0x80: {  	[sflag:s9] =	ssyncadd.s32 $0xFFFFFC00  }
0x81: {  	s13 =	sadd.s32 $0x1, s13  }
0x82: {  	p0 =	sne.s32 s13, s8  }
.Ltmp2:
0x83: {  	_ = 	snop;
	(pc) =	sbr.rel @p0 .LBB2_1-.Ltmp2, $1  }
0x84: {  	_ =	sdelay $0x3  }
0x85: {  	_ =	sfence.sel $0x180000  }
0x86: {  	[bflag:$0x0] =	sbarrier.arrive $0xFFFF  }
0x87: {  	p0 =	sne.s32 s3, $0x0;
	_ =	strace $0x9000004C  }
0x88: {  	s0 =	sadd.s32 @!p0 $0x100000, s0;
	[bflag:$0x2] =	sbarrier.arrive $0xFFFF  }
0x89: {  	[sflag:s0] =	ssyncadd.tile.s32 @!p0 $0x1;
	_ =	shalt  }
.Lfunc_end2:
_tile_overlayer_lowered:
.L_overlay_start_2:
0x8a: {  	(tag) =	ssettag $0x2  }
0x8b: {  	s0 =	rddreg [dreg:$0x0];
	s2 =	stileid.u32  }
0x8c: {  	s1 =	rddreg [dreg:$0x1];
	p0 =	sne.s32 s2, $0x0  }
0x8d: {  	s3 =	rddreg [dreg:$0x2];
	[bflag:$0x3] =	sbarrier.arrive $0xFFFF;
	s2 =	simm.s32 @!p0 $0x1C01  }
0x8e: {  	[timem:s3], [sflag:s2] =	dma.local @!p0 [hbm:s0], s1  }
0x8f: {  	s0 =	simm.s32 @!p0 $0x1  }
0x90: {  	_ =	swait.ge @!p0 [sflag:s0], s1  }
0x91: {  	s1 =	ssub.s32 @!p0 $0x0, s1;
	[sflag:s0] =	ssyncset.done @!p0 $0x0  }
0x92: {  	[sflag:s0] =	ssyncadd.s32 @!p0 s1  }
0x93: {  	[bflag:$0x3] =	sbarrier.arrive $0xFFFF  }
0x94: {  	_ =	shalt  }

// kernel: kernel.7.cloned.1.call-start
scs
__scs_entry_jumppad:
0x0: {  	(pc) =	sbr.rel $0x88, $3  }
0x1: {  	(tag) =	ssettag $0x0;
	lr =	simm.s32 $0x1  }
0x2: {  	[smem:$0x3F94] =	sst lr;
	_ =	strace $0xD0000000  }
0x3: {  	_ = 	snop  }
0x4: {  	_ = 	snop  }
0x5: {  	_ = 	snop  }
0x6: {  	_ = 	snop  }
0x7: {  	_ = 	snop  }
__scs_overlays_trampoline_lowered:
0x8: {  	[smem:$0x3FA3] =	sst s0  }
0x9: {  	[smem:$0x3FA4] =	sst s1  }
0xa: {  	[smem:$0x3FA5] =	sst s2  }
0xb: {  	[smem:$0x3FA6] =	sst s3  }
0xc: {  	[smem:$0x3FA7] =	sst s4  }
0xd: {  	[smem:$0x3FA8] =	sst s5  }
0xe: {  	[smem:$0x3FA9] =	sst s6  }
0xf: {  	[smem:$0x3FAA] =	sst s7  }
0x10: {  	[smem:$0x3FAB] =	sst s8  }
0x11: {  	[smem:$0x3FAC] =	sst s9;
	s0 =	simm.s32 @!p0 $0x0  }
0x12: {  	s1 =	sld [smem:$0x3F92];
	s0 =	simm.s32 @p0 $0x1  }
0x13: {  	[smem:$0x3FAD] =	sst s0;
	s0 =	simm.s32 @!p1 $0x0  }
0x14: {  	s2 =	sld [smem:$0x3F91];
	s0 =	simm.s32 @p1 $0x1  }
0x15: {  	[smem:$0x3FAE] =	sst s0;
	s0 =	simm.s32 @!p2 $0x0  }
0x16: {  	s3 =	sld [smem:$0x3FDB];
	s0 =	simm.s32 @p2 $0x1  }
0x17: {  	s4 =	simm.s32 $0x1BF5;
	[smem:$0x3FB0] =	sst s0  }
0x18: {  	s0 =	sld [smem:$0x3F93];
	_ =	swait.ge [sflag:s4], $0x0  }
0x19: {  	s7 =	sld [smem:$0x3F94]  }
0x1a: {  	s8 =	sadd.s32 $0xFFFFE003, lr  }
0x1b: {  	s9 =	sadd.s32 $0xFFFFFEF7, lr;
	s5 =	simm.s32 $0xFFFFFFFF;
	p2 =	slt.u32 s8, $0xFFFFF086  }
0x1c: {  	p1 =	slt.u32 s9, $0xF7A;
	s5 =	simm.s32 @!p2 $0x0  }
0x1d: {  	s5 =	simm.s32 @p1 $0x1;
	p0 =	seq.s32 s7, s2  }
0x1e: {  	s7 =	smul.u32 @!p0 $0xF7A, s2;
	p2 =	seq.s32 @!p0 s5, $0x0  }
0x1f: {  	s9 =	smul.u32 $0xF7A, s1;
	s8 =	simm.s32 @!p0 $0x1BF5;
	p2 =	por !p2, p0  }
0x20: {  	[sflag:s8] =	ssyncset.s32 @!p0 $0xFFFFF086;
	s6 =	sadd.s32 @!p0 s3, s7;
	s7 =	simm.s32 @!p0 $0x108  }
0x21: {  	s3 =	sadd.s32 s3, s9;
	s6 =	sadd.s32 @!p0 $0x88, s6;
	s7 =	simm.s32 @p2 $0x1082  }
0x22: {  	[simem:s7], [sflag:s8] =	dma.local @!p0 [hbm:s6], $0xF7A  }
0x23: {  	s9 =	sor.u32 $0xD0000000, s2;
	s6 =	simm.s32 $0x108;
	_ =	swait.ge @!p0 [sflag:s8], $0x0  }
0x24: {  	s3 =	sadd.s32 $0x88, s3;
	s6 =	simm.s32 @!p1 $0x1082;
	[sflag:s4] =	ssyncset.s32 $0xFFFFF086  }
0x25: {  	[simem:s6], [sflag:s4] =	dma.local [hbm:s3], $0xF7A  }
0x26: {  	[smem:$0x3F94] =	sst s1;
	(tag) =	ssettag s2;
	_ =	strace s9  }
0x27: {  	s1 =	sld [smem:$0x3FA4]  }
0x28: {  	s2 =	sld [smem:$0x3FA5]  }
0x29: {  	s4 =	sld [smem:$0x3FA7]  }
0x2a: {  	p0 =	seq.s32 s5, $0x0;
	s5 =	sld [smem:$0x3FA8]  }
0x2b: {  	s6 =	sld [smem:$0x3FA9]  }
0x2c: {  	s7 =	sld [smem:$0x3FAA]  }
0x2d: {  	s3 =	simm.s32 $0x108;
	s8 =	sld [smem:$0x3FAB]  }
0x2e: {  	s3 =	simm.s32 @!p0 $0x1082;
	s9 =	sld [smem:$0x3FAC]  }
0x2f: {  	lr =	sadd.s32 s0, s3;
	s0 =	sld [smem:$0x3FA3]  }
0x30: {  	s3 =	sld [smem:$0x3FA6]  }
0x31: {  	[smem:$0x3FAF] =	sst s10  }
0x32: {  	s10 =	sld [smem:$0x3FAD];
	_ =	sdelay $0x3  }
0x33: {  	p0 =	seq.s32 s10, $0x1;
	s10 =	sld [smem:$0x3FAF];
	_ =	sdelay $0x3  }
0x34: {  	[smem:$0x3FAF] =	sst s10  }
0x35: {  	s10 =	sld [smem:$0x3FAE];
	_ =	sdelay $0x3  }
0x36: {  	p1 =	seq.s32 s10, $0x1;
	s10 =	sld [smem:$0x3FAF];
	_ =	sdelay $0x3  }
0x37: {  	[smem:$0x3FAF] =	sst s10  }
0x38: {  	s10 =	sld [smem:$0x3FB0]  }
0x39: {  	_ = 	snop;
	(pc) =	sbr.ind lr, $3  }
0x3a: {  	_ = 	snop  }
0x3b: {  	_ = 	snop  }
0x3c: {  	p2 =	seq.s32 s10, $0x1;
	s10 =	sld [smem:$0x3FAF]  }
0x3d: {  	_ =	shalt  }
0x3e: {  	_ =	shalt  }
0x3f: {  	_ =	shalt  }
0x40: {  	_ =	shalt  }
0x41: {  	_ =	shalt  }
0x42: {  	_ =	shalt  }
0x43: {  	_ =	shalt  }
0x44: {  	_ =	shalt  }
0x45: {  	_ =	shalt  }
0x46: {  	_ =	shalt  }
0x47: {  	_ =	shalt  }
0x48: {  	_ =	shalt  }
0x49: {  	_ =	shalt  }
0x4a: {  	_ =	shalt  }
0x4b: {  	_ =	shalt  }
0x4c: {  	_ =	shalt  }
0x4d: {  	_ =	shalt  }
0x4e: {  	_ =	shalt  }
0x4f: {  	_ =	shalt  }
0x50: {  	_ =	shalt  }
0x51: {  	_ =	shalt  }
0x52: {  	_ =	shalt  }
0x53: {  	_ =	shalt  }
0x54: {  	_ =	shalt  }
0x55: {  	_ =	shalt  }
0x56: {  	_ =	shalt  }
0x57: {  	_ =	shalt  }
0x58: {  	_ =	shalt  }
0x59: {  	_ =	shalt  }
0x5a: {  	_ =	shalt  }
0x5b: {  	_ =	shalt  }
0x5c: {  	_ =	shalt  }
0x5d: {  	_ =	shalt  }
0x5e: {  	_ =	shalt  }
0x5f: {  	_ =	shalt  }
0x60: {  	_ =	shalt  }
0x61: {  	_ =	shalt  }
0x62: {  	_ =	shalt  }
0x63: {  	_ =	shalt  }
0x64: {  	_ =	shalt  }
0x65: {  	_ =	shalt  }
0x66: {  	_ =	shalt  }
0x67: {  	_ =	shalt  }
0x68: {  	_ =	shalt  }
0x69: {  	_ =	shalt  }
0x6a: {  	_ =	shalt  }
0x6b: {  	_ =	shalt  }
0x6c: {  	_ =	shalt  }
0x6d: {  	_ =	shalt  }
0x6e: {  	_ =	shalt  }
0x6f: {  	_ =	shalt  }
0x70: {  	_ =	shalt  }
0x71: {  	_ =	shalt  }
0x72: {  	_ =	shalt  }
0x73: {  	_ =	shalt  }
0x74: {  	_ =	shalt  }
0x75: {  	_ =	shalt  }
0x76: {  	_ =	shalt  }
0x77: {  	_ =	shalt  }
0x78: {  	_ =	shalt  }
0x79: {  	_ =	shalt  }
0x7a: {  	_ =	shalt  }
0x7b: {  	_ =	shalt  }
0x7c: {  	_ =	shalt  }
0x7d: {  	_ =	shalt  }
0x7e: {  	_ =	shalt  }
0x7f: {  	_ =	shalt  }
0x80: {  	_ =	shalt  }
0x81: {  	_ =	shalt  }
0x82: {  	_ =	shalt  }
0x83: {  	_ =	shalt  }
0x84: {  	_ =	shalt  }
0x85: {  	_ =	shalt  }
0x86: {  	_ =	shalt  }
0x87: {  	_ =	shalt  }
.Lfunc_end0:
.L_simem_size_0:
called_computation_lowered:
.L_overlay_start_0:
0x88: {  	s2 =	sld [smem:$0x3FD9]  }
0x89: {  	s3 =	sld [smem:$0x3FFE];
	_ =	sdelay $0x1  }
0x8a: {  	s1 =	srdreg.scid  }
0x8b: {  	s0 =	sand.u32 $0x1, s1  }
0x8c: {  	s17 =	sshll.u32 s0, $0xA;
	s2 =	sadd.s32 s3, s2  }
0x8d: {  	s2 =	sadd.s32 s2, s17  }
0x8e: {  	[smem:$0x3FBB] =	sst s2  }
0x8f: {  	_ = 	snop  }
0x90: {  	s2 =	sld [smem:$0x3FD0];
	(tm) =	ssettm $0x1  }
0x91: {  	s18 =	sld [smem:$0x3FFB];
	_ =	sdelay $0x3  }
0x92: {  	_ =	strace s18  }
0x93: {  	s3 =	sld [smem:$0x3FFC];
	_ =	sdelay $0x3  }
0x94: {  	_ =	strace s3  }
0x95: {  	s3 =	sld [smem:$0x3FFD];
	_ =	sdelay $0x3  }
0x96: {  	_ =	strace s3  }
0x97: {  	_ =	strace $0x8FFFFFFF  }
0x98: {  	s19 =	sld [smem:$0x3FDB];
	_ =	sdelay $0x1  }
0x99: {  	s4 =	simm.s32 $_scs_section_size  }
0x9a: {  	s5 =	simm.s32 $_size__tile_overlayer_lowered;
	s6 =	simm.s32 $_tile_overlayer_lowered  }
0x9b: {  	s22 =	simm.s32 $0x1BFF;
	s21 =	sshll.u32 s6, $0x1;
	s3 =	sadd.s32 s4, s19  }
0x9c: {  	s7 =	simm.s32 $0x0;
	s20 =	sshll.u32 s5, $0x1;
	s5 =	sadd.s32 s21, s3  }
0x9d: {  	[timem:s7], [sflag:s22] =	dma.local [hbm:s5], s20  }
0x9e: {  	_ =	swait.ge [sflag:s22], s20  }
0x9f: {  	s4 =	ssub.s32 $0x0, s20;
	[sflag:s22] =	ssyncset.done $0x0  }
0xa0: {  	[sflag:s22] =	ssyncadd.s32 s4;
	_ =	sdelay $0x1  }
0xa1: {  	s23 =	simm.s32 $0x1B8B  }
0xa2: {  	_ =	swait.ge [sflag:s23], $0x1  }
0xa3: {  	[sflag:s23] =	ssyncset.done $0x0  }
0xa4: {  	s25 =	simm.s32 $0x1B8E;
	s24 =	sld [smem:$0x3FFE];
	[sflag:s23] =	ssyncadd.s32 $0xFFFFFFFF  }
0xa5: {  	s26 =	simm.s32 $execute0_lowered;
	[smem:$0x3FD2] =	sst s25  }
0xa6: {  	s5 =	sshll.u32 s26, $0x1;
	_ =	strace $0x80000046;
	[dreg:$0x1] =	wrdreg $0xFFFFFFFF  }
0xa7: {  	s28 =	simm.s32 $_size_execute0_lowered;
	s3 =	sadd.s32 s3, s5;
	[dreg:$0x0] =	wrdreg $0x0  }
0xa8: {  	s5 =	sshll.u32 s28, $0x1;
	[dreg:$0x2] =	wrdreg s3  }
0xa9: {  	[dreg:$0x3] =	wrdreg s5  }
0xaa: {  	[dreg:$0x4] =	wrdreg $0xC0  }
0xab: {  	_ =	task [dreg:s7], $0x5FFFF  }
0xac: {  	[dreg:$0x1] =	wrdreg $0xFFFFFFFF  }
0xad: {  	[dreg:$0x0] =	wrdreg $0x60  }
0xae: {  	[dreg:$0x2] =	wrdreg s24  }
0xaf: {  	[dreg:$0x3] =	wrdreg s2  }
0xb0: {  	[dreg:$0x4] =	wrdreg $0x9  }
0xb1: {  	_ =	task.clear_ibuf [dreg:s7], $0x5FFFF;
	_ =	strace $0x90000046  }
0xb2: {  	s29 =	simm.s32 $0x9;
	_ =	strace $0x8000004A  }
0xb3: {  	_ =	swait.ge [sflag:s29], $0x1  }
0xb4: {  	[sflag:s29] =	ssyncadd.s32 $0xFFFFFFFF  }
0xb5: {  	_ =	strace $0x9000004A  }
0xb6: {  	_ =	sfence  }
0xb7: {  	s30 =	sld [smem:$0x0];
	_ =	sdelay $0x2  }
0xb8: {  	s31 =	sshll.u32 s1, $0xD;
	s1 =	sshrl.u32 s1, $0x2  }
0xb9: {  	s3 =	sand.u32 $0x4000, s31;
	s1 =	sadd.s32 s1, s30  }
0xba: {  	s0 =	sor.u32 s3, s0;
	s1 =	sshll.u32 s1, $0x11  }
0xbb: {  	s0 =	sor.u32 s1, s0  }
0xbc: {  	s0 =	sadd.s32 $0x8F2B, s0  }
0xbd: {  	[sflag:s0] =	ssyncadd.remote.s32 $0x1  }
0xbe: {  	_ =	sfence.sel $0xFFFF  }
0xbf: {  	[dreg:$0x0] =	wrdreg $0xFFFFFFFF;
	(pc) =	sbr.abs _section_cstart, $3  }
0xc0: {  	[dreg:$0x1] =	wrdreg $0xFFFFFFFF  }
0xc1: {  	_ =	task.clear_ibuf [dreg:s7], $0x2FFFF;
	_ =	strace $0x9FFFFFFF  }
0xc2: {  	(tm) =	ssettm $0x7FFFFFFF  }
0xc3: {  	_ =	shalt  }
tec
execute0_lowered:
.L_overlay_start_1:
0x0: {  	(tag) =	ssettag $0x1  }
0x1: {  	s0 =	rddreg [dreg:$0x0]  }
0x2: {  	s2 =	rddreg [dreg:$0x1]  }
0x3: {  	s1 =	srdreg.scid;
	s4 =	stileid.u32  }
0x4: {  	s3 =	simm.s32 $0x0;
	s1 =	sand.u32 $0x1, s1;
	s4 =	sshll.u32 s4, $0x1  }
0x5: {  	s13 =	simm.s32 $0x2;
	s14 =	simm.s32 $0x3;
	s6 =	sor.u32 s1, s4  }
0x6: {  	s15 =	simm.s32 $0x4;
	s17 =	simm.s32 $0x13A00;
	s7 =	smul.u32 $0x1390, s6  }
0x7: {  	s18 =	simm.s32 $0x1D700;
	s19 =	simm.s32 $0x0;
	s8 =	smul.u32 $0x2A, s6  }
0x8: {  	[smem:$0x7FF] =	sst s3;
	s1 =	ssub.s32 $0x2, s1;
	s11 =	smul.u32 $0x139, s6  }
.Ltmp0:
0x9: {  	s5 =	sadd.s32 $0x2A600, s0;
	s9 =	sshrl.u32 s1, $0x1;
	(pc) =	sbr.rel .LBB2_1-.Ltmp0, $4  }
0xa: {  	_ =	strace $0x80000047;
	s4 =	sadd.s32 $0x3400, s0;
	s1 =	ssub.s32 s1, s9  }
0xb: {  	v2 =	vimm.f32 $0.0e+00;
	v3 =	vimm.f32 $-3.000000010e+38;
	s10 =	sadd.s32 s7, s0;
	s0 =	sadd.s32 s8, s0;
	s12 =	sadd.s32 $0x139, s11  }
0xc: {  	vm0 =	vcmask $0x300;
	v4 =	vimm.f32 $3.000000010e+38;
	v5 =	vlaneseq.u32;
	s6 =	sadd.s32 $0x52000, s10;
	s7 =	sadd.s32 $0x79200, s10;
	s8 =	sadd.s32 $0xA0400, s10  }
0xd: {  	v6 =	vsel vm0, $0x3F800000, v2;
	v0 =	vmov s11;
	s9 =	sadd.s32 $0x51A00, s0;
	s10 =	smax.u32 s1, $0x1;
	v1 =	vmov s12;
	s12 =	simm.s32 $0x1  }
.LBB2_9:
0xe: {  	[hbm4b:s6+s3] =	stream.linear.scatter [tilespmem:s3], [sflag:$0x4], $0x9C80, $0x38;
	[tilespmem:$0x1FF80] =	vst v63  }
0xf: {  	_ =	swait.ge [sflag:s15], $0x9C80  }
0x10: {  	[sflag:s15] =	ssyncset.done $0x0  }
0x11: {  	s0 =	simm.s32 $0x9D00;
	[sflag:s15] =	ssyncadd.s32 $0xFFFF6380  }
0x12: {  	[hbm4b:s7+s3] =	stream.linear.scatter [tilespmem:s0], [sflag:$0x4], $0x9C80, $0x38;
	[tilespmem:$0x1FF80] =	vst v63  }
0x13: {  	_ =	swait.ge [sflag:s15], $0x9C80  }
0x14: {  	[sflag:s15] =	ssyncset.done $0x0  }
0x15: {  	[sflag:s15] =	ssyncadd.s32 $0xFFFF6380  }
0x16: {  	[hbm4b:s8+s3] =	stream.linear.scatter [tilespmem:s17], [sflag:$0x4], $0x9C80, $0x38;
	[tilespmem:$0x1FF80] =	vst v63  }
0x17: {  	s19 =	sadd.s32 $0x1, s19;
	_ =	swait.ge [sflag:s15], $0x9C80  }
0x18: {  	p0 =	sne.s32 s19, s10;
	[sflag:s15] =	ssyncset.done $0x0  }
.Ltmp1:
0x19: {  	[sflag:s15] =	ssyncadd.s32 $0xFFFF6380;
	(pc) =	sbr.rel @!p0 .LBB2_10-.Ltmp1, $4  }
0x1a: {  	[hbm4b:s9+s3] =	stream.linear.scatter [tilespmem:s18], [sflag:$0x4], $0x150, $0x38;
	[tilespmem:$0x1FF80] =	vst v63  }
0x1b: {  	_ =	swait.ge [sflag:s15], $0x150  }
0x1c: {  	[sflag:s15] =	ssyncset.done $0x0  }
0x1d: {  	[sflag:s15] =	ssyncadd.s32 $0xFFFFFEB0  }
.LBB2_1:
0x1e: {  	s0 =	simm.s32 $0x40;
	s1 =	simm.s32 $0x0  }
.LBB2_2:
0x1f: {  	p0 =	sne.s32 s0, $0x273C0;
	[tilespmem:s1+$0x13A00] =	vst v4;
	s11 =	smov.u32 s0;
	s0 =	sadd.s32 $0x40, s0  }
.Ltmp2:
0x20: {  	[tilespmem:s1+$0x0] =	vst v2;
	(pc) =	sbr.rel @p0 .LBB2_2-.Ltmp2, $2  }
0x21: {  	[tilespmem:s1+$0x9D00] =	vst v3;
	_ =	sdelay $0x2  }
0x22: {  	s1 =	sshra.s32 s11, $0x2  }
0x23: {  	[tilespmem:s1+$0x13A00] =	vst v4  }
0x24: {  	[tilespmem:s1+$0x0] =	vst v2  }
0x25: {  	[tilespmem:s1+$0x9D00] =	vst v3  }
0x26: {  	[tilespmem:$0x1D700] =	vst v2  }
0x27: {  	[tilespmem:$0x1D710] =	vst v2  }
0x28: {  	[tilespmem:$0x1D720] =	vst v2  }
0x29: {  	[tilespmem:$0x1D730] =	vst v2  }
0x2a: {  	[tilespmem:$0x1D740] =	vst v2  }
0x2b: {  	[tilespmem:$0x1D750] =	vst v2  }
0x2c: {  	[tilespmem:$0x1D760] =	vst v2  }
0x2d: {  	[tilespmem:$0x1D770] =	vst v2  }
0x2e: {  	[tilespmem:$0x1D780] =	vst v2  }
0x2f: {  	[tilespmem:$0x1D790] =	vst v2  }
0x30: {  	[tilespmem:$0x1D7A0] =	vst v2  }
0x31: {  	[tilespmem:$0x1D7B0] =	vst v2  }
0x32: {  	[tilespmem:$0x1D7C0] =	vst v2  }
0x33: {  	[tilespmem:$0x1D7D0] =	vst v2  }
0x34: {  	[tilespmem:$0x1D7E0] =	vst v2  }
0x35: {  	[tilespmem:$0x1D7F0] =	vst v2  }
0x36: {  	[tilespmem:$0x1D800] =	vst v2  }
.Ltmp3:
0x37: {  	[tilespmem:$0x1D810] =	vst v2;
	(pc) =	sbr.rel .LBB2_4-.Ltmp3, $4  }
0x38: {  	[tilespmem:$0x1D820] =	vst v2  }
0x39: {  	s20 =	simm.s32 $0x0;
	s0 =	simm.s32 $0x1D880;
	[tilespmem:$0x1D830] =	vst v2  }
0x3a: {  	s22 =	simm.s32 $0x0;
	s21 =	simm.s32 $0x0;
	s23 =	simm.s32 $0x0;
	[tilespmem:$0x1D840] =	vst v2  }
0x3b: {  	[tilespmem:s0], [sflag:$0x1] =	stream.linear.gather [hbm4b:s2+s20], $0x200, $0x38;
	[tilespmem:$0x1FF80] =	vst v63  }
.LBB2_7:
0x3c: {  	p1 =	sne.s32 s23, $0x271  }
.Ltmp4:
0x3d: {  	_ = 	snop;
	(pc) =	sbr.rel @!p1 .LBB2_8-.Ltmp4, $3  }
0x3e: {  	_ =	sdelay $0x1  }
0x3f: {  	p0 =	sgt.s32 s21, $0xEF  }
0x40: {  	_ =	strace $0x90000049;
	s22 =	sadd.s32 $0x200, s22;
	s21 =	simm.s32 @p0 $0x0  }
.LBB2_4:
0x41: {  	s0 =	smov.u32 s23  }
0x42: {  	_ =	swait.ge [sflag:s12], $0x200;
	s23 =	sadd.s32 $0x1, s23;
	p0 =	seq.s32 s0, $0x270  }
0x43: {  	s30 =	sadd.s32 $0x0, s22;
	[sflag:s12] =	ssyncset.done $0x0;
	s0 =	sshll.u32 @!p0 s23, $0x9  }
0x44: {  	[sflag:s12] =	ssyncadd.s32 $0xFFFFFE00;
	s1 =	sshll.u32 @!p0 s23, $0x6;
	s0 =	sand.u32 @!p0 $0x200, s0  }
0x45: {  	s11 =	simm.s32 @!p0 $0x0;
	s1 =	sadd.s32 @!p0 s2, s1;
	s0 =	sor.u32 @!p0 $0x1D880, s0  }
0x46: {  	[tilespmem:s0], [sflag:$0x1] =	stream.linear.gather @!p0 [hbm4b:s1+s11], $0x200, $0x38;
	[tilespmem:$0x1FF80] =	vst v63  }
0x47: {  	s31 =	sand.u32 $0x70, s20;
	s0 =	sand.u32 $0x380, s30  }
0x48: {  	_ =	strace $0x80000048;
	s0 =	sor.u32 s31, s0  }
0x49: {  	v7 =	vld [tilespmem:s0+$0x1D880];
	_ =	sdelay $0x4  }
0x4a: {  	v8 =	vand.u32 $0x3FFF, v7  }
0x4b: {  	vm0 =	vge.u32 v8, v0;
	vm1 =	vlt.u32 v8, v1  }
0x4c: {  	vm0 =	vmand vm0, vm1  }
0x4d: {  	v8 =	vmpcnt.ones.xlane vm0;
	_ =	sdelay $0x1  }
0x4e: {  	(v2sf) =	vpush v8, $0x0;
	_ =	sdelay $0x2  }
0x4f: {  	s11 =	sadd.s32 $0x10, s22;
	s1 =	simm.s32 $0x20;
	s0 =	simm.s32 $0x10;
	[tilespmem:s21+$0x1DC80] =	vst.msk vm0, v7  }
.LBB2_5:
0x50: {  	p0 =	sne.s32 s1, $0x1F0;
	s11 =	sand.u32 $0x380, s11;
	s0 =	sand.u32 $0x70, s0  }
0x51: {  	s11 =	sor.u32 s0, s11;
	s0 =	smov.u32 s1  }
0x52: {  	v7 =	vld [tilespmem:s11+$0x1D880];
	_ =	sdelay $0x4  }
0x53: {  	v8 =	vand.u32 $0x3FFF, v7  }
0x54: {  	vm0 =	vge.u32 v8, v0;
	vm1 =	vlt.u32 v8, v1  }
0x55: {  	vm0 =	vmand vm0, vm1  }
0x56: {  	v8 =	vmpcnt.ones.xlane vm0  }
.Ltmp5:
0x57: {  	s11 =	spop (v2sf);
	(pc) =	sbr.rel @p0 .LBB2_5-.Ltmp5, $3  }
0x58: {  	(v2sf) =	vpush v8, $0x0;
	s21 =	sadd.s32 s21, s11  }
0x59: {  	[tilespmem:s21+$0x1DC80] =	vst.msk vm0, v7;
	_ =	sdelay $0x1  }
0x5a: {  	s1 =	sadd.s32 $0x10, s1;
	s11 =	sadd.s32 s0, s22  }
0x5b: {  	s1 =	sand.u32 $0x380, s11;
	s0 =	sand.u32 $0x70, s0  }
0x5c: {  	s0 =	sor.u32 s0, s1  }
0x5d: {  	v7 =	vld [tilespmem:s0+$0x1D880];
	_ =	sdelay $0x4  }
0x5e: {  	v8 =	vand.u32 $0x3FFF, v7  }
0x5f: {  	vm0 =	vge.u32 v8, v0;
	vm1 =	vlt.u32 v8, v1  }
0x60: {  	vm0 =	vmand vm0, vm1  }
0x61: {  	v8 =	vmpcnt.ones.xlane vm0;
	_ =	sdelay $0x1  }
0x62: {  	(v2sf) =	vpush v8, $0x0;
	_ =	sdelay $0xd  }
0x63: {  	s30 =	spop (v2sf)  }
0x64: {  	s0 =	sadd.s32 s21, s30;
	s31 =	spop (v2sf)  }
0x65: {  	[tilespmem:s0+$0x1DC80] =	vst.msk vm0, v7;
	s21 =	sadd.s32 s0, s31  }
0x66: {  	_ =	strace $0x90000048;
	p0 =	slt.s32 s21, $0xF0  }
0x67: {  	_ =	strace $0x80000049;
	[tilespmem:s21+$0x1DC80] =	vst @!p0 v1  }
0x68: {  	v7 =	vld @!p0 [tilespmem:$0x1DC80];
	_ =	sdelay $0x4  }
0x69: {  	v8 =	vshrl.u32 @!p0 v7, $0xE;
	_ =	sdelay $0x1  }
0x6a: {  	s0 =	sadd.s32 @!p0 $0xF, s21  }
0x6b: {  	s24 =	simm.s32 @!p0 $0x0;
	s1 =	sand.u32 @!p0 $0xF, s0  }
0x6c: {  	vm0 =	vmmov @!p0 $0xffff;
	p1 =	slt.s32 @!p0 s0, $0x0;
	p2 =	sne.s32 @!p0 s1, $0x0;
	s1 =	simm.s32 @!p0 $0x1DF80  }
0x6d: {  	[tilespmem:s1], [sflag:$0x2] =	stream.indirect_vreg.gather @!p0 [hbm4b:s4+s24], $0x80, v8, vm0, $0x2000b8;
	[tilespmem:$0x1FF80] =	vst v63  }
0x6e: {  	p1 =	por @!p0 !p1, !p2;
	v7 =	vand.u32 @!p0 $0x3FFF, v7;
	s1 =	sshra.s32 @!p0 s0, $0x1F  }
0x6f: {  	p1 =	por @!p0 !p1, !p1;
	s1 =	sshrl.u32 @!p0 s1, $0x1C  }
0x70: {  	p1 =	por !p1, p0;
	s0 =	sadd.s32 @!p0 s1, s0;
	s1 =	simm.s32 @!p0 $0x1  }
0x71: {  	s0 =	sshra.s32 @!p0 s0, $0x4;
	s1 =	simm.s32 @p1 $0x0  }
0x72: {  	s25 =	ssub.s32 @!p0 s0, s1;
	s0 =	simm.s32 @!p0 $0x1EF80  }
0x73: {  	[tilespmem:s0], [sflag:$0x3] =	stream.indirect_vreg.gather @!p0 [hbm4b:s5+s24], $0x80, v7, vm0, $0x2000b8;
	[tilespmem:$0x1FF80] =	vst v63  }
0x74: {  	p1 =	sgt.s32 @!p0 s25, $0x0  }
0x75: {  	p0 =	por p0, !p1  }
.Ltmp6:
0x76: {  	_ = 	snop;
	(pc) =	sbr.rel @p0 .LBB2_7-.Ltmp6, $2  }
0x77: {  	_ =	sdelay $0x2  }
0x78: {  	s26 =	smov.u32 s24  }
.LBB2_12:
0x79: {  	s0 =	sshll.u32 s26, $0x6  }
0x7a: {  	s0 =	sshra.s32 s0, $0x2  }
0x7b: {  	v7 =	vld [tilespmem:s0+$0x1DC80];
	_ =	sdelay $0x3  }
0x7c: {  	s11 =	simm.s32 $0x0;
	_ =	swait.ge [sflag:s13], $0x800  }
0x7d: {  	v8 =	vmov s11;
	[sflag:s13] =	ssyncset.done $0x0;
	v7 =	vand.u32 $0x3FFF, v7  }
0x7e: {  	vm0 =	veq.s32 v8, v5;
	[sflag:s13] =	ssyncadd.s32 $0xFFFFF800;
	v7 =	vsub.s32 v7, v0  }
0x7f: {  	_ =	swait.ge [sflag:s14], $0x800;
	v8 =	vnsel vm0, $0x0, v7  }
0x80: {  	(xrf0) =	vadd.scan.msk.s32 $0xffff, v8;
	_ =	sdelay $0x2  }
0x81: {  	s26 =	sadd.s32 $0x1, s26  }
0x82: {  	p0 =	sge.s32 s26, s25  }
0x83: {  	s0 =	sshll.u32 @!p0 s26, $0x6;
	[sflag:s14] =	ssyncset.done $0x0  }
0x84: {  	s0 =	sshra.s32 @!p0 s0, $0x2;
	[sflag:s14] =	ssyncadd.s32 $0xFFFFF800;
	v8, _, _ =	vpop (xrf0)  }
0x85: {  	v9 =	vld @!p0 [tilespmem:s0+$0x1DC80];
	(v2sf) =	vpush v8, $0xF;
	_ =	sdelay $0x4  }
0x86: {  	v8 =	vshrl.u32 @!p0 v9, $0xE;
	_ =	sdelay $0x1  }
0x87: {  	s0 =	sshll.u32 @!p0 s26, $0xB;
	v9 =	vand.u32 @!p0 $0x3FFF, v9  }
0x88: {  	s0 =	sand.u32 @!p0 $0x800, s0  }
0x89: {  	s1 =	sand.u32 $0x800, s24;
	s16 =	simm.s32 @!p0 $0x0;
	vm0 =	vmmov @!p0 $0xffff;
	s11 =	sadd.s32 @!p0 $0x1DF80, s0  }
0x8a: {  	[tilespmem:s11], [sflag:$0x2] =	stream.indirect_vreg.gather @!p0 [hbm4b:s4+s16], $0x80, v8, vm0, $0x2000b8;
	[tilespmem:$0x1FF80] =	vst v63  }
0x8b: {  	s28 =	sadd.s32 $0x1EFC0, s1;
	s0 =	sadd.s32 @!p0 $0x1EF80, s0  }
0x8c: {  	[tilespmem:s0], [sflag:$0x3] =	stream.indirect_vreg.gather @!p0 [hbm4b:s5+s16], $0x80, v9, vm0, $0x2000b8;
	[tilespmem:$0x1FF80] =	vst v63  }
0x8d: {  	s29 =	sadd.s32 $0x1DFC0, s1;
	v8 =	vld [tilespmem:s28+$0xFFFFFFC0]  }
0x8e: {  	v9 =	vld [tilespmem:s29+$0xFFFFFFC0]  }
0x8f: {  	s30 =	spop (v2sf)  }
0x90: {  	s31 =	sshll.u32 s30, $0x7  }
0x91: {  	v10 =	vld [tilespmem:s31+$0x9D00]  }
0x92: {  	v11 =	vld [tilespmem:s31+$0x13A00]  }
0x93: {  	v8 =	vadd.f32 v8, v9;
	_ =	sdelay $0x1  }
0x94: {  	v8 =	vmax.f32 v8, $0.0e+00  }
0x95: {  	[tilespmem:s31+$0x0] =	vst.add.f32.msk $0xffff, v8;
	v9 =	vmax.f32 v10, v8  }
0x96: {  	v8 =	vmin.f32 v11, v8;
	[tilespmem:s31+$0x9D00] =	vst v9  }
0x97: {  	[tilespmem:s31+$0x13A00] =	vst v8  }
0x98: {  	v8 =	vld [tilespmem:s29+$0xFFFFFFD0]  }
0x99: {  	v9 =	vld [tilespmem:s28+$0xFFFFFFD0];
	_ =	sdelay $0x4  }
0x9a: {  	v8 =	vadd.f32 v9, v8;
	_ =	sdelay $0x1  }
0x9b: {  	s16 =	sor.u32 $0x10, s31;
	v8 =	vmax.f32 v8, $0.0e+00  }
0x9c: {  	[tilespmem:s16+$0x0] =	vst.add.f32.msk $0xffff, v8  }
0x9d: {  	v9 =	vld [tilespmem:s31+$0x9D10]  }
0x9e: {  	v10 =	vld [tilespmem:s31+$0x13A10];
	_ =	sdelay $0x3  }
0x9f: {  	v9 =	vmax.f32 v9, v8  }
0xa0: {  	v8 =	vmin.f32 v10, v8;
	[tilespmem:s31+$0x9D10] =	vst v9  }
0xa1: {  	[tilespmem:s31+$0x13A10] =	vst v8  }
0xa2: {  	v8 =	vld [tilespmem:s29+$0xFFFFFFE0]  }
0xa3: {  	v9 =	vld [tilespmem:s28+$0xFFFFFFE0];
	_ =	sdelay $0x4  }
0xa4: {  	v8 =	vadd.f32 v9, v8;
	_ =	sdelay $0x1  }
0xa5: {  	s1 =	sor.u32 $0x20, s31;
	v8 =	vmax.f32 v8, $0.0e+00  }
0xa6: {  	[tilespmem:s1+$0x0] =	vst.add.f32.msk $0xffff, v8  }
0xa7: {  	v9 =	vld [tilespmem:s31+$0x9D20]  }
0xa8: {  	v10 =	vld [tilespmem:s31+$0x13A20];
	_ =	sdelay $0x3  }
0xa9: {  	v9 =	vmax.f32 v9, v8  }
0xaa: {  	v8 =	vmin.f32 v10, v8;
	[tilespmem:s31+$0x9D20] =	vst v9  }
0xab: {  	[tilespmem:s31+$0x13A20] =	vst v8  }
0xac: {  	v8 =	vld [tilespmem:s29+$0xFFFFFFF0]  }
0xad: {  	v9 =	vld [tilespmem:s28+$0xFFFFFFF0];
	_ =	sdelay $0x4  }
0xae: {  	v8 =	vadd.f32 v9, v8;
	_ =	sdelay $0x1  }
0xaf: {  	s11 =	sor.u32 $0x30, s31;
	v8 =	vmax.f32 v8, $0.0e+00  }
0xb0: {  	[tilespmem:s11+$0x0] =	vst.add.f32.msk $0xffff, v8  }
0xb1: {  	v9 =	vld [tilespmem:s31+$0x9D30]  }
0xb2: {  	v10 =	vld [tilespmem:s31+$0x13A30];
	_ =	sdelay $0x3  }
0xb3: {  	v9 =	vmax.f32 v9, v8  }
0xb4: {  	v8 =	vmin.f32 v10, v8;
	[tilespmem:s31+$0x9D30] =	vst v9  }
0xb5: {  	[tilespmem:s31+$0x13A30] =	vst v8  }
0xb6: {  	v8 =	vld [tilespmem:s29+$0x0]  }
0xb7: {  	v9 =	vld [tilespmem:s28+$0x0];
	_ =	sdelay $0x4  }
0xb8: {  	v8 =	vadd.f32 v9, v8;
	_ =	sdelay $0x1  }
0xb9: {  	s16 =	sor.u32 $0x40, s31;
	v8 =	vmax.f32 v8, $0.0e+00  }
0xba: {  	[tilespmem:s16+$0x0] =	vst.add.f32.msk $0xffff, v8  }
0xbb: {  	v9 =	vld [tilespmem:s31+$0x9D40]  }
0xbc: {  	v10 =	vld [tilespmem:s31+$0x13A40];
	_ =	sdelay $0x3  }
0xbd: {  	v9 =	vmax.f32 v9, v8  }
0xbe: {  	v8 =	vmin.f32 v10, v8;
	[tilespmem:s31+$0x9D40] =	vst v9  }
0xbf: {  	[tilespmem:s31+$0x13A40] =	vst v8  }
0xc0: {  	v8 =	vld [tilespmem:s29+$0x10]  }
0xc1: {  	v9 =	vld [tilespmem:s28+$0x10];
	_ =	sdelay $0x4  }
0xc2: {  	v8 =	vadd.f32 v9, v8;
	_ =	sdelay $0x1  }
0xc3: {  	s1 =	sor.u32 $0x50, s31;
	v8 =	vmax.f32 v8, $0.0e+00  }
0xc4: {  	[tilespmem:s1+$0x0] =	vst.add.f32.msk $0xffff, v8  }
0xc5: {  	v9 =	vld [tilespmem:s31+$0x9D50]  }
0xc6: {  	v10 =	vld [tilespmem:s31+$0x13A50];
	_ =	sdelay $0x3  }
0xc7: {  	v9 =	vmax.f32 v9, v8  }
0xc8: {  	v8 =	vmin.f32 v10, v8;
	[tilespmem:s31+$0x9D50] =	vst v9  }
0xc9: {  	[tilespmem:s31+$0x13A50] =	vst v8  }
0xca: {  	v8 =	vld [tilespmem:s29+$0x20]  }
0xcb: {  	v9 =	vld [tilespmem:s28+$0x20];
	_ =	sdelay $0x4  }
0xcc: {  	v8 =	vadd.f32 v9, v8;
	_ =	sdelay $0x1  }
0xcd: {  	s11 =	sor.u32 $0x60, s31;
	v8 =	vmax.f32 v8, $0.0e+00  }
0xce: {  	[tilespmem:s11+$0x0] =	vst.add.f32.msk $0xffff, v8  }
0xcf: {  	v9 =	vld [tilespmem:s31+$0x9D60]  }
0xd0: {  	v10 =	vld [tilespmem:s31+$0x13A60];
	_ =	sdelay $0x1  }
0xd1: {  	s16 =	simm.s32 $0x1  }
0xd2: {  	v11 =	vmov s16  }
0xd3: {  	vm15 =	veq.s32 v11, v5;
	v9 =	vmax.f32 v9, v8  }
0xd4: {  	v8 =	vmin.f32 v10, v8;
	[tilespmem:s31+$0x9D60] =	vst v9;
	v9 =	vnsel vm15, $0x0, v7  }
0xd5: {  	[tilespmem:s31+$0x13A60] =	vst v8;
	(xrf0) =	vadd.scan.msk.s32 $0xffff, v9  }
0xd6: {  	v8 =	vld [tilespmem:s29+$0x30]  }
0xd7: {  	s0 =	simm.s32 $0x2;
	s11 =	sor.u32 $0x70, s31;
	v9 =	vld [tilespmem:s28+$0x30]  }
.LBB2_13:
0xd8: {  	s28 =	sadd.s32 $0x80, s28  }
0xd9: {  	s29 =	sadd.s32 $0x80, s29;
	s1 =	smov.u32 s0;
	s16 =	sadd.s32 $0x1, s0  }
0xda: {  	p0 =	seq.s32 s0, $0xF  }
0xdb: {  	v10, _, _ =	vpop (xrf0)  }
0xdc: {  	(v2sf) =	vpush v10, $0xF;
	v8 =	vadd.f32 v9, v8;
	_ =	sdelay $0x1  }
0xdd: {  	v8 =	vmax.f32 v8, $0.0e+00  }
0xde: {  	[tilespmem:s11+$0x0] =	vst.add.f32.msk $0xffff, v8  }
0xdf: {  	v9 =	vld [tilespmem:s31+$0x9D70]  }
0xe0: {  	v10 =	vld [tilespmem:s31+$0x13A70];
	_ =	sdelay $0x3  }
0xe1: {  	v9 =	vmax.f32 v9, v8  }
0xe2: {  	[tilespmem:s31+$0x9D70] =	vst v9;
	v8 =	vmin.f32 v10, v8  }
0xe3: {  	[tilespmem:s31+$0x13A70] =	vst v8  }
0xe4: {  	[tilespmem:s30+$0x1D700] =	vst.add.f32.msk $0xffff, v6  }
0xe5: {  	v8 =	vld [tilespmem:s28+$0xFFFFFFC0]  }
0xe6: {  	v9 =	vld [tilespmem:s29+$0xFFFFFFC0]  }
0xe7: {  	s30 =	spop (v2sf)  }
0xe8: {  	s31 =	sshll.u32 s30, $0x7  }
0xe9: {  	v10 =	vld [tilespmem:s31+$0x9D00]  }
0xea: {  	v11 =	vld [tilespmem:s31+$0x13A00]  }
0xeb: {  	v8 =	vadd.f32 v8, v9;
	_ =	sdelay $0x1  }
0xec: {  	v8 =	vmax.f32 v8, $0.0e+00  }
0xed: {  	[tilespmem:s31+$0x0] =	vst.add.f32.msk $0xffff, v8;
	v9 =	vmax.f32 v10, v8  }
0xee: {  	[tilespmem:s31+$0x9D00] =	vst v9;
	v8 =	vmin.f32 v11, v8  }
0xef: {  	[tilespmem:s31+$0x13A00] =	vst v8  }
0xf0: {  	v8 =	vld [tilespmem:s29+$0xFFFFFFD0]  }
0xf1: {  	v9 =	vld [tilespmem:s28+$0xFFFFFFD0];
	_ =	sdelay $0x4  }
0xf2: {  	s0 =	sor.u32 $0x10, s31;
	v8 =	vadd.f32 v9, v8;
	_ =	sdelay $0x1  }
0xf3: {  	v8 =	vmax.f32 v8, $0.0e+00  }
0xf4: {  	[tilespmem:s0+$0x0] =	vst.add.f32.msk $0xffff, v8  }
0xf5: {  	v9 =	vld [tilespmem:s31+$0x9D10]  }
0xf6: {  	v10 =	vld [tilespmem:s31+$0x13A10];
	_ =	sdelay $0x3  }
0xf7: {  	v9 =	vmax.f32 v9, v8  }
0xf8: {  	[tilespmem:s31+$0x9D10] =	vst v9;
	v8 =	vmin.f32 v10, v8  }
0xf9: {  	[tilespmem:s31+$0x13A10] =	vst v8  }
0xfa: {  	v8 =	vld [tilespmem:s29+$0xFFFFFFE0]  }
0xfb: {  	v9 =	vld [tilespmem:s28+$0xFFFFFFE0];
	_ =	sdelay $0x2  }
0xfc: {  	s0 =	sor.u32 $0x20, s31;
	_ =	sdelay $0x1  }
0xfd: {  	v8 =	vadd.f32 v9, v8;
	_ =	sdelay $0x1  }
0xfe: {  	v8 =	vmax.f32 v8, $0.0e+00  }
0xff: {  	[tilespmem:s0+$0x0] =	vst.add.f32.msk $0xffff, v8  }
0x100: {  	v9 =	vld [tilespmem:s31+$0x9D20]  }
0x101: {  	v10 =	vld [tilespmem:s31+$0x13A20];
	_ =	sdelay $0x3  }
0x102: {  	v9 =	vmax.f32 v9, v8  }
0x103: {  	[tilespmem:s31+$0x9D20] =	vst v9;
	v8 =	vmin.f32 v10, v8  }
0x104: {  	[tilespmem:s31+$0x13A20] =	vst v8  }
0x105: {  	v8 =	vld [tilespmem:s29+$0xFFFFFFF0]  }
0x106: {  	v9 =	vld [tilespmem:s28+$0xFFFFFFF0]  }
0x107: {  	s0 =	sor.u32 $0x30, s31;
	_ =	sdelay $0x3  }
0x108: {  	v8 =	vadd.f32 v9, v8;
	_ =	sdelay $0x1  }
0x109: {  	v8 =	vmax.f32 v8, $0.0e+00  }
0x10a: {  	[tilespmem:s0+$0x0] =	vst.add.f32.msk $0xffff, v8  }
0x10b: {  	v9 =	vld [tilespmem:s31+$0x9D30]  }
0x10c: {  	v10 =	vld [tilespmem:s31+$0x13A30];
	_ =	sdelay $0x3  }
0x10d: {  	v9 =	vmax.f32 v9, v8  }
0x10e: {  	[tilespmem:s31+$0x9D30] =	vst v9;
	v8 =	vmin.f32 v10, v8  }
0x10f: {  	[tilespmem:s31+$0x13A30] =	vst v8  }
0x110: {  	s0 =	sor.u32 $0x40, s31;
	v8 =	vld [tilespmem:s29+$0x0]  }
0x111: {  	v9 =	vld [tilespmem:s28+$0x0];
	_ =	sdelay $0x4  }
0x112: {  	v8 =	vadd.f32 v9, v8;
	_ =	sdelay $0x1  }
0x113: {  	v8 =	vmax.f32 v8, $0.0e+00  }
0x114: {  	[tilespmem:s0+$0x0] =	vst.add.f32.msk $0xffff, v8  }
0x115: {  	v9 =	vld [tilespmem:s31+$0x9D40]  }
0x116: {  	v10 =	vld [tilespmem:s31+$0x13A40];
	_ =	sdelay $0x3  }
0x117: {  	v9 =	vmax.f32 v9, v8  }
0x118: {  	s0 =	sor.u32 $0x50, s31;
	[tilespmem:s31+$0x9D40] =	vst v9;
	v8 =	vmin.f32 v10, v8  }
0x119: {  	[tilespmem:s31+$0x13A40] =	vst v8  }
0x11a: {  	v8 =	vld [tilespmem:s29+$0x10]  }
0x11b: {  	v9 =	vld [tilespmem:s28+$0x10];
	_ =	sdelay $0x4  }
0x11c: {  	v8 =	vadd.f32 v9, v8;
	_ =	sdelay $0x1  }
0x11d: {  	v8 =	vmax.f32 v8, $0.0e+00  }
0x11e: {  	[tilespmem:s0+$0x0] =	vst.add.f32.msk $0xffff, v8  }
0x11f: {  	v9 =	vld [tilespmem:s31+$0x9D50]  }
0x120: {  	v10 =	vld [tilespmem:s31+$0x13A50];
	_ =	sdelay $0x2  }
0x121: {  	s0 =	sor.u32 $0x60, s31  }
0x122: {  	v9 =	vmax.f32 v9, v8  }
0x123: {  	[tilespmem:s31+$0x9D50] =	vst v9;
	v8 =	vmin.f32 v10, v8  }
0x124: {  	[tilespmem:s31+$0x13A50] =	vst v8  }
0x125: {  	v8 =	vld [tilespmem:s29+$0x20]  }
0x126: {  	v9 =	vld [tilespmem:s28+$0x20];
	_ =	sdelay $0x4  }
0x127: {  	v8 =	vadd.f32 v9, v8;
	_ =	sdelay $0x1  }
0x128: {  	v8 =	vmax.f32 v8, $0.0e+00  }
0x129: {  	[tilespmem:s0+$0x0] =	vst.add.f32.msk $0xffff, v8  }
0x12a: {  	v9 =	vld [tilespmem:s31+$0x9D60]  }
0x12b: {  	v10 =	vld [tilespmem:s31+$0x13A60]  }
0x12c: {  	s11 =	sor.u32 $0x70, s31;
	_ =	sdelay $0x1  }
0x12d: {  	v11 =	vmov s1  }
.Ltmp7:
0x12e: {  	vm0 =	veq.s32 v11, v5;
	v9 =	vmax.f32 v9, v8;
	(pc) =	sbr.rel @!p0 .LBB2_13-.Ltmp7, $4  }
0x12f: {  	v11 =	vnsel vm0, $0x0, v7;
	[tilespmem:s31+$0x9D60] =	vst v9;
	v8 =	vmin.f32 v10, v8  }
0x130: {  	(xrf0) =	vadd.scan.msk.s32 $0xffff, v11;
	[tilespmem:s31+$0x13A60] =	vst v8  }
0x131: {  	v8 =	vld [tilespmem:s29+$0x30]  }
0x132: {  	s0 =	smov.u32 s16;
	v9 =	vld [tilespmem:s28+$0x30]  }
0x133: {  	_ =	sdelay $0x2  }
0x134: {  	v7, _, _ =	vpop (xrf0)  }
0x135: {  	(v2sf) =	vpush v7, $0xF;
	v7 =	vadd.f32 v9, v8;
	_ =	sdelay $0x1  }
0x136: {  	v7 =	vmax.f32 v7, $0.0e+00  }
0x137: {  	[tilespmem:s11+$0x0] =	vst.add.f32.msk $0xffff, v7  }
0x138: {  	v8 =	vld [tilespmem:s31+$0x9D70]  }
0x139: {  	v55 =	vld [tilespmem:s31+$0x13A70];
	_ =	sdelay $0x3  }
0x13a: {  	v8 =	vmax.f32 v8, v7  }
0x13b: {  	v7 =	vmin.f32 v55, v7;
	[tilespmem:s31+$0x9D70] =	vst v8  }
0x13c: {  	[tilespmem:s31+$0x13A70] =	vst v7  }
0x13d: {  	s28 =	sadd.s32 $0x80, s28;
	[tilespmem:s30+$0x1D700] =	vst.add.f32.msk $0xffff, v6  }
0x13e: {  	s29 =	sadd.s32 $0x80, s29;
	v7 =	vld [tilespmem:s28+$0xFFFFFFC0]  }
0x13f: {  	v8 =	vld [tilespmem:s29+$0xFFFFFFC0]  }
0x140: {  	s0 =	spop (v2sf)  }
0x141: {  	s1 =	sshll.u32 s0, $0x7  }
0x142: {  	v56 =	vld [tilespmem:s1+$0x9D00]  }
0x143: {  	v10 =	vld [tilespmem:s1+$0x13A00]  }
0x144: {  	v7 =	vadd.f32 v7, v8;
	_ =	sdelay $0x1  }
0x145: {  	v7 =	vmax.f32 v7, $0.0e+00  }
0x146: {  	[tilespmem:s1+$0x0] =	vst.add.f32.msk $0xffff, v7;
	v8 =	vmax.f32 v56, v7  }
0x147: {  	v7 =	vmin.f32 v10, v7;
	[tilespmem:s1+$0x9D00] =	vst v8  }
0x148: {  	[tilespmem:s1+$0x13A00] =	vst v7  }
0x149: {  	v7 =	vld [tilespmem:s29+$0xFFFFFFD0]  }
0x14a: {  	v8 =	vld [tilespmem:s28+$0xFFFFFFD0];
	_ =	sdelay $0x4  }
0x14b: {  	v7 =	vadd.f32 v8, v7;
	_ =	sdelay $0x1  }
0x14c: {  	s31 =	sor.u32 $0x10, s1;
	v7 =	vmax.f32 v7, $0.0e+00  }
0x14d: {  	[tilespmem:s31+$0x0] =	vst.add.f32.msk $0xffff, v7  }
0x14e: {  	v8 =	vld [tilespmem:s1+$0x9D10]  }
0x14f: {  	v57 =	vld [tilespmem:s1+$0x13A10];
	_ =	sdelay $0x3  }
0x150: {  	v8 =	vmax.f32 v8, v7  }
0x151: {  	v7 =	vmin.f32 v57, v7;
	[tilespmem:s1+$0x9D10] =	vst v8  }
0x152: {  	[tilespmem:s1+$0x13A10] =	vst v7  }
0x153: {  	v7 =	vld [tilespmem:s29+$0xFFFFFFE0]  }
0x154: {  	v8 =	vld [tilespmem:s28+$0xFFFFFFE0];
	_ =	sdelay $0x4  }
0x155: {  	v7 =	vadd.f32 v8, v7;
	_ =	sdelay $0x1  }
0x156: {  	s16 =	sor.u32 $0x20, s1;
	v7 =	vmax.f32 v7, $0.0e+00  }
0x157: {  	[tilespmem:s16+$0x0] =	vst.add.f32.msk $0xffff, v7  }
0x158: {  	v8 =	vld [tilespmem:s1+$0x9D20]  }
0x159: {  	v58 =	vld [tilespmem:s1+$0x13A20];
	_ =	sdelay $0x3  }
0x15a: {  	v8 =	vmax.f32 v8, v7  }
0x15b: {  	v7 =	vmin.f32 v58, v7;
	[tilespmem:s1+$0x9D20] =	vst v8  }
0x15c: {  	[tilespmem:s1+$0x13A20] =	vst v7  }
0x15d: {  	v7 =	vld [tilespmem:s29+$0xFFFFFFF0]  }
0x15e: {  	v8 =	vld [tilespmem:s28+$0xFFFFFFF0];
	_ =	sdelay $0x4  }
0x15f: {  	v7 =	vadd.f32 v8, v7;
	_ =	sdelay $0x1  }
0x160: {  	s30 =	sor.u32 $0x30, s1;
	v7 =	vmax.f32 v7, $0.0e+00  }
0x161: {  	[tilespmem:s30+$0x0] =	vst.add.f32.msk $0xffff, v7  }
0x162: {  	v8 =	vld [tilespmem:s1+$0x9D30]  }
0x163: {  	v59 =	vld [tilespmem:s1+$0x13A30];
	_ =	sdelay $0x3  }
0x164: {  	v8 =	vmax.f32 v8, v7  }
0x165: {  	v7 =	vmin.f32 v59, v7;
	[tilespmem:s1+$0x9D30] =	vst v8  }
0x166: {  	[tilespmem:s1+$0x13A30] =	vst v7  }
0x167: {  	v7 =	vld [tilespmem:s29+$0x0]  }
0x168: {  	v8 =	vld [tilespmem:s28+$0x0];
	_ =	sdelay $0x4  }
0x169: {  	v7 =	vadd.f32 v8, v7;
	_ =	sdelay $0x1  }
0x16a: {  	s31 =	sor.u32 $0x40, s1;
	v7 =	vmax.f32 v7, $0.0e+00  }
0x16b: {  	[tilespmem:s31+$0x0] =	vst.add.f32.msk $0xffff, v7  }
0x16c: {  	v8 =	vld [tilespmem:s1+$0x9D40]  }
0x16d: {  	v60 =	vld [tilespmem:s1+$0x13A40];
	_ =	sdelay $0x3  }
0x16e: {  	v8 =	vmax.f32 v8, v7  }
0x16f: {  	v7 =	vmin.f32 v60, v7;
	[tilespmem:s1+$0x9D40] =	vst v8  }
0x170: {  	[tilespmem:s1+$0x13A40] =	vst v7  }
0x171: {  	v7 =	vld [tilespmem:s29+$0x10]  }
0x172: {  	v8 =	vld [tilespmem:s28+$0x10];
	_ =	sdelay $0x4  }
0x173: {  	v7 =	vadd.f32 v8, v7;
	_ =	sdelay $0x1  }
0x174: {  	s16 =	sor.u32 $0x50, s1;
	v7 =	vmax.f32 v7, $0.0e+00  }
0x175: {  	[tilespmem:s16+$0x0] =	vst.add.f32.msk $0xffff, v7  }
0x176: {  	v8 =	vld [tilespmem:s1+$0x9D50]  }
0x177: {  	v61 =	vld [tilespmem:s1+$0x13A50];
	_ =	sdelay $0x3  }
0x178: {  	v8 =	vmax.f32 v8, v7  }
0x179: {  	v7 =	vmin.f32 v61, v7;
	[tilespmem:s1+$0x9D50] =	vst v8  }
0x17a: {  	[tilespmem:s1+$0x13A50] =	vst v7  }
0x17b: {  	v7 =	vld [tilespmem:s29+$0x20]  }
0x17c: {  	v8 =	vld [tilespmem:s28+$0x20];
	_ =	sdelay $0x4  }
0x17d: {  	v7 =	vadd.f32 v8, v7;
	_ =	sdelay $0x1  }
0x17e: {  	s30 =	sor.u32 $0x60, s1;
	v7 =	vmax.f32 v7, $0.0e+00  }
0x17f: {  	[tilespmem:s30+$0x0] =	vst.add.f32.msk $0xffff, v7  }
0x180: {  	v8 =	vld [tilespmem:s1+$0x9D60]  }
0x181: {  	v62 =	vld [tilespmem:s1+$0x13A60];
	_ =	sdelay $0x3  }
0x182: {  	v8 =	vmax.f32 v8, v7  }
0x183: {  	v7 =	vmin.f32 v62, v7;
	[tilespmem:s1+$0x9D60] =	vst v8  }
0x184: {  	[tilespmem:s1+$0x13A60] =	vst v7  }
0x185: {  	v7 =	vld [tilespmem:s29+$0x30]  }
0x186: {  	v8 =	vld [tilespmem:s28+$0x30];
	_ =	sdelay $0x4  }
0x187: {  	v7 =	vadd.f32 v8, v7;
	_ =	sdelay $0x1  }
0x188: {  	s31 =	sor.u32 $0x70, s1;
	v7 =	vmax.f32 v7, $0.0e+00  }
0x189: {  	[tilespmem:s31+$0x0] =	vst.add.f32.msk $0xffff, v7  }
0x18a: {  	v8 =	vld [tilespmem:s1+$0x9D70]  }
0x18b: {  	v63 =	vld [tilespmem:s1+$0x13A70];
	_ =	sdelay $0x3  }
0x18c: {  	v8 =	vmax.f32 v8, v7  }
0x18d: {  	v7 =	vmin.f32 v63, v7;
	[tilespmem:s1+$0x9D70] =	vst v8  }
0x18e: {  	[tilespmem:s1+$0x13A70] =	vst v7  }
0x18f: {  	[tilespmem:s0+$0x1D700] =	vst.add.f32.msk $0xffff, v6  }
0x190: {  	p0 =	seq.s32 s26, s25  }
.Ltmp8:
0x191: {  	_ = 	snop;
	(pc) =	sbr.rel @!p0 .LBB2_12-.Ltmp8, $4  }
.Ltmp9:
0x192: {  	_ = 	snop;
	(pc) =	sbr.rel @p0 .LBB2_7-.Ltmp9, $4  }
0x193: {  	_ = 	snop  }
0x194: {  	_ = 	snop  }
0x195: {  	s24 =	sadd.s32 $0x800, s24  }
0x196: {  	_ = 	snop  }
.LBB2_8:
0x197: {  	p0 =	slt.s32 s21, $0x1  }
0x198: {  	[tilespmem:s21+$0x1DC80] =	vst @!p0 v1  }
0x199: {  	v7 =	vld @!p0 [tilespmem:$0x1DC80];
	_ =	sdelay $0x4  }
0x19a: {  	v8 =	vshrl.u32 @!p0 v7, $0xE;
	_ =	sdelay $0x1  }
0x19b: {  	s0 =	sadd.s32 @!p0 $0xF, s21  }
0x19c: {  	s20 =	simm.s32 @!p0 $0x0;
	s1 =	sand.u32 @!p0 $0xF, s0  }
0x19d: {  	vm0 =	vmmov @!p0 $0xffff;
	p1 =	slt.s32 @!p0 s0, $0x0;
	p2 =	sne.s32 @!p0 s1, $0x0;
	s1 =	simm.s32 @!p0 $0x1DF80  }
0x19e: {  	[tilespmem:s1], [sflag:$0x2] =	stream.indirect_vreg.gather @!p0 [hbm4b:s4+s20], $0x80, v8, vm0, $0xb8;
	[tilespmem:$0x1FF80] =	vst v63  }
0x19f: {  	p1 =	por @!p0 !p1, !p2;
	v7 =	vand.u32 @!p0 $0x3FFF, v7;
	s1 =	sshra.s32 @!p0 s0, $0x1F  }
0x1a0: {  	p1 =	por @!p0 !p1, !p1;
	s1 =	sshrl.u32 @!p0 s1, $0x1C  }
0x1a1: {  	p1 =	por !p1, p0;
	s0 =	sadd.s32 @!p0 s1, s0;
	s1 =	simm.s32 @!p0 $0x1  }
0x1a2: {  	s0 =	sshra.s32 @!p0 s0, $0x4;
	s1 =	simm.s32 @p1 $0x0  }
0x1a3: {  	s21 =	ssub.s32 @!p0 s0, s1;
	s0 =	simm.s32 @!p0 $0x1EF80  }
0x1a4: {  	[tilespmem:s0], [sflag:$0x3] =	stream.indirect_vreg.gather @!p0 [hbm4b:s5+s20], $0x80, v7, vm0, $0xb8;
	[tilespmem:$0x1FF80] =	vst v63  }
0x1a5: {  	p1 =	sgt.s32 @!p0 s21, $0x0  }
0x1a6: {  	p0 =	por p0, !p1  }
.Ltmp10:
0x1a7: {  	_ = 	snop;
	(pc) =	sbr.rel @p0 .LBB2_9-.Ltmp10, $2  }
0x1a8: {  	_ =	sdelay $0x2  }
0x1a9: {  	s22 =	smov.u32 s20  }
.LBB2_16:
0x1aa: {  	s0 =	sshll.u32 s22, $0x6  }
0x1ab: {  	s0 =	sshra.s32 s0, $0x2  }
0x1ac: {  	v7 =	vld [tilespmem:s0+$0x1DC80];
	_ =	sdelay $0x3  }
0x1ad: {  	s31 =	simm.s32 $0x0;
	_ =	swait.ge [sflag:s13], $0x800  }
0x1ae: {  	v8 =	vmov s31;
	[sflag:s13] =	ssyncset.done $0x0;
	v7 =	vand.u32 $0x3FFF, v7  }
0x1af: {  	vm0 =	veq.s32 v8, v5;
	[sflag:s13] =	ssyncadd.s32 $0xFFFFF800;
	v7 =	vsub.s32 v7, v0  }
0x1b0: {  	_ =	swait.ge [sflag:s14], $0x800;
	v8 =	vnsel vm0, $0x0, v7  }
0x1b1: {  	(xrf0) =	vadd.scan.msk.s32 $0xffff, v8;
	_ =	sdelay $0x2  }
0x1b2: {  	s22 =	sadd.s32 $0x1, s22  }
0x1b3: {  	p0 =	sge.s32 s22, s21  }
0x1b4: {  	s0 =	sshll.u32 @!p0 s22, $0x6;
	[sflag:s14] =	ssyncset.done $0x0  }
0x1b5: {  	s0 =	sshra.s32 @!p0 s0, $0x2;
	[sflag:s14] =	ssyncadd.s32 $0xFFFFF800;
	v8, _, _ =	vpop (xrf0)  }
0x1b6: {  	v9 =	vld @!p0 [tilespmem:s0+$0x1DC80];
	(v2sf) =	vpush v8, $0xF;
	_ =	sdelay $0x4  }
0x1b7: {  	v8 =	vshrl.u32 @!p0 v9, $0xE;
	_ =	sdelay $0x1  }
0x1b8: {  	s0 =	sshll.u32 @!p0 s22, $0xB;
	v9 =	vand.u32 @!p0 $0x3FFF, v9  }
0x1b9: {  	s0 =	sand.u32 @!p0 $0x800, s0  }
0x1ba: {  	s1 =	sand.u32 $0x800, s20;
	s16 =	simm.s32 @!p0 $0x0;
	vm0 =	vmmov @!p0 $0xffff;
	s11 =	sadd.s32 @!p0 $0x1DF80, s0  }
0x1bb: {  	[tilespmem:s11], [sflag:$0x2] =	stream.indirect_vreg.gather @!p0 [hbm4b:s4+s16], $0x80, v8, vm0, $0xb8;
	[tilespmem:$0x1FF80] =	vst v63  }
0x1bc: {  	s23 =	sadd.s32 $0x1EFC0, s1;
	s0 =	sadd.s32 @!p0 $0x1EF80, s0  }
0x1bd: {  	[tilespmem:s0], [sflag:$0x3] =	stream.indirect_vreg.gather @!p0 [hbm4b:s5+s16], $0x80, v9, vm0, $0xb8;
	[tilespmem:$0x1FF80] =	vst v63  }
0x1be: {  	s24 =	sadd.s32 $0x1DFC0, s1;
	v8 =	vld [tilespmem:s23+$0xFFFFFFC0]  }
0x1bf: {  	v9 =	vld [tilespmem:s24+$0xFFFFFFC0]  }
0x1c0: {  	s25 =	spop (v2sf)  }
0x1c1: {  	s26 =	sshll.u32 s25, $0x7  }
0x1c2: {  	v10 =	vld [tilespmem:s26+$0x9D00]  }
0x1c3: {  	v11 =	vld [tilespmem:s26+$0x13A00]  }
0x1c4: {  	v8 =	vadd.f32 v8, v9;
	_ =	sdelay $0x1  }
0x1c5: {  	v8 =	vmax.f32 v8, $0.0e+00  }
0x1c6: {  	[tilespmem:s26+$0x0] =	vst.add.f32.msk $0xffff, v8;
	v9 =	vmax.f32 v10, v8  }
0x1c7: {  	v8 =	vmin.f32 v11, v8;
	[tilespmem:s26+$0x9D00] =	vst v9  }
0x1c8: {  	[tilespmem:s26+$0x13A00] =	vst v8  }
0x1c9: {  	v8 =	vld [tilespmem:s24+$0xFFFFFFD0]  }
0x1ca: {  	v9 =	vld [tilespmem:s23+$0xFFFFFFD0];
	_ =	sdelay $0x4  }
0x1cb: {  	v8 =	vadd.f32 v9, v8;
	_ =	sdelay $0x1  }
0x1cc: {  	s1 =	sor.u32 $0x10, s26;
	v8 =	vmax.f32 v8, $0.0e+00  }
0x1cd: {  	[tilespmem:s1+$0x0] =	vst.add.f32.msk $0xffff, v8  }
0x1ce: {  	v9 =	vld [tilespmem:s26+$0x9D10]  }
0x1cf: {  	v10 =	vld [tilespmem:s26+$0x13A10];
	_ =	sdelay $0x3  }
0x1d0: {  	v9 =	vmax.f32 v9, v8  }
0x1d1: {  	v8 =	vmin.f32 v10, v8;
	[tilespmem:s26+$0x9D10] =	vst v9  }
0x1d2: {  	[tilespmem:s26+$0x13A10] =	vst v8  }
0x1d3: {  	v8 =	vld [tilespmem:s24+$0xFFFFFFE0]  }
0x1d4: {  	v9 =	vld [tilespmem:s23+$0xFFFFFFE0];
	_ =	sdelay $0x4  }
0x1d5: {  	v8 =	vadd.f32 v9, v8;
	_ =	sdelay $0x1  }
0x1d6: {  	s11 =	sor.u32 $0x20, s26;
	v8 =	vmax.f32 v8, $0.0e+00  }
0x1d7: {  	[tilespmem:s11+$0x0] =	vst.add.f32.msk $0xffff, v8  }
0x1d8: {  	v9 =	vld [tilespmem:s26+$0x9D20]  }
0x1d9: {  	v10 =	vld [tilespmem:s26+$0x13A20];
	_ =	sdelay $0x3  }
0x1da: {  	v9 =	vmax.f32 v9, v8  }
0x1db: {  	v8 =	vmin.f32 v10, v8;
	[tilespmem:s26+$0x9D20] =	vst v9  }
0x1dc: {  	[tilespmem:s26+$0x13A20] =	vst v8  }
0x1dd: {  	v8 =	vld [tilespmem:s24+$0xFFFFFFF0]  }
0x1de: {  	v9 =	vld [tilespmem:s23+$0xFFFFFFF0];
	_ =	sdelay $0x4  }
0x1df: {  	v8 =	vadd.f32 v9, v8;
	_ =	sdelay $0x1  }
0x1e0: {  	s16 =	sor.u32 $0x30, s26;
	v8 =	vmax.f32 v8, $0.0e+00  }
0x1e1: {  	[tilespmem:s16+$0x0] =	vst.add.f32.msk $0xffff, v8  }
0x1e2: {  	v9 =	vld [tilespmem:s26+$0x9D30]  }
0x1e3: {  	v10 =	vld [tilespmem:s26+$0x13A30];
	_ =	sdelay $0x3  }
0x1e4: {  	v9 =	vmax.f32 v9, v8  }
0x1e5: {  	v8 =	vmin.f32 v10, v8;
	[tilespmem:s26+$0x9D30] =	vst v9  }
0x1e6: {  	[tilespmem:s26+$0x13A30] =	vst v8  }
0x1e7: {  	v8 =	vld [tilespmem:s24+$0x0]  }
0x1e8: {  	v9 =	vld [tilespmem:s23+$0x0];
	_ =	sdelay $0x4  }
0x1e9: {  	v8 =	vadd.f32 v9, v8;
	_ =	sdelay $0x1  }
0x1ea: {  	s28 =	sor.u32 $0x40, s26;
	v8 =	vmax.f32 v8, $0.0e+00  }
0x1eb: {  	[tilespmem:s28+$0x0] =	vst.add.f32.msk $0xffff, v8  }
0x1ec: {  	v9 =	vld [tilespmem:s26+$0x9D40]  }
0x1ed: {  	v10 =	vld [tilespmem:s26+$0x13A40];
	_ =	sdelay $0x3  }
0x1ee: {  	v9 =	vmax.f32 v9, v8  }
0x1ef: {  	v8 =	vmin.f32 v10, v8;
	[tilespmem:s26+$0x9D40] =	vst v9  }
0x1f0: {  	[tilespmem:s26+$0x13A40] =	vst v8  }
0x1f1: {  	v8 =	vld [tilespmem:s24+$0x10]  }
0x1f2: {  	v9 =	vld [tilespmem:s23+$0x10];
	_ =	sdelay $0x4  }
0x1f3: {  	v8 =	vadd.f32 v9, v8;
	_ =	sdelay $0x1  }
0x1f4: {  	s29 =	sor.u32 $0x50, s26;
	v8 =	vmax.f32 v8, $0.0e+00  }
0x1f5: {  	[tilespmem:s29+$0x0] =	vst.add.f32.msk $0xffff, v8  }
0x1f6: {  	v9 =	vld [tilespmem:s26+$0x9D50]  }
0x1f7: {  	v10 =	vld [tilespmem:s26+$0x13A50];
	_ =	sdelay $0x3  }
0x1f8: {  	v9 =	vmax.f32 v9, v8  }
0x1f9: {  	v8 =	vmin.f32 v10, v8;
	[tilespmem:s26+$0x9D50] =	vst v9  }
0x1fa: {  	[tilespmem:s26+$0x13A50] =	vst v8  }
0x1fb: {  	v8 =	vld [tilespmem:s24+$0x20]  }
0x1fc: {  	v9 =	vld [tilespmem:s23+$0x20];
	_ =	sdelay $0x4  }
0x1fd: {  	v8 =	vadd.f32 v9, v8;
	_ =	sdelay $0x1  }
0x1fe: {  	s30 =	sor.u32 $0x60, s26;
	v8 =	vmax.f32 v8, $0.0e+00  }
0x1ff: {  	[tilespmem:s30+$0x0] =	vst.add.f32.msk $0xffff, v8  }
0x200: {  	v9 =	vld [tilespmem:s26+$0x9D60]  }
0x201: {  	v10 =	vld [tilespmem:s26+$0x13A60];
	_ =	sdelay $0x1  }
0x202: {  	s31 =	simm.s32 $0x1  }
0x203: {  	v11 =	vmov s31  }
0x204: {  	vm15 =	veq.s32 v11, v5;
	v9 =	vmax.f32 v9, v8  }
0x205: {  	v8 =	vmin.f32 v10, v8;
	[tilespmem:s26+$0x9D60] =	vst v9;
	v9 =	vnsel vm15, $0x0, v7  }
0x206: {  	[tilespmem:s26+$0x13A60] =	vst v8;
	(xrf0) =	vadd.scan.msk.s32 $0xffff, v9  }
0x207: {  	v8 =	vld [tilespmem:s24+$0x30]  }
0x208: {  	s11 =	sor.u32 $0x70, s26;
	s16 =	simm.s32 $0x2;
	v9 =	vld [tilespmem:s23+$0x30]  }
.LBB2_17:
0x209: {  	s23 =	sadd.s32 $0x80, s23  }
0x20a: {  	s24 =	sadd.s32 $0x80, s24;
	s1 =	smov.u32 s16;
	s0 =	sadd.s32 $0x1, s16  }
0x20b: {  	p0 =	seq.s32 s16, $0xF  }
0x20c: {  	v10, _, _ =	vpop (xrf0)  }
0x20d: {  	(v2sf) =	vpush v10, $0xF;
	v8 =	vadd.f32 v9, v8;
	_ =	sdelay $0x1  }
0x20e: {  	v8 =	vmax.f32 v8, $0.0e+00  }
0x20f: {  	[tilespmem:s11+$0x0] =	vst.add.f32.msk $0xffff, v8  }
0x210: {  	v9 =	vld [tilespmem:s26+$0x9D70]  }
0x211: {  	v10 =	vld [tilespmem:s26+$0x13A70];
	_ =	sdelay $0x3  }
0x212: {  	v9 =	vmax.f32 v9, v8  }
0x213: {  	[tilespmem:s26+$0x9D70] =	vst v9;
	v8 =	vmin.f32 v10, v8  }
0x214: {  	[tilespmem:s26+$0x13A70] =	vst v8  }
0x215: {  	[tilespmem:s25+$0x1D700] =	vst.add.f32.msk $0xffff, v6  }
0x216: {  	v8 =	vld [tilespmem:s23+$0xFFFFFFC0]  }
0x217: {  	v9 =	vld [tilespmem:s24+$0xFFFFFFC0]  }
0x218: {  	s25 =	spop (v2sf)  }
0x219: {  	s26 =	sshll.u32 s25, $0x7  }
0x21a: {  	v10 =	vld [tilespmem:s26+$0x9D00]  }
0x21b: {  	v11 =	vld [tilespmem:s26+$0x13A00]  }
0x21c: {  	v8 =	vadd.f32 v8, v9;
	_ =	sdelay $0x1  }
0x21d: {  	v8 =	vmax.f32 v8, $0.0e+00  }
0x21e: {  	[tilespmem:s26+$0x0] =	vst.add.f32.msk $0xffff, v8;
	v9 =	vmax.f32 v10, v8  }
0x21f: {  	[tilespmem:s26+$0x9D00] =	vst v9;
	v8 =	vmin.f32 v11, v8  }
0x220: {  	[tilespmem:s26+$0x13A00] =	vst v8  }
0x221: {  	v8 =	vld [tilespmem:s24+$0xFFFFFFD0]  }
0x222: {  	v9 =	vld [tilespmem:s23+$0xFFFFFFD0];
	_ =	sdelay $0x4  }
0x223: {  	s11 =	sor.u32 $0x10, s26;
	v8 =	vadd.f32 v9, v8;
	_ =	sdelay $0x1  }
0x224: {  	v8 =	vmax.f32 v8, $0.0e+00  }
0x225: {  	[tilespmem:s11+$0x0] =	vst.add.f32.msk $0xffff, v8  }
0x226: {  	v9 =	vld [tilespmem:s26+$0x9D10]  }
0x227: {  	v10 =	vld [tilespmem:s26+$0x13A10];
	_ =	sdelay $0x3  }
0x228: {  	v9 =	vmax.f32 v9, v8  }
0x229: {  	[tilespmem:s26+$0x9D10] =	vst v9;
	v8 =	vmin.f32 v10, v8  }
0x22a: {  	[tilespmem:s26+$0x13A10] =	vst v8  }
0x22b: {  	v8 =	vld [tilespmem:s24+$0xFFFFFFE0]  }
0x22c: {  	v9 =	vld [tilespmem:s23+$0xFFFFFFE0];
	_ =	sdelay $0x2  }
0x22d: {  	s11 =	sor.u32 $0x20, s26;
	_ =	sdelay $0x1  }
0x22e: {  	v8 =	vadd.f32 v9, v8;
	_ =	sdelay $0x1  }
0x22f: {  	v8 =	vmax.f32 v8, $0.0e+00  }
0x230: {  	[tilespmem:s11+$0x0] =	vst.add.f32.msk $0xffff, v8  }
0x231: {  	v9 =	vld [tilespmem:s26+$0x9D20]  }
0x232: {  	v10 =	vld [tilespmem:s26+$0x13A20];
	_ =	sdelay $0x3  }
0x233: {  	v9 =	vmax.f32 v9, v8  }
0x234: {  	[tilespmem:s26+$0x9D20] =	vst v9;
	v8 =	vmin.f32 v10, v8  }
0x235: {  	[tilespmem:s26+$0x13A20] =	vst v8  }
0x236: {  	v8 =	vld [tilespmem:s24+$0xFFFFFFF0]  }
0x237: {  	v9 =	vld [tilespmem:s23+$0xFFFFFFF0]  }
0x238: {  	s11 =	sor.u32 $0x30, s26;
	_ =	sdelay $0x3  }
0x239: {  	v8 =	vadd.f32 v9, v8;
	_ =	sdelay $0x1  }
0x23a: {  	v8 =	vmax.f32 v8, $0.0e+00  }
0x23b: {  	[tilespmem:s11+$0x0] =	vst.add.f32.msk $0xffff, v8  }
0x23c: {  	v9 =	vld [tilespmem:s26+$0x9D30]  }
0x23d: {  	v10 =	vld [tilespmem:s26+$0x13A30];
	_ =	sdelay $0x3  }
0x23e: {  	v9 =	vmax.f32 v9, v8  }
0x23f: {  	[tilespmem:s26+$0x9D30] =	vst v9;
	v8 =	vmin.f32 v10, v8  }
0x240: {  	[tilespmem:s26+$0x13A30] =	vst v8  }
0x241: {  	s11 =	sor.u32 $0x40, s26;
	v8 =	vld [tilespmem:s24+$0x0]  }
0x242: {  	v9 =	vld [tilespmem:s23+$0x0];
	_ =	sdelay $0x4  }
0x243: {  	v8 =	vadd.f32 v9, v8;
	_ =	sdelay $0x1  }
0x244: {  	v8 =	vmax.f32 v8, $0.0e+00  }
0x245: {  	[tilespmem:s11+$0x0] =	vst.add.f32.msk $0xffff, v8  }
0x246: {  	v9 =	vld [tilespmem:s26+$0x9D40]  }
0x247: {  	v10 =	vld [tilespmem:s26+$0x13A40];
	_ =	sdelay $0x3  }
0x248: {  	v9 =	vmax.f32 v9, v8  }
0x249: {  	s11 =	sor.u32 $0x50, s26;
	[tilespmem:s26+$0x9D40] =	vst v9;
	v8 =	vmin.f32 v10, v8  }
0x24a: {  	[tilespmem:s26+$0x13A40] =	vst v8  }
0x24b: {  	v8 =	vld [tilespmem:s24+$0x10]  }
0x24c: {  	v9 =	vld [tilespmem:s23+$0x10];
	_ =	sdelay $0x4  }
0x24d: {  	v8 =	vadd.f32 v9, v8;
	_ =	sdelay $0x1  }
0x24e: {  	v8 =	vmax.f32 v8, $0.0e+00  }
0x24f: {  	[tilespmem:s11+$0x0] =	vst.add.f32.msk $0xffff, v8  }
0x250: {  	v9 =	vld [tilespmem:s26+$0x9D50]  }
0x251: {  	v10 =	vld [tilespmem:s26+$0x13A50];
	_ =	sdelay $0x2  }
0x252: {  	s11 =	sor.u32 $0x60, s26  }
0x253: {  	v9 =	vmax.f32 v9, v8  }
0x254: {  	[tilespmem:s26+$0x9D50] =	vst v9;
	v8 =	vmin.f32 v10, v8  }
0x255: {  	[tilespmem:s26+$0x13A50] =	vst v8  }
0x256: {  	v8 =	vld [tilespmem:s24+$0x20]  }
0x257: {  	v9 =	vld [tilespmem:s23+$0x20];
	_ =	sdelay $0x4  }
0x258: {  	v8 =	vadd.f32 v9, v8;
	_ =	sdelay $0x1  }
0x259: {  	v8 =	vmax.f32 v8, $0.0e+00  }
0x25a: {  	[tilespmem:s11+$0x0] =	vst.add.f32.msk $0xffff, v8  }
0x25b: {  	v9 =	vld [tilespmem:s26+$0x9D60]  }
0x25c: {  	v10 =	vld [tilespmem:s26+$0x13A60]  }
0x25d: {  	s11 =	sor.u32 $0x70, s26;
	_ =	sdelay $0x1  }
0x25e: {  	v11 =	vmov s1  }
.Ltmp11:
0x25f: {  	vm0 =	veq.s32 v11, v5;
	v9 =	vmax.f32 v9, v8;
	(pc) =	sbr.rel @!p0 .LBB2_17-.Ltmp11, $4  }
0x260: {  	v11 =	vnsel vm0, $0x0, v7;
	[tilespmem:s26+$0x9D60] =	vst v9;
	v8 =	vmin.f32 v10, v8  }
0x261: {  	(xrf0) =	vadd.scan.msk.s32 $0xffff, v11;
	[tilespmem:s26+$0x13A60] =	vst v8  }
0x262: {  	v8 =	vld [tilespmem:s24+$0x30]  }
0x263: {  	s16 =	smov.u32 s0;
	v9 =	vld [tilespmem:s23+$0x30]  }
0x264: {  	_ =	sdelay $0x2  }
0x265: {  	v7, _, _ =	vpop (xrf0)  }
0x266: {  	(v2sf) =	vpush v7, $0xF;
	v7 =	vadd.f32 v9, v8;
	_ =	sdelay $0x1  }
0x267: {  	v7 =	vmax.f32 v7, $0.0e+00  }
0x268: {  	[tilespmem:s11+$0x0] =	vst.add.f32.msk $0xffff, v7  }
0x269: {  	v8 =	vld [tilespmem:s26+$0x9D70]  }
0x26a: {  	v55 =	vld [tilespmem:s26+$0x13A70];
	_ =	sdelay $0x3  }
0x26b: {  	v8 =	vmax.f32 v8, v7  }
0x26c: {  	v7 =	vmin.f32 v55, v7;
	[tilespmem:s26+$0x9D70] =	vst v8  }
0x26d: {  	[tilespmem:s26+$0x13A70] =	vst v7  }
0x26e: {  	s23 =	sadd.s32 $0x80, s23;
	[tilespmem:s25+$0x1D700] =	vst.add.f32.msk $0xffff, v6  }
0x26f: {  	s24 =	sadd.s32 $0x80, s24;
	v7 =	vld [tilespmem:s23+$0xFFFFFFC0]  }
0x270: {  	v8 =	vld [tilespmem:s24+$0xFFFFFFC0]  }
0x271: {  	s0 =	spop (v2sf)  }
0x272: {  	s1 =	sshll.u32 s0, $0x7  }
0x273: {  	v56 =	vld [tilespmem:s1+$0x9D00]  }
0x274: {  	v10 =	vld [tilespmem:s1+$0x13A00]  }
0x275: {  	v7 =	vadd.f32 v7, v8;
	_ =	sdelay $0x1  }
0x276: {  	v7 =	vmax.f32 v7, $0.0e+00  }
0x277: {  	[tilespmem:s1+$0x0] =	vst.add.f32.msk $0xffff, v7;
	v8 =	vmax.f32 v56, v7  }
0x278: {  	v7 =	vmin.f32 v10, v7;
	[tilespmem:s1+$0x9D00] =	vst v8  }
0x279: {  	[tilespmem:s1+$0x13A00] =	vst v7  }
0x27a: {  	v7 =	vld [tilespmem:s24+$0xFFFFFFD0]  }
0x27b: {  	v8 =	vld [tilespmem:s23+$0xFFFFFFD0];
	_ =	sdelay $0x4  }
0x27c: {  	v7 =	vadd.f32 v8, v7;
	_ =	sdelay $0x1  }
0x27d: {  	s16 =	sor.u32 $0x10, s1;
	v7 =	vmax.f32 v7, $0.0e+00  }
0x27e: {  	[tilespmem:s16+$0x0] =	vst.add.f32.msk $0xffff, v7  }
0x27f: {  	v8 =	vld [tilespmem:s1+$0x9D10]  }
0x280: {  	v57 =	vld [tilespmem:s1+$0x13A10];
	_ =	sdelay $0x3  }
0x281: {  	v8 =	vmax.f32 v8, v7  }
0x282: {  	v7 =	vmin.f32 v57, v7;
	[tilespmem:s1+$0x9D10] =	vst v8  }
0x283: {  	[tilespmem:s1+$0x13A10] =	vst v7  }
0x284: {  	v7 =	vld [tilespmem:s24+$0xFFFFFFE0]  }
0x285: {  	v8 =	vld [tilespmem:s23+$0xFFFFFFE0];
	_ =	sdelay $0x4  }
0x286: {  	v7 =	vadd.f32 v8, v7;
	_ =	sdelay $0x1  }
0x287: {  	s25 =	sor.u32 $0x20, s1;
	v7 =	vmax.f32 v7, $0.0e+00  }
0x288: {  	[tilespmem:s25+$0x0] =	vst.add.f32.msk $0xffff, v7  }
0x289: {  	v8 =	vld [tilespmem:s1+$0x9D20]  }
0x28a: {  	v58 =	vld [tilespmem:s1+$0x13A20];
	_ =	sdelay $0x3  }
0x28b: {  	v8 =	vmax.f32 v8, v7  }
0x28c: {  	v7 =	vmin.f32 v58, v7;
	[tilespmem:s1+$0x9D20] =	vst v8  }
0x28d: {  	[tilespmem:s1+$0x13A20] =	vst v7  }
0x28e: {  	v7 =	vld [tilespmem:s24+$0xFFFFFFF0]  }
0x28f: {  	v8 =	vld [tilespmem:s23+$0xFFFFFFF0];
	_ =	sdelay $0x4  }
0x290: {  	v7 =	vadd.f32 v8, v7;
	_ =	sdelay $0x1  }
0x291: {  	s26 =	sor.u32 $0x30, s1;
	v7 =	vmax.f32 v7, $0.0e+00  }
0x292: {  	[tilespmem:s26+$0x0] =	vst.add.f32.msk $0xffff, v7  }
0x293: {  	v8 =	vld [tilespmem:s1+$0x9D30]  }
0x294: {  	v59 =	vld [tilespmem:s1+$0x13A30];
	_ =	sdelay $0x3  }
0x295: {  	v8 =	vmax.f32 v8, v7  }
0x296: {  	v7 =	vmin.f32 v59, v7;
	[tilespmem:s1+$0x9D30] =	vst v8  }
0x297: {  	[tilespmem:s1+$0x13A30] =	vst v7  }
0x298: {  	v7 =	vld [tilespmem:s24+$0x0]  }
0x299: {  	v8 =	vld [tilespmem:s23+$0x0];
	_ =	sdelay $0x4  }
0x29a: {  	v7 =	vadd.f32 v8, v7;
	_ =	sdelay $0x1  }
0x29b: {  	s28 =	sor.u32 $0x40, s1;
	v7 =	vmax.f32 v7, $0.0e+00  }
0x29c: {  	[tilespmem:s28+$0x0] =	vst.add.f32.msk $0xffff, v7  }
0x29d: {  	v8 =	vld [tilespmem:s1+$0x9D40]  }
0x29e: {  	v60 =	vld [tilespmem:s1+$0x13A40];
	_ =	sdelay $0x3  }
0x29f: {  	v8 =	vmax.f32 v8, v7  }
0x2a0: {  	v7 =	vmin.f32 v60, v7;
	[tilespmem:s1+$0x9D40] =	vst v8  }
0x2a1: {  	[tilespmem:s1+$0x13A40] =	vst v7  }
0x2a2: {  	v7 =	vld [tilespmem:s24+$0x10]  }
0x2a3: {  	v8 =	vld [tilespmem:s23+$0x10];
	_ =	sdelay $0x4  }
0x2a4: {  	v7 =	vadd.f32 v8, v7;
	_ =	sdelay $0x1  }
0x2a5: {  	s29 =	sor.u32 $0x50, s1;
	v7 =	vmax.f32 v7, $0.0e+00  }
0x2a6: {  	[tilespmem:s29+$0x0] =	vst.add.f32.msk $0xffff, v7  }
0x2a7: {  	v8 =	vld [tilespmem:s1+$0x9D50]  }
0x2a8: {  	v61 =	vld [tilespmem:s1+$0x13A50];
	_ =	sdelay $0x3  }
0x2a9: {  	v8 =	vmax.f32 v8, v7  }
0x2aa: {  	v7 =	vmin.f32 v61, v7;
	[tilespmem:s1+$0x9D50] =	vst v8  }
0x2ab: {  	[tilespmem:s1+$0x13A50] =	vst v7  }
0x2ac: {  	v7 =	vld [tilespmem:s24+$0x20]  }
0x2ad: {  	v8 =	vld [tilespmem:s23+$0x20];
	_ =	sdelay $0x4  }
0x2ae: {  	v7 =	vadd.f32 v8, v7;
	_ =	sdelay $0x1  }
0x2af: {  	s30 =	sor.u32 $0x60, s1;
	v7 =	vmax.f32 v7, $0.0e+00  }
0x2b0: {  	[tilespmem:s30+$0x0] =	vst.add.f32.msk $0xffff, v7  }
0x2b1: {  	v8 =	vld [tilespmem:s1+$0x9D60]  }
0x2b2: {  	v62 =	vld [tilespmem:s1+$0x13A60];
	_ =	sdelay $0x3  }
0x2b3: {  	v8 =	vmax.f32 v8, v7  }
0x2b4: {  	v7 =	vmin.f32 v62, v7;
	[tilespmem:s1+$0x9D60] =	vst v8  }
0x2b5: {  	[tilespmem:s1+$0x13A60] =	vst v7  }
0x2b6: {  	v7 =	vld [tilespmem:s24+$0x30]  }
0x2b7: {  	v8 =	vld [tilespmem:s23+$0x30];
	_ =	sdelay $0x4  }
0x2b8: {  	v7 =	vadd.f32 v8, v7;
	_ =	sdelay $0x1  }
0x2b9: {  	s31 =	sor.u32 $0x70, s1;
	v7 =	vmax.f32 v7, $0.0e+00  }
0x2ba: {  	[tilespmem:s31+$0x0] =	vst.add.f32.msk $0xffff, v7  }
0x2bb: {  	v8 =	vld [tilespmem:s1+$0x9D70]  }
0x2bc: {  	v63 =	vld [tilespmem:s1+$0x13A70];
	_ =	sdelay $0x3  }
0x2bd: {  	v8 =	vmax.f32 v8, v7  }
0x2be: {  	v7 =	vmin.f32 v63, v7;
	[tilespmem:s1+$0x9D70] =	vst v8  }
0x2bf: {  	[tilespmem:s1+$0x13A70] =	vst v7  }
0x2c0: {  	[tilespmem:s0+$0x1D700] =	vst.add.f32.msk $0xffff, v6  }
0x2c1: {  	p0 =	seq.s32 s22, s21  }
.Ltmp12:
0x2c2: {  	_ = 	snop;
	(pc) =	sbr.rel @!p0 .LBB2_16-.Ltmp12, $4  }
.Ltmp13:
0x2c3: {  	_ = 	snop;
	(pc) =	sbr.rel @p0 .LBB2_9-.Ltmp13, $4  }
0x2c4: {  	_ = 	snop  }
0x2c5: {  	_ = 	snop  }
0x2c6: {  	s20 =	sadd.s32 $0x800, s20  }
0x2c7: {  	_ = 	snop  }
.LBB2_10:
0x2c8: {  	_ =	sfence.sel $0x180000  }
0x2c9: {  	[bflag:$0x0] =	sbarrier.arrive $0xFFFF  }
0x2ca: {  	_ =	strace $0x90000047  }
0x2cb: {  	s0 =	stileid.u32;
	[bflag:$0x2] =	sbarrier.arrive $0xFFFF  }
0x2cc: {  	p0 =	sne.s32 s0, $0x0;
	s0 =	rddreg [dreg:$0x2]  }
0x2cd: {  	s0 =	sadd.s32 @!p0 $0x100000, s0  }
0x2ce: {  	[sflag:s0] =	ssyncadd.tile.s32 @!p0 $0x1;
	_ =	shalt  }
.Lfunc_end2:
_tile_overlayer_lowered:
.L_overlay_start_2:
0x2cf: {  	(tag) =	ssettag $0x2  }
0x2d0: {  	s0 =	rddreg [dreg:$0x0];
	s2 =	stileid.u32  }
0x2d1: {  	s1 =	rddreg [dreg:$0x1];
	p0 =	sne.s32 s2, $0x0  }
0x2d2: {  	s3 =	rddreg [dreg:$0x2];
	[bflag:$0x3] =	sbarrier.arrive $0xFFFF;
	s2 =	simm.s32 @!p0 $0x1C04  }
0x2d3: {  	[timem:s3], [sflag:s2] =	dma.local @!p0 [hbm:s0], s1  }
0x2d4: {  	s0 =	simm.s32 @!p0 $0x4  }
0x2d5: {  	_ =	swait.ge @!p0 [sflag:s0], s1  }
0x2d6: {  	s1 =	ssub.s32 @!p0 $0x0, s1;
	[sflag:s0] =	ssyncset.done @!p0 $0x0  }
0x2d7: {  	[sflag:s0] =	ssyncadd.s32 @!p0 s1  }
0x2d8: {  	[bflag:$0x3] =	sbarrier.arrive $0xFFFF  }
0x2d9: {  	_ =	shalt  }

</sc_bundles>
